<compile_context>
chip_gen: v7x
topology: tpu7x:2x2x1
jax: 0.10.2.dev20260603
libtpu: 0.0.44.dev20260713+nightly
codegen_flags: <defaults>
</compile_context>

<pallas_src>
import jax
import jax.numpy as jnp
from jax import lax
from jax.experimental import pallas as pl
from jax.experimental.pallas import tpu as pltpu
from jax.experimental.pallas import tpu_sc as plsc

NUM_EXPERTS = 8
TOP_K = 2
D_MODEL = 1024
D_FF = 4096
TOKENS = 2048
CAP = (TOP_K * TOKENS) // NUM_EXPERTS
SLOTS = NUM_EXPERTS * CAP
SLOTS_PAD = SLOTS + 8

NC = 2
NS = 16
NW = NC * NS
TOK_PER_W = TOKENS // NW

F_BLK = 1024
N_FBLK = D_FF // F_BLK


def _router_body(x_ref, wr_ref, br_ref, idx_ref, w_ref, wexp_ref):
    x = x_ref[...]
    wr = wr_ref[...]
    logits = jnp.dot(x, wr, preferred_element_type=jnp.float32)
    logits = logits + br_ref[...]
    lane = lax.broadcasted_iota(jnp.int32, logits.shape, 1)
    neg = jnp.where(lane < NUM_EXPERTS, logits, -1e30)

    m1 = jnp.max(neg, axis=1, keepdims=True)
    a1 = jnp.min(jnp.where(neg == m1, lane, 127), axis=1, keepdims=True)
    neg2 = jnp.where(lane == a1, -1e30, neg)
    m2 = jnp.max(neg2, axis=1, keepdims=True)
    a2 = jnp.min(jnp.where(neg2 == m2, lane, 127), axis=1, keepdims=True)

    w1 = 1.0 / (1.0 + jnp.exp(m2 - m1))
    w2 = 1.0 - w1

    e8 = lax.broadcasted_iota(jnp.int32, (TOKENS, NUM_EXPERTS), 1)
    ohs = ((a1 == e8).astype(jnp.float32) + (a2 == e8).astype(jnp.float32))
    r2 = lax.broadcasted_iota(jnp.int32, (TOKENS, TOKENS), 0)
    c2 = lax.broadcasted_iota(jnp.int32, (TOKENS, TOKENS), 1)
    tri = (r2 >= c2).astype(jnp.float32)
    S = jnp.dot(tri, ohs, preferred_element_type=jnp.float32)
    pos1 = jnp.sum(jnp.where(e8 == a1, S, 0.0), axis=1, keepdims=True) - 1.0
    pos2 = jnp.sum(jnp.where(e8 == a2, S, 0.0), axis=1, keepdims=True) - 1.0
    pos1 = pos1.astype(jnp.int32)
    pos2 = pos2.astype(jnp.int32)

    keep1 = pos1 < CAP
    keep2 = pos2 < CAP
    slot1 = a1 * CAP + pos1
    slot2 = a2 * CAP + pos2
    d1s = jnp.where(keep1, slot1, SLOTS)
    d2s = jnp.where(keep2, slot2, SLOTS)
    row = lax.broadcasted_iota(jnp.int32, (TOKENS, 1), 0)
    e_first = jnp.sum(jnp.where(row == 0, a1, 0)) * CAP
    d1c = jnp.where(keep1, slot1, e_first)
    d2c = jnp.where(keep2, slot2, e_first)
    w1e = jnp.where(keep1, w1, 0.0)
    w2e = jnp.where(keep2, w2, 0.0)

    l8 = lax.broadcasted_iota(jnp.int32, (TOKENS, 8), 1)
    idx_ref[...] = (jnp.where(l8 == 0, d1s, 0) + jnp.where(l8 == 1, d2s, 0)
                    + jnp.where(l8 == 2, d1c, 0) + jnp.where(l8 == 3, d2c, 0))
    w_ref[...] = jnp.where(l8 == 0, w1e, 0.0) + jnp.where(l8 == 1, w2e, 0.0)
    l32 = lax.broadcasted_iota(jnp.int32, (TOKENS, 32), 1)
    wexp_ref[...] = jnp.where(l32 < 16, w1e, w2e)


def _router(x, wr_pad, br_pad, interpret=False):
    return pl.pallas_call(
        _router_body,
        out_shape=(
            jax.ShapeDtypeStruct((TOKENS, 8), jnp.int32),
            jax.ShapeDtypeStruct((TOKENS, 8), jnp.float32),
            jax.ShapeDtypeStruct((TOKENS, 32), jnp.float32),
        ),
        interpret=interpret,
    )(x, wr_pad, br_pad)


def _dispatch_body(x_hbm, d1_hbm, d2_hbm, out_hbm, xbuf, i1, i2, sem1, sem2):
    wid = lax.axis_index("s") * NC + lax.axis_index("c")
    base = wid * TOK_PER_W
    pltpu.sync_copy(x_hbm.at[pl.ds(base, TOK_PER_W)], xbuf)
    pltpu.sync_copy(d1_hbm.at[pl.ds(base, TOK_PER_W)], i1)
    pltpu.sync_copy(d2_hbm.at[pl.ds(base, TOK_PER_W)], i2)
    c1 = pltpu.async_copy(xbuf, out_hbm.at[i1], sem1)
    c2 = pltpu.async_copy(xbuf, out_hbm.at[i2], sem2)
    c1.wait()
    c2.wait()


def _dispatch(x, d1s, d2s):
    mesh = plsc.VectorSubcoreMesh(core_axis_name="c", subcore_axis_name="s")
    fn = pl.kernel(
        _dispatch_body,
        mesh=mesh,
        out_type=jax.ShapeDtypeStruct((SLOTS_PAD, D_MODEL), jnp.float32),
        scratch_types=[
            pltpu.VMEM((TOK_PER_W, D_MODEL), jnp.float32),
            pltpu.VMEM((TOK_PER_W,), jnp.int32),
            pltpu.VMEM((TOK_PER_W,), jnp.int32),
            pltpu.SemaphoreType.DMA,
            pltpu.SemaphoreType.DMA,
        ],
    )
    return fn(x, d1s, d2s)


def _ffn_body(ein_ref, wg_ref, wu_ref, wd_ref, bg_ref, bu_ref, bd_ref, out_ref):
    e = pl.program_id(0)
    f = pl.program_id(1)
    xin = ein_ref[...].astype(jnp.bfloat16)
    wg = wg_ref[0].astype(jnp.bfloat16)
    wu = wu_ref[0].astype(jnp.bfloat16)
    wd = wd_ref[0].astype(jnp.bfloat16)
    g = jnp.dot(xin, wg, preferred_element_type=jnp.float32)
    u = jnp.dot(xin, wu, preferred_element_type=jnp.float32)
    bg = bg_ref[e, pl.ds(f * F_BLK, F_BLK)][None, :]
    bu = bu_ref[e, pl.ds(f * F_BLK, F_BLK)][None, :]
    g = g + bg
    u = u + bu
    h = g * jax.nn.sigmoid(g) * u
    contrib = jnp.dot(h.astype(jnp.bfloat16), wd, preferred_element_type=jnp.float32)

    @pl.when(f == 0)
    def _():
        out_ref[...] = contrib + bd_ref[e][None, :]

    @pl.when(f > 0)
    def _():
        out_ref[...] += contrib


def _ffn(ein, Wg, bg, Wu, bu, Wd, bd, interpret=False):
    return pl.pallas_call(
        _ffn_body,
        grid=(NUM_EXPERTS, N_FBLK),
        in_specs=[
            pl.BlockSpec((CAP, D_MODEL), lambda e, f: (e, 0)),
            pl.BlockSpec((1, D_MODEL, F_BLK), lambda e, f: (e, 0, f)),
            pl.BlockSpec((1, D_MODEL, F_BLK), lambda e, f: (e, 0, f)),
            pl.BlockSpec((1, F_BLK, D_MODEL), lambda e, f: (e, f, 0)),
            pl.BlockSpec((NUM_EXPERTS, D_FF), lambda e, f: (0, 0)),
            pl.BlockSpec((NUM_EXPERTS, D_FF), lambda e, f: (0, 0)),
            pl.BlockSpec((NUM_EXPERTS, D_MODEL), lambda e, f: (0, 0)),
        ],
        out_specs=pl.BlockSpec((CAP, D_MODEL), lambda e, f: (e, 0)),
        out_shape=jax.ShapeDtypeStruct((SLOTS, D_MODEL), jnp.float32),
        interpret=interpret,
    )(ein, Wg, Wu, Wd, bg, bu, bd)


CHUNK = 32


def _combine_body(eo_hbm, d1_hbm, d2_hbm, wexp_hbm, out_hbm,
                  abuf, bbuf, wbuf, i1, i2, sem1, sem2):
    wid = lax.axis_index("s") * NC + lax.axis_index("c")
    for ch in range(TOK_PER_W // CHUNK):
        base = wid * TOK_PER_W + ch * CHUNK
        pltpu.sync_copy(d1_hbm.at[pl.ds(base, CHUNK)], i1)
        pltpu.sync_copy(d2_hbm.at[pl.ds(base, CHUNK)], i2)
        pltpu.sync_copy(wexp_hbm.at[pl.ds(base, CHUNK)], wbuf)
        c1 = pltpu.async_copy(eo_hbm.at[i1], abuf, sem1)
        c2 = pltpu.async_copy(eo_hbm.at[i2], bbuf, sem2)
        c1.wait()
        c2.wait()

        def row_body(r, _):
            wa = wbuf[r, pl.ds(0, 16)]
            wb = wbuf[r, pl.ds(16, 16)]
            for j in range(D_MODEL // 16):
                cs = j * 16
                a = abuf[r, pl.ds(cs, 16)]
                b = bbuf[r, pl.ds(cs, 16)]
                abuf[r, pl.ds(cs, 16)] = a * wa + b * wb
            return 0

        lax.fori_loop(0, CHUNK, row_body, 0)
        pltpu.sync_copy(abuf, out_hbm.at[pl.ds(base, CHUNK)])


def _combine(eo, d1c, d2c, wexp):
    mesh = plsc.VectorSubcoreMesh(core_axis_name="c", subcore_axis_name="s")
    fn = pl.kernel(
        _combine_body,
        mesh=mesh,
        out_type=jax.ShapeDtypeStruct((TOKENS, D_MODEL), jnp.float32),
        scratch_types=[
            pltpu.VMEM((CHUNK, D_MODEL), jnp.float32),
            pltpu.VMEM((CHUNK, D_MODEL), jnp.float32),
            pltpu.VMEM((CHUNK, 32), jnp.float32),
            pltpu.VMEM((CHUNK,), jnp.int32),
            pltpu.VMEM((CHUNK,), jnp.int32),
            pltpu.SemaphoreType.DMA,
            pltpu.SemaphoreType.DMA,
        ],
    )
    return fn(eo, d1c, d2c, wexp)


def kernel(x, Wr, br, Wg, bg, Wu, bu, Wd, bd):
    wr_pad = jnp.pad(Wr, ((0, 0), (0, 128 - NUM_EXPERTS)))
    br_pad = jnp.pad(br, (0, 128 - NUM_EXPERTS))[None, :]
    idx, w, wexp = _router(x, wr_pad, br_pad)
    d1s = idx[:, 0]
    d2s = idx[:, 1]
    d1c = idx[:, 2]
    d2c = idx[:, 3]
    ein = _dispatch(x, d1s, d2s)
    eo = _ffn(ein, Wg, bg, Wu, bu, Wd, bd)
    return _combine(eo, d1c, d2c, wexp)

# --- scband reference (transcript-rebuilt; emitter-appended) ---
"""Pipeline reference for scband-mock-mo-elayer-11914239279712 (READ-ONLY COPY).

The authoritative reference and input builder live on the scoring server;
editing this copy changes nothing except your own understanding.
"""

import jax, jax.numpy as jnp
import numpy as np

NUM_EXPERTS = 8
TOP_K = 2
D_MODEL = 1024
D_FF = 4 * D_MODEL
TOKENS = 2048


def setup_inputs(seed: int = 0) -> dict:
    key = jax.random.key(seed)
    ks = jax.random.split(key, 8)
    scale = 0.02
    x = jax.random.normal(ks[0], (TOKENS, D_MODEL), dtype=jnp.float32)
    Wr = jax.random.normal(ks[1], (D_MODEL, NUM_EXPERTS), dtype=jnp.float32) * scale
    br = jnp.zeros((NUM_EXPERTS,), dtype=jnp.float32)
    Wg = jax.random.normal(ks[2], (NUM_EXPERTS, D_MODEL, D_FF), dtype=jnp.float32) * scale
    bg = jnp.zeros((NUM_EXPERTS, D_FF), dtype=jnp.float32)
    Wu = jax.random.normal(ks[3], (NUM_EXPERTS, D_MODEL, D_FF), dtype=jnp.float32) * scale
    bu = jnp.zeros((NUM_EXPERTS, D_FF), dtype=jnp.float32)
    Wd = jax.random.normal(ks[4], (NUM_EXPERTS, D_FF, D_MODEL), dtype=jnp.float32) * scale
    bd = jnp.zeros((NUM_EXPERTS, D_MODEL), dtype=jnp.float32)
    return {"x": x, "Wr": Wr, "br": br, "Wg": Wg, "bg": bg, "Wu": Wu, "bu": bu, "Wd": Wd, "bd": bd}


def _moe_forward(x, Wr, br, Wg, bg, Wu, bu, Wd, bd):
    T, d = x.shape
    E = Wr.shape[1]
    k = TOP_K
    C = (k * T) // E  # expert capacity, capacity_factor=1.0
    # Router
    logits = x @ Wr + br
    probs = jax.nn.softmax(logits, axis=-1)
    top_w, top_idx = jax.lax.top_k(probs, k)
    top_w = top_w / jnp.sum(top_w, axis=-1, keepdims=True)
    # Flatten (token, k) pairs
    flat_e = top_idx.reshape(-1)            # [T*k] expert id per pair
    flat_w = top_w.reshape(-1)              # [T*k] combine weight per pair
    oh_e = jax.nn.one_hot(flat_e, E, dtype=x.dtype)            # [T*k, E]
    # position within each expert via cumulative count
    pos = jnp.sum((jnp.cumsum(oh_e, axis=0) - 1.0) * oh_e, axis=1)  # [T*k]
    keep = (pos < C).astype(x.dtype)
    oh_c = jax.nn.one_hot(pos.astype(jnp.int32), C, dtype=x.dtype)  # [T*k, C] (zero row if pos >= C)
    dispatch_pair = oh_e[:, :, None] * oh_c[:, None, :] * keep[:, None, None]  # [T*k, E, C]
    dispatch = dispatch_pair.reshape(T, k, E, C).sum(axis=1)                    # [T, E, C]
    combine = (dispatch_pair * flat_w[:, None, None]).reshape(T, k, E, C).sum(axis=1)  # [T, E, C]
    # Dispatch tokens to experts
    expert_in = jnp.einsum('tec,td->ecd', dispatch, x)          # [E, C, d]
    # SwiGLU expert FFN: down(silu(gate(x)) * up(x))
    g = jax.nn.silu(jnp.einsum('ecd,edf->ecf', expert_in, Wg) + bg[:, None, :])
    u = jnp.einsum('ecd,edf->ecf', expert_in, Wu) + bu[:, None, :]
    h = g * u
    expert_out = jnp.einsum('ecf,efd->ecd', h, Wd) + bd[:, None, :]
    # Combine back to token order with router weights
    out = jnp.einsum('tec,ecd->td', combine, expert_out)        # [T, d]
    return out


def reference(x, Wr, br, Wg, bg, Wu, bu, Wd, bd):
    return _moe_forward(x, Wr, br, Wg, bg, Wu, bu, Wd, bd)

if __name__ == "__main__":
    import jax
    _d = setup_inputs()
    print(jax.jit(kernel)(*tuple(_d.values())))

</pallas_src>

<mosaic_0001>
#map = affine_map<(d0, d1) -> (0, 0)>
#map1 = affine_map<(d0, d1) -> (0)>
module attributes {stable_mosaic.version = 14 : i64} {
  func.func @_dispatch_body(%arg0: i32, %arg1: i32, %arg2: memref<2048x1024xf32, #tpu.memory_space<hbm>>, %arg3: memref<2048xi32, #tpu.memory_space<hbm>>, %arg4: memref<2048xi32, #tpu.memory_space<hbm>>, %arg5: memref<4104x1024xf32, #tpu.memory_space<hbm>>, %arg6: memref<64x1024xf32, #tpu.memory_space<vmem>>, %arg7: memref<64xi32, #tpu.memory_space<vmem>>, %arg8: memref<64xi32, #tpu.memory_space<vmem>>, %arg9: memref<!tpu.dma_semaphore, #tpu.memory_space<semaphore_mem>>, %arg10: memref<!tpu.dma_semaphore, #tpu.memory_space<semaphore_mem>>) attributes {dimension_semantics = [#tpu.dimension_semantics<core_parallel>, #tpu.dimension_semantics<subcore_parallel>], iteration_bounds = array<i64: 2, 16>, scalar_prefetch = 0 : i64, scratch_operands = 5 : i64, tpu.core_type = #tpu.core_type<sc_vector_subcore>, window_params = [{transform_indices = #map}, {transform_indices = #map1}, {transform_indices = #map1}, {transform_indices = #map}]} {
    %mul3A = arith.constant 2 : i32
    %mul3A_0 = arith.muli %arg1, %mul3A : i32
    %add3A = arith.addi %mul3A_0, %arg0 : i32
    %mul3A_1 = arith.constant 64 : i32
    %mul3A_2 = arith.muli %add3A, %mul3A_1 : i32
    "tpu.region"() ({
      %run_scoped3A = tpu.sem_alloc : memref<!tpu.dma_semaphore, #tpu.memory_space<semaphore_mem>>
      %dma_start3A_13 = arith.constant 0 : i32
      %dma_start3A_14 = tpu.memref_slice %arg2[%mul3A_2, %dma_start3A_13] : memref<2048x1024xf32, #tpu.memory_space<hbm>> -> memref<64x1024xf32, #tpu.memory_space<hbm>>
      %dma_start3A_15 = arith.constant 0 : i32
      %dma_start3A_16 = tpu.memref_slice %arg2[%mul3A_2, %dma_start3A_15] : memref<2048x1024xf32, #tpu.memory_space<hbm>> -> memref<64x1024xf32, #tpu.memory_space<hbm>>
      tpu.enqueue_dma source(%dma_start3A_16 : memref<64x1024xf32, #tpu.memory_space<hbm>>) target(%arg6 : memref<64x1024xf32, #tpu.memory_space<vmem>>) target_semaphore(%run_scoped3A : memref<!tpu.dma_semaphore, #tpu.memory_space<semaphore_mem>>)
      %dma_wait3A_17 = arith.constant 0 : i32
      %dma_wait3A_18 = tpu.memref_slice %arg2[%mul3A_2, %dma_wait3A_17] : memref<2048x1024xf32, #tpu.memory_space<hbm>> -> memref<64x1024xf32, #tpu.memory_space<hbm>>
      %dma_wait3A_19 = arith.constant 0 : i32
      %dma_wait3A_20 = tpu.memref_slice %arg2[%mul3A_2, %dma_wait3A_19] : memref<2048x1024xf32, #tpu.memory_space<hbm>> -> memref<64x1024xf32, #tpu.memory_space<hbm>>
      tpu.wait_dma2 semaphore(%run_scoped3A : memref<!tpu.dma_semaphore, #tpu.memory_space<semaphore_mem>>) src(%dma_wait3A_20 : memref<64x1024xf32, #tpu.memory_space<hbm>>) dst(%arg6 : memref<64x1024xf32, #tpu.memory_space<vmem>>)
      tpu.yield
    }) : () -> ()
    "tpu.region"() ({
      %run_scoped3A = tpu.sem_alloc : memref<!tpu.dma_semaphore, #tpu.memory_space<semaphore_mem>>
      %dma_start3A_13 = tpu.memref_slice %arg3[%mul3A_2] : memref<2048xi32, #tpu.memory_space<hbm>> -> memref<64xi32, #tpu.memory_space<hbm>>
      %dma_start3A_14 = tpu.memref_slice %arg3[%mul3A_2] : memref<2048xi32, #tpu.memory_space<hbm>> -> memref<64xi32, #tpu.memory_space<hbm>>
      tpu.enqueue_dma source(%dma_start3A_14 : memref<64xi32, #tpu.memory_space<hbm>>) target(%arg7 : memref<64xi32, #tpu.memory_space<vmem>>) target_semaphore(%run_scoped3A : memref<!tpu.dma_semaphore, #tpu.memory_space<semaphore_mem>>)
      %dma_wait3A_15 = tpu.memref_slice %arg3[%mul3A_2] : memref<2048xi32, #tpu.memory_space<hbm>> -> memref<64xi32, #tpu.memory_space<hbm>>
      %dma_wait3A_16 = tpu.memref_slice %arg3[%mul3A_2] : memref<2048xi32, #tpu.memory_space<hbm>> -> memref<64xi32, #tpu.memory_space<hbm>>
      tpu.wait_dma2 semaphore(%run_scoped3A : memref<!tpu.dma_semaphore, #tpu.memory_space<semaphore_mem>>) src(%dma_wait3A_16 : memref<64xi32, #tpu.memory_space<hbm>>) dst(%arg7 : memref<64xi32, #tpu.memory_space<vmem>>)
      tpu.yield
    }) : () -> ()
    "tpu.region"() ({
      %run_scoped3A = tpu.sem_alloc : memref<!tpu.dma_semaphore, #tpu.memory_space<semaphore_mem>>
      %dma_start3A_13 = tpu.memref_slice %arg4[%mul3A_2] : memref<2048xi32, #tpu.memory_space<hbm>> -> memref<64xi32, #tpu.memory_space<hbm>>
      %dma_start3A_14 = tpu.memref_slice %arg4[%mul3A_2] : memref<2048xi32, #tpu.memory_space<hbm>> -> memref<64xi32, #tpu.memory_space<hbm>>
      tpu.enqueue_dma source(%dma_start3A_14 : memref<64xi32, #tpu.memory_space<hbm>>) target(%arg8 : memref<64xi32, #tpu.memory_space<vmem>>) target_semaphore(%run_scoped3A : memref<!tpu.dma_semaphore, #tpu.memory_space<semaphore_mem>>)
      %dma_wait3A_15 = tpu.memref_slice %arg4[%mul3A_2] : memref<2048xi32, #tpu.memory_space<hbm>> -> memref<64xi32, #tpu.memory_space<hbm>>
      %dma_wait3A_16 = tpu.memref_slice %arg4[%mul3A_2] : memref<2048xi32, #tpu.memory_space<hbm>> -> memref<64xi32, #tpu.memory_space<hbm>>
      tpu.wait_dma2 semaphore(%run_scoped3A : memref<!tpu.dma_semaphore, #tpu.memory_space<semaphore_mem>>) src(%dma_wait3A_16 : memref<64xi32, #tpu.memory_space<hbm>>) dst(%arg8 : memref<64xi32, #tpu.memory_space<vmem>>)
      tpu.yield
    }) : () -> ()
    %dma_start3A = arith.constant 0 : i32
    %dma_start3A_3 = arith.constant 0 : i32
    %dma_start3A_4 = tpu.memref_slice %arg5[%dma_start3A, %dma_start3A_3] : memref<4104x1024xf32, #tpu.memory_space<hbm>> -> memref<4104x1024xf32, #tpu.memory_space<hbm>>
    tpu.enqueue_indirect_dma source(%arg6 : memref<64x1024xf32, #tpu.memory_space<vmem>>) target(%dma_start3A_4 : memref<4104x1024xf32, #tpu.memory_space<hbm>>) offsets(%arg7 : memref<64xi32, #tpu.memory_space<vmem>>) semaphore(%arg9 : memref<!tpu.dma_semaphore, #tpu.memory_space<semaphore_mem>>)
    %dma_start3A_5 = arith.constant 0 : i32
    %dma_start3A_6 = arith.constant 0 : i32
    %dma_start3A_7 = tpu.memref_slice %arg5[%dma_start3A_5, %dma_start3A_6] : memref<4104x1024xf32, #tpu.memory_space<hbm>> -> memref<4104x1024xf32, #tpu.memory_space<hbm>>
    tpu.enqueue_indirect_dma source(%arg6 : memref<64x1024xf32, #tpu.memory_space<vmem>>) target(%dma_start3A_7 : memref<4104x1024xf32, #tpu.memory_space<hbm>>) offsets(%arg8 : memref<64xi32, #tpu.memory_space<vmem>>) semaphore(%arg10 : memref<!tpu.dma_semaphore, #tpu.memory_space<semaphore_mem>>)
    %dma_wait3A = arith.constant 0 : i32
    %dma_wait3A_8 = arith.constant 0 : i32
    %dma_wait3A_9 = tpu.memref_slice %arg5[%dma_wait3A, %dma_wait3A_8] : memref<4104x1024xf32, #tpu.memory_space<hbm>> -> memref<4104x1024xf32, #tpu.memory_space<hbm>>
    tpu.wait_indirect_dma semaphore(%arg9 : memref<!tpu.dma_semaphore, #tpu.memory_space<semaphore_mem>>) src(%arg6 : memref<64x1024xf32, #tpu.memory_space<vmem>>) dst(%dma_wait3A_9 : memref<4104x1024xf32, #tpu.memory_space<hbm>>)
    %dma_wait3A_10 = arith.constant 0 : i32
    %dma_wait3A_11 = arith.constant 0 : i32
    %dma_wait3A_12 = tpu.memref_slice %arg5[%dma_wait3A_10, %dma_wait3A_11] : memref<4104x1024xf32, #tpu.memory_space<hbm>> -> memref<4104x1024xf32, #tpu.memory_space<hbm>>
    tpu.wait_indirect_dma semaphore(%arg10 : memref<!tpu.dma_semaphore, #tpu.memory_space<semaphore_mem>>) src(%arg6 : memref<64x1024xf32, #tpu.memory_space<vmem>>) dst(%dma_wait3A_12 : memref<4104x1024xf32, #tpu.memory_space<hbm>>)
    return
  }
}

#map = affine_map<(d0, d1) -> (0, 0)>
#map1 = affine_map<(d0, d1) -> (0)>
module attributes {stable_mosaic.version = 14 : i64} {
  func.func @_combine_body(%arg0: i32, %arg1: i32, %arg2: memref<4096x1024xf32, #tpu.memory_space<hbm>>, %arg3: memref<2048xi32, #tpu.memory_space<hbm>>, %arg4: memref<2048xi32, #tpu.memory_space<hbm>>, %arg5: memref<2048x32xf32, #tpu.memory_space<hbm>>, %arg6: memref<2048x1024xf32, #tpu.memory_space<hbm>>, %arg7: memref<32x1024xf32, #tpu.memory_space<vmem>>, %arg8: memref<32x1024xf32, #tpu.memory_space<vmem>>, %arg9: memref<32x32xf32, #tpu.memory_space<vmem>>, %arg10: memref<32xi32, #tpu.memory_space<vmem>>, %arg11: memref<32xi32, #tpu.memory_space<vmem>>, %arg12: memref<!tpu.dma_semaphore, #tpu.memory_space<semaphore_mem>>, %arg13: memref<!tpu.dma_semaphore, #tpu.memory_space<semaphore_mem>>) attributes {dimension_semantics = [#tpu.dimension_semantics<core_parallel>, #tpu.dimension_semantics<subcore_parallel>], iteration_bounds = array<i64: 2, 16>, scalar_prefetch = 0 : i64, scratch_operands = 7 : i64, tpu.core_type = #tpu.core_type<sc_vector_subcore>, window_params = [{transform_indices = #map}, {transform_indices = #map1}, {transform_indices = #map1}, {transform_indices = #map}, {transform_indices = #map}]} {
    %mul3A = arith.constant 2 : i32
    %mul3A_0 = arith.muli %arg1, %mul3A : i32
    %add3A = arith.addi %mul3A_0, %arg0 : i32
    %mul3A_1 = arith.constant 64 : i32
    %mul3A_2 = arith.muli %add3A, %mul3A_1 : i32
    %add3A_3 = arith.constant 0 : i32
    %add3A_4 = arith.addi %mul3A_2, %add3A_3 : i32
    "tpu.region"() ({
      %run_scoped3A = tpu.sem_alloc : memref<!tpu.dma_semaphore, #tpu.memory_space<semaphore_mem>>
      %dma_start3A_44 = tpu.memref_slice %arg3[%add3A_4] : memref<2048xi32, #tpu.memory_space<hbm>> -> memref<32xi32, #tpu.memory_space<hbm>>
      %dma_start3A_45 = tpu.memref_slice %arg3[%add3A_4] : memref<2048xi32, #tpu.memory_space<hbm>> -> memref<32xi32, #tpu.memory_space<hbm>>
      tpu.enqueue_dma source(%dma_start3A_45 : memref<32xi32, #tpu.memory_space<hbm>>) target(%arg10 : memref<32xi32, #tpu.memory_space<vmem>>) target_semaphore(%run_scoped3A : memref<!tpu.dma_semaphore, #tpu.memory_space<semaphore_mem>>)
      %dma_wait3A_46 = tpu.memref_slice %arg3[%add3A_4] : memref<2048xi32, #tpu.memory_space<hbm>> -> memref<32xi32, #tpu.memory_space<hbm>>
      %dma_wait3A_47 = tpu.memref_slice %arg3[%add3A_4] : memref<2048xi32, #tpu.memory_space<hbm>> -> memref<32xi32, #tpu.memory_space<hbm>>
      tpu.wait_dma2 semaphore(%run_scoped3A : memref<!tpu.dma_semaphore, #tpu.memory_space<semaphore_mem>>) src(%dma_wait3A_47 : memref<32xi32, #tpu.memory_space<hbm>>) dst(%arg10 : memref<32xi32, #tpu.memory_space<vmem>>)
      tpu.yield
    }) : () -> ()
    "tpu.region"() ({
      %run_scoped3A = tpu.sem_alloc : memref<!tpu.dma_semaphore, #tpu.memory_space<semaphore_mem>>
      %dma_start3A_44 = tpu.memref_slice %arg4[%add3A_4] : memref<2048xi32, #tpu.memory_space<hbm>> -> memref<32xi32, #tpu.memory_space<hbm>>
      %dma_start3A_45 = tpu.memref_slice %arg4[%add3A_4] : memref<2048xi32, #tpu.memory_space<hbm>> -> memref<32xi32, #tpu.memory_space<hbm>>
      tpu.enqueue_dma source(%dma_start3A_45 : memref<32xi32, #tpu.memory_space<hbm>>) target(%arg11 : memref<32xi32, #tpu.memory_space<vmem>>) target_semaphore(%run_scoped3A : memref<!tpu.dma_semaphore, #tpu.memory_space<semaphore_mem>>)
      %dma_wait3A_46 = tpu.memref_slice %arg4[%add3A_4] : memref<2048xi32, #tpu.memory_space<hbm>> -> memref<32xi32, #tpu.memory_space<hbm>>
      %dma_wait3A_47 = tpu.memref_slice %arg4[%add3A_4] : memref<2048xi32, #tpu.memory_space<hbm>> -> memref<32xi32, #tpu.memory_space<hbm>>
      tpu.wait_dma2 semaphore(%run_scoped3A : memref<!tpu.dma_semaphore, #tpu.memory_space<semaphore_mem>>) src(%dma_wait3A_47 : memref<32xi32, #tpu.memory_space<hbm>>) dst(%arg11 : memref<32xi32, #tpu.memory_space<vmem>>)
      tpu.yield
    }) : () -> ()
    "tpu.region"() ({
      %run_scoped3A = tpu.sem_alloc : memref<!tpu.dma_semaphore, #tpu.memory_space<semaphore_mem>>
      %dma_start3A_44 = arith.constant 0 : i32
      %dma_start3A_45 = tpu.memref_slice %arg5[%add3A_4, %dma_start3A_44] : memref<2048x32xf32, #tpu.memory_space<hbm>> -> memref<32x32xf32, #tpu.memory_space<hbm>>
      %dma_start3A_46 = arith.constant 0 : i32
      %dma_start3A_47 = tpu.memref_slice %arg5[%add3A_4, %dma_start3A_46] : memref<2048x32xf32, #tpu.memory_space<hbm>> -> memref<32x32xf32, #tpu.memory_space<hbm>>
      tpu.enqueue_dma source(%dma_start3A_47 : memref<32x32xf32, #tpu.memory_space<hbm>>) target(%arg9 : memref<32x32xf32, #tpu.memory_space<vmem>>) target_semaphore(%run_scoped3A : memref<!tpu.dma_semaphore, #tpu.memory_space<semaphore_mem>>)
      %dma_wait3A_48 = arith.constant 0 : i32
      %dma_wait3A_49 = tpu.memref_slice %arg5[%add3A_4, %dma_wait3A_48] : memref<2048x32xf32, #tpu.memory_space<hbm>> -> memref<32x32xf32, #tpu.memory_space<hbm>>
      %dma_wait3A_50 = arith.constant 0 : i32
      %dma_wait3A_51 = tpu.memref_slice %arg5[%add3A_4, %dma_wait3A_50] : memref<2048x32xf32, #tpu.memory_space<hbm>> -> memref<32x32xf32, #tpu.memory_space<hbm>>
      tpu.wait_dma2 semaphore(%run_scoped3A : memref<!tpu.dma_semaphore, #tpu.memory_space<semaphore_mem>>) src(%dma_wait3A_51 : memref<32x32xf32, #tpu.memory_space<hbm>>) dst(%arg9 : memref<32x32xf32, #tpu.memory_space<vmem>>)
      tpu.yield
    }) : () -> ()
    %dma_start3A = arith.constant 0 : i32
    %dma_start3A_5 = arith.constant 0 : i32
    %dma_start3A_6 = tpu.memref_slice %arg2[%dma_start3A, %dma_start3A_5] : memref<4096x1024xf32, #tpu.memory_space<hbm>> -> memref<4096x1024xf32, #tpu.memory_space<hbm>>
    tpu.enqueue_indirect_dma source(%dma_start3A_6 : memref<4096x1024xf32, #tpu.memory_space<hbm>>) target(%arg7 : memref<32x1024xf32, #tpu.memory_space<vmem>>) offsets(%arg10 : memref<32xi32, #tpu.memory_space<vmem>>) semaphore(%arg12 : memref<!tpu.dma_semaphore, #tpu.memory_space<semaphore_mem>>)
    %dma_start3A_7 = arith.constant 0 : i32
    %dma_start3A_8 = arith.constant 0 : i32
    %dma_start3A_9 = tpu.memref_slice %arg2[%dma_start3A_7, %dma_start3A_8] : memref<4096x1024xf32, #tpu.memory_space<hbm>> -> memref<4096x1024xf32, #tpu.memory_space<hbm>>
    tpu.enqueue_indirect_dma source(%dma_start3A_9 : memref<4096x1024xf32, #tpu.memory_space<hbm>>) target(%arg8 : memref<32x1024xf32, #tpu.memory_space<vmem>>) offsets(%arg11 : memref<32xi32, #tpu.memory_space<vmem>>) semaphore(%arg13 : memref<!tpu.dma_semaphore, #tpu.memory_space<semaphore_mem>>)
    %dma_wait3A = arith.constant 0 : i32
    %dma_wait3A_10 = arith.constant 0 : i32
    %dma_wait3A_11 = tpu.memref_slice %arg2[%dma_wait3A, %dma_wait3A_10] : memref<4096x1024xf32, #tpu.memory_space<hbm>> -> memref<4096x1024xf32, #tpu.memory_space<hbm>>
    tpu.wait_indirect_dma semaphore(%arg12 : memref<!tpu.dma_semaphore, #tpu.memory_space<semaphore_mem>>) src(%dma_wait3A_11 : memref<4096x1024xf32, #tpu.memory_space<hbm>>) dst(%arg7 : memref<32x1024xf32, #tpu.memory_space<vmem>>)
    %dma_wait3A_12 = arith.constant 0 : i32
    %dma_wait3A_13 = arith.constant 0 : i32
    %dma_wait3A_14 = tpu.memref_slice %arg2[%dma_wait3A_12, %dma_wait3A_13] : memref<4096x1024xf32, #tpu.memory_space<hbm>> -> memref<4096x1024xf32, #tpu.memory_space<hbm>>
    tpu.wait_indirect_dma semaphore(%arg13 : memref<!tpu.dma_semaphore, #tpu.memory_space<semaphore_mem>>) src(%dma_wait3A_14 : memref<4096x1024xf32, #tpu.memory_space<hbm>>) dst(%arg8 : memref<32x1024xf32, #tpu.memory_space<vmem>>)
    %scan3A = arith.constant 0 : i32
    %scan3A_15 = arith.constant 0 : i32
    %scan3A_16 = arith.constant 32 : i32
    %scan3A_17 = arith.addi %scan3A_15, %scan3A_16 : i32
    %scan3A_18 = arith.constant 1 : i32
    %scan3A_19 = scf.for %scan3A_44 = %scan3A_15 to %scan3A_17 step %scan3A_18 iter_args(%scan3A_45 = %scan3A) -> (i32)  : i32 {
      %get3A = arith.index_cast %scan3A_44 : i32 to index
      %get3A_46 = arith.constant 0 : index
      %get3A_47 = tpu.vector_load %arg9[%get3A, %get3A_46] {strides = array<i32>} : memref<32x32xf32, #tpu.memory_space<vmem>>, vector<1x16xf32>,
      %get3A_48 = vector.shape_cast %get3A_47 : vector<1x16xf32> to vector<16xf32>
      %get3A_49 = arith.index_cast %scan3A_44 : i32 to index
      %get3A_50 = arith.constant 16 : index
      %get3A_51 = tpu.vector_load %arg9[%get3A_49, %get3A_50] {strides = array<i32>} : memref<32x32xf32, #tpu.memory_space<vmem>>, vector<1x16xf32>,
      %get3A_52 = vector.shape_cast %get3A_51 : vector<1x16xf32> to vector<16xf32>
      %get3A_53 = arith.index_cast %scan3A_44 : i32 to index
      %get3A_54 = arith.constant 0 : index
      %get3A_55 = tpu.vector_load %arg7[%get3A_53, %get3A_54] {strides = array<i32>} : memref<32x1024xf32, #tpu.memory_space<vmem>>, vector<1x16xf32>,
      %get3A_56 = vector.shape_cast %get3A_55 : vector<1x16xf32> to vector<16xf32>
      %get3A_57 = arith.index_cast %scan3A_44 : i32 to index
      %get3A_58 = arith.constant 0 : index
      %get3A_59 = tpu.vector_load %arg8[%get3A_57, %get3A_58] {strides = array<i32>} : memref<32x1024xf32, #tpu.memory_space<vmem>>, vector<1x16xf32>,
      %get3A_60 = vector.shape_cast %get3A_59 : vector<1x16xf32> to vector<16xf32>
      %mul3A_61 = arith.mulf %get3A_56, %get3A_48 : vector<16xf32>
      %mul3A_62 = arith.mulf %get3A_60, %get3A_52 : vector<16xf32>
      %add3A_63 = arith.addf %mul3A_61, %mul3A_62 : vector<16xf32>
      %swap3A = arith.index_cast %scan3A_44 : i32 to index
      %swap3A_64 = arith.constant 0 : index
      %swap3A_65 = tpu.vector_load %arg7[%swap3A, %swap3A_64] {strides = array<i32>} : memref<32x1024xf32, #tpu.memory_space<vmem>>, vector<1x16xf32>,
      %swap3A_66 = vector.shape_cast %swap3A_65 : vector<1x16xf32> to vector<16xf32>
      %swap3A_67 = vector.shape_cast %add3A_63 : vector<16xf32> to vector<1x16xf32>
      tpu.vector_store %arg7[%swap3A, %swap3A_64], %swap3A_67 {strides = array<i32>} : memref<32x1024xf32, #tpu.memory_space<vmem>>, vector<1x16xf32>,
      %get3A_68 = arith.index_cast %scan3A_44 : i32 to index
      %get3A_69 = arith.constant 16 : index
      %get3A_70 = tpu.vector_load %arg7[%get3A_68, %get3A_69] {strides = array<i32>} : memref<32x1024xf32, #tpu.memory_space<vmem>>, vector<1x16xf32>,
      %get3A_71 = vector.shape_cast %get3A_70 : vector<1x16xf32> to vector<16xf32>
      %get3A_72 = arith.index_cast %scan3A_44 : i32 to index
      %get3A_73 = arith.constant 16 : index
      %get3A_74 = tpu.vector_load %arg8[%get3A_72, %get3A_73] {strides = array<i32>} : memref<32x1024xf32, #tpu.memory_space<vmem>>, vector<1x16xf32>,
      %get3A_75 = vector.shape_cast %get3A_74 : vector<1x16xf32> to vector<16xf32>
      %mul3A_76 = arith.mulf %get3A_71, %get3A_48 : vector<16xf32>
      %mul3A_77 = arith.mulf %get3A_75, %get3A_52 : vector<16xf32>
      %add3A_78 = arith.addf %mul3A_76, %mul3A_77 : vector<16xf32>
      %swap3A_79 = arith.index_cast %scan3A_44 : i32 to index
      %swap3A_80 = arith.constant 16 : index
      %swap3A_81 = tpu.vector_load %arg7[%swap3A_79, %swap3A_80] {strides = array<i32>} : memref<32x1024xf32, #tpu.memory_space<vmem>>, vector<1x16xf32>,
      %swap3A_82 = vector.shape_cast %swap3A_81 : vector<1x16xf32> to vector<16xf32>
      %swap3A_83 = vector.shape_cast %add3A_78 : vector<16xf32> to vector<1x16xf32>
      tpu.vector_store %arg7[%swap3A_79, %swap3A_80], %swap3A_83 {strides = array<i32>} : memref<32x1024xf32, #tpu.memory_space<vmem>>, vector<1x16xf32>,
      %get3A_84 = arith.index_cast %scan3A_44 : i32 to index
      %get3A_85 = arith.constant 32 : index
      %get3A_86 = tpu.vector_load %arg7[%get3A_84, %get3A_85] {strides = array<i32>} : memref<32x1024xf32, #tpu.memory_space<vmem>>, vector<1x16xf32>,
      %get3A_87 = vector.shape_cast %get3A_86 : vector<1x16xf32> to vector<16xf32>
      %get3A_88 = arith.index_cast %scan3A_44 : i32 to index
      %get3A_89 = arith.constant 32 : index
      %get3A_90 = tpu.vector_load %arg8[%get3A_88, %get3A_89] {strides = array<i32>} : memref<32x1024xf32, #tpu.memory_space<vmem>>, vector<1x16xf32>,
      %get3A_91 = vector.shape_cast %get3A_90 : vector<1x16xf32> to vector<16xf32>
      %mul3A_92 = arith.mulf %get3A_87, %get3A_48 : vector<16xf32>
      %mul3A_93 = arith.mulf %get3A_91, %get3A_52 : vector<16xf32>
      %add3A_94 = arith.addf %mul3A_92, %mul3A_93 : vector<16xf32>
      %swap3A_95 = arith.index_cast %scan3A_44 : i32 to index
      %swap3A_96 = arith.constant 32 : index
      %swap3A_97 = tpu.vector_load %arg7[%swap3A_95, %swap3A_96] {strides = array<i32>} : memref<32x1024xf32, #tpu.memory_space<vmem>>, vector<1x16xf32>,
      %swap3A_98 = vector.shape_cast %swap3A_97 : vector<1x16xf32> to vector<16xf32>
      %swap3A_99 = vector.shape_cast %add3A_94 : vector<16xf32> to vector<1x16xf32>
      tpu.vector_store %arg7[%swap3A_95, %swap3A_96], %swap3A_99 {strides = array<i32>} : memref<32x1024xf32, #tpu.memory_space<vmem>>, vector<1x16xf32>,
      %get3A_100 = arith.index_cast %scan3A_44 : i32 to index
      %get3A_101 = arith.constant 48 : index
      %get3A_102 = tpu.vector_load %arg7[%get3A_100, %get3A_101] {strides = array<i32>} : memref<32x1024xf32, #tpu.memory_space<vmem>>, vector<1x16xf32>,
      %get3A_103 = vector.shape_cast %get3A_102 : vector<1x16xf32> to vector<16xf32>
      %get3A_104 = arith.index_cast %scan3A_44 : i32 to index
      %get3A_105 = arith.constant 48 : index
      %get3A_106 = tpu.vector_load %arg8[%get3A_104, %get3A_105] {strides = array<i32>} : memref<32x1024xf32, #tpu.memory_space<vmem>>, vector<1x16xf32>,
      %get3A_107 = vector.shape_cast %get3A_106 : vector<1x16xf32> to vector<16xf32>
      %mul3A_108 = arith.mulf %get3A_103, %get3A_48 : vector<16xf32>
      %mul3A_109 = arith.mulf %get3A_107, %get3A_52 : vector<16xf32>
      %add3A_110 = arith.addf %mul3A_108, %mul3A_109 : vector<16xf32>
      %swap3A_111 = arith.index_cast %scan3A_44 : i32 to index
      %swap3A_112 = arith.constant 48 : index
      %swap3A_113 = tpu.vector_load %arg7[%swap3A_111, %swap3A_112] {strides = array<i32>} : memref<32x1024xf32, #tpu.memory_space<vmem>>, vector<1x16xf32>,
      %swap3A_114 = vector.shape_cast %swap3A_113 : vector<1x16xf32> to vector<16xf32>
      %swap3A_115 = vector.shape_cast %add3A_110 : vector<16xf32> to vector<1x16xf32>
      tpu.vector_store %arg7[%swap3A_111, %swap3A_112], %swap3A_115 {strides = array<i32>} : memref<32x1024xf32, #tpu.memory_space<vmem>>, vector<1x16xf32>,
      %get3A_116 = arith.index_cast %scan3A_44 : i32 to index
      %get3A_117 = arith.constant 64 : index
      %get3A_118 = tpu.vector_load %arg7[%get3A_116, %get3A_117] {strides = array<i32>} : memref<32x1024xf32, #tpu.memory_space<vmem>>, vector<1x16xf32>,
      %get3A_119 = vector.shape_cast %get3A_118 : vector<1x16xf32> to vector<16xf32>
      %get3A_120 = arith.index_cast %scan3A_44 : i32 to index
      %get3A_121 = arith.constant 64 : index
      %get3A_122 = tpu.vector_load %arg8[%get3A_120, %get3A_121] {strides = array<i32>} : memref<32x1024xf32, #tpu.memory_space<vmem>>, vector<1x16xf32>,
      %get3A_123 = vector.shape_cast %get3A_122 : vector<1x16xf32> to vector<16xf32>
      %mul3A_124 = arith.mulf %get3A_119, %get3A_48 : vector<16xf32>
      %mul3A_125 = arith.mulf %get3A_123, %get3A_52 : vector<16xf32>
      %add3A_126 = arith.addf %mul3A_124, %mul3A_125 : vector<16xf32>
      %swap3A_127 = arith.index_cast %scan3A_44 : i32 to index
      %swap3A_128 = arith.constant 64 : index
      %swap3A_129 = tpu.vector_load %arg7[%swap3A_127, %swap3A_128] {strides = array<i32>} : memref<32x1024xf32, #tpu.memory_space<vmem>>, vector<1x16xf32>,
      %swap3A_130 = vector.shape_cast %swap3A_129 : vector<1x16xf32> to vector<16xf32>
      %swap3A_131 = vector.shape_cast %add3A_126 : vector<16xf32> to vector<1x16xf32>
      tpu.vector_store %arg7[%swap3A_127, %swap3A_128], %swap3A_131 {strides = array<i32>} : memref<32x1024xf32, #tpu.memory_space<vmem>>, vector<1x16xf32>,
      %get3A_132 = arith.index_cast %scan3A_44 : i32 to index
      %get3A_133 = arith.constant 80 : index
      %get3A_134 = tpu.vector_load %arg7[%get3A_132, %get3A_133] {strides = array<i32>} : memref<32x1024xf32, #tpu.memory_space<vmem>>, vector<1x16xf32>,
      %get3A_135 = vector.shape_cast %get3A_134 : vector<1x16xf32> to vector<16xf32>
      %get3A_136 = arith.index_cast %scan3A_44 : i32 to index
      %get3A_137 = arith.constant 80 : index
      %get3A_138 = tpu.vector_load %arg8[%get3A_136, %get3A_137] {strides = array<i32>} : memref<32x1024xf32, #tpu.memory_space<vmem>>, vector<1x16xf32>,
      %get3A_139 = vector.shape_cast %get3A_138 : vector<1x16xf32> to vector<16xf32>
      %mul3A_140 = arith.mulf %get3A_135, %get3A_48 : vector<16xf32>
      %mul3A_141 = arith.mulf %get3A_139, %get3A_52 : vector<16xf32>
      %add3A_142 = arith.addf %mul3A_140, %mul3A_141 : vector<16xf32>
      %swap3A_143 = arith.index_cast %scan3A_44 : i32 to index
      %swap3A_144 = arith.constant 80 : index
      %swap3A_145 = tpu.vector_load %arg7[%swap3A_143, %swap3A_144] {strides = array<i32>} : memref<32x1024xf32, #tpu.memory_space<vmem>>, vector<1x16xf32>,
      %swap3A_146 = vector.shape_cast %swap3A_145 : vector<1x16xf32> to vector<16xf32>
      %swap3A_147 = vector.shape_cast %add3A_142 : vector<16xf32> to vector<1x16xf32>
      tpu.vector_store %arg7[%swap3A_143, %swap3A_144], %swap3A_147 {strides = array<i32>} : memref<32x1024xf32, #tpu.memory_space<vmem>>, vector<1x16xf32>,
      %get3A_148 = arith.index_cast %scan3A_44 : i32 to index
      %get3A_149 = arith.constant 96 : index
      %get3A_150 = tpu.vector_load %arg7[%get3A_148, %get3A_149] {strides = array<i32>} : memref<32x1024xf32, #tpu.memory_space<vmem>>, vector<1x16xf32>,
      %get3A_151 = vector.shape_cast %get3A_150 : vector<1x16xf32> to vector<16xf32>
      %get3A_152 = arith.index_cast %scan3A_44 : i32 to index
      %get3A_153 = arith.constant 96 : index
      %get3A_154 = tpu.vector_load %arg8[%get3A_152, %get3A_153] {strides = array<i32>} : memref<32x1024xf32, #tpu.memory_space<vmem>>, vector<1x16xf32>,
      %get3A_155 = vector.shape_cast %get3A_154 : vector<1x16xf32> to vector<16xf32>
      %mul3A_156 = arith.mulf %get3A_151, %get3A_48 : vector<16xf32>
      %mul3A_157 = arith.mulf %get3A_155, %get3A_52 : vector<16xf32>
      %add3A_158 = arith.addf %mul3A_156, %mul3A_157 : vector<16xf32>
      %swap3A_159 = arith.index_cast %scan3A_44 : i32 to index
      %swap3A_160 = arith.constant 96 : index
      %swap3A_161 = tpu.vector_load %arg7[%swap3A_159, %swap3A_160] {strides = array<i32>} : memref<32x1024xf32, #tpu.memory_space<vmem>>, vector<1x16xf32>,
      %swap3A_162 = vector.shape_cast %swap3A_161 : vector<1x16xf32> to vector<16xf32>
      %swap3A_163 = vector.shape_cast %add3A_158 : vector<16xf32> to vector<1x16xf32>
      tpu.vector_store %arg7[%swap3A_159, %swap3A_160], %swap3A_163 {strides = array<i32>} : memref<32x1024xf32, #tpu.memory_space<vmem>>, vector<1x16xf32>,
      %get3A_164 = arith.index_cast %scan3A_44 : i32 to index
      %get3A_165 = arith.constant 112 : index
      %get3A_166 = tpu.vector_load %arg7[%get3A_164, %get3A_165] {strides = array<i32>} : memref<32x1024xf32, #tpu.memory_space<vmem>>, vector<1x16xf32>,
      %get3A_167 = vector.shape_cast %get3A_166 : vector<1x16xf32> to vector<16xf32>
      %get3A_168 = arith.index_cast %scan3A_44 : i32 to index
      %get3A_169 = arith.constant 112 : index
      %get3A_170 = tpu.vector_load %arg8[%get3A_168, %get3A_169] {strides = array<i32>} : memref<32x1024xf32, #tpu.memory_space<vmem>>, vector<1x16xf32>,
      %get3A_171 = vector.shape_cast %get3A_170 : vector<1x16xf32> to vector<16xf32>
      %mul3A_172 = arith.mulf %get3A_167, %get3A_48 : vector<16xf32>
      %mul3A_173 = arith.mulf %get3A_171, %get3A_52 : vector<16xf32>
      %add3A_174 = arith.addf %mul3A_172, %mul3A_173 : vector<16xf32>
      %swap3A_175 = arith.index_cast %scan3A_44 : i32 to index
      %swap3A_176 = arith.constant 112 : index
      %swap3A_177 = tpu.vector_load %arg7[%swap3A_175, %swap3A_176] {strides = array<i32>} : memref<32x1024xf32, #tpu.memory_space<vmem>>, vector<1x16xf32>,
      %swap3A_178 = vector.shape_cast %swap3A_177 : vector<1x16xf32> to vector<16xf32>
      %swap3A_179 = vector.shape_cast %add3A_174 : vector<16xf32> to vector<1x16xf32>
      tpu.vector_store %arg7[%swap3A_175, %swap3A_176], %swap3A_179 {strides = array<i32>} : memref<32x1024xf32, #tpu.memory_space<vmem>>, vector<1x16xf32>,
      %get3A_180 = arith.index_cast %scan3A_44 : i32 to index
      %get3A_181 = arith.constant 128 : index
      %get3A_182 = tpu.vector_load %arg7[%get3A_180, %get3A_181] {strides = array<i32>} : memref<32x1024xf32, #tpu.memory_space<vmem>>, vector<1x16xf32>,
      %get3A_183 = vector.shape_cast %get3A_182 : vector<1x16xf32> to vector<16xf32>
      %get3A_184 = arith.index_cast %scan3A_44 : i32 to index
      %get3A_185 = arith.constant 128 : index
      %get3A_186 = tpu.vector_load %arg8[%get3A_184, %get3A_185] {strides = array<i32>} : memref<32x1024xf32, #tpu.memory_space<vmem>>, vector<1x16xf32>,
      %get3A_187 = vector.shape_cast %get3A_186 : vector<1x16xf32> to vector<16xf32>
      %mul3A_188 = arith.mulf %get3A_183, %get3A_48 : vector<16xf32>
      %mul3A_189 = arith.mulf %get3A_187, %get3A_52 : vector<16xf32>
      %add3A_190 = arith.addf %mul3A_188, %mul3A_189 : vector<16xf32>
      %swap3A_191 = arith.index_cast %scan3A_44 : i32 to index
      %swap3A_192 = arith.constant 128 : index
      %swap3A_193 = tpu.vector_load %arg7[%swap3A_191, %swap3A_192] {strides = array<i32>} : memref<32x1024xf32, #tpu.memory_space<vmem>>, vector<1x16xf32>,
      %swap3A_194 = vector.shape_cast %swap3A_193 : vector<1x16xf32> to vector<16xf32>
      %swap3A_195 = vector.shape_cast %add3A_190 : vector<16xf32> to vector<1x16xf32>
      tpu.vector_store %arg7[%swap3A_191, %swap3A_192], %swap3A_195 {strides = array<i32>} : memref<32x1024xf32, #tpu.memory_space<vmem>>, vector<1x16xf32>,
      %get3A_196 = arith.index_cast %scan3A_44 : i32 to index
      %get3A_197 = arith.constant 144 : index
      %get3A_198 = tpu.vector_load %arg7[%get3A_196, %get3A_197] {strides = array<i32>} : memref<32x1024xf32, #tpu.memory_space<vmem>>, vector<1x16xf32>,
      %get3A_199 = vector.shape_cast %get3A_198 : vector<1x16xf32> to vector<16xf32>
      %get3A_200 = arith.index_cast %scan3A_44 : i32 to index
      %get3A_201 = arith.constant 144 : index
      %get3A_202 = tpu.vector_load %arg8[%get3A_200, %get3A_201] {strides = array<i32>} : memref<32x1024xf32, #tpu.memory_space<vmem>>, vector<1x16xf32>,
      %get3A_203 = vector.shape_cast %get3A_202 : vector<1x16xf32> to vector<16xf32>
      %mul3A_204 = arith.mulf %get3A_199, %get3A_48 : vector<16xf32>
      %mul3A_205 = arith.mulf %get3A_203, %get3A_52 : vector<16xf32>
      %add3A_206 = arith.addf %mul3A_204, %mul3A_205 : vector<16xf32>
      %swap3A_207 = arith.index_cast %scan3A_44 : i32 to index
      %swap3A_208 = arith.constant 144 : index
      %swap3A_209 = tpu.vector_load %arg7[%swap3A_207, %swap3A_208] {strides = array<i32>} : memref<32x1024xf32, #tpu.memory_space<vmem>>, vector<1x16xf32>,
      %swap3A_210 = vector.shape_cast %swap3A_209 : vector<1x16xf32> to vector<16xf32>
      %swap3A_211 = vector.shape_cast %add3A_206 : vector<16xf32> to vector<1x16xf32>
      tpu.vector_store %arg7[%swap3A_207, %swap3A_208], %swap3A_211 {strides = array<i32>} : memref<32x1024xf32, #tpu.memory_space<vmem>>, vector<1x16xf32>,
      %get3A_212 = arith.index_cast %scan3A_44 : i32 to index
      %get3A_213 = arith.constant 160 : index
      %get3A_214 = tpu.vector_load %arg7[%get3A_212, %get3A_213] {strides = array<i32>} : memref<32x1024xf32, #tpu.memory_space<vmem>>, vector<1x16xf32>,
      %get3A_215 = vector.shape_cast %get3A_214 : vector<1x16xf32> to vector<16xf32>
      %get3A_216 = arith.index_cast %scan3A_44 : i32 to index
      %get3A_217 = arith.constant 160 : index
      %get3A_218 = tpu.vector_load %arg8[%get3A_216, %get3A_217] {strides = array<i32>} : memref<32x1024xf32, #tpu.memory_space<vmem>>, vector<1x16xf32>,
      %get3A_219 = vector.shape_cast %get3A_218 : vector<1x16xf32> to vector<16xf32>
      %mul3A_220 = arith.mulf %get3A_215, %get3A_48 : vector<16xf32>
      %mul3A_221 = arith.mulf %get3A_219, %get3A_52 : vector<16xf32>
      %add3A_222 = arith.addf %mul3A_220, %mul3A_221 : vector<16xf32>
      %swap3A_223 = arith.index_cast %scan3A_44 : i32 to index
      %swap3A_224 = arith.constant 160 : index
      %swap3A_225 = tpu.vector_load %arg7[%swap3A_223, %swap3A_224] {strides = array<i32>} : memref<32x1024xf32, #tpu.memory_space<vmem>>, vector<1x16xf32>,
      %swap3A_226 = vector.shape_cast %swap3A_225 : vector<1x16xf32> to vector<16xf32>
      %swap3A_227 = vector.shape_cast %add3A_222 : vector<16xf32> to vector<1x16xf32>
      tpu.vector_store %arg7[%swap3A_223, %swap3A_224], %swap3A_227 {strides = array<i32>} : memref<32x1024xf32, #tpu.memory_space<vmem>>, vector<1x16xf32>,
      %get3A_228 = arith.index_cast %scan3A_44 : i32 to index
      %get3A_229 = arith.constant 176 : index
      %get3A_230 = tpu.vector_load %arg7[%get3A_228, %get3A_229] {strides = array<i32>} : memref<32x1024xf32, #tpu.memory_space<vmem>>, vector<1x16xf32>,
      %get3A_231 = vector.shape_cast %get3A_230 : vector<1x16xf32> to vector<16xf32>
      %get3A_232 = arith.index_cast %scan3A_44 : i32 to index
      %get3A_233 = arith.constant 176 : index
      %get3A_234 = tpu.vector_load %arg8[%get3A_232, %get3A_233] {strides = array<i32>} : memref<32x1024xf32, #tpu.memory_space<vmem>>, vector<1x16xf32>,
      %get3A_235 = vector.shape_cast %get3A_234 : vector<1x16xf32> to vector<16xf32>
      %mul3A_236 = arith.mulf %get3A_231, %get3A_48 : vector<16xf32>
      %mul3A_237 = arith.mulf %get3A_235, %get3A_52 : vector<16xf32>
      %add3A_238 = arith.addf %mul3A_236, %mul3A_237 : vector<16xf32>
      %swap3A_239 = arith.index_cast %scan3A_44 : i32 to index
      %swap3A_240 = arith.constant 176 : index
      %swap3A_241 = tpu.vector_load %arg7[%swap3A_239, %swap3A_240] {strides = array<i32>} : memref<32x1024xf32, #tpu.memory_space<vmem>>, vector<1x16xf32>,
      %swap3A_242 = vector.shape_cast %swap3A_241 : vector<1x16xf32> to vector<16xf32>
      %swap3A_243 = vector.shape_cast %add3A_238 : vector<16xf32> to vector<1x16xf32>
      tpu.vector_store %arg7[%swap3A_239, %swap3A_240], %swap3A_243 {strides = array<i32>} : memref<32x1024xf32, #tpu.memory_space<vmem>>, vector<1x16xf32>,
      %get3A_244 = arith.index_cast %scan3A_44 : i32 to index
      %get3A_245 = arith.constant 192 : index
      %get3A_246 = tpu.vector_load %arg7[%get3A_244, %get3A_245] {strides = array<i32>} : memref<32x1024xf32, #tpu.memory_space<vmem>>, vector<1x16xf32>,
      %get3A_247 = vector.shape_cast %get3A_246 : vector<1x16xf32> to vector<16xf32>
      %get3A_248 = arith.index_cast %scan3A_44 : i32 to index
      %get3A_249 = arith.constant 192 : index
      %get3A_250 = tpu.vector_load %arg8[%get3A_248, %get3A_249] {strides = array<i32>} : memref<32x1024xf32, #tpu.memory_space<vmem>>, vector<1x16xf32>,
      %get3A_251 = vector.shape_cast %get3A_250 : vector<1x16xf32> to vector<16xf32>
      %mul3A_252 = arith.mulf %get3A_247, %get3A_48 : vector<16xf32>
      %mul3A_253 = arith.mulf %get3A_251, %get3A_52 : vector<16xf32>
      %add3A_254 = arith.addf %mul3A_252, %mul3A_253 : vector<16xf32>
      %swap3A_255 = arith.index_cast %scan3A_44 : i32 to index
      %swap3A_256 = arith.constant 192 : index
      %swap3A_257 = tpu.vector_load %arg7[%swap3A_255, %swap3A_256] {strides = array<i32>} : memref<32x1024xf32, #tpu.memory_space<vmem>>, vector<1x16xf32>,
      %swap3A_258 = vector.shape_cast %swap3A_257 : vector<1x16xf32> to vector<16xf32>
      %swap3A_259 = vector.shape_cast %add3A_254 : vector<16xf32> to vector<1x16xf32>
      tpu.vector_store %arg7[%swap3A_255, %swap3A_256], %swap3A_259 {strides = array<i32>} : memref<32x1024xf32, #tpu.memory_space<vmem>>, vector<1x16xf32>,
      %get3A_260 = arith.index_cast %scan3A_44 : i32 to index
      %get3A_261 = arith.constant 208 : index
      %get3A_262 = tpu.vector_load %arg7[%get3A_260, %get3A_261] {strides = array<i32>} : memref<32x1024xf32, #tpu.memory_space<vmem>>, vector<1x16xf32>,
      %get3A_263 = vector.shape_cast %get3A_262 : vector<1x16xf32> to vector<16xf32>
      %get3A_264 = arith.index_cast %scan3A_44 : i32 to index
      %get3A_265 = arith.constant 208 : index
      %get3A_266 = tpu.vector_load %arg8[%get3A_264, %get3A_265] {strides = array<i32>} : memref<32x1024xf32, #tpu.memory_space<vmem>>, vector<1x16xf32>,
      %get3A_267 = vector.shape_cast %get3A_266 : vector<1x16xf32> to vector<16xf32>
      %mul3A_268 = arith.mulf %get3A_263, %get3A_48 : vector<16xf32>
      %mul3A_269 = arith.mulf %get3A_267, %get3A_52 : vector<16xf32>
      %add3A_270 = arith.addf %mul3A_268, %mul3A_269 : vector<16xf32>
      %swap3A_271 = arith.index_cast %scan3A_44 : i32 to index
      %swap3A_272 = arith.constant 208 : index
      %swap3A_273 = tpu.vector_load %arg7[%swap3A_271, %swap3A_272] {strides = array<i32>} : memref<32x1024xf32, #tpu.memory_space<vmem>>, vector<1x16xf32>,
      %swap3A_274 = vector.shape_cast %swap3A_273 : vector<1x16xf32> to vector<16xf32>
      %swap3A_275 = vector.shape_cast %add3A_270 : vector<16xf32> to vector<1x16xf32>
      tpu.vector_store %arg7[%swap3A_271, %swap3A_272], %swap3A_275 {strides = array<i32>} : memref<32x1024xf32, #tpu.memory_space<vmem>>, vector<1x16xf32>,
      %get3A_276 = arith.index_cast %scan3A_44 : i32 to index
      %get3A_277 = arith.constant 224 : index
      %get3A_278 = tpu.vector_load %arg7[%get3A_276, %get3A_277] {strides = array<i32>} : memref<32x1024xf32, #tpu.memory_space<vmem>>, vector<1x16xf32>,
      %get3A_279 = vector.shape_cast %get3A_278 : vector<1x16xf32> to vector<16xf32>
      %get3A_280 = arith.index_cast %scan3A_44 : i32 to index
      %get3A_281 = arith.constant 224 : index
      %get3A_282 = tpu.vector_load %arg8[%get3A_280, %get3A_281] {strides = array<i32>} : memref<32x1024xf32, #tpu.memory_space<vmem>>, vector<1x16xf32>,
      %get3A_283 = vector.shape_cast %get3A_282 : vector<1x16xf32> to vector<16xf32>
      %mul3A_284 = arith.mulf %get3A_279, %get3A_48 : vector<16xf32>
      %mul3A_285 = arith.mulf %get3A_283, %get3A_52 : vector<16xf32>
      %add3A_286 = arith.addf %mul3A_284, %mul3A_285 : vector<16xf32>
      %swap3A_287 = arith.index_cast %scan3A_44 : i32 to index
      %swap3A_288 = arith.constant 224 : index
      %swap3A_289 = tpu.vector_load %arg7[%swap3A_287, %swap3A_288] {strides = array<i32>} : memref<32x1024xf32, #tpu.memory_space<vmem>>, vector<1x16xf32>,
      %swap3A_290 = vector.shape_cast %swap3A_289 : vector<1x16xf32> to vector<16xf32>
      %swap3A_291 = vector.shape_cast %add3A_286 : vector<16xf32> to vector<1x16xf32>
      tpu.vector_store %arg7[%swap3A_287, %swap3A_288], %swap3A_291 {strides = array<i32>} : memref<32x1024xf32, #tpu.memory_space<vmem>>, vector<1x16xf32>,
      %get3A_292 = arith.index_cast %scan3A_44 : i32 to index
      %get3A_293 = arith.constant 240 : index
      %get3A_294 = tpu.vector_load %arg7[%get3A_292, %get3A_293] {strides = array<i32>} : memref<32x1024xf32, #tpu.memory_space<vmem>>, vector<1x16xf32>,
      %get3A_295 = vector.shape_cast %get3A_294 : vector<1x16xf32> to vector<16xf32>
      %get3A_296 = arith.index_cast %scan3A_44 : i32 to index
      %get3A_297 = arith.constant 240 : index
      %get3A_298 = tpu.vector_load %arg8[%get3A_296, %get3A_297] {strides = array<i32>} : memref<32x1024xf32, #tpu.memory_space<vmem>>, vector<1x16xf32>,
      %get3A_299 = vector.shape_cast %get3A_298 : vector<1x16xf32> to vector<16xf32>
      %mul3A_300 = arith.mulf %get3A_295, %get3A_48 : vector<16xf32>
      %mul3A_301 = arith.mulf %get3A_299, %get3A_52 : vector<16xf32>
      %add3A_302 = arith.addf %mul3A_300, %mul3A_301 : vector<16xf32>
      %swap3A_303 = arith.index_cast %scan3A_44 : i32 to index
      %swap3A_304 = arith.constant 240 : index
      %swap3A_305 = tpu.vector_load %arg7[%swap3A_303, %swap3A_304] {strides = array<i32>} : memref<32x1024xf32, #tpu.memory_space<vmem>>, vector<1x16xf32>,
      %swap3A_306 = vector.shape_cast %swap3A_305 : vector<1x16xf32> to vector<16xf32>
      %swap3A_307 = vector.shape_cast %add3A_302 : vector<16xf32> to vector<1x16xf32>
      tpu.vector_store %arg7[%swap3A_303, %swap3A_304], %swap3A_307 {strides = array<i32>} : memref<32x1024xf32, #tpu.memory_space<vmem>>, vector<1x16xf32>,
      %get3A_308 = arith.index_cast %scan3A_44 : i32 to index
      %get3A_309 = arith.constant 256 : index
      %get3A_310 = tpu.vector_load %arg7[%get3A_308, %get3A_309] {strides = array<i32>} : memref<32x1024xf32, #tpu.memory_space<vmem>>, vector<1x16xf32>,
      %get3A_311 = vector.shape_cast %get3A_310 : vector<1x16xf32> to vector<16xf32>
      %get3A_312 = arith.index_cast %scan3A_44 : i32 to index
      %get3A_313 = arith.constant 256 : index
      %get3A_314 = tpu.vector_load %arg8[%get3A_312, %get3A_313] {strides = array<i32>} : memref<32x1024xf32, #tpu.memory_space<vmem>>, vector<1x16xf32>,
      %get3A_315 = vector.shape_cast %get3A_314 : vector<1x16xf32> to vector<16xf32>
      %mul3A_316 = arith.mulf %get3A_311, %get3A_48 : vector<16xf32>
      %mul3A_317 = arith.mulf %get3A_315, %get3A_52 : vector<16xf32>
      %add3A_318 = arith.addf %mul3A_316, %mul3A_317 : vector<16xf32>
      %swap3A_319 = arith.index_cast %scan3A_44 : i32 to index
      %swap3A_320 = arith.constant 256 : index
      %swap3A_321 = tpu.vector_load %arg7[%swap3A_319, %swap3A_320] {strides = array<i32>} : memref<32x1024xf32, #tpu.memory_space<vmem>>, vector<1x16xf32>,
      %swap3A_322 = vector.shape_cast %swap3A_321 : vector<1x16xf32> to vector<16xf32>
      %swap3A_323 = vector.shape_cast %add3A_318 : vector<16xf32> to vector<1x16xf32>
      tpu.vector_store %arg7[%swap3A_319, %swap3A_320], %swap3A_323 {strides = array<i32>} : memref<32x1024xf32, #tpu.memory_space<vmem>>, vector<1x16xf32>,
      %get3A_324 = arith.index_cast %scan3A_44 : i32 to index
      %get3A_325 = arith.constant 272 : index
      %get3A_326 = tpu.vector_load %arg7[%get3A_324, %get3A_325] {strides = array<i32>} : memref<32x1024xf32, #tpu.memory_space<vmem>>, vector<1x16xf32>,
      %get3A_327 = vector.shape_cast %get3A_326 : vector<1x16xf32> to vector<16xf32>
      %get3A_328 = arith.index_cast %scan3A_44 : i32 to index
      %get3A_329 = arith.constant 272 : index
      %get3A_330 = tpu.vector_load %arg8[%get3A_328, %get3A_329] {strides = array<i32>} : memref<32x1024xf32, #tpu.memory_space<vmem>>, vector<1x16xf32>,
      %get3A_331 = vector.shape_cast %get3A_330 : vector<1x16xf32> to vector<16xf32>
      %mul3A_332 = arith.mulf %get3A_327, %get3A_48 : vector<16xf32>
      %mul3A_333 = arith.mulf %get3A_331, %get3A_52 : vector<16xf32>
      %add3A_334 = arith.addf %mul3A_332, %mul3A_333 : vector<16xf32>
      %swap3A_335 = arith.index_cast %scan3A_44 : i32 to index
      %swap3A_336 = arith.constant 272 : index
      %swap3A_337 = tpu.vector_load %arg7[%swap3A_335, %swap3A_336] {strides = array<i32>} : memref<32x1024xf32, #tpu.memory_space<vmem>>, vector<1x16xf32>,
      %swap3A_338 = vector.shape_cast %swap3A_337 : vector<1x16xf32> to vector<16xf32>
      %swap3A_339 = vector.shape_cast %add3A_334 : vector<16xf32> to vector<1x16xf32>
      tpu.vector_store %arg7[%swap3A_335, %swap3A_336], %swap3A_339 {strides = array<i32>} : memref<32x1024xf32, #tpu.memory_space<vmem>>, vector<1x16xf32>,
      %get3A_340 = arith.index_cast %scan3A_44 : i32 to index
      %get3A_341 = arith.constant 288 : index
      %get3A_342 = tpu.vector_load %arg7[%get3A_340, %get3A_341] {strides = array<i32>} : memref<32x1024xf32, #tpu.memory_space<vmem>>, vector<1x16xf32>,
      %get3A_343 = vector.shape_cast %get3A_342 : vector<1x16xf32> to vector<16xf32>
      %get3A_344 = arith.index_cast %scan3A_44 : i32 to index
      %get3A_345 = arith.constant 288 : index
      %get3A_346 = tpu.vector_load %arg8[%get3A_344, %get3A_345] {strides = array<i32>} : memref<32x1024xf32, #tpu.memory_space<vmem>>, vector<1x16xf32>,
      %get3A_347 = vector.shape_cast %get3A_346 : vector<1x16xf32> to vector<16xf32>
      %mul3A_348 = arith.mulf %get3A_343, %get3A_48 : vector<16xf32>
      %mul3A_349 = arith.mulf %get3A_347, %get3A_52 : vector<16xf32>
      %add3A_350 = arith.addf %mul3A_348, %mul3A_349 : vector<16xf32>
      %swap3A_351 = arith.index_cast %scan3A_44 : i32 to index
      %swap3A_352 = arith.constant 288 : index
      %swap3A_353 = tpu.vector_load %arg7[%swap3A_351, %swap3A_352] {strides = array<i32>} : memref<32x1024xf32, #tpu.memory_space<vmem>>, vector<1x16xf32>,
      %swap3A_354 = vector.shape_cast %swap3A_353 : vector<1x16xf32> to vector<16xf32>
      %swap3A_355 = vector.shape_cast %add3A_350 : vector<16xf32> to vector<1x16xf32>
      tpu.vector_store %arg7[%swap3A_351, %swap3A_352], %swap3A_355 {strides = array<i32>} : memref<32x1024xf32, #tpu.memory_space<vmem>>, vector<1x16xf32>,
      %get3A_356 = arith.index_cast %scan3A_44 : i32 to index
      %get3A_357 = arith.constant 304 : index
      %get3A_358 = tpu.vector_load %arg7[%get3A_356, %get3A_357] {strides = array<i32>} : memref<32x1024xf32, #tpu.memory_space<vmem>>, vector<1x16xf32>,
      %get3A_359 = vector.shape_cast %get3A_358 : vector<1x16xf32> to vector<16xf32>
      %get3A_360 = arith.index_cast %scan3A_44 : i32 to index
      %get3A_361 = arith.constant 304 : index
      %get3A_362 = tpu.vector_load %arg8[%get3A_360, %get3A_361] {strides = array<i32>} : memref<32x1024xf32, #tpu.memory_space<vmem>>, vector<1x16xf32>,
      %get3A_363 = vector.shape_cast %get3A_362 : vector<1x16xf32> to vector<16xf32>
      %mul3A_364 = arith.mulf %get3A_359, %get3A_48 : vector<16xf32>
      %mul3A_365 = arith.mulf %get3A_363, %get3A_52 : vector<16xf32>
      %add3A_366 = arith.addf %mul3A_364, %mul3A_365 : vector<16xf32>
      %swap3A_367 = arith.index_cast %scan3A_44 : i32 to index
      %swap3A_368 = arith.constant 304 : index
      %swap3A_369 = tpu.vector_load %arg7[%swap3A_367, %swap3A_368] {strides = array<i32>} : memref<32x1024xf32, #tpu.memory_space<vmem>>, vector<1x16xf32>,
      %swap3A_370 = vector.shape_cast %swap3A_369 : vector<1x16xf32> to vector<16xf32>
      %swap3A_371 = vector.shape_cast %add3A_366 : vector<16xf32> to vector<1x16xf32>
      tpu.vector_store %arg7[%swap3A_367, %swap3A_368], %swap3A_371 {strides = array<i32>} : memref<32x1024xf32, #tpu.memory_space<vmem>>, vector<1x16xf32>,
      %get3A_372 = arith.index_cast %scan3A_44 : i32 to index
      %get3A_373 = arith.constant 320 : index
      %get3A_374 = tpu.vector_load %arg7[%get3A_372, %get3A_373] {strides = array<i32>} : memref<32x1024xf32, #tpu.memory_space<vmem>>, vector<1x16xf32>,
      %get3A_375 = vector.shape_cast %get3A_374 : vector<1x16xf32> to vector<16xf32>
      %get3A_376 = arith.index_cast %scan3A_44 : i32 to index
      %get3A_377 = arith.constant 320 : index
      %get3A_378 = tpu.vector_load %arg8[%get3A_376, %get3A_377] {strides = array<i32>} : memref<32x1024xf32, #tpu.memory_space<vmem>>, vector<1x16xf32>,
      %get3A_379 = vector.shape_cast %get3A_378 : vector<1x16xf32> to vector<16xf32>
      %mul3A_380 = arith.mulf %get3A_375, %get3A_48 : vector<16xf32>
      %mul3A_381 = arith.mulf %get3A_379, %get3A_52 : vector<16xf32>
      %add3A_382 = arith.addf %mul3A_380, %mul3A_381 : vector<16xf32>
      %swap3A_383 = arith.index_cast %scan3A_44 : i32 to index
      %swap3A_384 = arith.constant 320 : index
      %swap3A_385 = tpu.vector_load %arg7[%swap3A_383, %swap3A_384] {strides = array<i32>} : memref<32x1024xf32, #tpu.memory_space<vmem>>, vector<1x16xf32>,
      %swap3A_386 = vector.shape_cast %swap3A_385 : vector<1x16xf32> to vector<16xf32>
      %swap3A_387 = vector.shape_cast %add3A_382 : vector<16xf32> to vector<1x16xf32>
      tpu.vector_store %arg7[%swap3A_383, %swap3A_384], %swap3A_387 {strides = array<i32>} : memref<32x1024xf32, #tpu.memory_space<vmem>>, vector<1x16xf32>,
      %get3A_388 = arith.index_cast %scan3A_44 : i32 to index
      %get3A_389 = arith.constant 336 : index
      %get3A_390 = tpu.vector_load %arg7[%get3A_388, %get3A_389] {strides = array<i32>} : memref<32x1024xf32, #tpu.memory_space<vmem>>, vector<1x16xf32>,
      %get3A_391 = vector.shape_cast %get3A_390 : vector<1x16xf32> to vector<16xf32>
      %get3A_392 = arith.index_cast %scan3A_44 : i32 to index
      %get3A_393 = arith.constant 336 : index
      %get3A_394 = tpu.vector_load %arg8[%get3A_392, %get3A_393] {strides = array<i32>} : memref<32x1024xf32, #tpu.memory_space<vmem>>, vector<1x16xf32>,
      %get3A_395 = vector.shape_cast %get3A_394 : vector<1x16xf32> to vector<16xf32>
      %mul3A_396 = arith.mulf %get3A_391, %get3A_48 : vector<16xf32>
      %mul3A_397 = arith.mulf %get3A_395, %get3A_52 : vector<16xf32>
      %add3A_398 = arith.addf %mul3A_396, %mul3A_397 : vector<16xf32>
      %swap3A_399 = arith.index_cast %scan3A_44 : i32 to index
      %swap3A_400 = arith.constant 336 : index
      %swap3A_401 = tpu.vector_load %arg7[%swap3A_399, %swap3A_400] {strides = array<i32>} : memref<32x1024xf32, #tpu.memory_space<vmem>>, vector<1x16xf32>,
      %swap3A_402 = vector.shape_cast %swap3A_401 : vector<1x16xf32> to vector<16xf32>
      %swap3A_403 = vector.shape_cast %add3A_398 : vector<16xf32> to vector<1x16xf32>
      tpu.vector_store %arg7[%swap3A_399, %swap3A_400], %swap3A_403 {strides = array<i32>} : memref<32x1024xf32, #tpu.memory_space<vmem>>, vector<1x16xf32>,
      %get3A_404 = arith.index_cast %scan3A_44 : i32 to index
      %get3A_405 = arith.constant 352 : index
      %get3A_406 = tpu.vector_load %arg7[%get3A_404, %get3A_405] {strides = array<i32>} : memref<32x1024xf32, #tpu.memory_space<vmem>>, vector<1x16xf32>,
      %get3A_407 = vector.shape_cast %get3A_406 : vector<1x16xf32> to vector<16xf32>
      %get3A_408 = arith.index_cast %scan3A_44 : i32 to index
      %get3A_409 = arith.constant 352 : index
      %get3A_410 = tpu.vector_load %arg8[%get3A_408, %get3A_409] {strides = array<i32>} : memref<32x1024xf32, #tpu.memory_space<vmem>>, vector<1x16xf32>,
      %get3A_411 = vector.shape_cast %get3A_410 : vector<1x16xf32> to vector<16xf32>
      %mul3A_412 = arith.mulf %get3A_407, %get3A_48 : vector<16xf32>
      %mul3A_413 = arith.mulf %get3A_411, %get3A_52 : vector<16xf32>
      %add3A_414 = arith.addf %mul3A_412, %mul3A_413 : vector<16xf32>
      %swap3A_415 = arith.index_cast %scan3A_44 : i32 to index
      %swap3A_416 = arith.constant 352 : index
      %swap3A_417 = tpu.vector_load %arg7[%swap3A_415, %swap3A_416] {strides = array<i32>} : memref<32x1024xf32, #tpu.memory_space<vmem>>, vector<1x16xf32>,
      %swap3A_418 = vector.shape_cast %swap3A_417 : vector<1x16xf32> to vector<16xf32>
      %swap3A_419 = vector.shape_cast %add3A_414 : vector<16xf32> to vector<1x16xf32>
      tpu.vector_store %arg7[%swap3A_415, %swap3A_416], %swap3A_419 {strides = array<i32>} : memref<32x1024xf32, #tpu.memory_space<vmem>>, vector<1x16xf32>,
      %get3A_420 = arith.index_cast %scan3A_44 : i32 to index
      %get3A_421 = arith.constant 368 : index
      %get3A_422 = tpu.vector_load %arg7[%get3A_420, %get3A_421] {strides = array<i32>} : memref<32x1024xf32, #tpu.memory_space<vmem>>, vector<1x16xf32>,
      %get3A_423 = vector.shape_cast %get3A_422 : vector<1x16xf32> to vector<16xf32>
      %get3A_424 = arith.index_cast %scan3A_44 : i32 to index
      %get3A_425 = arith.constant 368 : index
      %get3A_426 = tpu.vector_load %arg8[%get3A_424, %get3A_425] {strides = array<i32>} : memref<32x1024xf32, #tpu.memory_space<vmem>>, vector<1x16xf32>,
      %get3A_427 = vector.shape_cast %get3A_426 : vector<1x16xf32> to vector<16xf32>
      %mul3A_428 = arith.mulf %get3A_423, %get3A_48 : vector<16xf32>
      %mul3A_429 = arith.mulf %get3A_427, %get3A_52 : vector<16xf32>
      %add3A_430 = arith.addf %mul3A_428, %mul3A_429 : vector<16xf32>
      %swap3A_431 = arith.index_cast %scan3A_44 : i32 to index
      %swap3A_432 = arith.constant 368 : index
      %swap3A_433 = tpu.vector_load %arg7[%swap3A_431, %swap3A_432] {strides = array<i32>} : memref<32x1024xf32, #tpu.memory_space<vmem>>, vector<1x16xf32>,
      %swap3A_434 = vector.shape_cast %swap3A_433 : vector<1x16xf32> to vector<16xf32>
      %swap3A_435 = vector.shape_cast %add3A_430 : vector<16xf32> to vector<1x16xf32>
      tpu.vector_store %arg7[%swap3A_431, %swap3A_432], %swap3A_435 {strides = array<i32>} : memref<32x1024xf32, #tpu.memory_space<vmem>>, vector<1x16xf32>,
      %get3A_436 = arith.index_cast %scan3A_44 : i32 to index
      %get3A_437 = arith.constant 384 : index
      %get3A_438 = tpu.vector_load %arg7[%get3A_436, %get3A_437] {strides = array<i32>} : memref<32x1024xf32, #tpu.memory_space<vmem>>, vector<1x16xf32>,
      %get3A_439 = vector.shape_cast %get3A_438 : vector<1x16xf32> to vector<16xf32>
      %get3A_440 = arith.index_cast %scan3A_44 : i32 to index
      %get3A_441 = arith.constant 384 : index
      %get3A_442 = tpu.vector_load %arg8[%get3A_440, %get3A_441] {strides = array<i32>} : memref<32x1024xf32, #tpu.memory_space<vmem>>, vector<1x16xf32>,
      %get3A_443 = vector.shape_cast %get3A_442 : vector<1x16xf32> to vector<16xf32>
      %mul3A_444 = arith.mulf %get3A_439, %get3A_48 : vector<16xf32>
      %mul3A_445 = arith.mulf %get3A_443, %get3A_52 : vector<16xf32>
      %add3A_446 = arith.addf %mul3A_444, %mul3A_445 : vector<16xf32>
      %swap3A_447 = arith.index_cast %scan3A_44 : i32 to index
      %swap3A_448 = arith.constant 384 : index
      %swap3A_449 = tpu.vector_load %arg7[%swap3A_447, %swap3A_448] {strides = array<i32>} : memref<32x1024xf32, #tpu.memory_space<vmem>>, vector<1x16xf32>,
      %swap3A_450 = vector.shape_cast %swap3A_449 : vector<1x16xf32> to vector<16xf32>
      %swap3A_451 = vector.shape_cast %add3A_446 : vector<16xf32> to vector<1x16xf32>
      tpu.vector_store %arg7[%swap3A_447, %swap3A_448], %swap3A_451 {strides = array<i32>} : memref<32x1024xf32, #tpu.memory_space<vmem>>, vector<1x16xf32>,
      %get3A_452 = arith.index_cast %scan3A_44 : i32 to index
      %get3A_453 = arith.constant 400 : index
      %get3A_454 = tpu.vector_load %arg7[%get3A_452, %get3A_453] {strides = array<i32>} : memref<32x1024xf32, #tpu.memory_space<vmem>>, vector<1x16xf32>,
      %get3A_455 = vector.shape_cast %get3A_454 : vector<1x16xf32> to vector<16xf32>
      %get3A_456 = arith.index_cast %scan3A_44 : i32 to index
      %get3A_457 = arith.constant 400 : index
      %get3A_458 = tpu.vector_load %arg8[%get3A_456, %get3A_457] {strides = array<i32>} : memref<32x1024xf32, #tpu.memory_space<vmem>>, vector<1x16xf32>,
      %get3A_459 = vector.shape_cast %get3A_458 : vector<1x16xf32> to vector<16xf32>
      %mul3A_460 = arith.mulf %get3A_455, %get3A_48 : vector<16xf32>
      %mul3A_461 = arith.mulf %get3A_459, %get3A_52 : vector<16xf32>
      %add3A_462 = arith.addf %mul3A_460, %mul3A_461 : vector<16xf32>
      %swap3A_463 = arith.index_cast %scan3A_44 : i32 to index
      %swap3A_464 = arith.constant 400 : index
      %swap3A_465 = tpu.vector_load %arg7[%swap3A_463, %swap3A_464] {strides = array<i32>} : memref<32x1024xf32, #tpu.memory_space<vmem>>, vector<1x16xf32>,
      %swap3A_466 = vector.shape_cast %swap3A_465 : vector<1x16xf32> to vector<16xf32>
      %swap3A_467 = vector.shape_cast %add3A_462 : vector<16xf32> to vector<1x16xf32>
      tpu.vector_store %arg7[%swap3A_463, %swap3A_464], %swap3A_467 {strides = array<i32>} : memref<32x1024xf32, #tpu.memory_space<vmem>>, vector<1x16xf32>,
      %get3A_468 = arith.index_cast %scan3A_44 : i32 to index
      %get3A_469 = arith.constant 416 : index
      %get3A_470 = tpu.vector_load %arg7[%get3A_468, %get3A_469] {strides = array<i32>} : memref<32x1024xf32, #tpu.memory_space<vmem>>, vector<1x16xf32>,
      %get3A_471 = vector.shape_cast %get3A_470 : vector<1x16xf32> to vector<16xf32>
      %get3A_472 = arith.index_cast %scan3A_44 : i32 to index
      %get3A_473 = arith.constant 416 : index
      %get3A_474 = tpu.vector_load %arg8[%get3A_472, %get3A_473] {strides = array<i32>} : memref<32x1024xf32, #tpu.memory_space<vmem>>, vector<1x16xf32>,
      %get3A_475 = vector.shape_cast %get3A_474 : vector<1x16xf32> to vector<16xf32>
      %mul3A_476 = arith.mulf %get3A_471, %get3A_48 : vector<16xf32>
      %mul3A_477 = arith.mulf %get3A_475, %get3A_52 : vector<16xf32>
      %add3A_478 = arith.addf %mul3A_476, %mul3A_477 : vector<16xf32>
      %swap3A_479 = arith.index_cast %scan3A_44 : i32 to index
      %swap3A_480 = arith.constant 416 : index
      %swap3A_481 = tpu.vector_load %arg7[%swap3A_479, %swap3A_480] {strides = array<i32>} : memref<32x1024xf32, #tpu.memory_space<vmem>>, vector<1x16xf32>,
      %swap3A_482 = vector.shape_cast %swap3A_481 : vector<1x16xf32> to vector<16xf32>
      %swap3A_483 = vector.shape_cast %add3A_478 : vector<16xf32> to vector<1x16xf32>
      tpu.vector_store %arg7[%swap3A_479, %swap3A_480], %swap3A_483 {strides = array<i32>} : memref<32x1024xf32, #tpu.memory_space<vmem>>, vector<1x16xf32>,
      %get3A_484 = arith.index_cast %scan3A_44 : i32 to index
      %get3A_485 = arith.constant 432 : index
      %get3A_486 = tpu.vector_load %arg7[%get3A_484, %get3A_485] {strides = array<i32>} : memref<32x1024xf32, #tpu.memory_space<vmem>>, vector<1x16xf32>,
      %get3A_487 = vector.shape_cast %get3A_486 : vector<1x16xf32> to vector<16xf32>
      %get3A_488 = arith.index_cast %scan3A_44 : i32 to index
      %get3A_489 = arith.constant 432 : index
      %get3A_490 = tpu.vector_load %arg8[%get3A_488, %get3A_489] {strides = array<i32>} : memref<32x1024xf32, #tpu.memory_space<vmem>>, vector<1x16xf32>,
      %get3A_491 = vector.shape_cast %get3A_490 : vector<1x16xf32> to vector<16xf32>
      %mul3A_492 = arith.mulf %get3A_487, %get3A_48 : vector<16xf32>
      %mul3A_493 = arith.mulf %get3A_491, %get3A_52 : vector<16xf32>
      %add3A_494 = arith.addf %mul3A_492, %mul3A_493 : vector<16xf32>
      %swap3A_495 = arith.index_cast %scan3A_44 : i32 to index
      %swap3A_496 = arith.constant 432 : index
      %swap3A_497 = tpu.vector_load %arg7[%swap3A_495, %swap3A_496] {strides = array<i32>} : memref<32x1024xf32, #tpu.memory_space<vmem>>, vector<1x16xf32>,
      %swap3A_498 = vector.shape_cast %swap3A_497 : vector<1x16xf32> to vector<16xf32>
      %swap3A_499 = vector.shape_cast %add3A_494 : vector<16xf32> to vector<1x16xf32>
      tpu.vector_store %arg7[%swap3A_495, %swap3A_496], %swap3A_499 {strides = array<i32>} : memref<32x1024xf32, #tpu.memory_space<vmem>>, vector<1x16xf32>,
      %get3A_500 = arith.index_cast %scan3A_44 : i32 to index
      %get3A_501 = arith.constant 448 : index
      %get3A_502 = tpu.vector_load %arg7[%get3A_500, %get3A_501] {strides = array<i32>} : memref<32x1024xf32, #tpu.memory_space<vmem>>, vector<1x16xf32>,
      %get3A_503 = vector.shape_cast %get3A_502 : vector<1x16xf32> to vector<16xf32>
      %get3A_504 = arith.index_cast %scan3A_44 : i32 to index
      %get3A_505 = arith.constant 448 : index
      %get3A_506 = tpu.vector_load %arg8[%get3A_504, %get3A_505] {strides = array<i32>} : memref<32x1024xf32, #tpu.memory_space<vmem>>, vector<1x16xf32>,
      %get3A_507 = vector.shape_cast %get3A_506 : vector<1x16xf32> to vector<16xf32>
      %mul3A_508 = arith.mulf %get3A_503, %get3A_48 : vector<16xf32>
      %mul3A_509 = arith.mulf %get3A_507, %get3A_52 : vector<16xf32>
      %add3A_510 = arith.addf %mul3A_508, %mul3A_509 : vector<16xf32>
      %swap3A_511 = arith.index_cast %scan3A_44 : i32 to index
      %swap3A_512 = arith.constant 448 : index
      %swap3A_513 = tpu.vector_load %arg7[%swap3A_511, %swap3A_512] {strides = array<i32>} : memref<32x1024xf32, #tpu.memory_space<vmem>>, vector<1x16xf32>,
      %swap3A_514 = vector.shape_cast %swap3A_513 : vector<1x16xf32> to vector<16xf32>
      %swap3A_515 = vector.shape_cast %add3A_510 : vector<16xf32> to vector<1x16xf32>
      tpu.vector_store %arg7[%swap3A_511, %swap3A_512], %swap3A_515 {strides = array<i32>} : memref<32x1024xf32, #tpu.memory_space<vmem>>, vector<1x16xf32>,
      %get3A_516 = arith.index_cast %scan3A_44 : i32 to index
      %get3A_517 = arith.constant 464 : index
      %get3A_518 = tpu.vector_load %arg7[%get3A_516, %get3A_517] {strides = array<i32>} : memref<32x1024xf32, #tpu.memory_space<vmem>>, vector<1x16xf32>,
      %get3A_519 = vector.shape_cast %get3A_518 : vector<1x16xf32> to vector<16xf32>
      %get3A_520 = arith.index_cast %scan3A_44 : i32 to index
      %get3A_521 = arith.constant 464 : index
      %get3A_522 = tpu.vector_load %arg8[%get3A_520, %get3A_521] {strides = array<i32>} : memref<32x1024xf32, #tpu.memory_space<vmem>>, vector<1x16xf32>,
      %get3A_523 = vector.shape_cast %get3A_522 : vector<1x16xf32> to vector<16xf32>
      %mul3A_524 = arith.mulf %get3A_519, %get3A_48 : vector<16xf32>
      %mul3A_525 = arith.mulf %get3A_523, %get3A_52 : vector<16xf32>
      %add3A_526 = arith.addf %mul3A_524, %mul3A_525 : vector<16xf32>
      %swap3A_527 = arith.index_cast %scan3A_44 : i32 to index
      %swap3A_528 = arith.constant 464 : index
      %swap3A_529 = tpu.vector_load %arg7[%swap3A_527, %swap3A_528] {strides = array<i32>} : memref<32x1024xf32, #tpu.memory_space<vmem>>, vector<1x16xf32>,
      %swap3A_530 = vector.shape_cast %swap3A_529 : vector<1x16xf32> to vector<16xf32>
      %swap3A_531 = vector.shape_cast %add3A_526 : vector<16xf32> to vector<1x16xf32>
      tpu.vector_store %arg7[%swap3A_527, %swap3A_528], %swap3A_531 {strides = array<i32>} : memref<32x1024xf32, #tpu.memory_space<vmem>>, vector<1x16xf32>,
      %get3A_532 = arith.index_cast %scan3A_44 : i32 to index
      %get3A_533 = arith.constant 480 : index
      %get3A_534 = tpu.vector_load %arg7[%get3A_532, %get3A_533] {strides = array<i32>} : memref<32x1024xf32, #tpu.memory_space<vmem>>, vector<1x16xf32>,
      %get3A_535 = vector.shape_cast %get3A_534 : vector<1x16xf32> to vector<16xf32>
      %get3A_536 = arith.index_cast %scan3A_44 : i32 to index
      %get3A_537 = arith.constant 480 : index
      %get3A_538 = tpu.vector_load %arg8[%get3A_536, %get3A_537] {strides = array<i32>} : memref<32x1024xf32, #tpu.memory_space<vmem>>, vector<1x16xf32>,
      %get3A_539 = vector.shape_cast %get3A_538 : vector<1x16xf32> to vector<16xf32>
      %mul3A_540 = arith.mulf %get3A_535, %get3A_48 : vector<16xf32>
      %mul3A_541 = arith.mulf %get3A_539, %get3A_52 : vector<16xf32>
      %add3A_542 = arith.addf %mul3A_540, %mul3A_541 : vector<16xf32>
      %swap3A_543 = arith.index_cast %scan3A_44 : i32 to index
      %swap3A_544 = arith.constant 480 : index
      %swap3A_545 = tpu.vector_load %arg7[%swap3A_543, %swap3A_544] {strides = array<i32>} : memref<32x1024xf32, #tpu.memory_space<vmem>>, vector<1x16xf32>,
      %swap3A_546 = vector.shape_cast %swap3A_545 : vector<1x16xf32> to vector<16xf32>
      %swap3A_547 = vector.shape_cast %add3A_542 : vector<16xf32> to vector<1x16xf32>
      tpu.vector_store %arg7[%swap3A_543, %swap3A_544], %swap3A_547 {strides = array<i32>} : memref<32x1024xf32, #tpu.memory_space<vmem>>, vector<1x16xf32>,
      %get3A_548 = arith.index_cast %scan3A_44 : i32 to index
      %get3A_549 = arith.constant 496 : index
      %get3A_550 = tpu.vector_load %arg7[%get3A_548, %get3A_549] {strides = array<i32>} : memref<32x1024xf32, #tpu.memory_space<vmem>>, vector<1x16xf32>,
      %get3A_551 = vector.shape_cast %get3A_550 : vector<1x16xf32> to vector<16xf32>
      %get3A_552 = arith.index_cast %scan3A_44 : i32 to index
      %get3A_553 = arith.constant 496 : index
      %get3A_554 = tpu.vector_load %arg8[%get3A_552, %get3A_553] {strides = array<i32>} : memref<32x1024xf32, #tpu.memory_space<vmem>>, vector<1x16xf32>,
      %get3A_555 = vector.shape_cast %get3A_554 : vector<1x16xf32> to vector<16xf32>
      %mul3A_556 = arith.mulf %get3A_551, %get3A_48 : vector<16xf32>
      %mul3A_557 = arith.mulf %get3A_555, %get3A_52 : vector<16xf32>
      %add3A_558 = arith.addf %mul3A_556, %mul3A_557 : vector<16xf32>
      %swap3A_559 = arith.index_cast %scan3A_44 : i32 to index
      %swap3A_560 = arith.constant 496 : index
      %swap3A_561 = tpu.vector_load %arg7[%swap3A_559, %swap3A_560] {strides = array<i32>} : memref<32x1024xf32, #tpu.memory_space<vmem>>, vector<1x16xf32>,
      %swap3A_562 = vector.shape_cast %swap3A_561 : vector<1x16xf32> to vector<16xf32>
      %swap3A_563 = vector.shape_cast %add3A_558 : vector<16xf32> to vector<1x16xf32>
      tpu.vector_store %arg7[%swap3A_559, %swap3A_560], %swap3A_563 {strides = array<i32>} : memref<32x1024xf32, #tpu.memory_space<vmem>>, vector<1x16xf32>,
      %get3A_564 = arith.index_cast %scan3A_44 : i32 to index
      %get3A_565 = arith.constant 512 : index
      %get3A_566 = tpu.vector_load %arg7[%get3A_564, %get3A_565] {strides = array<i32>} : memref<32x1024xf32, #tpu.memory_space<vmem>>, vector<1x16xf32>,
      %get3A_567 = vector.shape_cast %get3A_566 : vector<1x16xf32> to vector<16xf32>
      %get3A_568 = arith.index_cast %scan3A_44 : i32 to index
      %get3A_569 = arith.constant 512 : index
      %get3A_570 = tpu.vector_load %arg8[%get3A_568, %get3A_569] {strides = array<i32>} : memref<32x1024xf32, #tpu.memory_space<vmem>>, vector<1x16xf32>,
      %get3A_571 = vector.shape_cast %get3A_570 : vector<1x16xf32> to vector<16xf32>
      %mul3A_572 = arith.mulf %get3A_567, %get3A_48 : vector<16xf32>
      %mul3A_573 = arith.mulf %get3A_571, %get3A_52 : vector<16xf32>
      %add3A_574 = arith.addf %mul3A_572, %mul3A_573 : vector<16xf32>
      %swap3A_575 = arith.index_cast %scan3A_44 : i32 to index
      %swap3A_576 = arith.constant 512 : index
      %swap3A_577 = tpu.vector_load %arg7[%swap3A_575, %swap3A_576] {strides = array<i32>} : memref<32x1024xf32, #tpu.memory_space<vmem>>, vector<1x16xf32>,
      %swap3A_578 = vector.shape_cast %swap3A_577 : vector<1x16xf32> to vector<16xf32>
      %swap3A_579 = vector.shape_cast %add3A_574 : vector<16xf32> to vector<1x16xf32>
      tpu.vector_store %arg7[%swap3A_575, %swap3A_576], %swap3A_579 {strides = array<i32>} : memref<32x1024xf32, #tpu.memory_space<vmem>>, vector<1x16xf32>,
      %get3A_580 = arith.index_cast %scan3A_44 : i32 to index
      %get3A_581 = arith.constant 528 : index
      %get3A_582 = tpu.vector_load %arg7[%get3A_580, %get3A_581] {strides = array<i32>} : memref<32x1024xf32, #tpu.memory_space<vmem>>, vector<1x16xf32>,
      %get3A_583 = vector.shape_cast %get3A_582 : vector<1x16xf32> to vector<16xf32>
      %get3A_584 = arith.index_cast %scan3A_44 : i32 to index
      %get3A_585 = arith.constant 528 : index
      %get3A_586 = tpu.vector_load %arg8[%get3A_584, %get3A_585] {strides = array<i32>} : memref<32x1024xf32, #tpu.memory_space<vmem>>, vector<1x16xf32>,
      %get3A_587 = vector.shape_cast %get3A_586 : vector<1x16xf32> to vector<16xf32>
      %mul3A_588 = arith.mulf %get3A_583, %get3A_48 : vector<16xf32>
      %mul3A_589 = arith.mulf %get3A_587, %get3A_52 : vector<16xf32>
      %add3A_590 = arith.addf %mul3A_588, %mul3A_589 : vector<16xf32>
      %swap3A_591 = arith.index_cast %scan3A_44 : i32 to index
      %swap3A_592 = arith.constant 528 : index
      %swap3A_593 = tpu.vector_load %arg7[%swap3A_591, %swap3A_592] {strides = array<i32>} : memref<32x1024xf32, #tpu.memory_space<vmem>>, vector<1x16xf32>,
      %swap3A_594 = vector.shape_cast %swap3A_593 : vector<1x16xf32> to vector<16xf32>
      %swap3A_595 = vector.shape_cast %add3A_590 : vector<16xf32> to vector<1x16xf32>
      tpu.vector_store %arg7[%swap3A_591, %swap3A_592], %swap3A_595 {strides = array<i32>} : memref<32x1024xf32, #tpu.memory_space<vmem>>, vector<1x16xf32>,
      %get3A_596 = arith.index_cast %scan3A_44 : i32 to index
      %get3A_597 = arith.constant 544 : index
      %get3A_598 = tpu.vector_load %arg7[%get3A_596, %get3A_597] {strides = array<i32>} : memref<32x1024xf32, #tpu.memory_space<vmem>>, vector<1x16xf32>,
      %get3A_599 = vector.shape_cast %get3A_598 : vector<1x16xf32> to vector<16xf32>
      %get3A_600 = arith.index_cast %scan3A_44 : i32 to index
      %get3A_601 = arith.constant 544 : index
      %get3A_602 = tpu.vector_load %arg8[%get3A_600, %get3A_601] {strides = array<i32>} : memref<32x1024xf32, #tpu.memory_space<vmem>>, vector<1x16xf32>,
      %get3A_603 = vector.shape_cast %get3A_602 : vector<1x16xf32> to vector<16xf32>
      %mul3A_604 = arith.mulf %get3A_599, %get3A_48 : vector<16xf32>
      %mul3A_605 = arith.mulf %get3A_603, %get3A_52 : vector<16xf32>
      %add3A_606 = arith.addf %mul3A_604, %mul3A_605 : vector<16xf32>
      %swap3A_607 = arith.index_cast %scan3A_44 : i32 to index
      %swap3A_608 = arith.constant 544 : index
      %swap3A_609 = tpu.vector_load %arg7[%swap3A_607, %swap3A_608] {strides = array<i32>} : memref<32x1024xf32, #tpu.memory_space<vmem>>, vector<1x16xf32>,
      %swap3A_610 = vector.shape_cast %swap3A_609 : vector<1x16xf32> to vector<16xf32>
      %swap3A_611 = vector.shape_cast %add3A_606 : vector<16xf32> to vector<1x16xf32>
      tpu.vector_store %arg7[%swap3A_607, %swap3A_608], %swap3A_611 {strides = array<i32>} : memref<32x1024xf32, #tpu.memory_space<vmem>>, vector<1x16xf32>,
      %get3A_612 = arith.index_cast %scan3A_44 : i32 to index
      %get3A_613 = arith.constant 560 : index
      %get3A_614 = tpu.vector_load %arg7[%get3A_612, %get3A_613] {strides = array<i32>} : memref<32x1024xf32, #tpu.memory_space<vmem>>, vector<1x16xf32>,
      %get3A_615 = vector.shape_cast %get3A_614 : vector<1x16xf32> to vector<16xf32>
      %get3A_616 = arith.index_cast %scan3A_44 : i32 to index
      %get3A_617 = arith.constant 560 : index
      %get3A_618 = tpu.vector_load %arg8[%get3A_616, %get3A_617] {strides = array<i32>} : memref<32x1024xf32, #tpu.memory_space<vmem>>, vector<1x16xf32>,
      %get3A_619 = vector.shape_cast %get3A_618 : vector<1x16xf32> to vector<16xf32>
      %mul3A_620 = arith.mulf %get3A_615, %get3A_48 : vector<16xf32>
      %mul3A_621 = arith.mulf %get3A_619, %get3A_52 : vector<16xf32>
      %add3A_622 = arith.addf %mul3A_620, %mul3A_621 : vector<16xf32>
      %swap3A_623 = arith.index_cast %scan3A_44 : i32 to index
      %swap3A_624 = arith.constant 560 : index
      %swap3A_625 = tpu.vector_load %arg7[%swap3A_623, %swap3A_624] {strides = array<i32>} : memref<32x1024xf32, #tpu.memory_space<vmem>>, vector<1x16xf32>,
      %swap3A_626 = vector.shape_cast %swap3A_625 : vector<1x16xf32> to vector<16xf32>
      %swap3A_627 = vector.shape_cast %add3A_622 : vector<16xf32> to vector<1x16xf32>
      tpu.vector_store %arg7[%swap3A_623, %swap3A_624], %swap3A_627 {strides = array<i32>} : memref<32x1024xf32, #tpu.memory_space<vmem>>, vector<1x16xf32>,
      %get3A_628 = arith.index_cast %scan3A_44 : i32 to index
      %get3A_629 = arith.constant 576 : index
      %get3A_630 = tpu.vector_load %arg7[%get3A_628, %get3A_629] {strides = array<i32>} : memref<32x1024xf32, #tpu.memory_space<vmem>>, vector<1x16xf32>,
      %get3A_631 = vector.shape_cast %get3A_630 : vector<1x16xf32> to vector<16xf32>
      %get3A_632 = arith.index_cast %scan3A_44 : i32 to index
      %get3A_633 = arith.constant 576 : index
      %get3A_634 = tpu.vector_load %arg8[%get3A_632, %get3A_633] {strides = array<i32>} : memref<32x1024xf32, #tpu.memory_space<vmem>>, vector<1x16xf32>,
      %get3A_635 = vector.shape_cast %get3A_634 : vector<1x16xf32> to vector<16xf32>
      %mul3A_636 = arith.mulf %get3A_631, %get3A_48 : vector<16xf32>
      %mul3A_637 = arith.mulf %get3A_635, %get3A_52 : vector<16xf32>
      %add3A_638 = arith.addf %mul3A_636, %mul3A_637 : vector<16xf32>
      %swap3A_639 = arith.index_cast %scan3A_44 : i32 to index
      %swap3A_640 = arith.constant 576 : index
      %swap3A_641 = tpu.vector_load %arg7[%swap3A_639, %swap3A_640] {strides = array<i32>} : memref<32x1024xf32, #tpu.memory_space<vmem>>, vector<1x16xf32>,
      %swap3A_642 = vector.shape_cast %swap3A_641 : vector<1x16xf32> to vector<16xf32>
      %swap3A_643 = vector.shape_cast %add3A_638 : vector<16xf32> to vector<1x16xf32>
      tpu.vector_store %arg7[%swap3A_639, %swap3A_640], %swap3A_643 {strides = array<i32>} : memref<32x1024xf32, #tpu.memory_space<vmem>>, vector<1x16xf32>,
      %get3A_644 = arith.index_cast %scan3A_44 : i32 to index
      %get3A_645 = arith.constant 592 : index
      %get3A_646 = tpu.vector_load %arg7[%get3A_644, %get3A_645] {strides = array<i32>} : memref<32x1024xf32, #tpu.memory_space<vmem>>, vector<1x16xf32>,
      %get3A_647 = vector.shape_cast %get3A_646 : vector<1x16xf32> to vector<16xf32>
      %get3A_648 = arith.index_cast %scan3A_44 : i32 to index
      %get3A_649 = arith.constant 592 : index
      %get3A_650 = tpu.vector_load %arg8[%get3A_648, %get3A_649] {strides = array<i32>} : memref<32x1024xf32, #tpu.memory_space<vmem>>, vector<1x16xf32>,
      %get3A_651 = vector.shape_cast %get3A_650 : vector<1x16xf32> to vector<16xf32>
      %mul3A_652 = arith.mulf %get3A_647, %get3A_48 : vector<16xf32>
      %mul3A_653 = arith.mulf %get3A_651, %get3A_52 : vector<16xf32>
      %add3A_654 = arith.addf %mul3A_652, %mul3A_653 : vector<16xf32>
      %swap3A_655 = arith.index_cast %scan3A_44 : i32 to index
      %swap3A_656 = arith.constant 592 : index
      %swap3A_657 = tpu.vector_load %arg7[%swap3A_655, %swap3A_656] {strides = array<i32>} : memref<32x1024xf32, #tpu.memory_space<vmem>>, vector<1x16xf32>,
      %swap3A_658 = vector.shape_cast %swap3A_657 : vector<1x16xf32> to vector<16xf32>
      %swap3A_659 = vector.shape_cast %add3A_654 : vector<16xf32> to vector<1x16xf32>
      tpu.vector_store %arg7[%swap3A_655, %swap3A_656], %swap3A_659 {strides = array<i32>} : memref<32x1024xf32, #tpu.memory_space<vmem>>, vector<1x16xf32>,
      %get3A_660 = arith.index_cast %scan3A_44 : i32 to index
      %get3A_661 = arith.constant 608 : index
      %get3A_662 = tpu.vector_load %arg7[%get3A_660, %get3A_661] {strides = array<i32>} : memref<32x1024xf32, #tpu.memory_space<vmem>>, vector<1x16xf32>,
      %get3A_663 = vector.shape_cast %get3A_662 : vector<1x16xf32> to vector<16xf32>
      %get3A_664 = arith.index_cast %scan3A_44 : i32 to index
      %get3A_665 = arith.constant 608 : index
      %get3A_666 = tpu.vector_load %arg8[%get3A_664, %get3A_665] {strides = array<i32>} : memref<32x1024xf32, #tpu.memory_space<vmem>>, vector<1x16xf32>,
      %get3A_667 = vector.shape_cast %get3A_666 : vector<1x16xf32> to vector<16xf32>
      %mul3A_668 = arith.mulf %get3A_663, %get3A_48 : vector<16xf32>
      %mul3A_669 = arith.mulf %get3A_667, %get3A_52 : vector<16xf32>
      %add3A_670 = arith.addf %mul3A_668, %mul3A_669 : vector<16xf32>
      %swap3A_671 = arith.index_cast %scan3A_44 : i32 to index
      %swap3A_672 = arith.constant 608 : index
      %swap3A_673 = tpu.vector_load %arg7[%swap3A_671, %swap3A_672] {strides = array<i32>} : memref<32x1024xf32, #tpu.memory_space<vmem>>, vector<1x16xf32>,
      %swap3A_674 = vector.shape_cast %swap3A_673 : vector<1x16xf32> to vector<16xf32>
      %swap3A_675 = vector.shape_cast %add3A_670 : vector<16xf32> to vector<1x16xf32>
      tpu.vector_store %arg7[%swap3A_671, %swap3A_672], %swap3A_675 {strides = array<i32>} : memref<32x1024xf32, #tpu.memory_space<vmem>>, vector<1x16xf32>,
      %get3A_676 = arith.index_cast %scan3A_44 : i32 to index
      %get3A_677 = arith.constant 624 : index
      %get3A_678 = tpu.vector_load %arg7[%get3A_676, %get3A_677] {strides = array<i32>} : memref<32x1024xf32, #tpu.memory_space<vmem>>, vector<1x16xf32>,
      %get3A_679 = vector.shape_cast %get3A_678 : vector<1x16xf32> to vector<16xf32>
      %get3A_680 = arith.index_cast %scan3A_44 : i32 to index
      %get3A_681 = arith.constant 624 : index
      %get3A_682 = tpu.vector_load %arg8[%get3A_680, %get3A_681] {strides = array<i32>} : memref<32x1024xf32, #tpu.memory_space<vmem>>, vector<1x16xf32>,
      %get3A_683 = vector.shape_cast %get3A_682 : vector<1x16xf32> to vector<16xf32>
      %mul3A_684 = arith.mulf %get3A_679, %get3A_48 : vector<16xf32>
      %mul3A_685 = arith.mulf %get3A_683, %get3A_52 : vector<16xf32>
      %add3A_686 = arith.addf %mul3A_684, %mul3A_685 : vector<16xf32>
      %swap3A_687 = arith.index_cast %scan3A_44 : i32 to index
      %swap3A_688 = arith.constant 624 : index
      %swap3A_689 = tpu.vector_load %arg7[%swap3A_687, %swap3A_688] {strides = array<i32>} : memref<32x1024xf32, #tpu.memory_space<vmem>>, vector<1x16xf32>,
      %swap3A_690 = vector.shape_cast %swap3A_689 : vector<1x16xf32> to vector<16xf32>
      %swap3A_691 = vector.shape_cast %add3A_686 : vector<16xf32> to vector<1x16xf32>
      tpu.vector_store %arg7[%swap3A_687, %swap3A_688], %swap3A_691 {strides = array<i32>} : memref<32x1024xf32, #tpu.memory_space<vmem>>, vector<1x16xf32>,
      %get3A_692 = arith.index_cast %scan3A_44 : i32 to index
      %get3A_693 = arith.constant 640 : index
      %get3A_694 = tpu.vector_load %arg7[%get3A_692, %get3A_693] {strides = array<i32>} : memref<32x1024xf32, #tpu.memory_space<vmem>>, vector<1x16xf32>,
      %get3A_695 = vector.shape_cast %get3A_694 : vector<1x16xf32> to vector<16xf32>
      %get3A_696 = arith.index_cast %scan3A_44 : i32 to index
      %get3A_697 = arith.constant 640 : index
      %get3A_698 = tpu.vector_load %arg8[%get3A_696, %get3A_697] {strides = array<i32>} : memref<32x1024xf32, #tpu.memory_space<vmem>>, vector<1x16xf32>,
      %get3A_699 = vector.shape_cast %get3A_698 : vector<1x16xf32> to vector<16xf32>
      %mul3A_700 = arith.mulf %get3A_695, %get3A_48 : vector<16xf32>
      %mul3A_701 = arith.mulf %get3A_699, %get3A_52 : vector<16xf32>
      %add3A_702 = arith.addf %mul3A_700, %mul3A_701 : vector<16xf32>
      %swap3A_703 = arith.index_cast %scan3A_44 : i32 to index
      %swap3A_704 = arith.constant 640 : index
      %swap3A_705 = tpu.vector_load %arg7[%swap3A_703, %swap3A_704] {strides = array<i32>} : memref<32x1024xf32, #tpu.memory_space<vmem>>, vector<1x16xf32>,
      %swap3A_706 = vector.shape_cast %swap3A_705 : vector<1x16xf32> to vector<16xf32>
      %swap3A_707 = vector.shape_cast %add3A_702 : vector<16xf32> to vector<1x16xf32>
      tpu.vector_store %arg7[%swap3A_703, %swap3A_704], %swap3A_707 {strides = array<i32>} : memref<32x1024xf32, #tpu.memory_space<vmem>>, vector<1x16xf32>,
      %get3A_708 = arith.index_cast %scan3A_44 : i32 to index
      %get3A_709 = arith.constant 656 : index
      %get3A_710 = tpu.vector_load %arg7[%get3A_708, %get3A_709] {strides = array<i32>} : memref<32x1024xf32, #tpu.memory_space<vmem>>, vector<1x16xf32>,
      %get3A_711 = vector.shape_cast %get3A_710 : vector<1x16xf32> to vector<16xf32>
      %get3A_712 = arith.index_cast %scan3A_44 : i32 to index
      %get3A_713 = arith.constant 656 : index
      %get3A_714 = tpu.vector_load %arg8[%get3A_712, %get3A_713] {strides = array<i32>} : memref<32x1024xf32, #tpu.memory_space<vmem>>, vector<1x16xf32>,
      %get3A_715 = vector.shape_cast %get3A_714 : vector<1x16xf32> to vector<16xf32>
      %mul3A_716 = arith.mulf %get3A_711, %get3A_48 : vector<16xf32>
      %mul3A_717 = arith.mulf %get3A_715, %get3A_52 : vector<16xf32>
      %add3A_718 = arith.addf %mul3A_716, %mul3A_717 : vector<16xf32>
      %swap3A_719 = arith.index_cast %scan3A_44 : i32 to index
      %swap3A_720 = arith.constant 656 : index
      %swap3A_721 = tpu.vector_load %arg7[%swap3A_719, %swap3A_720] {strides = array<i32>} : memref<32x1024xf32, #tpu.memory_space<vmem>>, vector<1x16xf32>,
      %swap3A_722 = vector.shape_cast %swap3A_721 : vector<1x16xf32> to vector<16xf32>
      %swap3A_723 = vector.shape_cast %add3A_718 : vector<16xf32> to vector<1x16xf32>
      tpu.vector_store %arg7[%swap3A_719, %swap3A_720], %swap3A_723 {strides = array<i32>} : memref<32x1024xf32, #tpu.memory_space<vmem>>, vector<1x16xf32>,
      %get3A_724 = arith.index_cast %scan3A_44 : i32 to index
      %get3A_725 = arith.constant 672 : index
      %get3A_726 = tpu.vector_load %arg7[%get3A_724, %get3A_725] {strides = array<i32>} : memref<32x1024xf32, #tpu.memory_space<vmem>>, vector<1x16xf32>,
      %get3A_727 = vector.shape_cast %get3A_726 : vector<1x16xf32> to vector<16xf32>
      %get3A_728 = arith.index_cast %scan3A_44 : i32 to index
      %get3A_729 = arith.constant 672 : index
      %get3A_730 = tpu.vector_load %arg8[%get3A_728, %get3A_729] {strides = array<i32>} : memref<32x1024xf32, #tpu.memory_space<vmem>>, vector<1x16xf32>,
      %get3A_731 = vector.shape_cast %get3A_730 : vector<1x16xf32> to vector<16xf32>
      %mul3A_732 = arith.mulf %get3A_727, %get3A_48 : vector<16xf32>
      %mul3A_733 = arith.mulf %get3A_731, %get3A_52 : vector<16xf32>
      %add3A_734 = arith.addf %mul3A_732, %mul3A_733 : vector<16xf32>
      %swap3A_735 = arith.index_cast %scan3A_44 : i32 to index
      %swap3A_736 = arith.constant 672 : index
      %swap3A_737 = tpu.vector_load %arg7[%swap3A_735, %swap3A_736] {strides = array<i32>} : memref<32x1024xf32, #tpu.memory_space<vmem>>, vector<1x16xf32>,
      %swap3A_738 = vector.shape_cast %swap3A_737 : vector<1x16xf32> to vector<16xf32>
      %swap3A_739 = vector.shape_cast %add3A_734 : vector<16xf32> to vector<1x16xf32>
      tpu.vector_store %arg7[%swap3A_735, %swap3A_736], %swap3A_739 {strides = array<i32>} : memref<32x1024xf32, #tpu.memory_space<vmem>>, vector<1x16xf32>,
      %get3A_740 = arith.index_cast %scan3A_44 : i32 to index
      %get3A_741 = arith.constant 688 : index
      %get3A_742 = tpu.vector_load %arg7[%get3A_740, %get3A_741] {strides = array<i32>} : memref<32x1024xf32, #tpu.memory_space<vmem>>, vector<1x16xf32>,
      %get3A_743 = vector.shape_cast %get3A_742 : vector<1x16xf32> to vector<16xf32>
      %get3A_744 = arith.index_cast %scan3A_44 : i32 to index
      %get3A_745 = arith.constant 688 : index
      %get3A_746 = tpu.vector_load %arg8[%get3A_744, %get3A_745] {strides = array<i32>} : memref<32x1024xf32, #tpu.memory_space<vmem>>, vector<1x16xf32>,
      %get3A_747 = vector.shape_cast %get3A_746 : vector<1x16xf32> to vector<16xf32>
      %mul3A_748 = arith.mulf %get3A_743, %get3A_48 : vector<16xf32>
      %mul3A_749 = arith.mulf %get3A_747, %get3A_52 : vector<16xf32>
      %add3A_750 = arith.addf %mul3A_748, %mul3A_749 : vector<16xf32>
      %swap3A_751 = arith.index_cast %scan3A_44 : i32 to index
      %swap3A_752 = arith.constant 688 : index
      %swap3A_753 = tpu.vector_load %arg7[%swap3A_751, %swap3A_752] {strides = array<i32>} : memref<32x1024xf32, #tpu.memory_space<vmem>>, vector<1x16xf32>,
      %swap3A_754 = vector.shape_cast %swap3A_753 : vector<1x16xf32> to vector<16xf32>
      %swap3A_755 = vector.shape_cast %add3A_750 : vector<16xf32> to vector<1x16xf32>
      tpu.vector_store %arg7[%swap3A_751, %swap3A_752], %swap3A_755 {strides = array<i32>} : memref<32x1024xf32, #tpu.memory_space<vmem>>, vector<1x16xf32>,
      %get3A_756 = arith.index_cast %scan3A_44 : i32 to index
      %get3A_757 = arith.constant 704 : index
      %get3A_758 = tpu.vector_load %arg7[%get3A_756, %get3A_757] {strides = array<i32>} : memref<32x1024xf32, #tpu.memory_space<vmem>>, vector<1x16xf32>,
      %get3A_759 = vector.shape_cast %get3A_758 : vector<1x16xf32> to vector<16xf32>
      %get3A_760 = arith.index_cast %scan3A_44 : i32 to index
      %get3A_761 = arith.constant 704 : index
      %get3A_762 = tpu.vector_load %arg8[%get3A_760, %get3A_761] {strides = array<i32>} : memref<32x1024xf32, #tpu.memory_space<vmem>>, vector<1x16xf32>,
      %get3A_763 = vector.shape_cast %get3A_762 : vector<1x16xf32> to vector<16xf32>
      %mul3A_764 = arith.mulf %get3A_759, %get3A_48 : vector<16xf32>
      %mul3A_765 = arith.mulf %get3A_763, %get3A_52 : vector<16xf32>
      %add3A_766 = arith.addf %mul3A_764, %mul3A_765 : vector<16xf32>
      %swap3A_767 = arith.index_cast %scan3A_44 : i32 to index
      %swap3A_768 = arith.constant 704 : index
      %swap3A_769 = tpu.vector_load %arg7[%swap3A_767, %swap3A_768] {strides = array<i32>} : memref<32x1024xf32, #tpu.memory_space<vmem>>, vector<1x16xf32>,
      %swap3A_770 = vector.shape_cast %swap3A_769 : vector<1x16xf32> to vector<16xf32>
      %swap3A_771 = vector.shape_cast %add3A_766 : vector<16xf32> to vector<1x16xf32>
      tpu.vector_store %arg7[%swap3A_767, %swap3A_768], %swap3A_771 {strides = array<i32>} : memref<32x1024xf32, #tpu.memory_space<vmem>>, vector<1x16xf32>,
      %get3A_772 = arith.index_cast %scan3A_44 : i32 to index
      %get3A_773 = arith.constant 720 : index
      %get3A_774 = tpu.vector_load %arg7[%get3A_772, %get3A_773] {strides = array<i32>} : memref<32x1024xf32, #tpu.memory_space<vmem>>, vector<1x16xf32>,
      %get3A_775 = vector.shape_cast %get3A_774 : vector<1x16xf32> to vector<16xf32>
      %get3A_776 = arith.index_cast %scan3A_44 : i32 to index
      %get3A_777 = arith.constant 720 : index
      %get3A_778 = tpu.vector_load %arg8[%get3A_776, %get3A_777] {strides = array<i32>} : memref<32x1024xf32, #tpu.memory_space<vmem>>, vector<1x16xf32>,
      %get3A_779 = vector.shape_cast %get3A_778 : vector<1x16xf32> to vector<16xf32>
      %mul3A_780 = arith.mulf %get3A_775, %get3A_48 : vector<16xf32>
      %mul3A_781 = arith.mulf %get3A_779, %get3A_52 : vector<16xf32>
      %add3A_782 = arith.addf %mul3A_780, %mul3A_781 : vector<16xf32>
      %swap3A_783 = arith.index_cast %scan3A_44 : i32 to index
      %swap3A_784 = arith.constant 720 : index
      %swap3A_785 = tpu.vector_load %arg7[%swap3A_783, %swap3A_784] {strides = array<i32>} : memref<32x1024xf32, #tpu.memory_space<vmem>>, vector<1x16xf32>,
      %swap3A_786 = vector.shape_cast %swap3A_785 : vector<1x16xf32> to vector<16xf32>
      %swap3A_787 = vector.shape_cast %add3A_782 : vector<16xf32> to vector<1x16xf32>
      tpu.vector_store %arg7[%swap3A_783, %swap3A_784], %swap3A_787 {strides = array<i32>} : memref<32x1024xf32, #tpu.memory_space<vmem>>, vector<1x16xf32>,
      %get3A_788 = arith.index_cast %scan3A_44 : i32 to index
      %get3A_789 = arith.constant 736 : index
      %get3A_790 = tpu.vector_load %arg7[%get3A_788, %get3A_789] {strides = array<i32>} : memref<32x1024xf32, #tpu.memory_space<vmem>>, vector<1x16xf32>,
      %get3A_791 = vector.shape_cast %get3A_790 : vector<1x16xf32> to vector<16xf32>
      %get3A_792 = arith.index_cast %scan3A_44 : i32 to index
      %get3A_793 = arith.constant 736 : index
      %get3A_794 = tpu.vector_load %arg8[%get3A_792, %get3A_793] {strides = array<i32>} : memref<32x1024xf32, #tpu.memory_space<vmem>>, vector<1x16xf32>,
      %get3A_795 = vector.shape_cast %get3A_794 : vector<1x16xf32> to vector<16xf32>
      %mul3A_796 = arith.mulf %get3A_791, %get3A_48 : vector<16xf32>
      %mul3A_797 = arith.mulf %get3A_795, %get3A_52 : vector<16xf32>
      %add3A_798 = arith.addf %mul3A_796, %mul3A_797 : vector<16xf32>
      %swap3A_799 = arith.index_cast %scan3A_44 : i32 to index
      %swap3A_800 = arith.constant 736 : index
      %swap3A_801 = tpu.vector_load %arg7[%swap3A_799, %swap3A_800] {strides = array<i32>} : memref<32x1024xf32, #tpu.memory_space<vmem>>, vector<1x16xf32>,
      %swap3A_802 = vector.shape_cast %swap3A_801 : vector<1x16xf32> to vector<16xf32>
      %swap3A_803 = vector.shape_cast %add3A_798 : vector<16xf32> to vector<1x16xf32>
      tpu.vector_store %arg7[%swap3A_799, %swap3A_800], %swap3A_803 {strides = array<i32>} : memref<32x1024xf32, #tpu.memory_space<vmem>>, vector<1x16xf32>,
      %get3A_804 = arith.index_cast %scan3A_44 : i32 to index
      %get3A_805 = arith.constant 752 : index
      %get3A_806 = tpu.vector_load %arg7[%get3A_804, %get3A_805] {strides = array<i32>} : memref<32x1024xf32, #tpu.memory_space<vmem>>, vector<1x16xf32>,
      %get3A_807 = vector.shape_cast %get3A_806 : vector<1x16xf32> to vector<16xf32>
      %get3A_808 = arith.index_cast %scan3A_44 : i32 to index
      %get3A_809 = arith.constant 752 : index
      %get3A_810 = tpu.vector_load %arg8[%get3A_808, %get3A_809] {strides = array<i32>} : memref<32x1024xf32, #tpu.memory_space<vmem>>, vector<1x16xf32>,
      %get3A_811 = vector.shape_cast %get3A_810 : vector<1x16xf32> to vector<16xf32>
      %mul3A_812 = arith.mulf %get3A_807, %get3A_48 : vector<16xf32>
      %mul3A_813 = arith.mulf %get3A_811, %get3A_52 : vector<16xf32>
      %add3A_814 = arith.addf %mul3A_812, %mul3A_813 : vector<16xf32>
      %swap3A_815 = arith.index_cast %scan3A_44 : i32 to index
      %swap3A_816 = arith.constant 752 : index
      %swap3A_817 = tpu.vector_load %arg7[%swap3A_815, %swap3A_816] {strides = array<i32>} : memref<32x1024xf32, #tpu.memory_space<vmem>>, vector<1x16xf32>,
      %swap3A_818 = vector.shape_cast %swap3A_817 : vector<1x16xf32> to vector<16xf32>
      %swap3A_819 = vector.shape_cast %add3A_814 : vector<16xf32> to vector<1x16xf32>
      tpu.vector_store %arg7[%swap3A_815, %swap3A_816], %swap3A_819 {strides = array<i32>} : memref<32x1024xf32, #tpu.memory_space<vmem>>, vector<1x16xf32>,
      %get3A_820 = arith.index_cast %scan3A_44 : i32 to index
      %get3A_821 = arith.constant 768 : index
      %get3A_822 = tpu.vector_load %arg7[%get3A_820, %get3A_821] {strides = array<i32>} : memref<32x1024xf32, #tpu.memory_space<vmem>>, vector<1x16xf32>,
      %get3A_823 = vector.shape_cast %get3A_822 : vector<1x16xf32> to vector<16xf32>
      %get3A_824 = arith.index_cast %scan3A_44 : i32 to index
      %get3A_825 = arith.constant 768 : index
      %get3A_826 = tpu.vector_load %arg8[%get3A_824, %get3A_825] {strides = array<i32>} : memref<32x1024xf32, #tpu.memory_space<vmem>>, vector<1x16xf32>,
      %get3A_827 = vector.shape_cast %get3A_826 : vector<1x16xf32> to vector<16xf32>
      %mul3A_828 = arith.mulf %get3A_823, %get3A_48 : vector<16xf32>
      %mul3A_829 = arith.mulf %get3A_827, %get3A_52 : vector<16xf32>
      %add3A_830 = arith.addf %mul3A_828, %mul3A_829 : vector<16xf32>
      %swap3A_831 = arith.index_cast %scan3A_44 : i32 to index
      %swap3A_832 = arith.constant 768 : index
      %swap3A_833 = tpu.vector_load %arg7[%swap3A_831, %swap3A_832] {strides = array<i32>} : memref<32x1024xf32, #tpu.memory_space<vmem>>, vector<1x16xf32>,
      %swap3A_834 = vector.shape_cast %swap3A_833 : vector<1x16xf32> to vector<16xf32>
      %swap3A_835 = vector.shape_cast %add3A_830 : vector<16xf32> to vector<1x16xf32>
      tpu.vector_store %arg7[%swap3A_831, %swap3A_832], %swap3A_835 {strides = array<i32>} : memref<32x1024xf32, #tpu.memory_space<vmem>>, vector<1x16xf32>,
      %get3A_836 = arith.index_cast %scan3A_44 : i32 to index
      %get3A_837 = arith.constant 784 : index
      %get3A_838 = tpu.vector_load %arg7[%get3A_836, %get3A_837] {strides = array<i32>} : memref<32x1024xf32, #tpu.memory_space<vmem>>, vector<1x16xf32>,
      %get3A_839 = vector.shape_cast %get3A_838 : vector<1x16xf32> to vector<16xf32>
      %get3A_840 = arith.index_cast %scan3A_44 : i32 to index
      %get3A_841 = arith.constant 784 : index
      %get3A_842 = tpu.vector_load %arg8[%get3A_840, %get3A_841] {strides = array<i32>} : memref<32x1024xf32, #tpu.memory_space<vmem>>, vector<1x16xf32>,
      %get3A_843 = vector.shape_cast %get3A_842 : vector<1x16xf32> to vector<16xf32>
      %mul3A_844 = arith.mulf %get3A_839, %get3A_48 : vector<16xf32>
      %mul3A_845 = arith.mulf %get3A_843, %get3A_52 : vector<16xf32>
      %add3A_846 = arith.addf %mul3A_844, %mul3A_845 : vector<16xf32>
      %swap3A_847 = arith.index_cast %scan3A_44 : i32 to index
      %swap3A_848 = arith.constant 784 : index
      %swap3A_849 = tpu.vector_load %arg7[%swap3A_847, %swap3A_848] {strides = array<i32>} : memref<32x1024xf32, #tpu.memory_space<vmem>>, vector<1x16xf32>,
      %swap3A_850 = vector.shape_cast %swap3A_849 : vector<1x16xf32> to vector<16xf32>
      %swap3A_851 = vector.shape_cast %add3A_846 : vector<16xf32> to vector<1x16xf32>
      tpu.vector_store %arg7[%swap3A_847, %swap3A_848], %swap3A_851 {strides = array<i32>} : memref<32x1024xf32, #tpu.memory_space<vmem>>, vector<1x16xf32>,
      %get3A_852 = arith.index_cast %scan3A_44 : i32 to index
      %get3A_853 = arith.constant 800 : index
      %get3A_854 = tpu.vector_load %arg7[%get3A_852, %get3A_853] {strides = array<i32>} : memref<32x1024xf32, #tpu.memory_space<vmem>>, vector<1x16xf32>,
      %get3A_855 = vector.shape_cast %get3A_854 : vector<1x16xf32> to vector<16xf32>
      %get3A_856 = arith.index_cast %scan3A_44 : i32 to index
      %get3A_857 = arith.constant 800 : index
      %get3A_858 = tpu.vector_load %arg8[%get3A_856, %get3A_857] {strides = array<i32>} : memref<32x1024xf32, #tpu.memory_space<vmem>>, vector<1x16xf32>,
      %get3A_859 = vector.shape_cast %get3A_858 : vector<1x16xf32> to vector<16xf32>
      %mul3A_860 = arith.mulf %get3A_855, %get3A_48 : vector<16xf32>
      %mul3A_861 = arith.mulf %get3A_859, %get3A_52 : vector<16xf32>
      %add3A_862 = arith.addf %mul3A_860, %mul3A_861 : vector<16xf32>
      %swap3A_863 = arith.index_cast %scan3A_44 : i32 to index
      %swap3A_864 = arith.constant 800 : index
      %swap3A_865 = tpu.vector_load %arg7[%swap3A_863, %swap3A_864] {strides = array<i32>} : memref<32x1024xf32, #tpu.memory_space<vmem>>, vector<1x16xf32>,
      %swap3A_866 = vector.shape_cast %swap3A_865 : vector<1x16xf32> to vector<16xf32>
      %swap3A_867 = vector.shape_cast %add3A_862 : vector<16xf32> to vector<1x16xf32>
      tpu.vector_store %arg7[%swap3A_863, %swap3A_864], %swap3A_867 {strides = array<i32>} : memref<32x1024xf32, #tpu.memory_space<vmem>>, vector<1x16xf32>,
      %get3A_868 = arith.index_cast %scan3A_44 : i32 to index
      %get3A_869 = arith.constant 816 : index
      %get3A_870 = tpu.vector_load %arg7[%get3A_868, %get3A_869] {strides = array<i32>} : memref<32x1024xf32, #tpu.memory_space<vmem>>, vector<1x16xf32>,
      %get3A_871 = vector.shape_cast %get3A_870 : vector<1x16xf32> to vector<16xf32>
      %get3A_872 = arith.index_cast %scan3A_44 : i32 to index
      %get3A_873 = arith.constant 816 : index
      %get3A_874 = tpu.vector_load %arg8[%get3A_872, %get3A_873] {strides = array<i32>} : memref<32x1024xf32, #tpu.memory_space<vmem>>, vector<1x16xf32>,
      %get3A_875 = vector.shape_cast %get3A_874 : vector<1x16xf32> to vector<16xf32>
      %mul3A_876 = arith.mulf %get3A_871, %get3A_48 : vector<16xf32>
      %mul3A_877 = arith.mulf %get3A_875, %get3A_52 : vector<16xf32>
      %add3A_878 = arith.addf %mul3A_876, %mul3A_877 : vector<16xf32>
      %swap3A_879 = arith.index_cast %scan3A_44 : i32 to index
      %swap3A_880 = arith.constant 816 : index
      %swap3A_881 = tpu.vector_load %arg7[%swap3A_879, %swap3A_880] {strides = array<i32>} : memref<32x1024xf32, #tpu.memory_space<vmem>>, vector<1x16xf32>,
      %swap3A_882 = vector.shape_cast %swap3A_881 : vector<1x16xf32> to vector<16xf32>
      %swap3A_883 = vector.shape_cast %add3A_878 : vector<16xf32> to vector<1x16xf32>
      tpu.vector_store %arg7[%swap3A_879, %swap3A_880], %swap3A_883 {strides = array<i32>} : memref<32x1024xf32, #tpu.memory_space<vmem>>, vector<1x16xf32>,
      %get3A_884 = arith.index_cast %scan3A_44 : i32 to index
      %get3A_885 = arith.constant 832 : index
      %get3A_886 = tpu.vector_load %arg7[%get3A_884, %get3A_885] {strides = array<i32>} : memref<32x1024xf32, #tpu.memory_space<vmem>>, vector<1x16xf32>,
      %get3A_887 = vector.shape_cast %get3A_886 : vector<1x16xf32> to vector<16xf32>
      %get3A_888 = arith.index_cast %scan3A_44 : i32 to index
      %get3A_889 = arith.constant 832 : index
      %get3A_890 = tpu.vector_load %arg8[%get3A_888, %get3A_889] {strides = array<i32>} : memref<32x1024xf32, #tpu.memory_space<vmem>>, vector<1x16xf32>,
      %get3A_891 = vector.shape_cast %get3A_890 : vector<1x16xf32> to vector<16xf32>
      %mul3A_892 = arith.mulf %get3A_887, %get3A_48 : vector<16xf32>
      %mul3A_893 = arith.mulf %get3A_891, %get3A_52 : vector<16xf32>
      %add3A_894 = arith.addf %mul3A_892, %mul3A_893 : vector<16xf32>
      %swap3A_895 = arith.index_cast %scan3A_44 : i32 to index
      %swap3A_896 = arith.constant 832 : index
      %swap3A_897 = tpu.vector_load %arg7[%swap3A_895, %swap3A_896] {strides = array<i32>} : memref<32x1024xf32, #tpu.memory_space<vmem>>, vector<1x16xf32>,
      %swap3A_898 = vector.shape_cast %swap3A_897 : vector<1x16xf32> to vector<16xf32>
      %swap3A_899 = vector.shape_cast %add3A_894 : vector<16xf32> to vector<1x16xf32>
      tpu.vector_store %arg7[%swap3A_895, %swap3A_896], %swap3A_899 {strides = array<i32>} : memref<32x1024xf32, #tpu.memory_space<vmem>>, vector<1x16xf32>,
      %get3A_900 = arith.index_cast %scan3A_44 : i32 to index
      %get3A_901 = arith.constant 848 : index
      %get3A_902 = tpu.vector_load %arg7[%get3A_900, %get3A_901] {strides = array<i32>} : memref<32x1024xf32, #tpu.memory_space<vmem>>, vector<1x16xf32>,
      %get3A_903 = vector.shape_cast %get3A_902 : vector<1x16xf32> to vector<16xf32>
      %get3A_904 = arith.index_cast %scan3A_44 : i32 to index
      %get3A_905 = arith.constant 848 : index
      %get3A_906 = tpu.vector_load %arg8[%get3A_904, %get3A_905] {strides = array<i32>} : memref<32x1024xf32, #tpu.memory_space<vmem>>, vector<1x16xf32>,
      %get3A_907 = vector.shape_cast %get3A_906 : vector<1x16xf32> to vector<16xf32>
      %mul3A_908 = arith.mulf %get3A_903, %get3A_48 : vector<16xf32>
      %mul3A_909 = arith.mulf %get3A_907, %get3A_52 : vector<16xf32>
      %add3A_910 = arith.addf %mul3A_908, %mul3A_909 : vector<16xf32>
      %swap3A_911 = arith.index_cast %scan3A_44 : i32 to index
      %swap3A_912 = arith.constant 848 : index
      %swap3A_913 = tpu.vector_load %arg7[%swap3A_911, %swap3A_912] {strides = array<i32>} : memref<32x1024xf32, #tpu.memory_space<vmem>>, vector<1x16xf32>,
      %swap3A_914 = vector.shape_cast %swap3A_913 : vector<1x16xf32> to vector<16xf32>
      %swap3A_915 = vector.shape_cast %add3A_910 : vector<16xf32> to vector<1x16xf32>
      tpu.vector_store %arg7[%swap3A_911, %swap3A_912], %swap3A_915 {strides = array<i32>} : memref<32x1024xf32, #tpu.memory_space<vmem>>, vector<1x16xf32>,
      %get3A_916 = arith.index_cast %scan3A_44 : i32 to index
      %get3A_917 = arith.constant 864 : index
      %get3A_918 = tpu.vector_load %arg7[%get3A_916, %get3A_917] {strides = array<i32>} : memref<32x1024xf32, #tpu.memory_space<vmem>>, vector<1x16xf32>,
      %get3A_919 = vector.shape_cast %get3A_918 : vector<1x16xf32> to vector<16xf32>
      %get3A_920 = arith.index_cast %scan3A_44 : i32 to index
      %get3A_921 = arith.constant 864 : index
      %get3A_922 = tpu.vector_load %arg8[%get3A_920, %get3A_921] {strides = array<i32>} : memref<32x1024xf32, #tpu.memory_space<vmem>>, vector<1x16xf32>,
      %get3A_923 = vector.shape_cast %get3A_922 : vector<1x16xf32> to vector<16xf32>
      %mul3A_924 = arith.mulf %get3A_919, %get3A_48 : vector<16xf32>
      %mul3A_925 = arith.mulf %get3A_923, %get3A_52 : vector<16xf32>
      %add3A_926 = arith.addf %mul3A_924, %mul3A_925 : vector<16xf32>
      %swap3A_927 = arith.index_cast %scan3A_44 : i32 to index
      %swap3A_928 = arith.constant 864 : index
      %swap3A_929 = tpu.vector_load %arg7[%swap3A_927, %swap3A_928] {strides = array<i32>} : memref<32x1024xf32, #tpu.memory_space<vmem>>, vector<1x16xf32>,
      %swap3A_930 = vector.shape_cast %swap3A_929 : vector<1x16xf32> to vector<16xf32>
      %swap3A_931 = vector.shape_cast %add3A_926 : vector<16xf32> to vector<1x16xf32>
      tpu.vector_store %arg7[%swap3A_927, %swap3A_928], %swap3A_931 {strides = array<i32>} : memref<32x1024xf32, #tpu.memory_space<vmem>>, vector<1x16xf32>,
      %get3A_932 = arith.index_cast %scan3A_44 : i32 to index
      %get3A_933 = arith.constant 880 : index
      %get3A_934 = tpu.vector_load %arg7[%get3A_932, %get3A_933] {strides = array<i32>} : memref<32x1024xf32, #tpu.memory_space<vmem>>, vector<1x16xf32>,
      %get3A_935 = vector.shape_cast %get3A_934 : vector<1x16xf32> to vector<16xf32>
      %get3A_936 = arith.index_cast %scan3A_44 : i32 to index
      %get3A_937 = arith.constant 880 : index
      %get3A_938 = tpu.vector_load %arg8[%get3A_936, %get3A_937] {strides = array<i32>} : memref<32x1024xf32, #tpu.memory_space<vmem>>, vector<1x16xf32>,
      %get3A_939 = vector.shape_cast %get3A_938 : vector<1x16xf32> to vector<16xf32>
      %mul3A_940 = arith.mulf %get3A_935, %get3A_48 : vector<16xf32>
      %mul3A_941 = arith.mulf %get3A_939, %get3A_52 : vector<16xf32>
      %add3A_942 = arith.addf %mul3A_940, %mul3A_941 : vector<16xf32>
      %swap3A_943 = arith.index_cast %scan3A_44 : i32 to index
      %swap3A_944 = arith.constant 880 : index
      %swap3A_945 = tpu.vector_load %arg7[%swap3A_943, %swap3A_944] {strides = array<i32>} : memref<32x1024xf32, #tpu.memory_space<vmem>>, vector<1x16xf32>,
      %swap3A_946 = vector.shape_cast %swap3A_945 : vector<1x16xf32> to vector<16xf32>
      %swap3A_947 = vector.shape_cast %add3A_942 : vector<16xf32> to vector<1x16xf32>
      tpu.vector_store %arg7[%swap3A_943, %swap3A_944], %swap3A_947 {strides = array<i32>} : memref<32x1024xf32, #tpu.memory_space<vmem>>, vector<1x16xf32>,
      %get3A_948 = arith.index_cast %scan3A_44 : i32 to index
      %get3A_949 = arith.constant 896 : index
      %get3A_950 = tpu.vector_load %arg7[%get3A_948, %get3A_949] {strides = array<i32>} : memref<32x1024xf32, #tpu.memory_space<vmem>>, vector<1x16xf32>,
      %get3A_951 = vector.shape_cast %get3A_950 : vector<1x16xf32> to vector<16xf32>
      %get3A_952 = arith.index_cast %scan3A_44 : i32 to index
      %get3A_953 = arith.constant 896 : index
      %get3A_954 = tpu.vector_load %arg8[%get3A_952, %get3A_953] {strides = array<i32>} : memref<32x1024xf32, #tpu.memory_space<vmem>>, vector<1x16xf32>,
      %get3A_955 = vector.shape_cast %get3A_954 : vector<1x16xf32> to vector<16xf32>
      %mul3A_956 = arith.mulf %get3A_951, %get3A_48 : vector<16xf32>
      %mul3A_957 = arith.mulf %get3A_955, %get3A_52 : vector<16xf32>
      %add3A_958 = arith.addf %mul3A_956, %mul3A_957 : vector<16xf32>
      %swap3A_959 = arith.index_cast %scan3A_44 : i32 to index
      %swap3A_960 = arith.constant 896 : index
      %swap3A_961 = tpu.vector_load %arg7[%swap3A_959, %swap3A_960] {strides = array<i32>} : memref<32x1024xf32, #tpu.memory_space<vmem>>, vector<1x16xf32>,
      %swap3A_962 = vector.shape_cast %swap3A_961 : vector<1x16xf32> to vector<16xf32>
      %swap3A_963 = vector.shape_cast %add3A_958 : vector<16xf32> to vector<1x16xf32>
      tpu.vector_store %arg7[%swap3A_959, %swap3A_960], %swap3A_963 {strides = array<i32>} : memref<32x1024xf32, #tpu.memory_space<vmem>>, vector<1x16xf32>,
      %get3A_964 = arith.index_cast %scan3A_44 : i32 to index
      %get3A_965 = arith.constant 912 : index
      %get3A_966 = tpu.vector_load %arg7[%get3A_964, %get3A_965] {strides = array<i32>} : memref<32x1024xf32, #tpu.memory_space<vmem>>, vector<1x16xf32>,
      %get3A_967 = vector.shape_cast %get3A_966 : vector<1x16xf32> to vector<16xf32>
      %get3A_968 = arith.index_cast %scan3A_44 : i32 to index
      %get3A_969 = arith.constant 912 : index
      %get3A_970 = tpu.vector_load %arg8[%get3A_968, %get3A_969] {strides = array<i32>} : memref<32x1024xf32, #tpu.memory_space<vmem>>, vector<1x16xf32>,
      %get3A_971 = vector.shape_cast %get3A_970 : vector<1x16xf32> to vector<16xf32>
      %mul3A_972 = arith.mulf %get3A_967, %get3A_48 : vector<16xf32>
      %mul3A_973 = arith.mulf %get3A_971, %get3A_52 : vector<16xf32>
      %add3A_974 = arith.addf %mul3A_972, %mul3A_973 : vector<16xf32>
      %swap3A_975 = arith.index_cast %scan3A_44 : i32 to index
      %swap3A_976 = arith.constant 912 : index
      %swap3A_977 = tpu.vector_load %arg7[%swap3A_975, %swap3A_976] {strides = array<i32>} : memref<32x1024xf32, #tpu.memory_space<vmem>>, vector<1x16xf32>,
      %swap3A_978 = vector.shape_cast %swap3A_977 : vector<1x16xf32> to vector<16xf32>
      %swap3A_979 = vector.shape_cast %add3A_974 : vector<16xf32> to vector<1x16xf32>
      tpu.vector_store %arg7[%swap3A_975, %swap3A_976], %swap3A_979 {strides = array<i32>} : memref<32x1024xf32, #tpu.memory_space<vmem>>, vector<1x16xf32>,
      %get3A_980 = arith.index_cast %scan3A_44 : i32 to index
      %get3A_981 = arith.constant 928 : index
      %get3A_982 = tpu.vector_load %arg7[%get3A_980, %get3A_981] {strides = array<i32>} : memref<32x1024xf32, #tpu.memory_space<vmem>>, vector<1x16xf32>,
      %get3A_983 = vector.shape_cast %get3A_982 : vector<1x16xf32> to vector<16xf32>
      %get3A_984 = arith.index_cast %scan3A_44 : i32 to index
      %get3A_985 = arith.constant 928 : index
      %get3A_986 = tpu.vector_load %arg8[%get3A_984, %get3A_985] {strides = array<i32>} : memref<32x1024xf32, #tpu.memory_space<vmem>>, vector<1x16xf32>,
      %get3A_987 = vector.shape_cast %get3A_986 : vector<1x16xf32> to vector<16xf32>
      %mul3A_988 = arith.mulf %get3A_983, %get3A_48 : vector<16xf32>
      %mul3A_989 = arith.mulf %get3A_987, %get3A_52 : vector<16xf32>
      %add3A_990 = arith.addf %mul3A_988, %mul3A_989 : vector<16xf32>
      %swap3A_991 = arith.index_cast %scan3A_44 : i32 to index
      %swap3A_992 = arith.constant 928 : index
      %swap3A_993 = tpu.vector_load %arg7[%swap3A_991, %swap3A_992] {strides = array<i32>} : memref<32x1024xf32, #tpu.memory_space<vmem>>, vector<1x16xf32>,
      %swap3A_994 = vector.shape_cast %swap3A_993 : vector<1x16xf32> to vector<16xf32>
      %swap3A_995 = vector.shape_cast %add3A_990 : vector<16xf32> to vector<1x16xf32>
      tpu.vector_store %arg7[%swap3A_991, %swap3A_992], %swap3A_995 {strides = array<i32>} : memref<32x1024xf32, #tpu.memory_space<vmem>>, vector<1x16xf32>,
      %get3A_996 = arith.index_cast %scan3A_44 : i32 to index
      %get3A_997 = arith.constant 944 : index
      %get3A_998 = tpu.vector_load %arg7[%get3A_996, %get3A_997] {strides = array<i32>} : memref<32x1024xf32, #tpu.memory_space<vmem>>, vector<1x16xf32>,
      %get3A_999 = vector.shape_cast %get3A_998 : vector<1x16xf32> to vector<16xf32>
      %get3A_1000 = arith.index_cast %scan3A_44 : i32 to index
      %get3A_1001 = arith.constant 944 : index
      %get3A_1002 = tpu.vector_load %arg8[%get3A_1000, %get3A_1001] {strides = array<i32>} : memref<32x1024xf32, #tpu.memory_space<vmem>>, vector<1x16xf32>,
      %get3A_1003 = vector.shape_cast %get3A_1002 : vector<1x16xf32> to vector<16xf32>
      %mul3A_1004 = arith.mulf %get3A_999, %get3A_48 : vector<16xf32>
      %mul3A_1005 = arith.mulf %get3A_1003, %get3A_52 : vector<16xf32>
      %add3A_1006 = arith.addf %mul3A_1004, %mul3A_1005 : vector<16xf32>
      %swap3A_1007 = arith.index_cast %scan3A_44 : i32 to index
      %swap3A_1008 = arith.constant 944 : index
      %swap3A_1009 = tpu.vector_load %arg7[%swap3A_1007, %swap3A_1008] {strides = array<i32>} : memref<32x1024xf32, #tpu.memory_space<vmem>>, vector<1x16xf32>,
      %swap3A_1010 = vector.shape_cast %swap3A_1009 : vector<1x16xf32> to vector<16xf32>
      %swap3A_1011 = vector.shape_cast %add3A_1006 : vector<16xf32> to vector<1x16xf32>
      tpu.vector_store %arg7[%swap3A_1007, %swap3A_1008], %swap3A_1011 {strides = array<i32>} : memref<32x1024xf32, #tpu.memory_space<vmem>>, vector<1x16xf32>,
      %get3A_1012 = arith.index_cast %scan3A_44 : i32 to index
      %get3A_1013 = arith.constant 960 : index
      %get3A_1014 = tpu.vector_load %arg7[%get3A_1012, %get3A_1013] {strides = array<i32>} : memref<32x1024xf32, #tpu.memory_space<vmem>>, vector<1x16xf32>,
      %get3A_1015 = vector.shape_cast %get3A_1014 : vector<1x16xf32> to vector<16xf32>
      %get3A_1016 = arith.index_cast %scan3A_44 : i32 to index
      %get3A_1017 = arith.constant 960 : index
      %get3A_1018 = tpu.vector_load %arg8[%get3A_1016, %get3A_1017] {strides = array<i32>} : memref<32x1024xf32, #tpu.memory_space<vmem>>, vector<1x16xf32>,
      %get3A_1019 = vector.shape_cast %get3A_1018 : vector<1x16xf32> to vector<16xf32>
      %mul3A_1020 = arith.mulf %get3A_1015, %get3A_48 : vector<16xf32>
      %mul3A_1021 = arith.mulf %get3A_1019, %get3A_52 : vector<16xf32>
      %add3A_1022 = arith.addf %mul3A_1020, %mul3A_1021 : vector<16xf32>
      %swap3A_1023 = arith.index_cast %scan3A_44 : i32 to index
      %swap3A_1024 = arith.constant 960 : index
      %swap3A_1025 = tpu.vector_load %arg7[%swap3A_1023, %swap3A_1024] {strides = array<i32>} : memref<32x1024xf32, #tpu.memory_space<vmem>>, vector<1x16xf32>,
      %swap3A_1026 = vector.shape_cast %swap3A_1025 : vector<1x16xf32> to vector<16xf32>
      %swap3A_1027 = vector.shape_cast %add3A_1022 : vector<16xf32> to vector<1x16xf32>
      tpu.vector_store %arg7[%swap3A_1023, %swap3A_1024], %swap3A_1027 {strides = array<i32>} : memref<32x1024xf32, #tpu.memory_space<vmem>>, vector<1x16xf32>,
      %get3A_1028 = arith.index_cast %scan3A_44 : i32 to index
      %get3A_1029 = arith.constant 976 : index
      %get3A_1030 = tpu.vector_load %arg7[%get3A_1028, %get3A_1029] {strides = array<i32>} : memref<32x1024xf32, #tpu.memory_space<vmem>>, vector<1x16xf32>,
      %get3A_1031 = vector.shape_cast %get3A_1030 : vector<1x16xf32> to vector<16xf32>
      %get3A_1032 = arith.index_cast %scan3A_44 : i32 to index
      %get3A_1033 = arith.constant 976 : index
      %get3A_1034 = tpu.vector_load %arg8[%get3A_1032, %get3A_1033] {strides = array<i32>} : memref<32x1024xf32, #tpu.memory_space<vmem>>, vector<1x16xf32>,
      %get3A_1035 = vector.shape_cast %get3A_1034 : vector<1x16xf32> to vector<16xf32>
      %mul3A_1036 = arith.mulf %get3A_1031, %get3A_48 : vector<16xf32>
      %mul3A_1037 = arith.mulf %get3A_1035, %get3A_52 : vector<16xf32>
      %add3A_1038 = arith.addf %mul3A_1036, %mul3A_1037 : vector<16xf32>
      %swap3A_1039 = arith.index_cast %scan3A_44 : i32 to index
      %swap3A_1040 = arith.constant 976 : index
      %swap3A_1041 = tpu.vector_load %arg7[%swap3A_1039, %swap3A_1040] {strides = array<i32>} : memref<32x1024xf32, #tpu.memory_space<vmem>>, vector<1x16xf32>,
      %swap3A_1042 = vector.shape_cast %swap3A_1041 : vector<1x16xf32> to vector<16xf32>
      %swap3A_1043 = vector.shape_cast %add3A_1038 : vector<16xf32> to vector<1x16xf32>
      tpu.vector_store %arg7[%swap3A_1039, %swap3A_1040], %swap3A_1043 {strides = array<i32>} : memref<32x1024xf32, #tpu.memory_space<vmem>>, vector<1x16xf32>,
      %get3A_1044 = arith.index_cast %scan3A_44 : i32 to index
      %get3A_1045 = arith.constant 992 : index
      %get3A_1046 = tpu.vector_load %arg7[%get3A_1044, %get3A_1045] {strides = array<i32>} : memref<32x1024xf32, #tpu.memory_space<vmem>>, vector<1x16xf32>,
      %get3A_1047 = vector.shape_cast %get3A_1046 : vector<1x16xf32> to vector<16xf32>
      %get3A_1048 = arith.index_cast %scan3A_44 : i32 to index
      %get3A_1049 = arith.constant 992 : index
      %get3A_1050 = tpu.vector_load %arg8[%get3A_1048, %get3A_1049] {strides = array<i32>} : memref<32x1024xf32, #tpu.memory_space<vmem>>, vector<1x16xf32>,
      %get3A_1051 = vector.shape_cast %get3A_1050 : vector<1x16xf32> to vector<16xf32>
      %mul3A_1052 = arith.mulf %get3A_1047, %get3A_48 : vector<16xf32>
      %mul3A_1053 = arith.mulf %get3A_1051, %get3A_52 : vector<16xf32>
      %add3A_1054 = arith.addf %mul3A_1052, %mul3A_1053 : vector<16xf32>
      %swap3A_1055 = arith.index_cast %scan3A_44 : i32 to index
      %swap3A_1056 = arith.constant 992 : index
      %swap3A_1057 = tpu.vector_load %arg7[%swap3A_1055, %swap3A_1056] {strides = array<i32>} : memref<32x1024xf32, #tpu.memory_space<vmem>>, vector<1x16xf32>,
      %swap3A_1058 = vector.shape_cast %swap3A_1057 : vector<1x16xf32> to vector<16xf32>
      %swap3A_1059 = vector.shape_cast %add3A_1054 : vector<16xf32> to vector<1x16xf32>
      tpu.vector_store %arg7[%swap3A_1055, %swap3A_1056], %swap3A_1059 {strides = array<i32>} : memref<32x1024xf32, #tpu.memory_space<vmem>>, vector<1x16xf32>,
      %get3A_1060 = arith.index_cast %scan3A_44 : i32 to index
      %get3A_1061 = arith.constant 1008 : index
      %get3A_1062 = tpu.vector_load %arg7[%get3A_1060, %get3A_1061] {strides = array<i32>} : memref<32x1024xf32, #tpu.memory_space<vmem>>, vector<1x16xf32>,
      %get3A_1063 = vector.shape_cast %get3A_1062 : vector<1x16xf32> to vector<16xf32>
      %get3A_1064 = arith.index_cast %scan3A_44 : i32 to index
      %get3A_1065 = arith.constant 1008 : index
      %get3A_1066 = tpu.vector_load %arg8[%get3A_1064, %get3A_1065] {strides = array<i32>} : memref<32x1024xf32, #tpu.memory_space<vmem>>, vector<1x16xf32>,
      %get3A_1067 = vector.shape_cast %get3A_1066 : vector<1x16xf32> to vector<16xf32>
      %mul3A_1068 = arith.mulf %get3A_1063, %get3A_48 : vector<16xf32>
      %mul3A_1069 = arith.mulf %get3A_1067, %get3A_52 : vector<16xf32>
      %add3A_1070 = arith.addf %mul3A_1068, %mul3A_1069 : vector<16xf32>
      %swap3A_1071 = arith.index_cast %scan3A_44 : i32 to index
      %swap3A_1072 = arith.constant 1008 : index
      %swap3A_1073 = tpu.vector_load %arg7[%swap3A_1071, %swap3A_1072] {strides = array<i32>} : memref<32x1024xf32, #tpu.memory_space<vmem>>, vector<1x16xf32>,
      %swap3A_1074 = vector.shape_cast %swap3A_1073 : vector<1x16xf32> to vector<16xf32>
      %swap3A_1075 = vector.shape_cast %add3A_1070 : vector<16xf32> to vector<1x16xf32>
      tpu.vector_store %arg7[%swap3A_1071, %swap3A_1072], %swap3A_1075 {strides = array<i32>} : memref<32x1024xf32, #tpu.memory_space<vmem>>, vector<1x16xf32>,
      %scan3A_1076 = arith.constant 0 : i32
      scf.yield %scan3A_1076 : i32
    }
    %scan3A_20 = arith.constant 32 : i32
    "tpu.region"() ({
      %run_scoped3A = tpu.sem_alloc : memref<!tpu.dma_semaphore, #tpu.memory_space<semaphore_mem>>
      %dma_start3A_44 = arith.constant 0 : i32
      %dma_start3A_45 = tpu.memref_slice %arg6[%add3A_4, %dma_start3A_44] : memref<2048x1024xf32, #tpu.memory_space<hbm>> -> memref<32x1024xf32, #tpu.memory_space<hbm>>
      %dma_start3A_46 = arith.constant 0 : i32
      %dma_start3A_47 = tpu.memref_slice %arg6[%add3A_4, %dma_start3A_46] : memref<2048x1024xf32, #tpu.memory_space<hbm>> -> memref<32x1024xf32, #tpu.memory_space<hbm>>
      tpu.enqueue_dma source(%arg7 : memref<32x1024xf32, #tpu.memory_space<vmem>>) target(%dma_start3A_47 : memref<32x1024xf32, #tpu.memory_space<hbm>>) target_semaphore(%run_scoped3A : memref<!tpu.dma_semaphore, #tpu.memory_space<semaphore_mem>>)
      %dma_wait3A_48 = arith.constant 0 : i32
      %dma_wait3A_49 = tpu.memref_slice %arg6[%add3A_4, %dma_wait3A_48] : memref<2048x1024xf32, #tpu.memory_space<hbm>> -> memref<32x1024xf32, #tpu.memory_space<hbm>>
      %dma_wait3A_50 = arith.constant 0 : i32
      %dma_wait3A_51 = tpu.memref_slice %arg6[%add3A_4, %dma_wait3A_50] : memref<2048x1024xf32, #tpu.memory_space<hbm>> -> memref<32x1024xf32, #tpu.memory_space<hbm>>
      tpu.wait_dma2 semaphore(%run_scoped3A : memref<!tpu.dma_semaphore, #tpu.memory_space<semaphore_mem>>) src(%arg7 : memref<32x1024xf32, #tpu.memory_space<vmem>>) dst(%dma_wait3A_51 : memref<32x1024xf32, #tpu.memory_space<hbm>>)
      tpu.yield
    }) : () -> ()
    %mul3A_21 = arith.constant 64 : i32
    %mul3A_22 = arith.muli %add3A, %mul3A_21 : i32
    %add3A_23 = arith.constant 32 : i32
    %add3A_24 = arith.addi %mul3A_22, %add3A_23 : i32
    "tpu.region"() ({
      %run_scoped3A = tpu.sem_alloc : memref<!tpu.dma_semaphore, #tpu.memory_space<semaphore_mem>>
      %dma_start3A_44 = tpu.memref_slice %arg3[%add3A_24] : memref<2048xi32, #tpu.memory_space<hbm>> -> memref<32xi32, #tpu.memory_space<hbm>>
      %dma_start3A_45 = tpu.memref_slice %arg3[%add3A_24] : memref<2048xi32, #tpu.memory_space<hbm>> -> memref<32xi32, #tpu.memory_space<hbm>>
      tpu.enqueue_dma source(%dma_start3A_45 : memref<32xi32, #tpu.memory_space<hbm>>) target(%arg10 : memref<32xi32, #tpu.memory_space<vmem>>) target_semaphore(%run_scoped3A : memref<!tpu.dma_semaphore, #tpu.memory_space<semaphore_mem>>)
      %dma_wait3A_46 = tpu.memref_slice %arg3[%add3A_24] : memref<2048xi32, #tpu.memory_space<hbm>> -> memref<32xi32, #tpu.memory_space<hbm>>
      %dma_wait3A_47 = tpu.memref_slice %arg3[%add3A_24] : memref<2048xi32, #tpu.memory_space<hbm>> -> memref<32xi32, #tpu.memory_space<hbm>>
      tpu.wait_dma2 semaphore(%run_scoped3A : memref<!tpu.dma_semaphore, #tpu.memory_space<semaphore_mem>>) src(%dma_wait3A_47 : memref<32xi32, #tpu.memory_space<hbm>>) dst(%arg10 : memref<32xi32, #tpu.memory_space<vmem>>)
      tpu.yield
    }) : () -> ()
    "tpu.region"() ({
      %run_scoped3A = tpu.sem_alloc : memref<!tpu.dma_semaphore, #tpu.memory_space<semaphore_mem>>
      %dma_start3A_44 = tpu.memref_slice %arg4[%add3A_24] : memref<2048xi32, #tpu.memory_space<hbm>> -> memref<32xi32, #tpu.memory_space<hbm>>
      %dma_start3A_45 = tpu.memref_slice %arg4[%add3A_24] : memref<2048xi32, #tpu.memory_space<hbm>> -> memref<32xi32, #tpu.memory_space<hbm>>
      tpu.enqueue_dma source(%dma_start3A_45 : memref<32xi32, #tpu.memory_space<hbm>>) target(%arg11 : memref<32xi32, #tpu.memory_space<vmem>>) target_semaphore(%run_scoped3A : memref<!tpu.dma_semaphore, #tpu.memory_space<semaphore_mem>>)
      %dma_wait3A_46 = tpu.memref_slice %arg4[%add3A_24] : memref<2048xi32, #tpu.memory_space<hbm>> -> memref<32xi32, #tpu.memory_space<hbm>>
      %dma_wait3A_47 = tpu.memref_slice %arg4[%add3A_24] : memref<2048xi32, #tpu.memory_space<hbm>> -> memref<32xi32, #tpu.memory_space<hbm>>
      tpu.wait_dma2 semaphore(%run_scoped3A : memref<!tpu.dma_semaphore, #tpu.memory_space<semaphore_mem>>) src(%dma_wait3A_47 : memref<32xi32, #tpu.memory_space<hbm>>) dst(%arg11 : memref<32xi32, #tpu.memory_space<vmem>>)
      tpu.yield
    }) : () -> ()
    "tpu.region"() ({
      %run_scoped3A = tpu.sem_alloc : memref<!tpu.dma_semaphore, #tpu.memory_space<semaphore_mem>>
      %dma_start3A_44 = arith.constant 0 : i32
      %dma_start3A_45 = tpu.memref_slice %arg5[%add3A_24, %dma_start3A_44] : memref<2048x32xf32, #tpu.memory_space<hbm>> -> memref<32x32xf32, #tpu.memory_space<hbm>>
      %dma_start3A_46 = arith.constant 0 : i32
      %dma_start3A_47 = tpu.memref_slice %arg5[%add3A_24, %dma_start3A_46] : memref<2048x32xf32, #tpu.memory_space<hbm>> -> memref<32x32xf32, #tpu.memory_space<hbm>>
      tpu.enqueue_dma source(%dma_start3A_47 : memref<32x32xf32, #tpu.memory_space<hbm>>) target(%arg9 : memref<32x32xf32, #tpu.memory_space<vmem>>) target_semaphore(%run_scoped3A : memref<!tpu.dma_semaphore, #tpu.memory_space<semaphore_mem>>)
      %dma_wait3A_48 = arith.constant 0 : i32
      %dma_wait3A_49 = tpu.memref_slice %arg5[%add3A_24, %dma_wait3A_48] : memref<2048x32xf32, #tpu.memory_space<hbm>> -> memref<32x32xf32, #tpu.memory_space<hbm>>
      %dma_wait3A_50 = arith.constant 0 : i32
      %dma_wait3A_51 = tpu.memref_slice %arg5[%add3A_24, %dma_wait3A_50] : memref<2048x32xf32, #tpu.memory_space<hbm>> -> memref<32x32xf32, #tpu.memory_space<hbm>>
      tpu.wait_dma2 semaphore(%run_scoped3A : memref<!tpu.dma_semaphore, #tpu.memory_space<semaphore_mem>>) src(%dma_wait3A_51 : memref<32x32xf32, #tpu.memory_space<hbm>>) dst(%arg9 : memref<32x32xf32, #tpu.memory_space<vmem>>)
      tpu.yield
    }) : () -> ()
    %dma_start3A_25 = arith.constant 0 : i32
    %dma_start3A_26 = arith.constant 0 : i32
    %dma_start3A_27 = tpu.memref_slice %arg2[%dma_start3A_25, %dma_start3A_26] : memref<4096x1024xf32, #tpu.memory_space<hbm>> -> memref<4096x1024xf32, #tpu.memory_space<hbm>>
    tpu.enqueue_indirect_dma source(%dma_start3A_27 : memref<4096x1024xf32, #tpu.memory_space<hbm>>) target(%arg7 : memref<32x1024xf32, #tpu.memory_space<vmem>>) offsets(%arg10 : memref<32xi32, #tpu.memory_space<vmem>>) semaphore(%arg12 : memref<!tpu.dma_semaphore, #tpu.memory_space<semaphore_mem>>)
    %dma_start3A_28 = arith.constant 0 : i32
    %dma_start3A_29 = arith.constant 0 : i32
    %dma_start3A_30 = tpu.memref_slice %arg2[%dma_start3A_28, %dma_start3A_29] : memref<4096x1024xf32, #tpu.memory_space<hbm>> -> memref<4096x1024xf32, #tpu.memory_space<hbm>>
    tpu.enqueue_indirect_dma source(%dma_start3A_30 : memref<4096x1024xf32, #tpu.memory_space<hbm>>) target(%arg8 : memref<32x1024xf32, #tpu.memory_space<vmem>>) offsets(%arg11 : memref<32xi32, #tpu.memory_space<vmem>>) semaphore(%arg13 : memref<!tpu.dma_semaphore, #tpu.memory_space<semaphore_mem>>)
    %dma_wait3A_31 = arith.constant 0 : i32
    %dma_wait3A_32 = arith.constant 0 : i32
    %dma_wait3A_33 = tpu.memref_slice %arg2[%dma_wait3A_31, %dma_wait3A_32] : memref<4096x1024xf32, #tpu.memory_space<hbm>> -> memref<4096x1024xf32, #tpu.memory_space<hbm>>
    tpu.wait_indirect_dma semaphore(%arg12 : memref<!tpu.dma_semaphore, #tpu.memory_space<semaphore_mem>>) src(%dma_wait3A_33 : memref<4096x1024xf32, #tpu.memory_space<hbm>>) dst(%arg7 : memref<32x1024xf32, #tpu.memory_space<vmem>>)
    %dma_wait3A_34 = arith.constant 0 : i32
    %dma_wait3A_35 = arith.constant 0 : i32
    %dma_wait3A_36 = tpu.memref_slice %arg2[%dma_wait3A_34, %dma_wait3A_35] : memref<4096x1024xf32, #tpu.memory_space<hbm>> -> memref<4096x1024xf32, #tpu.memory_space<hbm>>
    tpu.wait_indirect_dma semaphore(%arg13 : memref<!tpu.dma_semaphore, #tpu.memory_space<semaphore_mem>>) src(%dma_wait3A_36 : memref<4096x1024xf32, #tpu.memory_space<hbm>>) dst(%arg8 : memref<32x1024xf32, #tpu.memory_space<vmem>>)
    %scan3A_37 = arith.constant 0 : i32
    %scan3A_38 = arith.constant 0 : i32
    %scan3A_39 = arith.constant 32 : i32
    %scan3A_40 = arith.addi %scan3A_38, %scan3A_39 : i32
    %scan3A_41 = arith.constant 1 : i32
    %scan3A_42 = scf.for %scan3A_44 = %scan3A_38 to %scan3A_40 step %scan3A_41 iter_args(%scan3A_45 = %scan3A_37) -> (i32)  : i32 {
      %get3A = arith.index_cast %scan3A_44 : i32 to index
      %get3A_46 = arith.constant 0 : index
      %get3A_47 = tpu.vector_load %arg9[%get3A, %get3A_46] {strides = array<i32>} : memref<32x32xf32, #tpu.memory_space<vmem>>, vector<1x16xf32>,
      %get3A_48 = vector.shape_cast %get3A_47 : vector<1x16xf32> to vector<16xf32>
      %get3A_49 = arith.index_cast %scan3A_44 : i32 to index
      %get3A_50 = arith.constant 16 : index
      %get3A_51 = tpu.vector_load %arg9[%get3A_49, %get3A_50] {strides = array<i32>} : memref<32x32xf32, #tpu.memory_space<vmem>>, vector<1x16xf32>,
      %get3A_52 = vector.shape_cast %get3A_51 : vector<1x16xf32> to vector<16xf32>
      %get3A_53 = arith.index_cast %scan3A_44 : i32 to index
      %get3A_54 = arith.constant 0 : index
      %get3A_55 = tpu.vector_load %arg7[%get3A_53, %get3A_54] {strides = array<i32>} : memref<32x1024xf32, #tpu.memory_space<vmem>>, vector<1x16xf32>,
      %get3A_56 = vector.shape_cast %get3A_55 : vector<1x16xf32> to vector<16xf32>
      %get3A_57 = arith.index_cast %scan3A_44 : i32 to index
      %get3A_58 = arith.constant 0 : index
      %get3A_59 = tpu.vector_load %arg8[%get3A_57, %get3A_58] {strides = array<i32>} : memref<32x1024xf32, #tpu.memory_space<vmem>>, vector<1x16xf32>,
      %get3A_60 = vector.shape_cast %get3A_59 : vector<1x16xf32> to vector<16xf32>
      %mul3A_61 = arith.mulf %get3A_56, %get3A_48 : vector<16xf32>
      %mul3A_62 = arith.mulf %get3A_60, %get3A_52 : vector<16xf32>
      %add3A_63 = arith.addf %mul3A_61, %mul3A_62 : vector<16xf32>
      %swap3A = arith.index_cast %scan3A_44 : i32 to index
      %swap3A_64 = arith.constant 0 : index
      %swap3A_65 = tpu.vector_load %arg7[%swap3A, %swap3A_64] {strides = array<i32>} : memref<32x1024xf32, #tpu.memory_space<vmem>>, vector<1x16xf32>,
      %swap3A_66 = vector.shape_cast %swap3A_65 : vector<1x16xf32> to vector<16xf32>
      %swap3A_67 = vector.shape_cast %add3A_63 : vector<16xf32> to vector<1x16xf32>
      tpu.vector_store %arg7[%swap3A, %swap3A_64], %swap3A_67 {strides = array<i32>} : memref<32x1024xf32, #tpu.memory_space<vmem>>, vector<1x16xf32>,
      %get3A_68 = arith.index_cast %scan3A_44 : i32 to index
      %get3A_69 = arith.constant 16 : index
      %get3A_70 = tpu.vector_load %arg7[%get3A_68, %get3A_69] {strides = array<i32>} : memref<32x1024xf32, #tpu.memory_space<vmem>>, vector<1x16xf32>,
      %get3A_71 = vector.shape_cast %get3A_70 : vector<1x16xf32> to vector<16xf32>
      %get3A_72 = arith.index_cast %scan3A_44 : i32 to index
      %get3A_73 = arith.constant 16 : index
      %get3A_74 = tpu.vector_load %arg8[%get3A_72, %get3A_73] {strides = array<i32>} : memref<32x1024xf32, #tpu.memory_space<vmem>>, vector<1x16xf32>,
      %get3A_75 = vector.shape_cast %get3A_74 : vector<1x16xf32> to vector<16xf32>
      %mul3A_76 = arith.mulf %get3A_71, %get3A_48 : vector<16xf32>
      %mul3A_77 = arith.mulf %get3A_75, %get3A_52 : vector<16xf32>
      %add3A_78 = arith.addf %mul3A_76, %mul3A_77 : vector<16xf32>
      %swap3A_79 = arith.index_cast %scan3A_44 : i32 to index
      %swap3A_80 = arith.constant 16 : index
      %swap3A_81 = tpu.vector_load %arg7[%swap3A_79, %swap3A_80] {strides = array<i32>} : memref<32x1024xf32, #tpu.memory_space<vmem>>, vector<1x16xf32>,
      %swap3A_82 = vector.shape_cast %swap3A_81 : vector<1x16xf32> to vector<16xf32>
      %swap3A_83 = vector.shape_cast %add3A_78 : vector<16xf32> to vector<1x16xf32>
      tpu.vector_store %arg7[%swap3A_79, %swap3A_80], %swap3A_83 {strides = array<i32>} : memref<32x1024xf32, #tpu.memory_space<vmem>>, vector<1x16xf32>,
      %get3A_84 = arith.index_cast %scan3A_44 : i32 to index
      %get3A_85 = arith.constant 32 : index
      %get3A_86 = tpu.vector_load %arg7[%get3A_84, %get3A_85] {strides = array<i32>} : memref<32x1024xf32, #tpu.memory_space<vmem>>, vector<1x16xf32>,
      %get3A_87 = vector.shape_cast %get3A_86 : vector<1x16xf32> to vector<16xf32>
      %get3A_88 = arith.index_cast %scan3A_44 : i32 to index
      %get3A_89 = arith.constant 32 : index
      %get3A_90 = tpu.vector_load %arg8[%get3A_88, %get3A_89] {strides = array<i32>} : memref<32x1024xf32, #tpu.memory_space<vmem>>, vector<1x16xf32>,
      %get3A_91 = vector.shape_cast %get3A_90 : vector<1x16xf32> to vector<16xf32>
      %mul3A_92 = arith.mulf %get3A_87, %get3A_48 : vector<16xf32>
      %mul3A_93 = arith.mulf %get3A_91, %get3A_52 : vector<16xf32>
      %add3A_94 = arith.addf %mul3A_92, %mul3A_93 : vector<16xf32>
      %swap3A_95 = arith.index_cast %scan3A_44 : i32 to index
      %swap3A_96 = arith.constant 32 : index
      %swap3A_97 = tpu.vector_load %arg7[%swap3A_95, %swap3A_96] {strides = array<i32>} : memref<32x1024xf32, #tpu.memory_space<vmem>>, vector<1x16xf32>,
      %swap3A_98 = vector.shape_cast %swap3A_97 : vector<1x16xf32> to vector<16xf32>
      %swap3A_99 = vector.shape_cast %add3A_94 : vector<16xf32> to vector<1x16xf32>
      tpu.vector_store %arg7[%swap3A_95, %swap3A_96], %swap3A_99 {strides = array<i32>} : memref<32x1024xf32, #tpu.memory_space<vmem>>, vector<1x16xf32>,
      %get3A_100 = arith.index_cast %scan3A_44 : i32 to index
      %get3A_101 = arith.constant 48 : index
      %get3A_102 = tpu.vector_load %arg7[%get3A_100, %get3A_101] {strides = array<i32>} : memref<32x1024xf32, #tpu.memory_space<vmem>>, vector<1x16xf32>,
      %get3A_103 = vector.shape_cast %get3A_102 : vector<1x16xf32> to vector<16xf32>
      %get3A_104 = arith.index_cast %scan3A_44 : i32 to index
      %get3A_105 = arith.constant 48 : index
      %get3A_106 = tpu.vector_load %arg8[%get3A_104, %get3A_105] {strides = array<i32>} : memref<32x1024xf32, #tpu.memory_space<vmem>>, vector<1x16xf32>,
      %get3A_107 = vector.shape_cast %get3A_106 : vector<1x16xf32> to vector<16xf32>
      %mul3A_108 = arith.mulf %get3A_103, %get3A_48 : vector<16xf32>
      %mul3A_109 = arith.mulf %get3A_107, %get3A_52 : vector<16xf32>
      %add3A_110 = arith.addf %mul3A_108, %mul3A_109 : vector<16xf32>
      %swap3A_111 = arith.index_cast %scan3A_44 : i32 to index
      %swap3A_112 = arith.constant 48 : index
      %swap3A_113 = tpu.vector_load %arg7[%swap3A_111, %swap3A_112] {strides = array<i32>} : memref<32x1024xf32, #tpu.memory_space<vmem>>, vector<1x16xf32>,
      %swap3A_114 = vector.shape_cast %swap3A_113 : vector<1x16xf32> to vector<16xf32>
      %swap3A_115 = vector.shape_cast %add3A_110 : vector<16xf32> to vector<1x16xf32>
      tpu.vector_store %arg7[%swap3A_111, %swap3A_112], %swap3A_115 {strides = array<i32>} : memref<32x1024xf32, #tpu.memory_space<vmem>>, vector<1x16xf32>,
      %get3A_116 = arith.index_cast %scan3A_44 : i32 to index
      %get3A_117 = arith.constant 64 : index
      %get3A_118 = tpu.vector_load %arg7[%get3A_116, %get3A_117] {strides = array<i32>} : memref<32x1024xf32, #tpu.memory_space<vmem>>, vector<1x16xf32>,
      %get3A_119 = vector.shape_cast %get3A_118 : vector<1x16xf32> to vector<16xf32>
      %get3A_120 = arith.index_cast %scan3A_44 : i32 to index
      %get3A_121 = arith.constant 64 : index
      %get3A_122 = tpu.vector_load %arg8[%get3A_120, %get3A_121] {strides = array<i32>} : memref<32x1024xf32, #tpu.memory_space<vmem>>, vector<1x16xf32>,
      %get3A_123 = vector.shape_cast %get3A_122 : vector<1x16xf32> to vector<16xf32>
      %mul3A_124 = arith.mulf %get3A_119, %get3A_48 : vector<16xf32>
      %mul3A_125 = arith.mulf %get3A_123, %get3A_52 : vector<16xf32>
      %add3A_126 = arith.addf %mul3A_124, %mul3A_125 : vector<16xf32>
      %swap3A_127 = arith.index_cast %scan3A_44 : i32 to index
      %swap3A_128 = arith.constant 64 : index
      %swap3A_129 = tpu.vector_load %arg7[%swap3A_127, %swap3A_128] {strides = array<i32>} : memref<32x1024xf32, #tpu.memory_space<vmem>>, vector<1x16xf32>,
      %swap3A_130 = vector.shape_cast %swap3A_129 : vector<1x16xf32> to vector<16xf32>
      %swap3A_131 = vector.shape_cast %add3A_126 : vector<16xf32> to vector<1x16xf32>
      tpu.vector_store %arg7[%swap3A_127, %swap3A_128], %swap3A_131 {strides = array<i32>} : memref<32x1024xf32, #tpu.memory_space<vmem>>, vector<1x16xf32>,
      %get3A_132 = arith.index_cast %scan3A_44 : i32 to index
      %get3A_133 = arith.constant 80 : index
      %get3A_134 = tpu.vector_load %arg7[%get3A_132, %get3A_133] {strides = array<i32>} : memref<32x1024xf32, #tpu.memory_space<vmem>>, vector<1x16xf32>,
      %get3A_135 = vector.shape_cast %get3A_134 : vector<1x16xf32> to vector<16xf32>
      %get3A_136 = arith.index_cast %scan3A_44 : i32 to index
      %get3A_137 = arith.constant 80 : index
      %get3A_138 = tpu.vector_load %arg8[%get3A_136, %get3A_137] {strides = array<i32>} : memref<32x1024xf32, #tpu.memory_space<vmem>>, vector<1x16xf32>,
      %get3A_139 = vector.shape_cast %get3A_138 : vector<1x16xf32> to vector<16xf32>
      %mul3A_140 = arith.mulf %get3A_135, %get3A_48 : vector<16xf32>
      %mul3A_141 = arith.mulf %get3A_139, %get3A_52 : vector<16xf32>
      %add3A_142 = arith.addf %mul3A_140, %mul3A_141 : vector<16xf32>
      %swap3A_143 = arith.index_cast %scan3A_44 : i32 to index
      %swap3A_144 = arith.constant 80 : index
      %swap3A_145 = tpu.vector_load %arg7[%swap3A_143, %swap3A_144] {strides = array<i32>} : memref<32x1024xf32, #tpu.memory_space<vmem>>, vector<1x16xf32>,
      %swap3A_146 = vector.shape_cast %swap3A_145 : vector<1x16xf32> to vector<16xf32>
      %swap3A_147 = vector.shape_cast %add3A_142 : vector<16xf32> to vector<1x16xf32>
      tpu.vector_store %arg7[%swap3A_143, %swap3A_144], %swap3A_147 {strides = array<i32>} : memref<32x1024xf32, #tpu.memory_space<vmem>>, vector<1x16xf32>,
      %get3A_148 = arith.index_cast %scan3A_44 : i32 to index
      %get3A_149 = arith.constant 96 : index
      %get3A_150 = tpu.vector_load %arg7[%get3A_148, %get3A_149] {strides = array<i32>} : memref<32x1024xf32, #tpu.memory_space<vmem>>, vector<1x16xf32>,
      %get3A_151 = vector.shape_cast %get3A_150 : vector<1x16xf32> to vector<16xf32>
      %get3A_152 = arith.index_cast %scan3A_44 : i32 to index
      %get3A_153 = arith.constant 96 : index
      %get3A_154 = tpu.vector_load %arg8[%get3A_152, %get3A_153] {strides = array<i32>} : memref<32x1024xf32, #tpu.memory_space<vmem>>, vector<1x16xf32>,
      %get3A_155 = vector.shape_cast %get3A_154 : vector<1x16xf32> to vector<16xf32>
      %mul3A_156 = arith.mulf %get3A_151, %get3A_48 : vector<16xf32>
      %mul3A_157 = arith.mulf %get3A_155, %get3A_52 : vector<16xf32>
      %add3A_158 = arith.addf %mul3A_156, %mul3A_157 : vector<16xf32>
      %swap3A_159 = arith.index_cast %scan3A_44 : i32 to index
      %swap3A_160 = arith.constant 96 : index
      %swap3A_161 = tpu.vector_load %arg7[%swap3A_159, %swap3A_160] {strides = array<i32>} : memref<32x1024xf32, #tpu.memory_space<vmem>>, vector<1x16xf32>,
      %swap3A_162 = vector.shape_cast %swap3A_161 : vector<1x16xf32> to vector<16xf32>
      %swap3A_163 = vector.shape_cast %add3A_158 : vector<16xf32> to vector<1x16xf32>
      tpu.vector_store %arg7[%swap3A_159, %swap3A_160], %swap3A_163 {strides = array<i32>} : memref<32x1024xf32, #tpu.memory_space<vmem>>, vector<1x16xf32>,
      %get3A_164 = arith.index_cast %scan3A_44 : i32 to index
      %get3A_165 = arith.constant 112 : index
      %get3A_166 = tpu.vector_load %arg7[%get3A_164, %get3A_165] {strides = array<i32>} : memref<32x1024xf32, #tpu.memory_space<vmem>>, vector<1x16xf32>,
      %get3A_167 = vector.shape_cast %get3A_166 : vector<1x16xf32> to vector<16xf32>
      %get3A_168 = arith.index_cast %scan3A_44 : i32 to index
      %get3A_169 = arith.constant 112 : index
      %get3A_170 = tpu.vector_load %arg8[%get3A_168, %get3A_169] {strides = array<i32>} : memref<32x1024xf32, #tpu.memory_space<vmem>>, vector<1x16xf32>,
      %get3A_171 = vector.shape_cast %get3A_170 : vector<1x16xf32> to vector<16xf32>
      %mul3A_172 = arith.mulf %get3A_167, %get3A_48 : vector<16xf32>
      %mul3A_173 = arith.mulf %get3A_171, %get3A_52 : vector<16xf32>
      %add3A_174 = arith.addf %mul3A_172, %mul3A_173 : vector<16xf32>
      %swap3A_175 = arith.index_cast %scan3A_44 : i32 to index
      %swap3A_176 = arith.constant 112 : index
      %swap3A_177 = tpu.vector_load %arg7[%swap3A_175, %swap3A_176] {strides = array<i32>} : memref<32x1024xf32, #tpu.memory_space<vmem>>, vector<1x16xf32>,
      %swap3A_178 = vector.shape_cast %swap3A_177 : vector<1x16xf32> to vector<16xf32>
      %swap3A_179 = vector.shape_cast %add3A_174 : vector<16xf32> to vector<1x16xf32>
      tpu.vector_store %arg7[%swap3A_175, %swap3A_176], %swap3A_179 {strides = array<i32>} : memref<32x1024xf32, #tpu.memory_space<vmem>>, vector<1x16xf32>,
      %get3A_180 = arith.index_cast %scan3A_44 : i32 to index
      %get3A_181 = arith.constant 128 : index
      %get3A_182 = tpu.vector_load %arg7[%get3A_180, %get3A_181] {strides = array<i32>} : memref<32x1024xf32, #tpu.memory_space<vmem>>, vector<1x16xf32>,
      %get3A_183 = vector.shape_cast %get3A_182 : vector<1x16xf32> to vector<16xf32>
      %get3A_184 = arith.index_cast %scan3A_44 : i32 to index
      %get3A_185 = arith.constant 128 : index
      %get3A_186 = tpu.vector_load %arg8[%get3A_184, %get3A_185] {strides = array<i32>} : memref<32x1024xf32, #tpu.memory_space<vmem>>, vector<1x16xf32>,
      %get3A_187 = vector.shape_cast %get3A_186 : vector<1x16xf32> to vector<16xf32>
      %mul3A_188 = arith.mulf %get3A_183, %get3A_48 : vector<16xf32>
      %mul3A_189 = arith.mulf %get3A_187, %get3A_52 : vector<16xf32>
      %add3A_190 = arith.addf %mul3A_188, %mul3A_189 : vector<16xf32>
      %swap3A_191 = arith.index_cast %scan3A_44 : i32 to index
      %swap3A_192 = arith.constant 128 : index
      %swap3A_193 = tpu.vector_load %arg7[%swap3A_191, %swap3A_192] {strides = array<i32>} : memref<32x1024xf32, #tpu.memory_space<vmem>>, vector<1x16xf32>,
      %swap3A_194 = vector.shape_cast %swap3A_193 : vector<1x16xf32> to vector<16xf32>
      %swap3A_195 = vector.shape_cast %add3A_190 : vector<16xf32> to vector<1x16xf32>
      tpu.vector_store %arg7[%swap3A_191, %swap3A_192], %swap3A_195 {strides = array<i32>} : memref<32x1024xf32, #tpu.memory_space<vmem>>, vector<1x16xf32>,
      %get3A_196 = arith.index_cast %scan3A_44 : i32 to index
      %get3A_197 = arith.constant 144 : index
      %get3A_198 = tpu.vector_load %arg7[%get3A_196, %get3A_197] {strides = array<i32>} : memref<32x1024xf32, #tpu.memory_space<vmem>>, vector<1x16xf32>,
      %get3A_199 = vector.shape_cast %get3A_198 : vector<1x16xf32> to vector<16xf32>
      %get3A_200 = arith.index_cast %scan3A_44 : i32 to index
      %get3A_201 = arith.constant 144 : index
      %get3A_202 = tpu.vector_load %arg8[%get3A_200, %get3A_201] {strides = array<i32>} : memref<32x1024xf32, #tpu.memory_space<vmem>>, vector<1x16xf32>,
      %get3A_203 = vector.shape_cast %get3A_202 : vector<1x16xf32> to vector<16xf32>
      %mul3A_204 = arith.mulf %get3A_199, %get3A_48 : vector<16xf32>
      %mul3A_205 = arith.mulf %get3A_203, %get3A_52 : vector<16xf32>
      %add3A_206 = arith.addf %mul3A_204, %mul3A_205 : vector<16xf32>
      %swap3A_207 = arith.index_cast %scan3A_44 : i32 to index
      %swap3A_208 = arith.constant 144 : index
      %swap3A_209 = tpu.vector_load %arg7[%swap3A_207, %swap3A_208] {strides = array<i32>} : memref<32x1024xf32, #tpu.memory_space<vmem>>, vector<1x16xf32>,
      %swap3A_210 = vector.shape_cast %swap3A_209 : vector<1x16xf32> to vector<16xf32>
      %swap3A_211 = vector.shape_cast %add3A_206 : vector<16xf32> to vector<1x16xf32>
      tpu.vector_store %arg7[%swap3A_207, %swap3A_208], %swap3A_211 {strides = array<i32>} : memref<32x1024xf32, #tpu.memory_space<vmem>>, vector<1x16xf32>,
      %get3A_212 = arith.index_cast %scan3A_44 : i32 to index
      %get3A_213 = arith.constant 160 : index
      %get3A_214 = tpu.vector_load %arg7[%get3A_212, %get3A_213] {strides = array<i32>} : memref<32x1024xf32, #tpu.memory_space<vmem>>, vector<1x16xf32>,
      %get3A_215 = vector.shape_cast %get3A_214 : vector<1x16xf32> to vector<16xf32>
      %get3A_216 = arith.index_cast %scan3A_44 : i32 to index
      %get3A_217 = arith.constant 160 : index
      %get3A_218 = tpu.vector_load %arg8[%get3A_216, %get3A_217] {strides = array<i32>} : memref<32x1024xf32, #tpu.memory_space<vmem>>, vector<1x16xf32>,
      %get3A_219 = vector.shape_cast %get3A_218 : vector<1x16xf32> to vector<16xf32>
      %mul3A_220 = arith.mulf %get3A_215, %get3A_48 : vector<16xf32>
      %mul3A_221 = arith.mulf %get3A_219, %get3A_52 : vector<16xf32>
      %add3A_222 = arith.addf %mul3A_220, %mul3A_221 : vector<16xf32>
      %swap3A_223 = arith.index_cast %scan3A_44 : i32 to index
      %swap3A_224 = arith.constant 160 : index
      %swap3A_225 = tpu.vector_load %arg7[%swap3A_223, %swap3A_224] {strides = array<i32>} : memref<32x1024xf32, #tpu.memory_space<vmem>>, vector<1x16xf32>,
      %swap3A_226 = vector.shape_cast %swap3A_225 : vector<1x16xf32> to vector<16xf32>
      %swap3A_227 = vector.shape_cast %add3A_222 : vector<16xf32> to vector<1x16xf32>
      tpu.vector_store %arg7[%swap3A_223, %swap3A_224], %swap3A_227 {strides = array<i32>} : memref<32x1024xf32, #tpu.memory_space<vmem>>, vector<1x16xf32>,
      %get3A_228 = arith.index_cast %scan3A_44 : i32 to index
      %get3A_229 = arith.constant 176 : index
      %get3A_230 = tpu.vector_load %arg7[%get3A_228, %get3A_229] {strides = array<i32>} : memref<32x1024xf32, #tpu.memory_space<vmem>>, vector<1x16xf32>,
      %get3A_231 = vector.shape_cast %get3A_230 : vector<1x16xf32> to vector<16xf32>
      %get3A_232 = arith.index_cast %scan3A_44 : i32 to index
      %get3A_233 = arith.constant 176 : index
      %get3A_234 = tpu.vector_load %arg8[%get3A_232, %get3A_233] {strides = array<i32>} : memref<32x1024xf32, #tpu.memory_space<vmem>>, vector<1x16xf32>,
      %get3A_235 = vector.shape_cast %get3A_234 : vector<1x16xf32> to vector<16xf32>
      %mul3A_236 = arith.mulf %get3A_231, %get3A_48 : vector<16xf32>
      %mul3A_237 = arith.mulf %get3A_235, %get3A_52 : vector<16xf32>
      %add3A_238 = arith.addf %mul3A_236, %mul3A_237 : vector<16xf32>
      %swap3A_239 = arith.index_cast %scan3A_44 : i32 to index
      %swap3A_240 = arith.constant 176 : index
      %swap3A_241 = tpu.vector_load %arg7[%swap3A_239, %swap3A_240] {strides = array<i32>} : memref<32x1024xf32, #tpu.memory_space<vmem>>, vector<1x16xf32>,
      %swap3A_242 = vector.shape_cast %swap3A_241 : vector<1x16xf32> to vector<16xf32>
      %swap3A_243 = vector.shape_cast %add3A_238 : vector<16xf32> to vector<1x16xf32>
      tpu.vector_store %arg7[%swap3A_239, %swap3A_240], %swap3A_243 {strides = array<i32>} : memref<32x1024xf32, #tpu.memory_space<vmem>>, vector<1x16xf32>,
      %get3A_244 = arith.index_cast %scan3A_44 : i32 to index
      %get3A_245 = arith.constant 192 : index
      %get3A_246 = tpu.vector_load %arg7[%get3A_244, %get3A_245] {strides = array<i32>} : memref<32x1024xf32, #tpu.memory_space<vmem>>, vector<1x16xf32>,
      %get3A_247 = vector.shape_cast %get3A_246 : vector<1x16xf32> to vector<16xf32>
      %get3A_248 = arith.index_cast %scan3A_44 : i32 to index
      %get3A_249 = arith.constant 192 : index
      %get3A_250 = tpu.vector_load %arg8[%get3A_248, %get3A_249] {strides = array<i32>} : memref<32x1024xf32, #tpu.memory_space<vmem>>, vector<1x16xf32>,
      %get3A_251 = vector.shape_cast %get3A_250 : vector<1x16xf32> to vector<16xf32>
      %mul3A_252 = arith.mulf %get3A_247, %get3A_48 : vector<16xf32>
      %mul3A_253 = arith.mulf %get3A_251, %get3A_52 : vector<16xf32>
      %add3A_254 = arith.addf %mul3A_252, %mul3A_253 : vector<16xf32>
      %swap3A_255 = arith.index_cast %scan3A_44 : i32 to index
      %swap3A_256 = arith.constant 192 : index
      %swap3A_257 = tpu.vector_load %arg7[%swap3A_255, %swap3A_256] {strides = array<i32>} : memref<32x1024xf32, #tpu.memory_space<vmem>>, vector<1x16xf32>,
      %swap3A_258 = vector.shape_cast %swap3A_257 : vector<1x16xf32> to vector<16xf32>
      %swap3A_259 = vector.shape_cast %add3A_254 : vector<16xf32> to vector<1x16xf32>
      tpu.vector_store %arg7[%swap3A_255, %swap3A_256], %swap3A_259 {strides = array<i32>} : memref<32x1024xf32, #tpu.memory_space<vmem>>, vector<1x16xf32>,
      %get3A_260 = arith.index_cast %scan3A_44 : i32 to index
      %get3A_261 = arith.constant 208 : index
      %get3A_262 = tpu.vector_load %arg7[%get3A_260, %get3A_261] {strides = array<i32>} : memref<32x1024xf32, #tpu.memory_space<vmem>>, vector<1x16xf32>,
      %get3A_263 = vector.shape_cast %get3A_262 : vector<1x16xf32> to vector<16xf32>
      %get3A_264 = arith.index_cast %scan3A_44 : i32 to index
      %get3A_265 = arith.constant 208 : index
      %get3A_266 = tpu.vector_load %arg8[%get3A_264, %get3A_265] {strides = array<i32>} : memref<32x1024xf32, #tpu.memory_space<vmem>>, vector<1x16xf32>,
      %get3A_267 = vector.shape_cast %get3A_266 : vector<1x16xf32> to vector<16xf32>
      %mul3A_268 = arith.mulf %get3A_263, %get3A_48 : vector<16xf32>
      %mul3A_269 = arith.mulf %get3A_267, %get3A_52 : vector<16xf32>
      %add3A_270 = arith.addf %mul3A_268, %mul3A_269 : vector<16xf32>
      %swap3A_271 = arith.index_cast %scan3A_44 : i32 to index
      %swap3A_272 = arith.constant 208 : index
      %swap3A_273 = tpu.vector_load %arg7[%swap3A_271, %swap3A_272] {strides = array<i32>} : memref<32x1024xf32, #tpu.memory_space<vmem>>, vector<1x16xf32>,
      %swap3A_274 = vector.shape_cast %swap3A_273 : vector<1x16xf32> to vector<16xf32>
      %swap3A_275 = vector.shape_cast %add3A_270 : vector<16xf32> to vector<1x16xf32>
      tpu.vector_store %arg7[%swap3A_271, %swap3A_272], %swap3A_275 {strides = array<i32>} : memref<32x1024xf32, #tpu.memory_space<vmem>>, vector<1x16xf32>,
      %get3A_276 = arith.index_cast %scan3A_44 : i32 to index
      %get3A_277 = arith.constant 224 : index
      %get3A_278 = tpu.vector_load %arg7[%get3A_276, %get3A_277] {strides = array<i32>} : memref<32x1024xf32, #tpu.memory_space<vmem>>, vector<1x16xf32>,
      %get3A_279 = vector.shape_cast %get3A_278 : vector<1x16xf32> to vector<16xf32>
      %get3A_280 = arith.index_cast %scan3A_44 : i32 to index
      %get3A_281 = arith.constant 224 : index
      %get3A_282 = tpu.vector_load %arg8[%get3A_280, %get3A_281] {strides = array<i32>} : memref<32x1024xf32, #tpu.memory_space<vmem>>, vector<1x16xf32>,
      %get3A_283 = vector.shape_cast %get3A_282 : vector<1x16xf32> to vector<16xf32>
      %mul3A_284 = arith.mulf %get3A_279, %get3A_48 : vector<16xf32>
      %mul3A_285 = arith.mulf %get3A_283, %get3A_52 : vector<16xf32>
      %add3A_286 = arith.addf %mul3A_284, %mul3A_285 : vector<16xf32>
      %swap3A_287 = arith.index_cast %scan3A_44 : i32 to index
      %swap3A_288 = arith.constant 224 : index
      %swap3A_289 = tpu.vector_load %arg7[%swap3A_287, %swap3A_288] {strides = array<i32>} : memref<32x1024xf32, #tpu.memory_space<vmem>>, vector<1x16xf32>,
      %swap3A_290 = vector.shape_cast %swap3A_289 : vector<1x16xf32> to vector<16xf32>
      %swap3A_291 = vector.shape_cast %add3A_286 : vector<16xf32> to vector<1x16xf32>
      tpu.vector_store %arg7[%swap3A_287, %swap3A_288], %swap3A_291 {strides = array<i32>} : memref<32x1024xf32, #tpu.memory_space<vmem>>, vector<1x16xf32>,
      %get3A_292 = arith.index_cast %scan3A_44 : i32 to index
      %get3A_293 = arith.constant 240 : index
      %get3A_294 = tpu.vector_load %arg7[%get3A_292, %get3A_293] {strides = array<i32>} : memref<32x1024xf32, #tpu.memory_space<vmem>>, vector<1x16xf32>,
      %get3A_295 = vector.shape_cast %get3A_294 : vector<1x16xf32> to vector<16xf32>
      %get3A_296 = arith.index_cast %scan3A_44 : i32 to index
      %get3A_297 = arith.constant 240 : index
      %get3A_298 = tpu.vector_load %arg8[%get3A_296, %get3A_297] {strides = array<i32>} : memref<32x1024xf32, #tpu.memory_space<vmem>>, vector<1x16xf32>,
      %get3A_299 = vector.shape_cast %get3A_298 : vector<1x16xf32> to vector<16xf32>
      %mul3A_300 = arith.mulf %get3A_295, %get3A_48 : vector<16xf32>
      %mul3A_301 = arith.mulf %get3A_299, %get3A_52 : vector<16xf32>
      %add3A_302 = arith.addf %mul3A_300, %mul3A_301 : vector<16xf32>
      %swap3A_303 = arith.index_cast %scan3A_44 : i32 to index
      %swap3A_304 = arith.constant 240 : index
      %swap3A_305 = tpu.vector_load %arg7[%swap3A_303, %swap3A_304] {strides = array<i32>} : memref<32x1024xf32, #tpu.memory_space<vmem>>, vector<1x16xf32>,
      %swap3A_306 = vector.shape_cast %swap3A_305 : vector<1x16xf32> to vector<16xf32>
      %swap3A_307 = vector.shape_cast %add3A_302 : vector<16xf32> to vector<1x16xf32>
      tpu.vector_store %arg7[%swap3A_303, %swap3A_304], %swap3A_307 {strides = array<i32>} : memref<32x1024xf32, #tpu.memory_space<vmem>>, vector<1x16xf32>,
      %get3A_308 = arith.index_cast %scan3A_44 : i32 to index
      %get3A_309 = arith.constant 256 : index
      %get3A_310 = tpu.vector_load %arg7[%get3A_308, %get3A_309] {strides = array<i32>} : memref<32x1024xf32, #tpu.memory_space<vmem>>, vector<1x16xf32>,
      %get3A_311 = vector.shape_cast %get3A_310 : vector<1x16xf32> to vector<16xf32>
      %get3A_312 = arith.index_cast %scan3A_44 : i32 to index
      %get3A_313 = arith.constant 256 : index
      %get3A_314 = tpu.vector_load %arg8[%get3A_312, %get3A_313] {strides = array<i32>} : memref<32x1024xf32, #tpu.memory_space<vmem>>, vector<1x16xf32>,
      %get3A_315 = vector.shape_cast %get3A_314 : vector<1x16xf32> to vector<16xf32>
      %mul3A_316 = arith.mulf %get3A_311, %get3A_48 : vector<16xf32>
      %mul3A_317 = arith.mulf %get3A_315, %get3A_52 : vector<16xf32>
      %add3A_318 = arith.addf %mul3A_316, %mul3A_317 : vector<16xf32>
      %swap3A_319 = arith.index_cast %scan3A_44 : i32 to index
      %swap3A_320 = arith.constant 256 : index
      %swap3A_321 = tpu.vector_load %arg7[%swap3A_319, %swap3A_320] {strides = array<i32>} : memref<32x1024xf32, #tpu.memory_space<vmem>>, vector<1x16xf32>,
      %swap3A_322 = vector.shape_cast %swap3A_321 : vector<1x16xf32> to vector<16xf32>
      %swap3A_323 = vector.shape_cast %add3A_318 : vector<16xf32> to vector<1x16xf32>
      tpu.vector_store %arg7[%swap3A_319, %swap3A_320], %swap3A_323 {strides = array<i32>} : memref<32x1024xf32, #tpu.memory_space<vmem>>, vector<1x16xf32>,
      %get3A_324 = arith.index_cast %scan3A_44 : i32 to index
      %get3A_325 = arith.constant 272 : index
      %get3A_326 = tpu.vector_load %arg7[%get3A_324, %get3A_325] {strides = array<i32>} : memref<32x1024xf32, #tpu.memory_space<vmem>>, vector<1x16xf32>,
      %get3A_327 = vector.shape_cast %get3A_326 : vector<1x16xf32> to vector<16xf32>
      %get3A_328 = arith.index_cast %scan3A_44 : i32 to index
      %get3A_329 = arith.constant 272 : index
      %get3A_330 = tpu.vector_load %arg8[%get3A_328, %get3A_329] {strides = array<i32>} : memref<32x1024xf32, #tpu.memory_space<vmem>>, vector<1x16xf32>,
      %get3A_331 = vector.shape_cast %get3A_330 : vector<1x16xf32> to vector<16xf32>
      %mul3A_332 = arith.mulf %get3A_327, %get3A_48 : vector<16xf32>
      %mul3A_333 = arith.mulf %get3A_331, %get3A_52 : vector<16xf32>
      %add3A_334 = arith.addf %mul3A_332, %mul3A_333 : vector<16xf32>
      %swap3A_335 = arith.index_cast %scan3A_44 : i32 to index
      %swap3A_336 = arith.constant 272 : index
      %swap3A_337 = tpu.vector_load %arg7[%swap3A_335, %swap3A_336] {strides = array<i32>} : memref<32x1024xf32, #tpu.memory_space<vmem>>, vector<1x16xf32>,
      %swap3A_338 = vector.shape_cast %swap3A_337 : vector<1x16xf32> to vector<16xf32>
      %swap3A_339 = vector.shape_cast %add3A_334 : vector<16xf32> to vector<1x16xf32>
      tpu.vector_store %arg7[%swap3A_335, %swap3A_336], %swap3A_339 {strides = array<i32>} : memref<32x1024xf32, #tpu.memory_space<vmem>>, vector<1x16xf32>,
      %get3A_340 = arith.index_cast %scan3A_44 : i32 to index
      %get3A_341 = arith.constant 288 : index
      %get3A_342 = tpu.vector_load %arg7[%get3A_340, %get3A_341] {strides = array<i32>} : memref<32x1024xf32, #tpu.memory_space<vmem>>, vector<1x16xf32>,
      %get3A_343 = vector.shape_cast %get3A_342 : vector<1x16xf32> to vector<16xf32>
      %get3A_344 = arith.index_cast %scan3A_44 : i32 to index
      %get3A_345 = arith.constant 288 : index
      %get3A_346 = tpu.vector_load %arg8[%get3A_344, %get3A_345] {strides = array<i32>} : memref<32x1024xf32, #tpu.memory_space<vmem>>, vector<1x16xf32>,
      %get3A_347 = vector.shape_cast %get3A_346 : vector<1x16xf32> to vector<16xf32>
      %mul3A_348 = arith.mulf %get3A_343, %get3A_48 : vector<16xf32>
      %mul3A_349 = arith.mulf %get3A_347, %get3A_52 : vector<16xf32>
      %add3A_350 = arith.addf %mul3A_348, %mul3A_349 : vector<16xf32>
      %swap3A_351 = arith.index_cast %scan3A_44 : i32 to index
      %swap3A_352 = arith.constant 288 : index
      %swap3A_353 = tpu.vector_load %arg7[%swap3A_351, %swap3A_352] {strides = array<i32>} : memref<32x1024xf32, #tpu.memory_space<vmem>>, vector<1x16xf32>,
      %swap3A_354 = vector.shape_cast %swap3A_353 : vector<1x16xf32> to vector<16xf32>
      %swap3A_355 = vector.shape_cast %add3A_350 : vector<16xf32> to vector<1x16xf32>
      tpu.vector_store %arg7[%swap3A_351, %swap3A_352], %swap3A_355 {strides = array<i32>} : memref<32x1024xf32, #tpu.memory_space<vmem>>, vector<1x16xf32>,
      %get3A_356 = arith.index_cast %scan3A_44 : i32 to index
      %get3A_357 = arith.constant 304 : index
      %get3A_358 = tpu.vector_load %arg7[%get3A_356, %get3A_357] {strides = array<i32>} : memref<32x1024xf32, #tpu.memory_space<vmem>>, vector<1x16xf32>,
      %get3A_359 = vector.shape_cast %get3A_358 : vector<1x16xf32> to vector<16xf32>
      %get3A_360 = arith.index_cast %scan3A_44 : i32 to index
      %get3A_361 = arith.constant 304 : index
      %get3A_362 = tpu.vector_load %arg8[%get3A_360, %get3A_361] {strides = array<i32>} : memref<32x1024xf32, #tpu.memory_space<vmem>>, vector<1x16xf32>,
      %get3A_363 = vector.shape_cast %get3A_362 : vector<1x16xf32> to vector<16xf32>
      %mul3A_364 = arith.mulf %get3A_359, %get3A_48 : vector<16xf32>
      %mul3A_365 = arith.mulf %get3A_363, %get3A_52 : vector<16xf32>
      %add3A_366 = arith.addf %mul3A_364, %mul3A_365 : vector<16xf32>
      %swap3A_367 = arith.index_cast %scan3A_44 : i32 to index
      %swap3A_368 = arith.constant 304 : index
      %swap3A_369 = tpu.vector_load %arg7[%swap3A_367, %swap3A_368] {strides = array<i32>} : memref<32x1024xf32, #tpu.memory_space<vmem>>, vector<1x16xf32>,
      %swap3A_370 = vector.shape_cast %swap3A_369 : vector<1x16xf32> to vector<16xf32>
      %swap3A_371 = vector.shape_cast %add3A_366 : vector<16xf32> to vector<1x16xf32>
      tpu.vector_store %arg7[%swap3A_367, %swap3A_368], %swap3A_371 {strides = array<i32>} : memref<32x1024xf32, #tpu.memory_space<vmem>>, vector<1x16xf32>,
      %get3A_372 = arith.index_cast %scan3A_44 : i32 to index
      %get3A_373 = arith.constant 320 : index
      %get3A_374 = tpu.vector_load %arg7[%get3A_372, %get3A_373] {strides = array<i32>} : memref<32x1024xf32, #tpu.memory_space<vmem>>, vector<1x16xf32>,
      %get3A_375 = vector.shape_cast %get3A_374 : vector<1x16xf32> to vector<16xf32>
      %get3A_376 = arith.index_cast %scan3A_44 : i32 to index
      %get3A_377 = arith.constant 320 : index
      %get3A_378 = tpu.vector_load %arg8[%get3A_376, %get3A_377] {strides = array<i32>} : memref<32x1024xf32, #tpu.memory_space<vmem>>, vector<1x16xf32>,
      %get3A_379 = vector.shape_cast %get3A_378 : vector<1x16xf32> to vector<16xf32>
      %mul3A_380 = arith.mulf %get3A_375, %get3A_48 : vector<16xf32>
      %mul3A_381 = arith.mulf %get3A_379, %get3A_52 : vector<16xf32>
      %add3A_382 = arith.addf %mul3A_380, %mul3A_381 : vector<16xf32>
      %swap3A_383 = arith.index_cast %scan3A_44 : i32 to index
      %swap3A_384 = arith.constant 320 : index
      %swap3A_385 = tpu.vector_load %arg7[%swap3A_383, %swap3A_384] {strides = array<i32>} : memref<32x1024xf32, #tpu.memory_space<vmem>>, vector<1x16xf32>,
      %swap3A_386 = vector.shape_cast %swap3A_385 : vector<1x16xf32> to vector<16xf32>
      %swap3A_387 = vector.shape_cast %add3A_382 : vector<16xf32> to vector<1x16xf32>
      tpu.vector_store %arg7[%swap3A_383, %swap3A_384], %swap3A_387 {strides = array<i32>} : memref<32x1024xf32, #tpu.memory_space<vmem>>, vector<1x16xf32>,
      %get3A_388 = arith.index_cast %scan3A_44 : i32 to index
      %get3A_389 = arith.constant 336 : index
      %get3A_390 = tpu.vector_load %arg7[%get3A_388, %get3A_389] {strides = array<i32>} : memref<32x1024xf32, #tpu.memory_space<vmem>>, vector<1x16xf32>,
      %get3A_391 = vector.shape_cast %get3A_390 : vector<1x16xf32> to vector<16xf32>
      %get3A_392 = arith.index_cast %scan3A_44 : i32 to index
      %get3A_393 = arith.constant 336 : index
      %get3A_394 = tpu.vector_load %arg8[%get3A_392, %get3A_393] {strides = array<i32>} : memref<32x1024xf32, #tpu.memory_space<vmem>>, vector<1x16xf32>,
      %get3A_395 = vector.shape_cast %get3A_394 : vector<1x16xf32> to vector<16xf32>
      %mul3A_396 = arith.mulf %get3A_391, %get3A_48 : vector<16xf32>
      %mul3A_397 = arith.mulf %get3A_395, %get3A_52 : vector<16xf32>
      %add3A_398 = arith.addf %mul3A_396, %mul3A_397 : vector<16xf32>
      %swap3A_399 = arith.index_cast %scan3A_44 : i32 to index
      %swap3A_400 = arith.constant 336 : index
      %swap3A_401 = tpu.vector_load %arg7[%swap3A_399, %swap3A_400] {strides = array<i32>} : memref<32x1024xf32, #tpu.memory_space<vmem>>, vector<1x16xf32>,
      %swap3A_402 = vector.shape_cast %swap3A_401 : vector<1x16xf32> to vector<16xf32>
      %swap3A_403 = vector.shape_cast %add3A_398 : vector<16xf32> to vector<1x16xf32>
      tpu.vector_store %arg7[%swap3A_399, %swap3A_400], %swap3A_403 {strides = array<i32>} : memref<32x1024xf32, #tpu.memory_space<vmem>>, vector<1x16xf32>,
      %get3A_404 = arith.index_cast %scan3A_44 : i32 to index
      %get3A_405 = arith.constant 352 : index
      %get3A_406 = tpu.vector_load %arg7[%get3A_404, %get3A_405] {strides = array<i32>} : memref<32x1024xf32, #tpu.memory_space<vmem>>, vector<1x16xf32>,
      %get3A_407 = vector.shape_cast %get3A_406 : vector<1x16xf32> to vector<16xf32>
      %get3A_408 = arith.index_cast %scan3A_44 : i32 to index
      %get3A_409 = arith.constant 352 : index
      %get3A_410 = tpu.vector_load %arg8[%get3A_408, %get3A_409] {strides = array<i32>} : memref<32x1024xf32, #tpu.memory_space<vmem>>, vector<1x16xf32>,
      %get3A_411 = vector.shape_cast %get3A_410 : vector<1x16xf32> to vector<16xf32>
      %mul3A_412 = arith.mulf %get3A_407, %get3A_48 : vector<16xf32>
      %mul3A_413 = arith.mulf %get3A_411, %get3A_52 : vector<16xf32>
      %add3A_414 = arith.addf %mul3A_412, %mul3A_413 : vector<16xf32>
      %swap3A_415 = arith.index_cast %scan3A_44 : i32 to index
      %swap3A_416 = arith.constant 352 : index
      %swap3A_417 = tpu.vector_load %arg7[%swap3A_415, %swap3A_416] {strides = array<i32>} : memref<32x1024xf32, #tpu.memory_space<vmem>>, vector<1x16xf32>,
      %swap3A_418 = vector.shape_cast %swap3A_417 : vector<1x16xf32> to vector<16xf32>
      %swap3A_419 = vector.shape_cast %add3A_414 : vector<16xf32> to vector<1x16xf32>
      tpu.vector_store %arg7[%swap3A_415, %swap3A_416], %swap3A_419 {strides = array<i32>} : memref<32x1024xf32, #tpu.memory_space<vmem>>, vector<1x16xf32>,
      %get3A_420 = arith.index_cast %scan3A_44 : i32 to index
      %get3A_421 = arith.constant 368 : index
      %get3A_422 = tpu.vector_load %arg7[%get3A_420, %get3A_421] {strides = array<i32>} : memref<32x1024xf32, #tpu.memory_space<vmem>>, vector<1x16xf32>,
      %get3A_423 = vector.shape_cast %get3A_422 : vector<1x16xf32> to vector<16xf32>
      %get3A_424 = arith.index_cast %scan3A_44 : i32 to index
      %get3A_425 = arith.constant 368 : index
      %get3A_426 = tpu.vector_load %arg8[%get3A_424, %get3A_425] {strides = array<i32>} : memref<32x1024xf32, #tpu.memory_space<vmem>>, vector<1x16xf32>,
      %get3A_427 = vector.shape_cast %get3A_426 : vector<1x16xf32> to vector<16xf32>
      %mul3A_428 = arith.mulf %get3A_423, %get3A_48 : vector<16xf32>
      %mul3A_429 = arith.mulf %get3A_427, %get3A_52 : vector<16xf32>
      %add3A_430 = arith.addf %mul3A_428, %mul3A_429 : vector<16xf32>
      %swap3A_431 = arith.index_cast %scan3A_44 : i32 to index
      %swap3A_432 = arith.constant 368 : index
      %swap3A_433 = tpu.vector_load %arg7[%swap3A_431, %swap3A_432] {strides = array<i32>} : memref<32x1024xf32, #tpu.memory_space<vmem>>, vector<1x16xf32>,
      %swap3A_434 = vector.shape_cast %swap3A_433 : vector<1x16xf32> to vector<16xf32>
      %swap3A_435 = vector.shape_cast %add3A_430 : vector<16xf32> to vector<1x16xf32>
      tpu.vector_store %arg7[%swap3A_431, %swap3A_432], %swap3A_435 {strides = array<i32>} : memref<32x1024xf32, #tpu.memory_space<vmem>>, vector<1x16xf32>,
      %get3A_436 = arith.index_cast %scan3A_44 : i32 to index
      %get3A_437 = arith.constant 384 : index
      %get3A_438 = tpu.vector_load %arg7[%get3A_436, %get3A_437] {strides = array<i32>} : memref<32x1024xf32, #tpu.memory_space<vmem>>, vector<1x16xf32>,
      %get3A_439 = vector.shape_cast %get3A_438 : vector<1x16xf32> to vector<16xf32>
      %get3A_440 = arith.index_cast %scan3A_44 : i32 to index
      %get3A_441 = arith.constant 384 : index
      %get3A_442 = tpu.vector_load %arg8[%get3A_440, %get3A_441] {strides = array<i32>} : memref<32x1024xf32, #tpu.memory_space<vmem>>, vector<1x16xf32>,
      %get3A_443 = vector.shape_cast %get3A_442 : vector<1x16xf32> to vector<16xf32>
      %mul3A_444 = arith.mulf %get3A_439, %get3A_48 : vector<16xf32>
      %mul3A_445 = arith.mulf %get3A_443, %get3A_52 : vector<16xf32>
      %add3A_446 = arith.addf %mul3A_444, %mul3A_445 : vector<16xf32>
      %swap3A_447 = arith.index_cast %scan3A_44 : i32 to index
      %swap3A_448 = arith.constant 384 : index
      %swap3A_449 = tpu.vector_load %arg7[%swap3A_447, %swap3A_448] {strides = array<i32>} : memref<32x1024xf32, #tpu.memory_space<vmem>>, vector<1x16xf32>,
      %swap3A_450 = vector.shape_cast %swap3A_449 : vector<1x16xf32> to vector<16xf32>
      %swap3A_451 = vector.shape_cast %add3A_446 : vector<16xf32> to vector<1x16xf32>
      tpu.vector_store %arg7[%swap3A_447, %swap3A_448], %swap3A_451 {strides = array<i32>} : memref<32x1024xf32, #tpu.memory_space<vmem>>, vector<1x16xf32>,
      %get3A_452 = arith.index_cast %scan3A_44 : i32 to index
      %get3A_453 = arith.constant 400 : index
      %get3A_454 = tpu.vector_load %arg7[%get3A_452, %get3A_453] {strides = array<i32>} : memref<32x1024xf32, #tpu.memory_space<vmem>>, vector<1x16xf32>,
      %get3A_455 = vector.shape_cast %get3A_454 : vector<1x16xf32> to vector<16xf32>
      %get3A_456 = arith.index_cast %scan3A_44 : i32 to index
      %get3A_457 = arith.constant 400 : index
      %get3A_458 = tpu.vector_load %arg8[%get3A_456, %get3A_457] {strides = array<i32>} : memref<32x1024xf32, #tpu.memory_space<vmem>>, vector<1x16xf32>,
      %get3A_459 = vector.shape_cast %get3A_458 : vector<1x16xf32> to vector<16xf32>
      %mul3A_460 = arith.mulf %get3A_455, %get3A_48 : vector<16xf32>
      %mul3A_461 = arith.mulf %get3A_459, %get3A_52 : vector<16xf32>
      %add3A_462 = arith.addf %mul3A_460, %mul3A_461 : vector<16xf32>
      %swap3A_463 = arith.index_cast %scan3A_44 : i32 to index
      %swap3A_464 = arith.constant 400 : index
      %swap3A_465 = tpu.vector_load %arg7[%swap3A_463, %swap3A_464] {strides = array<i32>} : memref<32x1024xf32, #tpu.memory_space<vmem>>, vector<1x16xf32>,
      %swap3A_466 = vector.shape_cast %swap3A_465 : vector<1x16xf32> to vector<16xf32>
      %swap3A_467 = vector.shape_cast %add3A_462 : vector<16xf32> to vector<1x16xf32>
      tpu.vector_store %arg7[%swap3A_463, %swap3A_464], %swap3A_467 {strides = array<i32>} : memref<32x1024xf32, #tpu.memory_space<vmem>>, vector<1x16xf32>,
      %get3A_468 = arith.index_cast %scan3A_44 : i32 to index
      %get3A_469 = arith.constant 416 : index
      %get3A_470 = tpu.vector_load %arg7[%get3A_468, %get3A_469] {strides = array<i32>} : memref<32x1024xf32, #tpu.memory_space<vmem>>, vector<1x16xf32>,
      %get3A_471 = vector.shape_cast %get3A_470 : vector<1x16xf32> to vector<16xf32>
      %get3A_472 = arith.index_cast %scan3A_44 : i32 to index
      %get3A_473 = arith.constant 416 : index
      %get3A_474 = tpu.vector_load %arg8[%get3A_472, %get3A_473] {strides = array<i32>} : memref<32x1024xf32, #tpu.memory_space<vmem>>, vector<1x16xf32>,
      %get3A_475 = vector.shape_cast %get3A_474 : vector<1x16xf32> to vector<16xf32>
      %mul3A_476 = arith.mulf %get3A_471, %get3A_48 : vector<16xf32>
      %mul3A_477 = arith.mulf %get3A_475, %get3A_52 : vector<16xf32>
      %add3A_478 = arith.addf %mul3A_476, %mul3A_477 : vector<16xf32>
      %swap3A_479 = arith.index_cast %scan3A_44 : i32 to index
      %swap3A_480 = arith.constant 416 : index
      %swap3A_481 = tpu.vector_load %arg7[%swap3A_479, %swap3A_480] {strides = array<i32>} : memref<32x1024xf32, #tpu.memory_space<vmem>>, vector<1x16xf32>,
      %swap3A_482 = vector.shape_cast %swap3A_481 : vector<1x16xf32> to vector<16xf32>
      %swap3A_483 = vector.shape_cast %add3A_478 : vector<16xf32> to vector<1x16xf32>
      tpu.vector_store %arg7[%swap3A_479, %swap3A_480], %swap3A_483 {strides = array<i32>} : memref<32x1024xf32, #tpu.memory_space<vmem>>, vector<1x16xf32>,
      %get3A_484 = arith.index_cast %scan3A_44 : i32 to index
      %get3A_485 = arith.constant 432 : index
      %get3A_486 = tpu.vector_load %arg7[%get3A_484, %get3A_485] {strides = array<i32>} : memref<32x1024xf32, #tpu.memory_space<vmem>>, vector<1x16xf32>,
      %get3A_487 = vector.shape_cast %get3A_486 : vector<1x16xf32> to vector<16xf32>
      %get3A_488 = arith.index_cast %scan3A_44 : i32 to index
      %get3A_489 = arith.constant 432 : index
      %get3A_490 = tpu.vector_load %arg8[%get3A_488, %get3A_489] {strides = array<i32>} : memref<32x1024xf32, #tpu.memory_space<vmem>>, vector<1x16xf32>,
      %get3A_491 = vector.shape_cast %get3A_490 : vector<1x16xf32> to vector<16xf32>
      %mul3A_492 = arith.mulf %get3A_487, %get3A_48 : vector<16xf32>
      %mul3A_493 = arith.mulf %get3A_491, %get3A_52 : vector<16xf32>
      %add3A_494 = arith.addf %mul3A_492, %mul3A_493 : vector<16xf32>
      %swap3A_495 = arith.index_cast %scan3A_44 : i32 to index
      %swap3A_496 = arith.constant 432 : index
      %swap3A_497 = tpu.vector_load %arg7[%swap3A_495, %swap3A_496] {strides = array<i32>} : memref<32x1024xf32, #tpu.memory_space<vmem>>, vector<1x16xf32>,
      %swap3A_498 = vector.shape_cast %swap3A_497 : vector<1x16xf32> to vector<16xf32>
      %swap3A_499 = vector.shape_cast %add3A_494 : vector<16xf32> to vector<1x16xf32>
      tpu.vector_store %arg7[%swap3A_495, %swap3A_496], %swap3A_499 {strides = array<i32>} : memref<32x1024xf32, #tpu.memory_space<vmem>>, vector<1x16xf32>,
      %get3A_500 = arith.index_cast %scan3A_44 : i32 to index
      %get3A_501 = arith.constant 448 : index
      %get3A_502 = tpu.vector_load %arg7[%get3A_500, %get3A_501] {strides = array<i32>} : memref<32x1024xf32, #tpu.memory_space<vmem>>, vector<1x16xf32>,
      %get3A_503 = vector.shape_cast %get3A_502 : vector<1x16xf32> to vector<16xf32>
      %get3A_504 = arith.index_cast %scan3A_44 : i32 to index
      %get3A_505 = arith.constant 448 : index
      %get3A_506 = tpu.vector_load %arg8[%get3A_504, %get3A_505] {strides = array<i32>} : memref<32x1024xf32, #tpu.memory_space<vmem>>, vector<1x16xf32>,
      %get3A_507 = vector.shape_cast %get3A_506 : vector<1x16xf32> to vector<16xf32>
      %mul3A_508 = arith.mulf %get3A_503, %get3A_48 : vector<16xf32>
      %mul3A_509 = arith.mulf %get3A_507, %get3A_52 : vector<16xf32>
      %add3A_510 = arith.addf %mul3A_508, %mul3A_509 : vector<16xf32>
      %swap3A_511 = arith.index_cast %scan3A_44 : i32 to index
      %swap3A_512 = arith.constant 448 : index
      %swap3A_513 = tpu.vector_load %arg7[%swap3A_511, %swap3A_512] {strides = array<i32>} : memref<32x1024xf32, #tpu.memory_space<vmem>>, vector<1x16xf32>,
      %swap3A_514 = vector.shape_cast %swap3A_513 : vector<1x16xf32> to vector<16xf32>
      %swap3A_515 = vector.shape_cast %add3A_510 : vector<16xf32> to vector<1x16xf32>
      tpu.vector_store %arg7[%swap3A_511, %swap3A_512], %swap3A_515 {strides = array<i32>} : memref<32x1024xf32, #tpu.memory_space<vmem>>, vector<1x16xf32>,
      %get3A_516 = arith.index_cast %scan3A_44 : i32 to index
      %get3A_517 = arith.constant 464 : index
      %get3A_518 = tpu.vector_load %arg7[%get3A_516, %get3A_517] {strides = array<i32>} : memref<32x1024xf32, #tpu.memory_space<vmem>>, vector<1x16xf32>,
      %get3A_519 = vector.shape_cast %get3A_518 : vector<1x16xf32> to vector<16xf32>
      %get3A_520 = arith.index_cast %scan3A_44 : i32 to index
      %get3A_521 = arith.constant 464 : index
      %get3A_522 = tpu.vector_load %arg8[%get3A_520, %get3A_521] {strides = array<i32>} : memref<32x1024xf32, #tpu.memory_space<vmem>>, vector<1x16xf32>,
      %get3A_523 = vector.shape_cast %get3A_522 : vector<1x16xf32> to vector<16xf32>
      %mul3A_524 = arith.mulf %get3A_519, %get3A_48 : vector<16xf32>
      %mul3A_525 = arith.mulf %get3A_523, %get3A_52 : vector<16xf32>
      %add3A_526 = arith.addf %mul3A_524, %mul3A_525 : vector<16xf32>
      %swap3A_527 = arith.index_cast %scan3A_44 : i32 to index
      %swap3A_528 = arith.constant 464 : index
      %swap3A_529 = tpu.vector_load %arg7[%swap3A_527, %swap3A_528] {strides = array<i32>} : memref<32x1024xf32, #tpu.memory_space<vmem>>, vector<1x16xf32>,
      %swap3A_530 = vector.shape_cast %swap3A_529 : vector<1x16xf32> to vector<16xf32>
      %swap3A_531 = vector.shape_cast %add3A_526 : vector<16xf32> to vector<1x16xf32>
      tpu.vector_store %arg7[%swap3A_527, %swap3A_528], %swap3A_531 {strides = array<i32>} : memref<32x1024xf32, #tpu.memory_space<vmem>>, vector<1x16xf32>,
      %get3A_532 = arith.index_cast %scan3A_44 : i32 to index
      %get3A_533 = arith.constant 480 : index
      %get3A_534 = tpu.vector_load %arg7[%get3A_532, %get3A_533] {strides = array<i32>} : memref<32x1024xf32, #tpu.memory_space<vmem>>, vector<1x16xf32>,
      %get3A_535 = vector.shape_cast %get3A_534 : vector<1x16xf32> to vector<16xf32>
      %get3A_536 = arith.index_cast %scan3A_44 : i32 to index
      %get3A_537 = arith.constant 480 : index
      %get3A_538 = tpu.vector_load %arg8[%get3A_536, %get3A_537] {strides = array<i32>} : memref<32x1024xf32, #tpu.memory_space<vmem>>, vector<1x16xf32>,
      %get3A_539 = vector.shape_cast %get3A_538 : vector<1x16xf32> to vector<16xf32>
      %mul3A_540 = arith.mulf %get3A_535, %get3A_48 : vector<16xf32>
      %mul3A_541 = arith.mulf %get3A_539, %get3A_52 : vector<16xf32>
      %add3A_542 = arith.addf %mul3A_540, %mul3A_541 : vector<16xf32>
      %swap3A_543 = arith.index_cast %scan3A_44 : i32 to index
      %swap3A_544 = arith.constant 480 : index
      %swap3A_545 = tpu.vector_load %arg7[%swap3A_543, %swap3A_544] {strides = array<i32>} : memref<32x1024xf32, #tpu.memory_space<vmem>>, vector<1x16xf32>,
      %swap3A_546 = vector.shape_cast %swap3A_545 : vector<1x16xf32> to vector<16xf32>
      %swap3A_547 = vector.shape_cast %add3A_542 : vector<16xf32> to vector<1x16xf32>
      tpu.vector_store %arg7[%swap3A_543, %swap3A_544], %swap3A_547 {strides = array<i32>} : memref<32x1024xf32, #tpu.memory_space<vmem>>, vector<1x16xf32>,
      %get3A_548 = arith.index_cast %scan3A_44 : i32 to index
      %get3A_549 = arith.constant 496 : index
      %get3A_550 = tpu.vector_load %arg7[%get3A_548, %get3A_549] {strides = array<i32>} : memref<32x1024xf32, #tpu.memory_space<vmem>>, vector<1x16xf32>,
      %get3A_551 = vector.shape_cast %get3A_550 : vector<1x16xf32> to vector<16xf32>
      %get3A_552 = arith.index_cast %scan3A_44 : i32 to index
      %get3A_553 = arith.constant 496 : index
      %get3A_554 = tpu.vector_load %arg8[%get3A_552, %get3A_553] {strides = array<i32>} : memref<32x1024xf32, #tpu.memory_space<vmem>>, vector<1x16xf32>,
      %get3A_555 = vector.shape_cast %get3A_554 : vector<1x16xf32> to vector<16xf32>
      %mul3A_556 = arith.mulf %get3A_551, %get3A_48 : vector<16xf32>
      %mul3A_557 = arith.mulf %get3A_555, %get3A_52 : vector<16xf32>
      %add3A_558 = arith.addf %mul3A_556, %mul3A_557 : vector<16xf32>
      %swap3A_559 = arith.index_cast %scan3A_44 : i32 to index
      %swap3A_560 = arith.constant 496 : index
      %swap3A_561 = tpu.vector_load %arg7[%swap3A_559, %swap3A_560] {strides = array<i32>} : memref<32x1024xf32, #tpu.memory_space<vmem>>, vector<1x16xf32>,
      %swap3A_562 = vector.shape_cast %swap3A_561 : vector<1x16xf32> to vector<16xf32>
      %swap3A_563 = vector.shape_cast %add3A_558 : vector<16xf32> to vector<1x16xf32>
      tpu.vector_store %arg7[%swap3A_559, %swap3A_560], %swap3A_563 {strides = array<i32>} : memref<32x1024xf32, #tpu.memory_space<vmem>>, vector<1x16xf32>,
      %get3A_564 = arith.index_cast %scan3A_44 : i32 to index
      %get3A_565 = arith.constant 512 : index
      %get3A_566 = tpu.vector_load %arg7[%get3A_564, %get3A_565] {strides = array<i32>} : memref<32x1024xf32, #tpu.memory_space<vmem>>, vector<1x16xf32>,
      %get3A_567 = vector.shape_cast %get3A_566 : vector<1x16xf32> to vector<16xf32>
      %get3A_568 = arith.index_cast %scan3A_44 : i32 to index
      %get3A_569 = arith.constant 512 : index
      %get3A_570 = tpu.vector_load %arg8[%get3A_568, %get3A_569] {strides = array<i32>} : memref<32x1024xf32, #tpu.memory_space<vmem>>, vector<1x16xf32>,
      %get3A_571 = vector.shape_cast %get3A_570 : vector<1x16xf32> to vector<16xf32>
      %mul3A_572 = arith.mulf %get3A_567, %get3A_48 : vector<16xf32>
      %mul3A_573 = arith.mulf %get3A_571, %get3A_52 : vector<16xf32>
      %add3A_574 = arith.addf %mul3A_572, %mul3A_573 : vector<16xf32>
      %swap3A_575 = arith.index_cast %scan3A_44 : i32 to index
      %swap3A_576 = arith.constant 512 : index
      %swap3A_577 = tpu.vector_load %arg7[%swap3A_575, %swap3A_576] {strides = array<i32>} : memref<32x1024xf32, #tpu.memory_space<vmem>>, vector<1x16xf32>,
      %swap3A_578 = vector.shape_cast %swap3A_577 : vector<1x16xf32> to vector<16xf32>
      %swap3A_579 = vector.shape_cast %add3A_574 : vector<16xf32> to vector<1x16xf32>
      tpu.vector_store %arg7[%swap3A_575, %swap3A_576], %swap3A_579 {strides = array<i32>} : memref<32x1024xf32, #tpu.memory_space<vmem>>, vector<1x16xf32>,
      %get3A_580 = arith.index_cast %scan3A_44 : i32 to index
      %get3A_581 = arith.constant 528 : index
      %get3A_582 = tpu.vector_load %arg7[%get3A_580, %get3A_581] {strides = array<i32>} : memref<32x1024xf32, #tpu.memory_space<vmem>>, vector<1x16xf32>,
      %get3A_583 = vector.shape_cast %get3A_582 : vector<1x16xf32> to vector<16xf32>
      %get3A_584 = arith.index_cast %scan3A_44 : i32 to index
      %get3A_585 = arith.constant 528 : index
      %get3A_586 = tpu.vector_load %arg8[%get3A_584, %get3A_585] {strides = array<i32>} : memref<32x1024xf32, #tpu.memory_space<vmem>>, vector<1x16xf32>,
      %get3A_587 = vector.shape_cast %get3A_586 : vector<1x16xf32> to vector<16xf32>
      %mul3A_588 = arith.mulf %get3A_583, %get3A_48 : vector<16xf32>
      %mul3A_589 = arith.mulf %get3A_587, %get3A_52 : vector<16xf32>
      %add3A_590 = arith.addf %mul3A_588, %mul3A_589 : vector<16xf32>
      %swap3A_591 = arith.index_cast %scan3A_44 : i32 to index
      %swap3A_592 = arith.constant 528 : index
      %swap3A_593 = tpu.vector_load %arg7[%swap3A_591, %swap3A_592] {strides = array<i32>} : memref<32x1024xf32, #tpu.memory_space<vmem>>, vector<1x16xf32>,
      %swap3A_594 = vector.shape_cast %swap3A_593 : vector<1x16xf32> to vector<16xf32>
      %swap3A_595 = vector.shape_cast %add3A_590 : vector<16xf32> to vector<1x16xf32>
      tpu.vector_store %arg7[%swap3A_591, %swap3A_592], %swap3A_595 {strides = array<i32>} : memref<32x1024xf32, #tpu.memory_space<vmem>>, vector<1x16xf32>,
      %get3A_596 = arith.index_cast %scan3A_44 : i32 to index
      %get3A_597 = arith.constant 544 : index
      %get3A_598 = tpu.vector_load %arg7[%get3A_596, %get3A_597] {strides = array<i32>} : memref<32x1024xf32, #tpu.memory_space<vmem>>, vector<1x16xf32>,
      %get3A_599 = vector.shape_cast %get3A_598 : vector<1x16xf32> to vector<16xf32>
      %get3A_600 = arith.index_cast %scan3A_44 : i32 to index
      %get3A_601 = arith.constant 544 : index
      %get3A_602 = tpu.vector_load %arg8[%get3A_600, %get3A_601] {strides = array<i32>} : memref<32x1024xf32, #tpu.memory_space<vmem>>, vector<1x16xf32>,
      %get3A_603 = vector.shape_cast %get3A_602 : vector<1x16xf32> to vector<16xf32>
      %mul3A_604 = arith.mulf %get3A_599, %get3A_48 : vector<16xf32>
      %mul3A_605 = arith.mulf %get3A_603, %get3A_52 : vector<16xf32>
      %add3A_606 = arith.addf %mul3A_604, %mul3A_605 : vector<16xf32>
      %swap3A_607 = arith.index_cast %scan3A_44 : i32 to index
      %swap3A_608 = arith.constant 544 : index
      %swap3A_609 = tpu.vector_load %arg7[%swap3A_607, %swap3A_608] {strides = array<i32>} : memref<32x1024xf32, #tpu.memory_space<vmem>>, vector<1x16xf32>,
      %swap3A_610 = vector.shape_cast %swap3A_609 : vector<1x16xf32> to vector<16xf32>
      %swap3A_611 = vector.shape_cast %add3A_606 : vector<16xf32> to vector<1x16xf32>
      tpu.vector_store %arg7[%swap3A_607, %swap3A_608], %swap3A_611 {strides = array<i32>} : memref<32x1024xf32, #tpu.memory_space<vmem>>, vector<1x16xf32>,
      %get3A_612 = arith.index_cast %scan3A_44 : i32 to index
      %get3A_613 = arith.constant 560 : index
      %get3A_614 = tpu.vector_load %arg7[%get3A_612, %get3A_613] {strides = array<i32>} : memref<32x1024xf32, #tpu.memory_space<vmem>>, vector<1x16xf32>,
      %get3A_615 = vector.shape_cast %get3A_614 : vector<1x16xf32> to vector<16xf32>
      %get3A_616 = arith.index_cast %scan3A_44 : i32 to index
      %get3A_617 = arith.constant 560 : index
      %get3A_618 = tpu.vector_load %arg8[%get3A_616, %get3A_617] {strides = array<i32>} : memref<32x1024xf32, #tpu.memory_space<vmem>>, vector<1x16xf32>,
      %get3A_619 = vector.shape_cast %get3A_618 : vector<1x16xf32> to vector<16xf32>
      %mul3A_620 = arith.mulf %get3A_615, %get3A_48 : vector<16xf32>
      %mul3A_621 = arith.mulf %get3A_619, %get3A_52 : vector<16xf32>
      %add3A_622 = arith.addf %mul3A_620, %mul3A_621 : vector<16xf32>
      %swap3A_623 = arith.index_cast %scan3A_44 : i32 to index
      %swap3A_624 = arith.constant 560 : index
      %swap3A_625 = tpu.vector_load %arg7[%swap3A_623, %swap3A_624] {strides = array<i32>} : memref<32x1024xf32, #tpu.memory_space<vmem>>, vector<1x16xf32>,
      %swap3A_626 = vector.shape_cast %swap3A_625 : vector<1x16xf32> to vector<16xf32>
      %swap3A_627 = vector.shape_cast %add3A_622 : vector<16xf32> to vector<1x16xf32>
      tpu.vector_store %arg7[%swap3A_623, %swap3A_624], %swap3A_627 {strides = array<i32>} : memref<32x1024xf32, #tpu.memory_space<vmem>>, vector<1x16xf32>,
      %get3A_628 = arith.index_cast %scan3A_44 : i32 to index
      %get3A_629 = arith.constant 576 : index
      %get3A_630 = tpu.vector_load %arg7[%get3A_628, %get3A_629] {strides = array<i32>} : memref<32x1024xf32, #tpu.memory_space<vmem>>, vector<1x16xf32>,
      %get3A_631 = vector.shape_cast %get3A_630 : vector<1x16xf32> to vector<16xf32>
      %get3A_632 = arith.index_cast %scan3A_44 : i32 to index
      %get3A_633 = arith.constant 576 : index
      %get3A_634 = tpu.vector_load %arg8[%get3A_632, %get3A_633] {strides = array<i32>} : memref<32x1024xf32, #tpu.memory_space<vmem>>, vector<1x16xf32>,
      %get3A_635 = vector.shape_cast %get3A_634 : vector<1x16xf32> to vector<16xf32>
      %mul3A_636 = arith.mulf %get3A_631, %get3A_48 : vector<16xf32>
      %mul3A_637 = arith.mulf %get3A_635, %get3A_52 : vector<16xf32>
      %add3A_638 = arith.addf %mul3A_636, %mul3A_637 : vector<16xf32>
      %swap3A_639 = arith.index_cast %scan3A_44 : i32 to index
      %swap3A_640 = arith.constant 576 : index
      %swap3A_641 = tpu.vector_load %arg7[%swap3A_639, %swap3A_640] {strides = array<i32>} : memref<32x1024xf32, #tpu.memory_space<vmem>>, vector<1x16xf32>,
      %swap3A_642 = vector.shape_cast %swap3A_641 : vector<1x16xf32> to vector<16xf32>
      %swap3A_643 = vector.shape_cast %add3A_638 : vector<16xf32> to vector<1x16xf32>
      tpu.vector_store %arg7[%swap3A_639, %swap3A_640], %swap3A_643 {strides = array<i32>} : memref<32x1024xf32, #tpu.memory_space<vmem>>, vector<1x16xf32>,
      %get3A_644 = arith.index_cast %scan3A_44 : i32 to index
      %get3A_645 = arith.constant 592 : index
      %get3A_646 = tpu.vector_load %arg7[%get3A_644, %get3A_645] {strides = array<i32>} : memref<32x1024xf32, #tpu.memory_space<vmem>>, vector<1x16xf32>,
      %get3A_647 = vector.shape_cast %get3A_646 : vector<1x16xf32> to vector<16xf32>
      %get3A_648 = arith.index_cast %scan3A_44 : i32 to index
      %get3A_649 = arith.constant 592 : index
      %get3A_650 = tpu.vector_load %arg8[%get3A_648, %get3A_649] {strides = array<i32>} : memref<32x1024xf32, #tpu.memory_space<vmem>>, vector<1x16xf32>,
      %get3A_651 = vector.shape_cast %get3A_650 : vector<1x16xf32> to vector<16xf32>
      %mul3A_652 = arith.mulf %get3A_647, %get3A_48 : vector<16xf32>
      %mul3A_653 = arith.mulf %get3A_651, %get3A_52 : vector<16xf32>
      %add3A_654 = arith.addf %mul3A_652, %mul3A_653 : vector<16xf32>
      %swap3A_655 = arith.index_cast %scan3A_44 : i32 to index
      %swap3A_656 = arith.constant 592 : index
      %swap3A_657 = tpu.vector_load %arg7[%swap3A_655, %swap3A_656] {strides = array<i32>} : memref<32x1024xf32, #tpu.memory_space<vmem>>, vector<1x16xf32>,
      %swap3A_658 = vector.shape_cast %swap3A_657 : vector<1x16xf32> to vector<16xf32>
      %swap3A_659 = vector.shape_cast %add3A_654 : vector<16xf32> to vector<1x16xf32>
      tpu.vector_store %arg7[%swap3A_655, %swap3A_656], %swap3A_659 {strides = array<i32>} : memref<32x1024xf32, #tpu.memory_space<vmem>>, vector<1x16xf32>,
      %get3A_660 = arith.index_cast %scan3A_44 : i32 to index
      %get3A_661 = arith.constant 608 : index
      %get3A_662 = tpu.vector_load %arg7[%get3A_660, %get3A_661] {strides = array<i32>} : memref<32x1024xf32, #tpu.memory_space<vmem>>, vector<1x16xf32>,
      %get3A_663 = vector.shape_cast %get3A_662 : vector<1x16xf32> to vector<16xf32>
      %get3A_664 = arith.index_cast %scan3A_44 : i32 to index
      %get3A_665 = arith.constant 608 : index
      %get3A_666 = tpu.vector_load %arg8[%get3A_664, %get3A_665] {strides = array<i32>} : memref<32x1024xf32, #tpu.memory_space<vmem>>, vector<1x16xf32>,
      %get3A_667 = vector.shape_cast %get3A_666 : vector<1x16xf32> to vector<16xf32>
      %mul3A_668 = arith.mulf %get3A_663, %get3A_48 : vector<16xf32>
      %mul3A_669 = arith.mulf %get3A_667, %get3A_52 : vector<16xf32>
      %add3A_670 = arith.addf %mul3A_668, %mul3A_669 : vector<16xf32>
      %swap3A_671 = arith.index_cast %scan3A_44 : i32 to index
      %swap3A_672 = arith.constant 608 : index
      %swap3A_673 = tpu.vector_load %arg7[%swap3A_671, %swap3A_672] {strides = array<i32>} : memref<32x1024xf32, #tpu.memory_space<vmem>>, vector<1x16xf32>,
      %swap3A_674 = vector.shape_cast %swap3A_673 : vector<1x16xf32> to vector<16xf32>
      %swap3A_675 = vector.shape_cast %add3A_670 : vector<16xf32> to vector<1x16xf32>
      tpu.vector_store %arg7[%swap3A_671, %swap3A_672], %swap3A_675 {strides = array<i32>} : memref<32x1024xf32, #tpu.memory_space<vmem>>, vector<1x16xf32>,
      %get3A_676 = arith.index_cast %scan3A_44 : i32 to index
      %get3A_677 = arith.constant 624 : index
      %get3A_678 = tpu.vector_load %arg7[%get3A_676, %get3A_677] {strides = array<i32>} : memref<32x1024xf32, #tpu.memory_space<vmem>>, vector<1x16xf32>,
      %get3A_679 = vector.shape_cast %get3A_678 : vector<1x16xf32> to vector<16xf32>
      %get3A_680 = arith.index_cast %scan3A_44 : i32 to index
      %get3A_681 = arith.constant 624 : index
      %get3A_682 = tpu.vector_load %arg8[%get3A_680, %get3A_681] {strides = array<i32>} : memref<32x1024xf32, #tpu.memory_space<vmem>>, vector<1x16xf32>,
      %get3A_683 = vector.shape_cast %get3A_682 : vector<1x16xf32> to vector<16xf32>
      %mul3A_684 = arith.mulf %get3A_679, %get3A_48 : vector<16xf32>
      %mul3A_685 = arith.mulf %get3A_683, %get3A_52 : vector<16xf32>
      %add3A_686 = arith.addf %mul3A_684, %mul3A_685 : vector<16xf32>
      %swap3A_687 = arith.index_cast %scan3A_44 : i32 to index
      %swap3A_688 = arith.constant 624 : index
      %swap3A_689 = tpu.vector_load %arg7[%swap3A_687, %swap3A_688] {strides = array<i32>} : memref<32x1024xf32, #tpu.memory_space<vmem>>, vector<1x16xf32>,
      %swap3A_690 = vector.shape_cast %swap3A_689 : vector<1x16xf32> to vector<16xf32>
      %swap3A_691 = vector.shape_cast %add3A_686 : vector<16xf32> to vector<1x16xf32>
      tpu.vector_store %arg7[%swap3A_687, %swap3A_688], %swap3A_691 {strides = array<i32>} : memref<32x1024xf32, #tpu.memory_space<vmem>>, vector<1x16xf32>,
      %get3A_692 = arith.index_cast %scan3A_44 : i32 to index
      %get3A_693 = arith.constant 640 : index
      %get3A_694 = tpu.vector_load %arg7[%get3A_692, %get3A_693] {strides = array<i32>} : memref<32x1024xf32, #tpu.memory_space<vmem>>, vector<1x16xf32>,
      %get3A_695 = vector.shape_cast %get3A_694 : vector<1x16xf32> to vector<16xf32>
      %get3A_696 = arith.index_cast %scan3A_44 : i32 to index
      %get3A_697 = arith.constant 640 : index
      %get3A_698 = tpu.vector_load %arg8[%get3A_696, %get3A_697] {strides = array<i32>} : memref<32x1024xf32, #tpu.memory_space<vmem>>, vector<1x16xf32>,
      %get3A_699 = vector.shape_cast %get3A_698 : vector<1x16xf32> to vector<16xf32>
      %mul3A_700 = arith.mulf %get3A_695, %get3A_48 : vector<16xf32>
      %mul3A_701 = arith.mulf %get3A_699, %get3A_52 : vector<16xf32>
      %add3A_702 = arith.addf %mul3A_700, %mul3A_701 : vector<16xf32>
      %swap3A_703 = arith.index_cast %scan3A_44 : i32 to index
      %swap3A_704 = arith.constant 640 : index
      %swap3A_705 = tpu.vector_load %arg7[%swap3A_703, %swap3A_704] {strides = array<i32>} : memref<32x1024xf32, #tpu.memory_space<vmem>>, vector<1x16xf32>,
      %swap3A_706 = vector.shape_cast %swap3A_705 : vector<1x16xf32> to vector<16xf32>
      %swap3A_707 = vector.shape_cast %add3A_702 : vector<16xf32> to vector<1x16xf32>
      tpu.vector_store %arg7[%swap3A_703, %swap3A_704], %swap3A_707 {strides = array<i32>} : memref<32x1024xf32, #tpu.memory_space<vmem>>, vector<1x16xf32>,
      %get3A_708 = arith.index_cast %scan3A_44 : i32 to index
      %get3A_709 = arith.constant 656 : index
      %get3A_710 = tpu.vector_load %arg7[%get3A_708, %get3A_709] {strides = array<i32>} : memref<32x1024xf32, #tpu.memory_space<vmem>>, vector<1x16xf32>,
      %get3A_711 = vector.shape_cast %get3A_710 : vector<1x16xf32> to vector<16xf32>
      %get3A_712 = arith.index_cast %scan3A_44 : i32 to index
      %get3A_713 = arith.constant 656 : index
      %get3A_714 = tpu.vector_load %arg8[%get3A_712, %get3A_713] {strides = array<i32>} : memref<32x1024xf32, #tpu.memory_space<vmem>>, vector<1x16xf32>,
      %get3A_715 = vector.shape_cast %get3A_714 : vector<1x16xf32> to vector<16xf32>
      %mul3A_716 = arith.mulf %get3A_711, %get3A_48 : vector<16xf32>
      %mul3A_717 = arith.mulf %get3A_715, %get3A_52 : vector<16xf32>
      %add3A_718 = arith.addf %mul3A_716, %mul3A_717 : vector<16xf32>
      %swap3A_719 = arith.index_cast %scan3A_44 : i32 to index
      %swap3A_720 = arith.constant 656 : index
      %swap3A_721 = tpu.vector_load %arg7[%swap3A_719, %swap3A_720] {strides = array<i32>} : memref<32x1024xf32, #tpu.memory_space<vmem>>, vector<1x16xf32>,
      %swap3A_722 = vector.shape_cast %swap3A_721 : vector<1x16xf32> to vector<16xf32>
      %swap3A_723 = vector.shape_cast %add3A_718 : vector<16xf32> to vector<1x16xf32>
      tpu.vector_store %arg7[%swap3A_719, %swap3A_720], %swap3A_723 {strides = array<i32>} : memref<32x1024xf32, #tpu.memory_space<vmem>>, vector<1x16xf32>,
      %get3A_724 = arith.index_cast %scan3A_44 : i32 to index
      %get3A_725 = arith.constant 672 : index
      %get3A_726 = tpu.vector_load %arg7[%get3A_724, %get3A_725] {strides = array<i32>} : memref<32x1024xf32, #tpu.memory_space<vmem>>, vector<1x16xf32>,
      %get3A_727 = vector.shape_cast %get3A_726 : vector<1x16xf32> to vector<16xf32>
      %get3A_728 = arith.index_cast %scan3A_44 : i32 to index
      %get3A_729 = arith.constant 672 : index
      %get3A_730 = tpu.vector_load %arg8[%get3A_728, %get3A_729] {strides = array<i32>} : memref<32x1024xf32, #tpu.memory_space<vmem>>, vector<1x16xf32>,
      %get3A_731 = vector.shape_cast %get3A_730 : vector<1x16xf32> to vector<16xf32>
      %mul3A_732 = arith.mulf %get3A_727, %get3A_48 : vector<16xf32>
      %mul3A_733 = arith.mulf %get3A_731, %get3A_52 : vector<16xf32>
      %add3A_734 = arith.addf %mul3A_732, %mul3A_733 : vector<16xf32>
      %swap3A_735 = arith.index_cast %scan3A_44 : i32 to index
      %swap3A_736 = arith.constant 672 : index
      %swap3A_737 = tpu.vector_load %arg7[%swap3A_735, %swap3A_736] {strides = array<i32>} : memref<32x1024xf32, #tpu.memory_space<vmem>>, vector<1x16xf32>,
      %swap3A_738 = vector.shape_cast %swap3A_737 : vector<1x16xf32> to vector<16xf32>
      %swap3A_739 = vector.shape_cast %add3A_734 : vector<16xf32> to vector<1x16xf32>
      tpu.vector_store %arg7[%swap3A_735, %swap3A_736], %swap3A_739 {strides = array<i32>} : memref<32x1024xf32, #tpu.memory_space<vmem>>, vector<1x16xf32>,
      %get3A_740 = arith.index_cast %scan3A_44 : i32 to index
      %get3A_741 = arith.constant 688 : index
      %get3A_742 = tpu.vector_load %arg7[%get3A_740, %get3A_741] {strides = array<i32>} : memref<32x1024xf32, #tpu.memory_space<vmem>>, vector<1x16xf32>,
      %get3A_743 = vector.shape_cast %get3A_742 : vector<1x16xf32> to vector<16xf32>
      %get3A_744 = arith.index_cast %scan3A_44 : i32 to index
      %get3A_745 = arith.constant 688 : index
      %get3A_746 = tpu.vector_load %arg8[%get3A_744, %get3A_745] {strides = array<i32>} : memref<32x1024xf32, #tpu.memory_space<vmem>>, vector<1x16xf32>,
      %get3A_747 = vector.shape_cast %get3A_746 : vector<1x16xf32> to vector<16xf32>
      %mul3A_748 = arith.mulf %get3A_743, %get3A_48 : vector<16xf32>
      %mul3A_749 = arith.mulf %get3A_747, %get3A_52 : vector<16xf32>
      %add3A_750 = arith.addf %mul3A_748, %mul3A_749 : vector<16xf32>
      %swap3A_751 = arith.index_cast %scan3A_44 : i32 to index
      %swap3A_752 = arith.constant 688 : index
      %swap3A_753 = tpu.vector_load %arg7[%swap3A_751, %swap3A_752] {strides = array<i32>} : memref<32x1024xf32, #tpu.memory_space<vmem>>, vector<1x16xf32>,
      %swap3A_754 = vector.shape_cast %swap3A_753 : vector<1x16xf32> to vector<16xf32>
      %swap3A_755 = vector.shape_cast %add3A_750 : vector<16xf32> to vector<1x16xf32>
      tpu.vector_store %arg7[%swap3A_751, %swap3A_752], %swap3A_755 {strides = array<i32>} : memref<32x1024xf32, #tpu.memory_space<vmem>>, vector<1x16xf32>,
      %get3A_756 = arith.index_cast %scan3A_44 : i32 to index
      %get3A_757 = arith.constant 704 : index
      %get3A_758 = tpu.vector_load %arg7[%get3A_756, %get3A_757] {strides = array<i32>} : memref<32x1024xf32, #tpu.memory_space<vmem>>, vector<1x16xf32>,
      %get3A_759 = vector.shape_cast %get3A_758 : vector<1x16xf32> to vector<16xf32>
      %get3A_760 = arith.index_cast %scan3A_44 : i32 to index
      %get3A_761 = arith.constant 704 : index
      %get3A_762 = tpu.vector_load %arg8[%get3A_760, %get3A_761] {strides = array<i32>} : memref<32x1024xf32, #tpu.memory_space<vmem>>, vector<1x16xf32>,
      %get3A_763 = vector.shape_cast %get3A_762 : vector<1x16xf32> to vector<16xf32>
      %mul3A_764 = arith.mulf %get3A_759, %get3A_48 : vector<16xf32>
      %mul3A_765 = arith.mulf %get3A_763, %get3A_52 : vector<16xf32>
      %add3A_766 = arith.addf %mul3A_764, %mul3A_765 : vector<16xf32>
      %swap3A_767 = arith.index_cast %scan3A_44 : i32 to index
      %swap3A_768 = arith.constant 704 : index
      %swap3A_769 = tpu.vector_load %arg7[%swap3A_767, %swap3A_768] {strides = array<i32>} : memref<32x1024xf32, #tpu.memory_space<vmem>>, vector<1x16xf32>,
      %swap3A_770 = vector.shape_cast %swap3A_769 : vector<1x16xf32> to vector<16xf32>
      %swap3A_771 = vector.shape_cast %add3A_766 : vector<16xf32> to vector<1x16xf32>
      tpu.vector_store %arg7[%swap3A_767, %swap3A_768], %swap3A_771 {strides = array<i32>} : memref<32x1024xf32, #tpu.memory_space<vmem>>, vector<1x16xf32>,
      %get3A_772 = arith.index_cast %scan3A_44 : i32 to index
      %get3A_773 = arith.constant 720 : index
      %get3A_774 = tpu.vector_load %arg7[%get3A_772, %get3A_773] {strides = array<i32>} : memref<32x1024xf32, #tpu.memory_space<vmem>>, vector<1x16xf32>,
      %get3A_775 = vector.shape_cast %get3A_774 : vector<1x16xf32> to vector<16xf32>
      %get3A_776 = arith.index_cast %scan3A_44 : i32 to index
      %get3A_777 = arith.constant 720 : index
      %get3A_778 = tpu.vector_load %arg8[%get3A_776, %get3A_777] {strides = array<i32>} : memref<32x1024xf32, #tpu.memory_space<vmem>>, vector<1x16xf32>,
      %get3A_779 = vector.shape_cast %get3A_778 : vector<1x16xf32> to vector<16xf32>
      %mul3A_780 = arith.mulf %get3A_775, %get3A_48 : vector<16xf32>
      %mul3A_781 = arith.mulf %get3A_779, %get3A_52 : vector<16xf32>
      %add3A_782 = arith.addf %mul3A_780, %mul3A_781 : vector<16xf32>
      %swap3A_783 = arith.index_cast %scan3A_44 : i32 to index
      %swap3A_784 = arith.constant 720 : index
      %swap3A_785 = tpu.vector_load %arg7[%swap3A_783, %swap3A_784] {strides = array<i32>} : memref<32x1024xf32, #tpu.memory_space<vmem>>, vector<1x16xf32>,
      %swap3A_786 = vector.shape_cast %swap3A_785 : vector<1x16xf32> to vector<16xf32>
      %swap3A_787 = vector.shape_cast %add3A_782 : vector<16xf32> to vector<1x16xf32>
      tpu.vector_store %arg7[%swap3A_783, %swap3A_784], %swap3A_787 {strides = array<i32>} : memref<32x1024xf32, #tpu.memory_space<vmem>>, vector<1x16xf32>,
      %get3A_788 = arith.index_cast %scan3A_44 : i32 to index
      %get3A_789 = arith.constant 736 : index
      %get3A_790 = tpu.vector_load %arg7[%get3A_788, %get3A_789] {strides = array<i32>} : memref<32x1024xf32, #tpu.memory_space<vmem>>, vector<1x16xf32>,
      %get3A_791 = vector.shape_cast %get3A_790 : vector<1x16xf32> to vector<16xf32>
      %get3A_792 = arith.index_cast %scan3A_44 : i32 to index
      %get3A_793 = arith.constant 736 : index
      %get3A_794 = tpu.vector_load %arg8[%get3A_792, %get3A_793] {strides = array<i32>} : memref<32x1024xf32, #tpu.memory_space<vmem>>, vector<1x16xf32>,
      %get3A_795 = vector.shape_cast %get3A_794 : vector<1x16xf32> to vector<16xf32>
      %mul3A_796 = arith.mulf %get3A_791, %get3A_48 : vector<16xf32>
      %mul3A_797 = arith.mulf %get3A_795, %get3A_52 : vector<16xf32>
      %add3A_798 = arith.addf %mul3A_796, %mul3A_797 : vector<16xf32>
      %swap3A_799 = arith.index_cast %scan3A_44 : i32 to index
      %swap3A_800 = arith.constant 736 : index
      %swap3A_801 = tpu.vector_load %arg7[%swap3A_799, %swap3A_800] {strides = array<i32>} : memref<32x1024xf32, #tpu.memory_space<vmem>>, vector<1x16xf32>,
      %swap3A_802 = vector.shape_cast %swap3A_801 : vector<1x16xf32> to vector<16xf32>
      %swap3A_803 = vector.shape_cast %add3A_798 : vector<16xf32> to vector<1x16xf32>
      tpu.vector_store %arg7[%swap3A_799, %swap3A_800], %swap3A_803 {strides = array<i32>} : memref<32x1024xf32, #tpu.memory_space<vmem>>, vector<1x16xf32>,
      %get3A_804 = arith.index_cast %scan3A_44 : i32 to index
      %get3A_805 = arith.constant 752 : index
      %get3A_806 = tpu.vector_load %arg7[%get3A_804, %get3A_805] {strides = array<i32>} : memref<32x1024xf32, #tpu.memory_space<vmem>>, vector<1x16xf32>,
      %get3A_807 = vector.shape_cast %get3A_806 : vector<1x16xf32> to vector<16xf32>
      %get3A_808 = arith.index_cast %scan3A_44 : i32 to index
      %get3A_809 = arith.constant 752 : index
      %get3A_810 = tpu.vector_load %arg8[%get3A_808, %get3A_809] {strides = array<i32>} : memref<32x1024xf32, #tpu.memory_space<vmem>>, vector<1x16xf32>,
      %get3A_811 = vector.shape_cast %get3A_810 : vector<1x16xf32> to vector<16xf32>
      %mul3A_812 = arith.mulf %get3A_807, %get3A_48 : vector<16xf32>
      %mul3A_813 = arith.mulf %get3A_811, %get3A_52 : vector<16xf32>
      %add3A_814 = arith.addf %mul3A_812, %mul3A_813 : vector<16xf32>
      %swap3A_815 = arith.index_cast %scan3A_44 : i32 to index
      %swap3A_816 = arith.constant 752 : index
      %swap3A_817 = tpu.vector_load %arg7[%swap3A_815, %swap3A_816] {strides = array<i32>} : memref<32x1024xf32, #tpu.memory_space<vmem>>, vector<1x16xf32>,
      %swap3A_818 = vector.shape_cast %swap3A_817 : vector<1x16xf32> to vector<16xf32>
      %swap3A_819 = vector.shape_cast %add3A_814 : vector<16xf32> to vector<1x16xf32>
      tpu.vector_store %arg7[%swap3A_815, %swap3A_816], %swap3A_819 {strides = array<i32>} : memref<32x1024xf32, #tpu.memory_space<vmem>>, vector<1x16xf32>,
      %get3A_820 = arith.index_cast %scan3A_44 : i32 to index
      %get3A_821 = arith.constant 768 : index
      %get3A_822 = tpu.vector_load %arg7[%get3A_820, %get3A_821] {strides = array<i32>} : memref<32x1024xf32, #tpu.memory_space<vmem>>, vector<1x16xf32>,
      %get3A_823 = vector.shape_cast %get3A_822 : vector<1x16xf32> to vector<16xf32>
      %get3A_824 = arith.index_cast %scan3A_44 : i32 to index
      %get3A_825 = arith.constant 768 : index
      %get3A_826 = tpu.vector_load %arg8[%get3A_824, %get3A_825] {strides = array<i32>} : memref<32x1024xf32, #tpu.memory_space<vmem>>, vector<1x16xf32>,
      %get3A_827 = vector.shape_cast %get3A_826 : vector<1x16xf32> to vector<16xf32>
      %mul3A_828 = arith.mulf %get3A_823, %get3A_48 : vector<16xf32>
      %mul3A_829 = arith.mulf %get3A_827, %get3A_52 : vector<16xf32>
      %add3A_830 = arith.addf %mul3A_828, %mul3A_829 : vector<16xf32>
      %swap3A_831 = arith.index_cast %scan3A_44 : i32 to index
      %swap3A_832 = arith.constant 768 : index
      %swap3A_833 = tpu.vector_load %arg7[%swap3A_831, %swap3A_832] {strides = array<i32>} : memref<32x1024xf32, #tpu.memory_space<vmem>>, vector<1x16xf32>,
      %swap3A_834 = vector.shape_cast %swap3A_833 : vector<1x16xf32> to vector<16xf32>
      %swap3A_835 = vector.shape_cast %add3A_830 : vector<16xf32> to vector<1x16xf32>
      tpu.vector_store %arg7[%swap3A_831, %swap3A_832], %swap3A_835 {strides = array<i32>} : memref<32x1024xf32, #tpu.memory_space<vmem>>, vector<1x16xf32>,
      %get3A_836 = arith.index_cast %scan3A_44 : i32 to index
      %get3A_837 = arith.constant 784 : index
      %get3A_838 = tpu.vector_load %arg7[%get3A_836, %get3A_837] {strides = array<i32>} : memref<32x1024xf32, #tpu.memory_space<vmem>>, vector<1x16xf32>,
      %get3A_839 = vector.shape_cast %get3A_838 : vector<1x16xf32> to vector<16xf32>
      %get3A_840 = arith.index_cast %scan3A_44 : i32 to index
      %get3A_841 = arith.constant 784 : index
      %get3A_842 = tpu.vector_load %arg8[%get3A_840, %get3A_841] {strides = array<i32>} : memref<32x1024xf32, #tpu.memory_space<vmem>>, vector<1x16xf32>,
      %get3A_843 = vector.shape_cast %get3A_842 : vector<1x16xf32> to vector<16xf32>
      %mul3A_844 = arith.mulf %get3A_839, %get3A_48 : vector<16xf32>
      %mul3A_845 = arith.mulf %get3A_843, %get3A_52 : vector<16xf32>
      %add3A_846 = arith.addf %mul3A_844, %mul3A_845 : vector<16xf32>
      %swap3A_847 = arith.index_cast %scan3A_44 : i32 to index
      %swap3A_848 = arith.constant 784 : index
      %swap3A_849 = tpu.vector_load %arg7[%swap3A_847, %swap3A_848] {strides = array<i32>} : memref<32x1024xf32, #tpu.memory_space<vmem>>, vector<1x16xf32>,
      %swap3A_850 = vector.shape_cast %swap3A_849 : vector<1x16xf32> to vector<16xf32>
      %swap3A_851 = vector.shape_cast %add3A_846 : vector<16xf32> to vector<1x16xf32>
      tpu.vector_store %arg7[%swap3A_847, %swap3A_848], %swap3A_851 {strides = array<i32>} : memref<32x1024xf32, #tpu.memory_space<vmem>>, vector<1x16xf32>,
      %get3A_852 = arith.index_cast %scan3A_44 : i32 to index
      %get3A_853 = arith.constant 800 : index
      %get3A_854 = tpu.vector_load %arg7[%get3A_852, %get3A_853] {strides = array<i32>} : memref<32x1024xf32, #tpu.memory_space<vmem>>, vector<1x16xf32>,
      %get3A_855 = vector.shape_cast %get3A_854 : vector<1x16xf32> to vector<16xf32>
      %get3A_856 = arith.index_cast %scan3A_44 : i32 to index
      %get3A_857 = arith.constant 800 : index
      %get3A_858 = tpu.vector_load %arg8[%get3A_856, %get3A_857] {strides = array<i32>} : memref<32x1024xf32, #tpu.memory_space<vmem>>, vector<1x16xf32>,
      %get3A_859 = vector.shape_cast %get3A_858 : vector<1x16xf32> to vector<16xf32>
      %mul3A_860 = arith.mulf %get3A_855, %get3A_48 : vector<16xf32>
      %mul3A_861 = arith.mulf %get3A_859, %get3A_52 : vector<16xf32>
      %add3A_862 = arith.addf %mul3A_860, %mul3A_861 : vector<16xf32>
      %swap3A_863 = arith.index_cast %scan3A_44 : i32 to index
      %swap3A_864 = arith.constant 800 : index
      %swap3A_865 = tpu.vector_load %arg7[%swap3A_863, %swap3A_864] {strides = array<i32>} : memref<32x1024xf32, #tpu.memory_space<vmem>>, vector<1x16xf32>,
      %swap3A_866 = vector.shape_cast %swap3A_865 : vector<1x16xf32> to vector<16xf32>
      %swap3A_867 = vector.shape_cast %add3A_862 : vector<16xf32> to vector<1x16xf32>
      tpu.vector_store %arg7[%swap3A_863, %swap3A_864], %swap3A_867 {strides = array<i32>} : memref<32x1024xf32, #tpu.memory_space<vmem>>, vector<1x16xf32>,
      %get3A_868 = arith.index_cast %scan3A_44 : i32 to index
      %get3A_869 = arith.constant 816 : index
      %get3A_870 = tpu.vector_load %arg7[%get3A_868, %get3A_869] {strides = array<i32>} : memref<32x1024xf32, #tpu.memory_space<vmem>>, vector<1x16xf32>,
      %get3A_871 = vector.shape_cast %get3A_870 : vector<1x16xf32> to vector<16xf32>
      %get3A_872 = arith.index_cast %scan3A_44 : i32 to index
      %get3A_873 = arith.constant 816 : index
      %get3A_874 = tpu.vector_load %arg8[%get3A_872, %get3A_873] {strides = array<i32>} : memref<32x1024xf32, #tpu.memory_space<vmem>>, vector<1x16xf32>,
      %get3A_875 = vector.shape_cast %get3A_874 : vector<1x16xf32> to vector<16xf32>
      %mul3A_876 = arith.mulf %get3A_871, %get3A_48 : vector<16xf32>
      %mul3A_877 = arith.mulf %get3A_875, %get3A_52 : vector<16xf32>
      %add3A_878 = arith.addf %mul3A_876, %mul3A_877 : vector<16xf32>
      %swap3A_879 = arith.index_cast %scan3A_44 : i32 to index
      %swap3A_880 = arith.constant 816 : index
      %swap3A_881 = tpu.vector_load %arg7[%swap3A_879, %swap3A_880] {strides = array<i32>} : memref<32x1024xf32, #tpu.memory_space<vmem>>, vector<1x16xf32>,
      %swap3A_882 = vector.shape_cast %swap3A_881 : vector<1x16xf32> to vector<16xf32>
      %swap3A_883 = vector.shape_cast %add3A_878 : vector<16xf32> to vector<1x16xf32>
      tpu.vector_store %arg7[%swap3A_879, %swap3A_880], %swap3A_883 {strides = array<i32>} : memref<32x1024xf32, #tpu.memory_space<vmem>>, vector<1x16xf32>,
      %get3A_884 = arith.index_cast %scan3A_44 : i32 to index
      %get3A_885 = arith.constant 832 : index
      %get3A_886 = tpu.vector_load %arg7[%get3A_884, %get3A_885] {strides = array<i32>} : memref<32x1024xf32, #tpu.memory_space<vmem>>, vector<1x16xf32>,
      %get3A_887 = vector.shape_cast %get3A_886 : vector<1x16xf32> to vector<16xf32>
      %get3A_888 = arith.index_cast %scan3A_44 : i32 to index
      %get3A_889 = arith.constant 832 : index
      %get3A_890 = tpu.vector_load %arg8[%get3A_888, %get3A_889] {strides = array<i32>} : memref<32x1024xf32, #tpu.memory_space<vmem>>, vector<1x16xf32>,
      %get3A_891 = vector.shape_cast %get3A_890 : vector<1x16xf32> to vector<16xf32>
      %mul3A_892 = arith.mulf %get3A_887, %get3A_48 : vector<16xf32>
      %mul3A_893 = arith.mulf %get3A_891, %get3A_52 : vector<16xf32>
      %add3A_894 = arith.addf %mul3A_892, %mul3A_893 : vector<16xf32>
      %swap3A_895 = arith.index_cast %scan3A_44 : i32 to index
      %swap3A_896 = arith.constant 832 : index
      %swap3A_897 = tpu.vector_load %arg7[%swap3A_895, %swap3A_896] {strides = array<i32>} : memref<32x1024xf32, #tpu.memory_space<vmem>>, vector<1x16xf32>,
      %swap3A_898 = vector.shape_cast %swap3A_897 : vector<1x16xf32> to vector<16xf32>
      %swap3A_899 = vector.shape_cast %add3A_894 : vector<16xf32> to vector<1x16xf32>
      tpu.vector_store %arg7[%swap3A_895, %swap3A_896], %swap3A_899 {strides = array<i32>} : memref<32x1024xf32, #tpu.memory_space<vmem>>, vector<1x16xf32>,
      %get3A_900 = arith.index_cast %scan3A_44 : i32 to index
      %get3A_901 = arith.constant 848 : index
      %get3A_902 = tpu.vector_load %arg7[%get3A_900, %get3A_901] {strides = array<i32>} : memref<32x1024xf32, #tpu.memory_space<vmem>>, vector<1x16xf32>,
      %get3A_903 = vector.shape_cast %get3A_902 : vector<1x16xf32> to vector<16xf32>
      %get3A_904 = arith.index_cast %scan3A_44 : i32 to index
      %get3A_905 = arith.constant 848 : index
      %get3A_906 = tpu.vector_load %arg8[%get3A_904, %get3A_905] {strides = array<i32>} : memref<32x1024xf32, #tpu.memory_space<vmem>>, vector<1x16xf32>,
      %get3A_907 = vector.shape_cast %get3A_906 : vector<1x16xf32> to vector<16xf32>
      %mul3A_908 = arith.mulf %get3A_903, %get3A_48 : vector<16xf32>
      %mul3A_909 = arith.mulf %get3A_907, %get3A_52 : vector<16xf32>
      %add3A_910 = arith.addf %mul3A_908, %mul3A_909 : vector<16xf32>
      %swap3A_911 = arith.index_cast %scan3A_44 : i32 to index
      %swap3A_912 = arith.constant 848 : index
      %swap3A_913 = tpu.vector_load %arg7[%swap3A_911, %swap3A_912] {strides = array<i32>} : memref<32x1024xf32, #tpu.memory_space<vmem>>, vector<1x16xf32>,
      %swap3A_914 = vector.shape_cast %swap3A_913 : vector<1x16xf32> to vector<16xf32>
      %swap3A_915 = vector.shape_cast %add3A_910 : vector<16xf32> to vector<1x16xf32>
      tpu.vector_store %arg7[%swap3A_911, %swap3A_912], %swap3A_915 {strides = array<i32>} : memref<32x1024xf32, #tpu.memory_space<vmem>>, vector<1x16xf32>,
      %get3A_916 = arith.index_cast %scan3A_44 : i32 to index
      %get3A_917 = arith.constant 864 : index
      %get3A_918 = tpu.vector_load %arg7[%get3A_916, %get3A_917] {strides = array<i32>} : memref<32x1024xf32, #tpu.memory_space<vmem>>, vector<1x16xf32>,
      %get3A_919 = vector.shape_cast %get3A_918 : vector<1x16xf32> to vector<16xf32>
      %get3A_920 = arith.index_cast %scan3A_44 : i32 to index
      %get3A_921 = arith.constant 864 : index
      %get3A_922 = tpu.vector_load %arg8[%get3A_920, %get3A_921] {strides = array<i32>} : memref<32x1024xf32, #tpu.memory_space<vmem>>, vector<1x16xf32>,
      %get3A_923 = vector.shape_cast %get3A_922 : vector<1x16xf32> to vector<16xf32>
      %mul3A_924 = arith.mulf %get3A_919, %get3A_48 : vector<16xf32>
      %mul3A_925 = arith.mulf %get3A_923, %get3A_52 : vector<16xf32>
      %add3A_926 = arith.addf %mul3A_924, %mul3A_925 : vector<16xf32>
      %swap3A_927 = arith.index_cast %scan3A_44 : i32 to index
      %swap3A_928 = arith.constant 864 : index
      %swap3A_929 = tpu.vector_load %arg7[%swap3A_927, %swap3A_928] {strides = array<i32>} : memref<32x1024xf32, #tpu.memory_space<vmem>>, vector<1x16xf32>,
      %swap3A_930 = vector.shape_cast %swap3A_929 : vector<1x16xf32> to vector<16xf32>
      %swap3A_931 = vector.shape_cast %add3A_926 : vector<16xf32> to vector<1x16xf32>
      tpu.vector_store %arg7[%swap3A_927, %swap3A_928], %swap3A_931 {strides = array<i32>} : memref<32x1024xf32, #tpu.memory_space<vmem>>, vector<1x16xf32>,
      %get3A_932 = arith.index_cast %scan3A_44 : i32 to index
      %get3A_933 = arith.constant 880 : index
      %get3A_934 = tpu.vector_load %arg7[%get3A_932, %get3A_933] {strides = array<i32>} : memref<32x1024xf32, #tpu.memory_space<vmem>>, vector<1x16xf32>,
      %get3A_935 = vector.shape_cast %get3A_934 : vector<1x16xf32> to vector<16xf32>
      %get3A_936 = arith.index_cast %scan3A_44 : i32 to index
      %get3A_937 = arith.constant 880 : index
      %get3A_938 = tpu.vector_load %arg8[%get3A_936, %get3A_937] {strides = array<i32>} : memref<32x1024xf32, #tpu.memory_space<vmem>>, vector<1x16xf32>,
      %get3A_939 = vector.shape_cast %get3A_938 : vector<1x16xf32> to vector<16xf32>
      %mul3A_940 = arith.mulf %get3A_935, %get3A_48 : vector<16xf32>
      %mul3A_941 = arith.mulf %get3A_939, %get3A_52 : vector<16xf32>
      %add3A_942 = arith.addf %mul3A_940, %mul3A_941 : vector<16xf32>
      %swap3A_943 = arith.index_cast %scan3A_44 : i32 to index
      %swap3A_944 = arith.constant 880 : index
      %swap3A_945 = tpu.vector_load %arg7[%swap3A_943, %swap3A_944] {strides = array<i32>} : memref<32x1024xf32, #tpu.memory_space<vmem>>, vector<1x16xf32>,
      %swap3A_946 = vector.shape_cast %swap3A_945 : vector<1x16xf32> to vector<16xf32>
      %swap3A_947 = vector.shape_cast %add3A_942 : vector<16xf32> to vector<1x16xf32>
      tpu.vector_store %arg7[%swap3A_943, %swap3A_944], %swap3A_947 {strides = array<i32>} : memref<32x1024xf32, #tpu.memory_space<vmem>>, vector<1x16xf32>,
      %get3A_948 = arith.index_cast %scan3A_44 : i32 to index
      %get3A_949 = arith.constant 896 : index
      %get3A_950 = tpu.vector_load %arg7[%get3A_948, %get3A_949] {strides = array<i32>} : memref<32x1024xf32, #tpu.memory_space<vmem>>, vector<1x16xf32>,
      %get3A_951 = vector.shape_cast %get3A_950 : vector<1x16xf32> to vector<16xf32>
      %get3A_952 = arith.index_cast %scan3A_44 : i32 to index
      %get3A_953 = arith.constant 896 : index
      %get3A_954 = tpu.vector_load %arg8[%get3A_952, %get3A_953] {strides = array<i32>} : memref<32x1024xf32, #tpu.memory_space<vmem>>, vector<1x16xf32>,
      %get3A_955 = vector.shape_cast %get3A_954 : vector<1x16xf32> to vector<16xf32>
      %mul3A_956 = arith.mulf %get3A_951, %get3A_48 : vector<16xf32>
      %mul3A_957 = arith.mulf %get3A_955, %get3A_52 : vector<16xf32>
      %add3A_958 = arith.addf %mul3A_956, %mul3A_957 : vector<16xf32>
      %swap3A_959 = arith.index_cast %scan3A_44 : i32 to index
      %swap3A_960 = arith.constant 896 : index
      %swap3A_961 = tpu.vector_load %arg7[%swap3A_959, %swap3A_960] {strides = array<i32>} : memref<32x1024xf32, #tpu.memory_space<vmem>>, vector<1x16xf32>,
      %swap3A_962 = vector.shape_cast %swap3A_961 : vector<1x16xf32> to vector<16xf32>
      %swap3A_963 = vector.shape_cast %add3A_958 : vector<16xf32> to vector<1x16xf32>
      tpu.vector_store %arg7[%swap3A_959, %swap3A_960], %swap3A_963 {strides = array<i32>} : memref<32x1024xf32, #tpu.memory_space<vmem>>, vector<1x16xf32>,
      %get3A_964 = arith.index_cast %scan3A_44 : i32 to index
      %get3A_965 = arith.constant 912 : index
      %get3A_966 = tpu.vector_load %arg7[%get3A_964, %get3A_965] {strides = array<i32>} : memref<32x1024xf32, #tpu.memory_space<vmem>>, vector<1x16xf32>,
      %get3A_967 = vector.shape_cast %get3A_966 : vector<1x16xf32> to vector<16xf32>
      %get3A_968 = arith.index_cast %scan3A_44 : i32 to index
      %get3A_969 = arith.constant 912 : index
      %get3A_970 = tpu.vector_load %arg8[%get3A_968, %get3A_969] {strides = array<i32>} : memref<32x1024xf32, #tpu.memory_space<vmem>>, vector<1x16xf32>,
      %get3A_971 = vector.shape_cast %get3A_970 : vector<1x16xf32> to vector<16xf32>
      %mul3A_972 = arith.mulf %get3A_967, %get3A_48 : vector<16xf32>
      %mul3A_973 = arith.mulf %get3A_971, %get3A_52 : vector<16xf32>
      %add3A_974 = arith.addf %mul3A_972, %mul3A_973 : vector<16xf32>
      %swap3A_975 = arith.index_cast %scan3A_44 : i32 to index
      %swap3A_976 = arith.constant 912 : index
      %swap3A_977 = tpu.vector_load %arg7[%swap3A_975, %swap3A_976] {strides = array<i32>} : memref<32x1024xf32, #tpu.memory_space<vmem>>, vector<1x16xf32>,
      %swap3A_978 = vector.shape_cast %swap3A_977 : vector<1x16xf32> to vector<16xf32>
      %swap3A_979 = vector.shape_cast %add3A_974 : vector<16xf32> to vector<1x16xf32>
      tpu.vector_store %arg7[%swap3A_975, %swap3A_976], %swap3A_979 {strides = array<i32>} : memref<32x1024xf32, #tpu.memory_space<vmem>>, vector<1x16xf32>,
      %get3A_980 = arith.index_cast %scan3A_44 : i32 to index
      %get3A_981 = arith.constant 928 : index
      %get3A_982 = tpu.vector_load %arg7[%get3A_980, %get3A_981] {strides = array<i32>} : memref<32x1024xf32, #tpu.memory_space<vmem>>, vector<1x16xf32>,
      %get3A_983 = vector.shape_cast %get3A_982 : vector<1x16xf32> to vector<16xf32>
      %get3A_984 = arith.index_cast %scan3A_44 : i32 to index
      %get3A_985 = arith.constant 928 : index
      %get3A_986 = tpu.vector_load %arg8[%get3A_984, %get3A_985] {strides = array<i32>} : memref<32x1024xf32, #tpu.memory_space<vmem>>, vector<1x16xf32>,
      %get3A_987 = vector.shape_cast %get3A_986 : vector<1x16xf32> to vector<16xf32>
      %mul3A_988 = arith.mulf %get3A_983, %get3A_48 : vector<16xf32>
      %mul3A_989 = arith.mulf %get3A_987, %get3A_52 : vector<16xf32>
      %add3A_990 = arith.addf %mul3A_988, %mul3A_989 : vector<16xf32>
      %swap3A_991 = arith.index_cast %scan3A_44 : i32 to index
      %swap3A_992 = arith.constant 928 : index
      %swap3A_993 = tpu.vector_load %arg7[%swap3A_991, %swap3A_992] {strides = array<i32>} : memref<32x1024xf32, #tpu.memory_space<vmem>>, vector<1x16xf32>,
      %swap3A_994 = vector.shape_cast %swap3A_993 : vector<1x16xf32> to vector<16xf32>
      %swap3A_995 = vector.shape_cast %add3A_990 : vector<16xf32> to vector<1x16xf32>
      tpu.vector_store %arg7[%swap3A_991, %swap3A_992], %swap3A_995 {strides = array<i32>} : memref<32x1024xf32, #tpu.memory_space<vmem>>, vector<1x16xf32>,
      %get3A_996 = arith.index_cast %scan3A_44 : i32 to index
      %get3A_997 = arith.constant 944 : index
      %get3A_998 = tpu.vector_load %arg7[%get3A_996, %get3A_997] {strides = array<i32>} : memref<32x1024xf32, #tpu.memory_space<vmem>>, vector<1x16xf32>,
      %get3A_999 = vector.shape_cast %get3A_998 : vector<1x16xf32> to vector<16xf32>
      %get3A_1000 = arith.index_cast %scan3A_44 : i32 to index
      %get3A_1001 = arith.constant 944 : index
      %get3A_1002 = tpu.vector_load %arg8[%get3A_1000, %get3A_1001] {strides = array<i32>} : memref<32x1024xf32, #tpu.memory_space<vmem>>, vector<1x16xf32>,
      %get3A_1003 = vector.shape_cast %get3A_1002 : vector<1x16xf32> to vector<16xf32>
      %mul3A_1004 = arith.mulf %get3A_999, %get3A_48 : vector<16xf32>
      %mul3A_1005 = arith.mulf %get3A_1003, %get3A_52 : vector<16xf32>
      %add3A_1006 = arith.addf %mul3A_1004, %mul3A_1005 : vector<16xf32>
      %swap3A_1007 = arith.index_cast %scan3A_44 : i32 to index
      %swap3A_1008 = arith.constant 944 : index
      %swap3A_1009 = tpu.vector_load %arg7[%swap3A_1007, %swap3A_1008] {strides = array<i32>} : memref<32x1024xf32, #tpu.memory_space<vmem>>, vector<1x16xf32>,
      %swap3A_1010 = vector.shape_cast %swap3A_1009 : vector<1x16xf32> to vector<16xf32>
      %swap3A_1011 = vector.shape_cast %add3A_1006 : vector<16xf32> to vector<1x16xf32>
      tpu.vector_store %arg7[%swap3A_1007, %swap3A_1008], %swap3A_1011 {strides = array<i32>} : memref<32x1024xf32, #tpu.memory_space<vmem>>, vector<1x16xf32>,
      %get3A_1012 = arith.index_cast %scan3A_44 : i32 to index
      %get3A_1013 = arith.constant 960 : index
      %get3A_1014 = tpu.vector_load %arg7[%get3A_1012, %get3A_1013] {strides = array<i32>} : memref<32x1024xf32, #tpu.memory_space<vmem>>, vector<1x16xf32>,
      %get3A_1015 = vector.shape_cast %get3A_1014 : vector<1x16xf32> to vector<16xf32>
      %get3A_1016 = arith.index_cast %scan3A_44 : i32 to index
      %get3A_1017 = arith.constant 960 : index
      %get3A_1018 = tpu.vector_load %arg8[%get3A_1016, %get3A_1017] {strides = array<i32>} : memref<32x1024xf32, #tpu.memory_space<vmem>>, vector<1x16xf32>,
      %get3A_1019 = vector.shape_cast %get3A_1018 : vector<1x16xf32> to vector<16xf32>
      %mul3A_1020 = arith.mulf %get3A_1015, %get3A_48 : vector<16xf32>
      %mul3A_1021 = arith.mulf %get3A_1019, %get3A_52 : vector<16xf32>
      %add3A_1022 = arith.addf %mul3A_1020, %mul3A_1021 : vector<16xf32>
      %swap3A_1023 = arith.index_cast %scan3A_44 : i32 to index
      %swap3A_1024 = arith.constant 960 : index
      %swap3A_1025 = tpu.vector_load %arg7[%swap3A_1023, %swap3A_1024] {strides = array<i32>} : memref<32x1024xf32, #tpu.memory_space<vmem>>, vector<1x16xf32>,
      %swap3A_1026 = vector.shape_cast %swap3A_1025 : vector<1x16xf32> to vector<16xf32>
      %swap3A_1027 = vector.shape_cast %add3A_1022 : vector<16xf32> to vector<1x16xf32>
      tpu.vector_store %arg7[%swap3A_1023, %swap3A_1024], %swap3A_1027 {strides = array<i32>} : memref<32x1024xf32, #tpu.memory_space<vmem>>, vector<1x16xf32>,
      %get3A_1028 = arith.index_cast %scan3A_44 : i32 to index
      %get3A_1029 = arith.constant 976 : index
      %get3A_1030 = tpu.vector_load %arg7[%get3A_1028, %get3A_1029] {strides = array<i32>} : memref<32x1024xf32, #tpu.memory_space<vmem>>, vector<1x16xf32>,
      %get3A_1031 = vector.shape_cast %get3A_1030 : vector<1x16xf32> to vector<16xf32>
      %get3A_1032 = arith.index_cast %scan3A_44 : i32 to index
      %get3A_1033 = arith.constant 976 : index
      %get3A_1034 = tpu.vector_load %arg8[%get3A_1032, %get3A_1033] {strides = array<i32>} : memref<32x1024xf32, #tpu.memory_space<vmem>>, vector<1x16xf32>,
      %get3A_1035 = vector.shape_cast %get3A_1034 : vector<1x16xf32> to vector<16xf32>
      %mul3A_1036 = arith.mulf %get3A_1031, %get3A_48 : vector<16xf32>
      %mul3A_1037 = arith.mulf %get3A_1035, %get3A_52 : vector<16xf32>
      %add3A_1038 = arith.addf %mul3A_1036, %mul3A_1037 : vector<16xf32>
      %swap3A_1039 = arith.index_cast %scan3A_44 : i32 to index
      %swap3A_1040 = arith.constant 976 : index
      %swap3A_1041 = tpu.vector_load %arg7[%swap3A_1039, %swap3A_1040] {strides = array<i32>} : memref<32x1024xf32, #tpu.memory_space<vmem>>, vector<1x16xf32>,
      %swap3A_1042 = vector.shape_cast %swap3A_1041 : vector<1x16xf32> to vector<16xf32>
      %swap3A_1043 = vector.shape_cast %add3A_1038 : vector<16xf32> to vector<1x16xf32>
      tpu.vector_store %arg7[%swap3A_1039, %swap3A_1040], %swap3A_1043 {strides = array<i32>} : memref<32x1024xf32, #tpu.memory_space<vmem>>, vector<1x16xf32>,
      %get3A_1044 = arith.index_cast %scan3A_44 : i32 to index
      %get3A_1045 = arith.constant 992 : index
      %get3A_1046 = tpu.vector_load %arg7[%get3A_1044, %get3A_1045] {strides = array<i32>} : memref<32x1024xf32, #tpu.memory_space<vmem>>, vector<1x16xf32>,
      %get3A_1047 = vector.shape_cast %get3A_1046 : vector<1x16xf32> to vector<16xf32>
      %get3A_1048 = arith.index_cast %scan3A_44 : i32 to index
      %get3A_1049 = arith.constant 992 : index
      %get3A_1050 = tpu.vector_load %arg8[%get3A_1048, %get3A_1049] {strides = array<i32>} : memref<32x1024xf32, #tpu.memory_space<vmem>>, vector<1x16xf32>,
      %get3A_1051 = vector.shape_cast %get3A_1050 : vector<1x16xf32> to vector<16xf32>
      %mul3A_1052 = arith.mulf %get3A_1047, %get3A_48 : vector<16xf32>
      %mul3A_1053 = arith.mulf %get3A_1051, %get3A_52 : vector<16xf32>
      %add3A_1054 = arith.addf %mul3A_1052, %mul3A_1053 : vector<16xf32>
      %swap3A_1055 = arith.index_cast %scan3A_44 : i32 to index
      %swap3A_1056 = arith.constant 992 : index
      %swap3A_1057 = tpu.vector_load %arg7[%swap3A_1055, %swap3A_1056] {strides = array<i32>} : memref<32x1024xf32, #tpu.memory_space<vmem>>, vector<1x16xf32>,
      %swap3A_1058 = vector.shape_cast %swap3A_1057 : vector<1x16xf32> to vector<16xf32>
      %swap3A_1059 = vector.shape_cast %add3A_1054 : vector<16xf32> to vector<1x16xf32>
      tpu.vector_store %arg7[%swap3A_1055, %swap3A_1056], %swap3A_1059 {strides = array<i32>} : memref<32x1024xf32, #tpu.memory_space<vmem>>, vector<1x16xf32>,
      %get3A_1060 = arith.index_cast %scan3A_44 : i32 to index
      %get3A_1061 = arith.constant 1008 : index
      %get3A_1062 = tpu.vector_load %arg7[%get3A_1060, %get3A_1061] {strides = array<i32>} : memref<32x1024xf32, #tpu.memory_space<vmem>>, vector<1x16xf32>,
      %get3A_1063 = vector.shape_cast %get3A_1062 : vector<1x16xf32> to vector<16xf32>
      %get3A_1064 = arith.index_cast %scan3A_44 : i32 to index
      %get3A_1065 = arith.constant 1008 : index
      %get3A_1066 = tpu.vector_load %arg8[%get3A_1064, %get3A_1065] {strides = array<i32>} : memref<32x1024xf32, #tpu.memory_space<vmem>>, vector<1x16xf32>,
      %get3A_1067 = vector.shape_cast %get3A_1066 : vector<1x16xf32> to vector<16xf32>
      %mul3A_1068 = arith.mulf %get3A_1063, %get3A_48 : vector<16xf32>
      %mul3A_1069 = arith.mulf %get3A_1067, %get3A_52 : vector<16xf32>
      %add3A_1070 = arith.addf %mul3A_1068, %mul3A_1069 : vector<16xf32>
      %swap3A_1071 = arith.index_cast %scan3A_44 : i32 to index
      %swap3A_1072 = arith.constant 1008 : index
      %swap3A_1073 = tpu.vector_load %arg7[%swap3A_1071, %swap3A_1072] {strides = array<i32>} : memref<32x1024xf32, #tpu.memory_space<vmem>>, vector<1x16xf32>,
      %swap3A_1074 = vector.shape_cast %swap3A_1073 : vector<1x16xf32> to vector<16xf32>
      %swap3A_1075 = vector.shape_cast %add3A_1070 : vector<16xf32> to vector<1x16xf32>
      tpu.vector_store %arg7[%swap3A_1071, %swap3A_1072], %swap3A_1075 {strides = array<i32>} : memref<32x1024xf32, #tpu.memory_space<vmem>>, vector<1x16xf32>,
      %scan3A_1076 = arith.constant 0 : i32
      scf.yield %scan3A_1076 : i32
    }
    %scan3A_43 = arith.constant 32 : i32
    "tpu.region"() ({
      %run_scoped3A = tpu.sem_alloc : memref<!tpu.dma_semaphore, #tpu.memory_space<semaphore_mem>>
      %dma_start3A_44 = arith.constant 0 : i32
      %dma_start3A_45 = tpu.memref_slice %arg6[%add3A_24, %dma_start3A_44] : memref<2048x1024xf32, #tpu.memory_space<hbm>> -> memref<32x1024xf32, #tpu.memory_space<hbm>>
      %dma_start3A_46 = arith.constant 0 : i32
      %dma_start3A_47 = tpu.memref_slice %arg6[%add3A_24, %dma_start3A_46] : memref<2048x1024xf32, #tpu.memory_space<hbm>> -> memref<32x1024xf32, #tpu.memory_space<hbm>>
      tpu.enqueue_dma source(%arg7 : memref<32x1024xf32, #tpu.memory_space<vmem>>) target(%dma_start3A_47 : memref<32x1024xf32, #tpu.memory_space<hbm>>) target_semaphore(%run_scoped3A : memref<!tpu.dma_semaphore, #tpu.memory_space<semaphore_mem>>)
      %dma_wait3A_48 = arith.constant 0 : i32
      %dma_wait3A_49 = tpu.memref_slice %arg6[%add3A_24, %dma_wait3A_48] : memref<2048x1024xf32, #tpu.memory_space<hbm>> -> memref<32x1024xf32, #tpu.memory_space<hbm>>
      %dma_wait3A_50 = arith.constant 0 : i32
      %dma_wait3A_51 = tpu.memref_slice %arg6[%add3A_24, %dma_wait3A_50] : memref<2048x1024xf32, #tpu.memory_space<hbm>> -> memref<32x1024xf32, #tpu.memory_space<hbm>>
      tpu.wait_dma2 semaphore(%run_scoped3A : memref<!tpu.dma_semaphore, #tpu.memory_space<semaphore_mem>>) src(%arg7 : memref<32x1024xf32, #tpu.memory_space<vmem>>) dst(%dma_wait3A_51 : memref<32x1024xf32, #tpu.memory_space<hbm>>)
      tpu.yield
    }) : () -> ()
    return
  }
}

module attributes {stable_mosaic.version = 14 : i64} {
  func.func @_router_body(%arg0: memref<2048x1024xf32, #tpu.memory_space<vmem>>, %arg1: memref<1024x128xf32, #tpu.memory_space<vmem>>, %arg2: memref<1x128xf32, #tpu.memory_space<vmem>>, %arg3: memref<2048x8xi32, #tpu.memory_space<vmem>>, %arg4: memref<2048x8xf32, #tpu.memory_space<vmem>>, %arg5: memref<2048x32xf32, #tpu.memory_space<vmem>>) attributes {dimension_semantics = [], scalar_prefetch = 0 : i64, scratch_operands = 0 : i64, tpu.core_type = #tpu.core_type<tc>} {
    %get3A = arith.constant 0 : index
    %get3A_0 = arith.constant 0 : index
    %get3A_1 = vector.load %arg0[%get3A, %get3A_0] : memref<2048x1024xf32, #tpu.memory_space<vmem>>, vector<2048x1024xf32>
    %get3A_2 = arith.constant 0 : index
    %get3A_3 = arith.constant 0 : index
    %get3A_4 = vector.load %arg1[%get3A_2, %get3A_3] : memref<1024x128xf32, #tpu.memory_space<vmem>>, vector<1024x128xf32>
    %dot_general3A = arith.constant dense<0.000000e+00> : vector<2048x128xf32>
    %dot_general3A_5 = tpu.matmul %get3A_1, %get3A_4, %dot_general3A {dimension_numbers = #tpu.dot_dimension_numbers<[1], [0], [0], [1], [0, 0, 1, 1], [], []>, transpose_lhs_hint = false} : vector<2048x1024xf32>, vector<1024x128xf32>, vector<2048x128xf32> -> vector<2048x128xf32>
    %get3A_6 = arith.constant 0 : index
    %get3A_7 = arith.constant 0 : index
    %get3A_8 = vector.load %arg2[%get3A_6, %get3A_7] : memref<1x128xf32, #tpu.memory_space<vmem>>, vector<1x128xf32>
    %add3A = vector.broadcast %get3A_8 : vector<1x128xf32> to vector<2048x128xf32>
    %add3A_9 = arith.addf %dot_general3A_5, %add3A : vector<2048x128xf32>
    %iota3A = tpu.iota {dimensions = array<i32: 1>} : vector<2048x128xi32>
    %lt3A = arith.constant 8 : i32
    %lt3A_10 = vector.broadcast %lt3A : i32 to vector<2048x128xi32>
    %lt3A_11 = arith.cmpi slt, %iota3A, %lt3A_10 : vector<2048x128xi32>
    %jit3A = arith.constant -1.000000e+30 : f32
    %broadcast_in_dim3A = vector.broadcast %jit3A : f32 to vector<2048x128xf32>
    %select_n3A = arith.select %lt3A_11, %add3A_9, %broadcast_in_dim3A : vector<2048x128xi1>, vector<2048x128xf32>
    %reduce_max3A = arith.constant dense<0xFF800000> : vector<2048xf32>
    %reduce_max3A_12 = vector.multi_reduction <maximumf>, %select_n3A, %reduce_max3A [1] : vector<2048x128xf32> to vector<2048xf32>
    %broadcast_in_dim3A_13 = vector.shape_cast %reduce_max3A_12 : vector<2048xf32> to vector<2048x1xf32>
    %eq3A = vector.broadcast %broadcast_in_dim3A_13 : vector<2048x1xf32> to vector<2048x128xf32>
    %eq3A_14 = arith.cmpf oeq, %select_n3A, %eq3A : vector<2048x128xf32>
    %jit3A_15 = arith.constant 127 : i32
    %broadcast_in_dim3A_16 = vector.broadcast %jit3A_15 : i32 to vector<2048x128xi32>
    %select_n3A_17 = arith.select %eq3A_14, %iota3A, %broadcast_in_dim3A_16 : vector<2048x128xi1>, vector<2048x128xi32>
    %reduce_min3A = arith.constant dense<2147483647> : vector<2048xi32>
    %reduce_min3A_18 = vector.multi_reduction <minsi>, %select_n3A_17, %reduce_min3A [1] : vector<2048x128xi32> to vector<2048xi32>
    %broadcast_in_dim3A_19 = vector.shape_cast %reduce_min3A_18 : vector<2048xi32> to vector<2048x1xi32>
    %eq3A_20 = vector.broadcast %broadcast_in_dim3A_19 : vector<2048x1xi32> to vector<2048x128xi32>
    %eq3A_21 = arith.cmpi eq, %iota3A, %eq3A_20 : vector<2048x128xi32>
    %jit3A_22 = arith.constant -1.000000e+30 : f32
    %broadcast_in_dim3A_23 = vector.broadcast %jit3A_22 : f32 to vector<2048x128xf32>
    %select_n3A_24 = arith.select %eq3A_21, %broadcast_in_dim3A_23, %select_n3A : vector<2048x128xi1>, vector<2048x128xf32>
    %reduce_max3A_25 = arith.constant dense<0xFF800000> : vector<2048xf32>
    %reduce_max3A_26 = vector.multi_reduction <maximumf>, %select_n3A_24, %reduce_max3A_25 [1] : vector<2048x128xf32> to vector<2048xf32>
    %broadcast_in_dim3A_27 = vector.shape_cast %reduce_max3A_26 : vector<2048xf32> to vector<2048x1xf32>
    %eq3A_28 = vector.broadcast %broadcast_in_dim3A_27 : vector<2048x1xf32> to vector<2048x128xf32>
    %eq3A_29 = arith.cmpf oeq, %select_n3A_24, %eq3A_28 : vector<2048x128xf32>
    %jit3A_30 = arith.constant 127 : i32
    %broadcast_in_dim3A_31 = vector.broadcast %jit3A_30 : i32 to vector<2048x128xi32>
    %select_n3A_32 = arith.select %eq3A_29, %iota3A, %broadcast_in_dim3A_31 : vector<2048x128xi1>, vector<2048x128xi32>
    %reduce_min3A_33 = arith.constant dense<2147483647> : vector<2048xi32>
    %reduce_min3A_34 = vector.multi_reduction <minsi>, %select_n3A_32, %reduce_min3A_33 [1] : vector<2048x128xi32> to vector<2048xi32>
    %broadcast_in_dim3A_35 = vector.shape_cast %reduce_min3A_34 : vector<2048xi32> to vector<2048x1xi32>
    %sub3A = arith.subf %broadcast_in_dim3A_27, %broadcast_in_dim3A_13 : vector<2048x1xf32>
    %exp3A = math.exp %sub3A : vector<2048x1xf32>
    %add3A_36 = arith.constant 1.000000e+00 : f32
    %add3A_37 = vector.broadcast %add3A_36 : f32 to vector<2048x1xf32>
    %add3A_38 = arith.addf %add3A_37, %exp3A : vector<2048x1xf32>
    %div3A = arith.constant 1.000000e+00 : f32
    %div3A_39 = vector.broadcast %div3A : f32 to vector<2048x1xf32>
    %div3A_40 = arith.divf %div3A_39, %add3A_38 : vector<2048x1xf32>
    %sub3A_41 = arith.constant 1.000000e+00 : f32
    %sub3A_42 = vector.broadcast %sub3A_41 : f32 to vector<2048x1xf32>
    %sub3A_43 = arith.subf %sub3A_42, %div3A_40 : vector<2048x1xf32>
    %iota3A_44 = tpu.iota {dimensions = array<i32: 1>} : vector<2048x8xi32>
    %eq3A_45 = vector.broadcast %broadcast_in_dim3A_19 : vector<2048x1xi32> to vector<2048x8xi32>
    %eq3A_46 = arith.cmpi eq, %eq3A_45, %iota3A_44 : vector<2048x8xi32>
    %convert_element_type3A = arith.extui %eq3A_46 : vector<2048x8xi1> to vector<2048x8xi32>
    %convert_element_type3A_47 = arith.sitofp %convert_element_type3A : vector<2048x8xi32> to vector<2048x8xf32>
    %eq3A_48 = vector.broadcast %broadcast_in_dim3A_35 : vector<2048x1xi32> to vector<2048x8xi32>
    %eq3A_49 = arith.cmpi eq, %eq3A_48, %iota3A_44 : vector<2048x8xi32>
    %convert_element_type3A_50 = arith.extui %eq3A_49 : vector<2048x8xi1> to vector<2048x8xi32>
    %convert_element_type3A_51 = arith.sitofp %convert_element_type3A_50 : vector<2048x8xi32> to vector<2048x8xf32>
    %add3A_52 = arith.addf %convert_element_type3A_47, %convert_element_type3A_51 : vector<2048x8xf32>
    %iota3A_53 = tpu.iota {dimensions = array<i32: 0>} : vector<2048x2048xi32>
    %iota3A_54 = tpu.iota {dimensions = array<i32: 1>} : vector<2048x2048xi32>
    %ge3A = arith.cmpi sge, %iota3A_53, %iota3A_54 : vector<2048x2048xi32>
    %convert_element_type3A_55 = arith.extui %ge3A : vector<2048x2048xi1> to vector<2048x2048xi32>
    %convert_element_type3A_56 = arith.sitofp %convert_element_type3A_55 : vector<2048x2048xi32> to vector<2048x2048xf32>
    %dot_general3A_57 = arith.constant dense<0.000000e+00> : vector<2048x8xf32>
    %dot_general3A_58 = tpu.matmul %convert_element_type3A_56, %add3A_52, %dot_general3A_57 {dimension_numbers = #tpu.dot_dimension_numbers<[1], [0], [0], [1], [0, 0, 1, 1], [], []>, transpose_lhs_hint = false} : vector<2048x2048xf32>, vector<2048x8xf32>, vector<2048x8xf32> -> vector<2048x8xf32>
    %eq3A_59 = vector.broadcast %broadcast_in_dim3A_19 : vector<2048x1xi32> to vector<2048x8xi32>
    %eq3A_60 = arith.cmpi eq, %iota3A_44, %eq3A_59 : vector<2048x8xi32>
    %jit3A_61 = arith.constant 0.000000e+00 : f32
    %broadcast_in_dim3A_62 = vector.broadcast %jit3A_61 : f32 to vector<2048x8xf32>
    %select_n3A_63 = arith.select %eq3A_60, %dot_general3A_58, %broadcast_in_dim3A_62 : vector<2048x8xi1>, vector<2048x8xf32>
    %reduce_sum3A = arith.constant dense<0.000000e+00> : vector<2048xf32>
    %reduce_sum3A_64 = vector.multi_reduction <add>, %select_n3A_63, %reduce_sum3A [1] : vector<2048x8xf32> to vector<2048xf32>
    %broadcast_in_dim3A_65 = vector.shape_cast %reduce_sum3A_64 : vector<2048xf32> to vector<2048x1xf32>
    %sub3A_66 = arith.constant 1.000000e+00 : f32
    %sub3A_67 = vector.broadcast %sub3A_66 : f32 to vector<2048x1xf32>
    %sub3A_68 = arith.subf %broadcast_in_dim3A_65, %sub3A_67 : vector<2048x1xf32>
    %eq3A_69 = vector.broadcast %broadcast_in_dim3A_35 : vector<2048x1xi32> to vector<2048x8xi32>
    %eq3A_70 = arith.cmpi eq, %iota3A_44, %eq3A_69 : vector<2048x8xi32>
    %jit3A_71 = arith.constant 0.000000e+00 : f32
    %broadcast_in_dim3A_72 = vector.broadcast %jit3A_71 : f32 to vector<2048x8xf32>
    %select_n3A_73 = arith.select %eq3A_70, %dot_general3A_58, %broadcast_in_dim3A_72 : vector<2048x8xi1>, vector<2048x8xf32>
    %reduce_sum3A_74 = arith.constant dense<0.000000e+00> : vector<2048xf32>
    %reduce_sum3A_75 = vector.multi_reduction <add>, %select_n3A_73, %reduce_sum3A_74 [1] : vector<2048x8xf32> to vector<2048xf32>
    %broadcast_in_dim3A_76 = vector.shape_cast %reduce_sum3A_75 : vector<2048xf32> to vector<2048x1xf32>
    %sub3A_77 = arith.constant 1.000000e+00 : f32
    %sub3A_78 = vector.broadcast %sub3A_77 : f32 to vector<2048x1xf32>
    %sub3A_79 = arith.subf %broadcast_in_dim3A_76, %sub3A_78 : vector<2048x1xf32>
    %convert_element_type3A_80 = arith.fptosi %sub3A_68 : vector<2048x1xf32> to vector<2048x1xi32>
    %convert_element_type3A_81 = arith.fptosi %sub3A_79 : vector<2048x1xf32> to vector<2048x1xi32>
    %lt3A_82 = arith.constant 512 : i32
    %lt3A_83 = vector.broadcast %lt3A_82 : i32 to vector<2048x1xi32>
    %lt3A_84 = arith.cmpi slt, %convert_element_type3A_80, %lt3A_83 : vector<2048x1xi32>
    %lt3A_85 = arith.constant 512 : i32
    %lt3A_86 = vector.broadcast %lt3A_85 : i32 to vector<2048x1xi32>
    %lt3A_87 = arith.cmpi slt, %convert_element_type3A_81, %lt3A_86 : vector<2048x1xi32>
    %mul3A = arith.constant 512 : i32
    %mul3A_88 = vector.broadcast %mul3A : i32 to vector<2048x1xi32>
    %mul3A_89 = arith.muli %broadcast_in_dim3A_19, %mul3A_88 : vector<2048x1xi32>
    %add3A_90 = arith.addi %mul3A_89, %convert_element_type3A_80 : vector<2048x1xi32>
    %mul3A_91 = arith.constant 512 : i32
    %mul3A_92 = vector.broadcast %mul3A_91 : i32 to vector<2048x1xi32>
    %mul3A_93 = arith.muli %broadcast_in_dim3A_35, %mul3A_92 : vector<2048x1xi32>
    %add3A_94 = arith.addi %mul3A_93, %convert_element_type3A_81 : vector<2048x1xi32>
    %jit3A_95 = arith.constant 4096 : i32
    %broadcast_in_dim3A_96 = vector.broadcast %jit3A_95 : i32 to vector<2048x1xi32>
    %select_n3A_97 = arith.select %lt3A_84, %add3A_90, %broadcast_in_dim3A_96 : vector<2048x1xi1>, vector<2048x1xi32>
    %jit3A_98 = arith.constant 4096 : i32
    %broadcast_in_dim3A_99 = vector.broadcast %jit3A_98 : i32 to vector<2048x1xi32>
    %select_n3A_100 = arith.select %lt3A_87, %add3A_94, %broadcast_in_dim3A_99 : vector<2048x1xi1>, vector<2048x1xi32>
    %iota3A_101 = tpu.iota {dimensions = array<i32: 0>} : vector<2048x1xi32>
    %eq3A_102 = arith.constant 0 : i32
    %eq3A_103 = vector.broadcast %eq3A_102 : i32 to vector<2048x1xi32>
    %eq3A_104 = arith.cmpi eq, %iota3A_101, %eq3A_103 : vector<2048x1xi32>
    %jit3A_105 = arith.constant 0 : i32
    %broadcast_in_dim3A_106 = vector.broadcast %jit3A_105 : i32 to vector<2048x1xi32>
    %select_n3A_107 = arith.select %eq3A_104, %broadcast_in_dim3A_19, %broadcast_in_dim3A_106 : vector<2048x1xi1>, vector<2048x1xi32>
    %reduce_sum3A_108 = vector.shape_cast %select_n3A_107 : vector<2048x1xi32> to vector<1x2048x1xi32>
    %reduce_sum3A_109 = arith.constant dense<0> : vector<1xi32>
    %reduce_sum3A_110 = vector.multi_reduction <add>, %reduce_sum3A_108, %reduce_sum3A_109 [1, 2] : vector<1x2048x1xi32> to vector<1xi32>
    %reduce_sum3A_111 = vector.shape_cast %reduce_sum3A_110 : vector<1xi32> to vector<1x1x1xi32>
    %reduce_sum3A_112 = vector.extract %reduce_sum3A_111[0, 0, 0] : i32 from vector<1x1x1xi32>
    %mul3A_113 = arith.constant 512 : i32
    %mul3A_114 = arith.muli %reduce_sum3A_112, %mul3A_113 : i32
    %broadcast_in_dim3A_115 = vector.broadcast %mul3A_114 : i32 to vector<2048x1xi32>
    %select_n3A_116 = arith.select %lt3A_84, %add3A_90, %broadcast_in_dim3A_115 : vector<2048x1xi1>, vector<2048x1xi32>
    %broadcast_in_dim3A_117 = vector.broadcast %mul3A_114 : i32 to vector<2048x1xi32>
    %select_n3A_118 = arith.select %lt3A_87, %add3A_94, %broadcast_in_dim3A_117 : vector<2048x1xi1>, vector<2048x1xi32>
    %jit3A_119 = arith.constant 0.000000e+00 : f32
    %broadcast_in_dim3A_120 = vector.broadcast %jit3A_119 : f32 to vector<2048x1xf32>
    %select_n3A_121 = arith.select %lt3A_84, %div3A_40, %broadcast_in_dim3A_120 : vector<2048x1xi1>, vector<2048x1xf32>
    %jit3A_122 = arith.constant 0.000000e+00 : f32
    %broadcast_in_dim3A_123 = vector.broadcast %jit3A_122 : f32 to vector<2048x1xf32>
    %select_n3A_124 = arith.select %lt3A_87, %sub3A_43, %broadcast_in_dim3A_123 : vector<2048x1xi1>, vector<2048x1xf32>
    %iota3A_125 = tpu.iota {dimensions = array<i32: 1>} : vector<2048x8xi32>
    %eq3A_126 = arith.constant 0 : i32
    %eq3A_127 = vector.broadcast %eq3A_126 : i32 to vector<2048x8xi32>
    %eq3A_128 = arith.cmpi eq, %iota3A_125, %eq3A_127 : vector<2048x8xi32>
    %jit3A_129 = arith.constant 0 : i32
    %broadcast_in_dim3A_130 = vector.shape_cast %select_n3A_97 : vector<2048x1xi32> to vector<2048x1xi32>
    %broadcast_in_dim3A_131 = vector.broadcast %broadcast_in_dim3A_130 : vector<2048x1xi32> to vector<2048x8xi32>
    %broadcast_in_dim3A_132 = vector.broadcast %jit3A_129 : i32 to vector<2048x8xi32>
    %select_n3A_133 = arith.select %eq3A_128, %broadcast_in_dim3A_131, %broadcast_in_dim3A_132 : vector<2048x8xi1>, vector<2048x8xi32>
    %eq3A_134 = arith.constant 1 : i32
    %eq3A_135 = vector.broadcast %eq3A_134 : i32 to vector<2048x8xi32>
    %eq3A_136 = arith.cmpi eq, %iota3A_125, %eq3A_135 : vector<2048x8xi32>
    %jit3A_137 = arith.constant 0 : i32
    %broadcast_in_dim3A_138 = vector.shape_cast %select_n3A_100 : vector<2048x1xi32> to vector<2048x1xi32>
    %broadcast_in_dim3A_139 = vector.broadcast %broadcast_in_dim3A_138 : vector<2048x1xi32> to vector<2048x8xi32>
    %broadcast_in_dim3A_140 = vector.broadcast %jit3A_137 : i32 to vector<2048x8xi32>
    %select_n3A_141 = arith.select %eq3A_136, %broadcast_in_dim3A_139, %broadcast_in_dim3A_140 : vector<2048x8xi1>, vector<2048x8xi32>
    %add3A_142 = arith.addi %select_n3A_133, %select_n3A_141 : vector<2048x8xi32>
    %eq3A_143 = arith.constant 2 : i32
    %eq3A_144 = vector.broadcast %eq3A_143 : i32 to vector<2048x8xi32>
    %eq3A_145 = arith.cmpi eq, %iota3A_125, %eq3A_144 : vector<2048x8xi32>
    %jit3A_146 = arith.constant 0 : i32
    %broadcast_in_dim3A_147 = vector.shape_cast %select_n3A_116 : vector<2048x1xi32> to vector<2048x1xi32>
    %broadcast_in_dim3A_148 = vector.broadcast %broadcast_in_dim3A_147 : vector<2048x1xi32> to vector<2048x8xi32>
    %broadcast_in_dim3A_149 = vector.broadcast %jit3A_146 : i32 to vector<2048x8xi32>
    %select_n3A_150 = arith.select %eq3A_145, %broadcast_in_dim3A_148, %broadcast_in_dim3A_149 : vector<2048x8xi1>, vector<2048x8xi32>
    %add3A_151 = arith.addi %add3A_142, %select_n3A_150 : vector<2048x8xi32>
    %eq3A_152 = arith.constant 3 : i32
    %eq3A_153 = vector.broadcast %eq3A_152 : i32 to vector<2048x8xi32>
    %eq3A_154 = arith.cmpi eq, %iota3A_125, %eq3A_153 : vector<2048x8xi32>
    %jit3A_155 = arith.constant 0 : i32
    %broadcast_in_dim3A_156 = vector.shape_cast %select_n3A_118 : vector<2048x1xi32> to vector<2048x1xi32>
    %broadcast_in_dim3A_157 = vector.broadcast %broadcast_in_dim3A_156 : vector<2048x1xi32> to vector<2048x8xi32>
    %broadcast_in_dim3A_158 = vector.broadcast %jit3A_155 : i32 to vector<2048x8xi32>
    %select_n3A_159 = arith.select %eq3A_154, %broadcast_in_dim3A_157, %broadcast_in_dim3A_158 : vector<2048x8xi1>, vector<2048x8xi32>
    %add3A_160 = arith.addi %add3A_151, %select_n3A_159 : vector<2048x8xi32>
    %swap3A = arith.constant 0 : index
    %swap3A_161 = arith.constant 0 : index
    %swap3A_162 = vector.load %arg3[%swap3A, %swap3A_161] : memref<2048x8xi32, #tpu.memory_space<vmem>>, vector<2048x8xi32>
    tpu.vector_store %arg3[%swap3A, %swap3A_161], %add3A_160 {strides = array<i32>} : memref<2048x8xi32, #tpu.memory_space<vmem>>, vector<2048x8xi32>,
    %eq3A_163 = arith.constant 0 : i32
    %eq3A_164 = vector.broadcast %eq3A_163 : i32 to vector<2048x8xi32>
    %eq3A_165 = arith.cmpi eq, %iota3A_125, %eq3A_164 : vector<2048x8xi32>
    %jit3A_166 = arith.constant 0.000000e+00 : f32
    %broadcast_in_dim3A_167 = vector.shape_cast %select_n3A_121 : vector<2048x1xf32> to vector<2048x1xf32>
    %broadcast_in_dim3A_168 = vector.broadcast %broadcast_in_dim3A_167 : vector<2048x1xf32> to vector<2048x8xf32>
    %broadcast_in_dim3A_169 = vector.broadcast %jit3A_166 : f32 to vector<2048x8xf32>
    %select_n3A_170 = arith.select %eq3A_165, %broadcast_in_dim3A_168, %broadcast_in_dim3A_169 : vector<2048x8xi1>, vector<2048x8xf32>
    %eq3A_171 = arith.constant 1 : i32
    %eq3A_172 = vector.broadcast %eq3A_171 : i32 to vector<2048x8xi32>
    %eq3A_173 = arith.cmpi eq, %iota3A_125, %eq3A_172 : vector<2048x8xi32>
    %jit3A_174 = arith.constant 0.000000e+00 : f32
    %broadcast_in_dim3A_175 = vector.shape_cast %select_n3A_124 : vector<2048x1xf32> to vector<2048x1xf32>
    %broadcast_in_dim3A_176 = vector.broadcast %broadcast_in_dim3A_175 : vector<2048x1xf32> to vector<2048x8xf32>
    %broadcast_in_dim3A_177 = vector.broadcast %jit3A_174 : f32 to vector<2048x8xf32>
    %select_n3A_178 = arith.select %eq3A_173, %broadcast_in_dim3A_176, %broadcast_in_dim3A_177 : vector<2048x8xi1>, vector<2048x8xf32>
    %add3A_179 = arith.addf %select_n3A_170, %select_n3A_178 : vector<2048x8xf32>
    %swap3A_180 = arith.constant 0 : index
    %swap3A_181 = arith.constant 0 : index
    %swap3A_182 = vector.load %arg4[%swap3A_180, %swap3A_181] : memref<2048x8xf32, #tpu.memory_space<vmem>>, vector<2048x8xf32>
    tpu.vector_store %arg4[%swap3A_180, %swap3A_181], %add3A_179 {strides = array<i32>} : memref<2048x8xf32, #tpu.memory_space<vmem>>, vector<2048x8xf32>,
    %iota3A_183 = tpu.iota {dimensions = array<i32: 1>} : vector<2048x32xi32>
    %lt3A_184 = arith.constant 16 : i32
    %lt3A_185 = vector.broadcast %lt3A_184 : i32 to vector<2048x32xi32>
    %lt3A_186 = arith.cmpi slt, %iota3A_183, %lt3A_185 : vector<2048x32xi32>
    %broadcast_in_dim3A_187 = vector.shape_cast %select_n3A_121 : vector<2048x1xf32> to vector<2048x1xf32>
    %broadcast_in_dim3A_188 = vector.broadcast %broadcast_in_dim3A_187 : vector<2048x1xf32> to vector<2048x32xf32>
    %broadcast_in_dim3A_189 = vector.shape_cast %select_n3A_124 : vector<2048x1xf32> to vector<2048x1xf32>
    %broadcast_in_dim3A_190 = vector.broadcast %broadcast_in_dim3A_189 : vector<2048x1xf32> to vector<2048x32xf32>
    %select_n3A_191 = arith.select %lt3A_186, %broadcast_in_dim3A_188, %broadcast_in_dim3A_190 : vector<2048x32xi1>, vector<2048x32xf32>
    %swap3A_192 = arith.constant 0 : index
    %swap3A_193 = arith.constant 0 : index
    %swap3A_194 = vector.load %arg5[%swap3A_192, %swap3A_193] : memref<2048x32xf32, #tpu.memory_space<vmem>>, vector<2048x32xf32>
    tpu.vector_store %arg5[%swap3A_192, %swap3A_193], %select_n3A_191 {strides = array<i32>} : memref<2048x32xf32, #tpu.memory_space<vmem>>, vector<2048x32xf32>,
    return
  }
}

module attributes {stable_mosaic.version = 14 : i64} {
  func.func @_ffn_body(%arg0: i32, %arg1: i32, %arg2: memref<512x1024xf32, #tpu.memory_space<vmem>>, %arg3: memref<1x1024x1024xf32, #tpu.memory_space<vmem>>, %arg4: memref<1x1024x1024xf32, #tpu.memory_space<vmem>>, %arg5: memref<1x1024x1024xf32, #tpu.memory_space<vmem>>, %arg6: memref<8x4096xf32, #tpu.memory_space<vmem>>, %arg7: memref<8x4096xf32, #tpu.memory_space<vmem>>, %arg8: memref<8x1024xf32, #tpu.memory_space<vmem>>, %arg9: memref<512x1024xf32, #tpu.memory_space<vmem>>) attributes {dimension_semantics = [#tpu.dimension_semantics<arbitrary>, #tpu.dimension_semantics<arbitrary>], iteration_bounds = array<i64: 8, 4>, scalar_prefetch = 0 : i64, scratch_operands = 0 : i64, tpu.core_type = #tpu.core_type<tc>, window_params = [{transform_indices = @transform_0, window_bounds = array<i64: 512, 1024>}, {transform_indices = @transform_1, window_bounds = array<i64: 1, 1024, 1024>}, {transform_indices = @transform_2, window_bounds = array<i64: 1, 1024, 1024>}, {transform_indices = @transform_3, window_bounds = array<i64: 1, 1024, 1024>}, {pipeline_mode = #tpu.pipeline_mode<synchronous>, transform_indices = @transform_4, window_bounds = array<i64: 8, 4096>}, {pipeline_mode = #tpu.pipeline_mode<synchronous>, transform_indices = @transform_5, window_bounds = array<i64: 8, 4096>}, {pipeline_mode = #tpu.pipeline_mode<synchronous>, transform_indices = @transform_6, window_bounds = array<i64: 8, 1024>}, {transform_indices = @transform_7, window_bounds = array<i64: 512, 1024>}]} {
    %get3A = arith.constant 0 : index
    %get3A_0 = arith.constant 0 : index
    %get3A_1 = vector.load %arg2[%get3A, %get3A_0] : memref<512x1024xf32, #tpu.memory_space<vmem>>, vector<512x1024xf32>
    %convert_element_type3A = arith.truncf %get3A_1 : vector<512x1024xf32> to vector<512x1024xbf16>
    %get3A_2 = arith.constant 0 : index
    %get3A_3 = arith.constant 0 : index
    %get3A_4 = arith.constant 0 : index
    %get3A_5 = vector.load %arg3[%get3A_2, %get3A_3, %get3A_4] : memref<1x1024x1024xf32, #tpu.memory_space<vmem>>, vector<1x1024x1024xf32>
    %get3A_6 = vector.shape_cast %get3A_5 : vector<1x1024x1024xf32> to vector<1024x1024xf32>
    %convert_element_type3A_7 = arith.truncf %get3A_6 : vector<1024x1024xf32> to vector<1024x1024xbf16>
    %get3A_8 = arith.constant 0 : index
    %get3A_9 = arith.constant 0 : index
    %get3A_10 = arith.constant 0 : index
    %get3A_11 = vector.load %arg4[%get3A_8, %get3A_9, %get3A_10] : memref<1x1024x1024xf32, #tpu.memory_space<vmem>>, vector<1x1024x1024xf32>
    %get3A_12 = vector.shape_cast %get3A_11 : vector<1x1024x1024xf32> to vector<1024x1024xf32>
    %convert_element_type3A_13 = arith.truncf %get3A_12 : vector<1024x1024xf32> to vector<1024x1024xbf16>
    %get3A_14 = arith.constant 0 : index
    %get3A_15 = arith.constant 0 : index
    %get3A_16 = arith.constant 0 : index
    %get3A_17 = vector.load %arg5[%get3A_14, %get3A_15, %get3A_16] : memref<1x1024x1024xf32, #tpu.memory_space<vmem>>, vector<1x1024x1024xf32>
    %get3A_18 = vector.shape_cast %get3A_17 : vector<1x1024x1024xf32> to vector<1024x1024xf32>
    %convert_element_type3A_19 = arith.truncf %get3A_18 : vector<1024x1024xf32> to vector<1024x1024xbf16>
    %dot_general3A = arith.constant dense<0.000000e+00> : vector<512x1024xf32>
    %dot_general3A_20 = tpu.matmul %convert_element_type3A, %convert_element_type3A_7, %dot_general3A {dimension_numbers = #tpu.dot_dimension_numbers<[1], [0], [0], [1], [0, 0, 1, 1], [], []>, transpose_lhs_hint = false} : vector<512x1024xbf16>, vector<1024x1024xbf16>, vector<512x1024xf32> -> vector<512x1024xf32>
    %dot_general3A_21 = arith.constant dense<0.000000e+00> : vector<512x1024xf32>
    %dot_general3A_22 = tpu.matmul %convert_element_type3A, %convert_element_type3A_13, %dot_general3A_21 {dimension_numbers = #tpu.dot_dimension_numbers<[1], [0], [0], [1], [0, 0, 1, 1], [], []>, transpose_lhs_hint = false} : vector<512x1024xbf16>, vector<1024x1024xbf16>, vector<512x1024xf32> -> vector<512x1024xf32>
    %mul3A = arith.constant 1024 : i32
    %mul3A_23 = arith.muli %arg1, %mul3A : i32
    %get3A_24 = arith.index_cast %arg0 : i32 to index
    %get3A_25 = arith.index_cast %mul3A_23 : i32 to index
    %get3A_26 = vector.load %arg6[%get3A_24, %get3A_25] : memref<8x4096xf32, #tpu.memory_space<vmem>>, vector<1x1024xf32>
    %get3A_27 = vector.shape_cast %get3A_26 : vector<1x1024xf32> to vector<1024xf32>
    %broadcast_in_dim3A = vector.shape_cast %get3A_27 : vector<1024xf32> to vector<1x1024xf32>
    %mul3A_28 = arith.constant 1024 : i32
    %mul3A_29 = arith.muli %arg1, %mul3A_28 : i32
    %get3A_30 = arith.index_cast %arg0 : i32 to index
    %get3A_31 = arith.index_cast %mul3A_29 : i32 to index
    %get3A_32 = vector.load %arg7[%get3A_30, %get3A_31] : memref<8x4096xf32, #tpu.memory_space<vmem>>, vector<1x1024xf32>
    %get3A_33 = vector.shape_cast %get3A_32 : vector<1x1024xf32> to vector<1024xf32>
    %broadcast_in_dim3A_34 = vector.shape_cast %get3A_33 : vector<1024xf32> to vector<1x1024xf32>
    %add3A = vector.broadcast %broadcast_in_dim3A : vector<1x1024xf32> to vector<512x1024xf32>
    %add3A_35 = arith.addf %dot_general3A_20, %add3A : vector<512x1024xf32>
    %add3A_36 = vector.broadcast %broadcast_in_dim3A_34 : vector<1x1024xf32> to vector<512x1024xf32>
    %add3A_37 = arith.addf %dot_general3A_22, %add3A_36 : vector<512x1024xf32>
    %logistic3A = arith.negf %add3A_35 : vector<512x1024xf32>
    %logistic3A_38 = math.exp %logistic3A : vector<512x1024xf32>
    %logistic3A_39 = arith.constant 1.000000e+00 : f32
    %logistic3A_40 = vector.broadcast %logistic3A_39 : f32 to vector<512x1024xf32>
    %logistic3A_41 = arith.addf %logistic3A_40, %logistic3A_38 : vector<512x1024xf32>
    %logistic3A_42 = arith.divf %logistic3A_40, %logistic3A_41 : vector<512x1024xf32>
    %mul3A_43 = arith.mulf %add3A_35, %logistic3A_42 : vector<512x1024xf32>
    %mul3A_44 = arith.mulf %mul3A_43, %add3A_37 : vector<512x1024xf32>
    %convert_element_type3A_45 = arith.truncf %mul3A_44 : vector<512x1024xf32> to vector<512x1024xbf16>
    %dot_general3A_46 = arith.constant dense<0.000000e+00> : vector<512x1024xf32>
    %dot_general3A_47 = tpu.matmul %convert_element_type3A_45, %convert_element_type3A_19, %dot_general3A_46 {dimension_numbers = #tpu.dot_dimension_numbers<[1], [0], [0], [1], [0, 0, 1, 1], [], []>, transpose_lhs_hint = false} : vector<512x1024xbf16>, vector<1024x1024xbf16>, vector<512x1024xf32> -> vector<512x1024xf32>
    %eq3A = arith.constant 0 : i32
    %eq3A_48 = arith.cmpi eq, %arg1, %eq3A : i32
    %convert_element_type3A_49 = arith.extui %eq3A_48 : i1 to i32
    %cond3A = arith.constant 0 : i32
    %cond3A_50 = arith.cmpi ne, %convert_element_type3A_49, %cond3A : i32
    scf.if %cond3A_50 {
      %get3A_55 = arith.index_cast %arg0 : i32 to index
      %get3A_56 = arith.constant 0 : index
      %get3A_57 = vector.load %arg8[%get3A_55, %get3A_56] : memref<8x1024xf32, #tpu.memory_space<vmem>>, vector<1x1024xf32>
      %get3A_58 = vector.shape_cast %get3A_57 : vector<1x1024xf32> to vector<1024xf32>
      %broadcast_in_dim3A_59 = vector.shape_cast %get3A_58 : vector<1024xf32> to vector<1x1024xf32>
      %add3A_60 = vector.broadcast %broadcast_in_dim3A_59 : vector<1x1024xf32> to vector<512x1024xf32>
      %add3A_61 = arith.addf %dot_general3A_47, %add3A_60 : vector<512x1024xf32>
      %swap3A = arith.constant 0 : index
      %swap3A_62 = arith.constant 0 : index
      %swap3A_63 = vector.load %arg9[%swap3A, %swap3A_62] : memref<512x1024xf32, #tpu.memory_space<vmem>>, vector<512x1024xf32>
      tpu.vector_store %arg9[%swap3A, %swap3A_62], %add3A_61 {strides = array<i32>} : memref<512x1024xf32, #tpu.memory_space<vmem>>, vector<512x1024xf32>,
    } else {
    }
    %gt3A = arith.constant 0 : i32
    %gt3A_51 = arith.cmpi sgt, %arg1, %gt3A : i32
    %convert_element_type3A_52 = arith.extui %gt3A_51 : i1 to i32
    %cond3A_53 = arith.constant 0 : i32
    %cond3A_54 = arith.cmpi ne, %convert_element_type3A_52, %cond3A_53 : i32
    scf.if %cond3A_54 {
      %get3A_55 = arith.constant 0 : index
      %get3A_56 = arith.constant 0 : index
      %get3A_57 = vector.load %arg9[%get3A_55, %get3A_56] : memref<512x1024xf32, #tpu.memory_space<vmem>>, vector<512x1024xf32>
      %add3A_58 = arith.addf %get3A_57, %dot_general3A_47 : vector<512x1024xf32>
      %swap3A = arith.constant 0 : index
      %swap3A_59 = arith.constant 0 : index
      %swap3A_60 = vector.load %arg9[%swap3A, %swap3A_59] : memref<512x1024xf32, #tpu.memory_space<vmem>>, vector<512x1024xf32>
      tpu.vector_store %arg9[%swap3A, %swap3A_59], %add3A_58 {strides = array<i32>} : memref<512x1024xf32, #tpu.memory_space<vmem>>, vector<512x1024xf32>,
    } else {
    }
    return
  }
  func.func @transform_0(%arg0: i32, %arg1: i32) -> (i32, i32) {
    %c0_i32 = arith.constant 0 : i32
    %c0_i32_0 = arith.constant 0 : i32
    return %arg0, %c0_i32 : i32, i32
  }
  func.func @transform_1(%arg0: i32, %arg1: i32) -> (i32, i32, i32) {
    %c0_i32 = arith.constant 0 : i32
    %c0_i32_0 = arith.constant 0 : i32
    return %arg0, %c0_i32, %arg1 : i32, i32, i32
  }
  func.func @transform_2(%arg0: i32, %arg1: i32) -> (i32, i32, i32) {
    %c0_i32 = arith.constant 0 : i32
    %c0_i32_0 = arith.constant 0 : i32
    return %arg0, %c0_i32, %arg1 : i32, i32, i32
  }
  func.func @transform_3(%arg0: i32, %arg1: i32) -> (i32, i32, i32) {
    %c0_i32 = arith.constant 0 : i32
    %c0_i32_0 = arith.constant 0 : i32
    return %arg0, %arg1, %c0_i32 : i32, i32, i32
  }
  func.func @transform_4(%arg0: i32, %arg1: i32) -> (i32, i32) {
    %c0_i32 = arith.constant 0 : i32
    %c0_i32_0 = arith.constant 0 : i32
    %c0_i32_1 = arith.constant 0 : i32
    return %c0_i32, %c0_i32_0 : i32, i32
  }
  func.func @transform_5(%arg0: i32, %arg1: i32) -> (i32, i32) {
    %c0_i32 = arith.constant 0 : i32
    %c0_i32_0 = arith.constant 0 : i32
    %c0_i32_1 = arith.constant 0 : i32
    return %c0_i32, %c0_i32_0 : i32, i32
  }
  func.func @transform_6(%arg0: i32, %arg1: i32) -> (i32, i32) {
    %c0_i32 = arith.constant 0 : i32
    %c0_i32_0 = arith.constant 0 : i32
    %c0_i32_1 = arith.constant 0 : i32
    return %c0_i32, %c0_i32_0 : i32, i32
  }
  func.func @transform_7(%arg0: i32, %arg1: i32) -> (i32, i32) {
    %c0_i32 = arith.constant 0 : i32
    %c0_i32_0 = arith.constant 0 : i32
    return %arg0, %c0_i32 : i32, i32
  }
}

</mosaic_0001>

<sc_bundles>
// kernel: kernel.6.cloned.1.call-start
scs
__scs_entry_jumppad:
0x0: {  	(pc) =	sbr.rel $0x88, $3  }
0x1: {  	(tag) =	ssettag $0x0;
	lr =	simm.s32 $0x1  }
0x2: {  	[smem:$0x3F98] =	sst lr;
	_ =	strace $0xD0000000  }
0x3: {  	_ = 	snop  }
0x4: {  	_ = 	snop  }
0x5: {  	_ = 	snop  }
0x6: {  	_ = 	snop  }
0x7: {  	_ = 	snop  }
__scs_overlays_trampoline_lowered:
0x8: {  	[smem:$0x3FA7] =	sst s0  }
0x9: {  	[smem:$0x3FA8] =	sst s1  }
0xa: {  	[smem:$0x3FA9] =	sst s2  }
0xb: {  	[smem:$0x3FAA] =	sst s3  }
0xc: {  	[smem:$0x3FAB] =	sst s4  }
0xd: {  	[smem:$0x3FAC] =	sst s5  }
0xe: {  	[smem:$0x3FAD] =	sst s6  }
0xf: {  	[smem:$0x3FAE] =	sst s7  }
0x10: {  	[smem:$0x3FAF] =	sst s8  }
0x11: {  	[smem:$0x3FB0] =	sst s9;
	s0 =	simm.s32 @!p0 $0x0  }
0x12: {  	s1 =	sld [smem:$0x3F96];
	s0 =	simm.s32 @p0 $0x1  }
0x13: {  	[smem:$0x3FB1] =	sst s0;
	s0 =	simm.s32 @!p1 $0x0  }
0x14: {  	s2 =	sld [smem:$0x3F95];
	s0 =	simm.s32 @p1 $0x1  }
0x15: {  	[smem:$0x3FB2] =	sst s0;
	s0 =	simm.s32 @!p2 $0x0  }
0x16: {  	s3 =	sld [smem:$0x3FDB];
	s0 =	simm.s32 @p2 $0x1  }
0x17: {  	s4 =	simm.s32 $0x1BF5;
	[smem:$0x3FB4] =	sst s0  }
0x18: {  	s0 =	sld [smem:$0x3F97];
	_ =	swait.ge [sflag:s4], $0x0  }
0x19: {  	s7 =	sld [smem:$0x3F98]  }
0x1a: {  	s8 =	sadd.s32 $0xFFFFE003, lr  }
0x1b: {  	s9 =	sadd.s32 $0xFFFFFEF7, lr;
	s5 =	simm.s32 $0xFFFFFFFF;
	p2 =	slt.u32 s8, $0xFFFFF086  }
0x1c: {  	p1 =	slt.u32 s9, $0xF7A;
	s5 =	simm.s32 @!p2 $0x0  }
0x1d: {  	s5 =	simm.s32 @p1 $0x1;
	p0 =	seq.s32 s7, s2  }
0x1e: {  	s7 =	smul.u32 @!p0 $0xF7A, s2;
	p2 =	seq.s32 @!p0 s5, $0x0  }
0x1f: {  	s9 =	smul.u32 $0xF7A, s1;
	s8 =	simm.s32 @!p0 $0x1BF5;
	p2 =	por !p2, p0  }
0x20: {  	[sflag:s8] =	ssyncset.s32 @!p0 $0xFFFFF086;
	s6 =	sadd.s32 @!p0 s3, s7;
	s7 =	simm.s32 @!p0 $0x108  }
0x21: {  	s3 =	sadd.s32 s3, s9;
	s6 =	sadd.s32 @!p0 $0x88, s6;
	s7 =	simm.s32 @p2 $0x1082  }
0x22: {  	[simem:s7], [sflag:s8] =	dma.local @!p0 [hbm:s6], $0xF7A  }
0x23: {  	s9 =	sor.u32 $0xD0000000, s2;
	s6 =	simm.s32 $0x108;
	_ =	swait.ge @!p0 [sflag:s8], $0x0  }
0x24: {  	s3 =	sadd.s32 $0x88, s3;
	s6 =	simm.s32 @!p1 $0x1082;
	[sflag:s4] =	ssyncset.s32 $0xFFFFF086  }
0x25: {  	[simem:s6], [sflag:s4] =	dma.local [hbm:s3], $0xF7A  }
0x26: {  	[smem:$0x3F98] =	sst s1;
	(tag) =	ssettag s2;
	_ =	strace s9  }
0x27: {  	s1 =	sld [smem:$0x3FA8]  }
0x28: {  	s2 =	sld [smem:$0x3FA9]  }
0x29: {  	s4 =	sld [smem:$0x3FAB]  }
0x2a: {  	p0 =	seq.s32 s5, $0x0;
	s5 =	sld [smem:$0x3FAC]  }
0x2b: {  	s6 =	sld [smem:$0x3FAD]  }
0x2c: {  	s7 =	sld [smem:$0x3FAE]  }
0x2d: {  	s3 =	simm.s32 $0x108;
	s8 =	sld [smem:$0x3FAF]  }
0x2e: {  	s3 =	simm.s32 @!p0 $0x1082;
	s9 =	sld [smem:$0x3FB0]  }
0x2f: {  	lr =	sadd.s32 s0, s3;
	s0 =	sld [smem:$0x3FA7]  }
0x30: {  	s3 =	sld [smem:$0x3FAA]  }
0x31: {  	[smem:$0x3FB3] =	sst s10  }
0x32: {  	s10 =	sld [smem:$0x3FB1];
	_ =	sdelay $0x3  }
0x33: {  	p0 =	seq.s32 s10, $0x1;
	s10 =	sld [smem:$0x3FB3];
	_ =	sdelay $0x3  }
0x34: {  	[smem:$0x3FB3] =	sst s10  }
0x35: {  	s10 =	sld [smem:$0x3FB2];
	_ =	sdelay $0x3  }
0x36: {  	p1 =	seq.s32 s10, $0x1;
	s10 =	sld [smem:$0x3FB3];
	_ =	sdelay $0x3  }
0x37: {  	[smem:$0x3FB3] =	sst s10  }
0x38: {  	s10 =	sld [smem:$0x3FB4]  }
0x39: {  	_ = 	snop;
	(pc) =	sbr.ind lr, $3  }
0x3a: {  	_ = 	snop  }
0x3b: {  	_ = 	snop  }
0x3c: {  	p2 =	seq.s32 s10, $0x1;
	s10 =	sld [smem:$0x3FB3]  }
0x3d: {  	_ =	shalt  }
0x3e: {  	_ =	shalt  }
0x3f: {  	_ =	shalt  }
0x40: {  	_ =	shalt  }
0x41: {  	_ =	shalt  }
0x42: {  	_ =	shalt  }
0x43: {  	_ =	shalt  }
0x44: {  	_ =	shalt  }
0x45: {  	_ =	shalt  }
0x46: {  	_ =	shalt  }
0x47: {  	_ =	shalt  }
0x48: {  	_ =	shalt  }
0x49: {  	_ =	shalt  }
0x4a: {  	_ =	shalt  }
0x4b: {  	_ =	shalt  }
0x4c: {  	_ =	shalt  }
0x4d: {  	_ =	shalt  }
0x4e: {  	_ =	shalt  }
0x4f: {  	_ =	shalt  }
0x50: {  	_ =	shalt  }
0x51: {  	_ =	shalt  }
0x52: {  	_ =	shalt  }
0x53: {  	_ =	shalt  }
0x54: {  	_ =	shalt  }
0x55: {  	_ =	shalt  }
0x56: {  	_ =	shalt  }
0x57: {  	_ =	shalt  }
0x58: {  	_ =	shalt  }
0x59: {  	_ =	shalt  }
0x5a: {  	_ =	shalt  }
0x5b: {  	_ =	shalt  }
0x5c: {  	_ =	shalt  }
0x5d: {  	_ =	shalt  }
0x5e: {  	_ =	shalt  }
0x5f: {  	_ =	shalt  }
0x60: {  	_ =	shalt  }
0x61: {  	_ =	shalt  }
0x62: {  	_ =	shalt  }
0x63: {  	_ =	shalt  }
0x64: {  	_ =	shalt  }
0x65: {  	_ =	shalt  }
0x66: {  	_ =	shalt  }
0x67: {  	_ =	shalt  }
0x68: {  	_ =	shalt  }
0x69: {  	_ =	shalt  }
0x6a: {  	_ =	shalt  }
0x6b: {  	_ =	shalt  }
0x6c: {  	_ =	shalt  }
0x6d: {  	_ =	shalt  }
0x6e: {  	_ =	shalt  }
0x6f: {  	_ =	shalt  }
0x70: {  	_ =	shalt  }
0x71: {  	_ =	shalt  }
0x72: {  	_ =	shalt  }
0x73: {  	_ =	shalt  }
0x74: {  	_ =	shalt  }
0x75: {  	_ =	shalt  }
0x76: {  	_ =	shalt  }
0x77: {  	_ =	shalt  }
0x78: {  	_ =	shalt  }
0x79: {  	_ =	shalt  }
0x7a: {  	_ =	shalt  }
0x7b: {  	_ =	shalt  }
0x7c: {  	_ =	shalt  }
0x7d: {  	_ =	shalt  }
0x7e: {  	_ =	shalt  }
0x7f: {  	_ =	shalt  }
0x80: {  	_ =	shalt  }
0x81: {  	_ =	shalt  }
0x82: {  	_ =	shalt  }
0x83: {  	_ =	shalt  }
0x84: {  	_ =	shalt  }
0x85: {  	_ =	shalt  }
0x86: {  	_ =	shalt  }
0x87: {  	_ =	shalt  }
.Lfunc_end0:
.L_simem_size_0:
called_computation_lowered:
.L_overlay_start_0:
0x88: {  	s2 =	sld [smem:$0x3FD9]  }
0x89: {  	s3 =	sld [smem:$0x3FFE];
	_ =	sdelay $0x1  }
0x8a: {  	s1 =	srdreg.scid  }
0x8b: {  	s0 =	sand.u32 $0x1, s1  }
0x8c: {  	s17 =	sshll.u32 s0, $0xA;
	s2 =	sadd.s32 s3, s2  }
0x8d: {  	s2 =	sadd.s32 s2, s17  }
0x8e: {  	[smem:$0x3FBF] =	sst s2  }
0x8f: {  	_ = 	snop  }
0x90: {  	s2 =	sld [smem:$0x3FC9]  }
0x91: {  	s18 =	sld [smem:$0x3FD0];
	(tm) =	ssettm $0x1  }
0x92: {  	s4 =	sld [smem:$0x3FFB];
	_ =	sdelay $0x3  }
0x93: {  	_ =	strace s4  }
0x94: {  	s4 =	sld [smem:$0x3FFC];
	_ =	sdelay $0x3  }
0x95: {  	_ =	strace s4  }
0x96: {  	s4 =	sld [smem:$0x3FFD];
	_ =	sdelay $0x3  }
0x97: {  	_ =	strace s4  }
0x98: {  	_ =	strace $0x8FFFFFFF  }
0x99: {  	s19 =	sld [smem:$0x3FDB];
	_ =	sdelay $0x1  }
0x9a: {  	s5 =	simm.s32 $_scs_section_size  }
0x9b: {  	s6 =	simm.s32 $_size__tile_overlayer_lowered;
	s7 =	simm.s32 $_tile_overlayer_lowered  }
0x9c: {  	s22 =	simm.s32 $0x1BFF;
	s21 =	sshll.u32 s7, $0x1;
	s4 =	sadd.s32 s5, s19  }
0x9d: {  	s8 =	simm.s32 $0x0;
	s20 =	sshll.u32 s6, $0x1;
	s6 =	sadd.s32 s21, s4  }
0x9e: {  	[timem:s8], [sflag:s22] =	dma.local [hbm:s6], s20  }
0x9f: {  	_ =	swait.ge [sflag:s22], s20  }
0xa0: {  	s5 =	ssub.s32 $0x0, s20;
	[sflag:s22] =	ssyncset.done $0x0  }
0xa1: {  	[sflag:s22] =	ssyncadd.s32 s5;
	_ =	sdelay $0x1  }
0xa2: {  	s23 =	simm.s32 $0x1B8B  }
0xa3: {  	_ =	swait.ge [sflag:s23], $0x1  }
0xa4: {  	[sflag:s23] =	ssyncset.done $0x0  }
0xa5: {  	s25 =	simm.s32 $0x1B8E;
	s24 =	sld [smem:$0x3FFE];
	[sflag:s23] =	ssyncadd.s32 $0xFFFFFFFF  }
0xa6: {  	s26 =	simm.s32 $execute0_lowered;
	[smem:$0x3FD2] =	sst s25  }
0xa7: {  	s6 =	sshll.u32 s26, $0x1;
	_ =	strace $0x80000046;
	[dreg:$0x1] =	wrdreg $0xFFFFFFFF  }
0xa8: {  	s28 =	simm.s32 $_size_execute0_lowered;
	s4 =	sadd.s32 s4, s6;
	[dreg:$0x0] =	wrdreg $0x0  }
0xa9: {  	s6 =	sshll.u32 s28, $0x1;
	[dreg:$0x2] =	wrdreg s4  }
0xaa: {  	[dreg:$0x3] =	wrdreg s6  }
0xab: {  	[dreg:$0x4] =	wrdreg $0xC0  }
0xac: {  	_ =	task [dreg:s8], $0x5FFFF  }
0xad: {  	[dreg:$0x1] =	wrdreg $0xFFFFFFFF  }
0xae: {  	[dreg:$0x0] =	wrdreg $0x60  }
0xaf: {  	[dreg:$0x2] =	wrdreg s2  }
0xb0: {  	[dreg:$0x3] =	wrdreg s24  }
0xb1: {  	[dreg:$0x4] =	wrdreg s18  }
0xb2: {  	[dreg:$0x5] =	wrdreg $0x9  }
0xb3: {  	_ =	task.clear_ibuf [dreg:s8], $0x6FFFF;
	_ =	strace $0x90000046  }
0xb4: {  	s29 =	simm.s32 $0x9;
	_ =	strace $0x80000048  }
0xb5: {  	_ =	swait.ge [sflag:s29], $0x1  }
0xb6: {  	[sflag:s29] =	ssyncadd.s32 $0xFFFFFFFF  }
0xb7: {  	_ =	strace $0x90000048  }
0xb8: {  	_ =	sfence  }
0xb9: {  	s30 =	sld [smem:$0x0];
	_ =	sdelay $0x2  }
0xba: {  	s31 =	sshll.u32 s1, $0xD;
	s1 =	sshrl.u32 s1, $0x2  }
0xbb: {  	s3 =	sand.u32 $0x4000, s31;
	s1 =	sadd.s32 s1, s30  }
0xbc: {  	s0 =	sor.u32 s3, s0;
	s1 =	sshll.u32 s1, $0x11  }
0xbd: {  	s0 =	sor.u32 s1, s0  }
0xbe: {  	s0 =	sadd.s32 $0x8F2B, s0  }
0xbf: {  	[sflag:s0] =	ssyncadd.remote.s32 $0x1  }
0xc0: {  	_ =	sfence.sel $0xFFFF  }
0xc1: {  	[dreg:$0x0] =	wrdreg $0xFFFFFFFF;
	(pc) =	sbr.abs _section_cstart, $3  }
0xc2: {  	[dreg:$0x1] =	wrdreg $0xFFFFFFFF  }
0xc3: {  	_ =	task.clear_ibuf [dreg:s8], $0x2FFFF;
	_ =	strace $0x9FFFFFFF  }
0xc4: {  	(tm) =	ssettm $0x7FFFFFFF  }
0xc5: {  	_ =	shalt  }
tec
execute0_lowered:
.L_overlay_start_1:
0x0: {  	(tag) =	ssettag $0x1  }
0x1: {  	s0 =	rddreg [dreg:$0x0];
	s1 =	srdreg.scid  }
0x2: {  	s6 =	rddreg [dreg:$0x1];
	s2 =	stileid.u32  }
0x3: {  	s3 =	rddreg [dreg:$0x2];
	s25 =	simm.s32 $0x10000;
	s26 =	simm.s32 $0x10080  }
0x4: {  	s8 =	simm.s32 $0x3;
	s20 =	simm.s32 $0x1800;
	s21 =	simm.s32 $0x2000  }
0x5: {  	s28 =	simm.s32 $0x5000;
	s29 =	simm.s32 $0x5800;
	s30 =	simm.s32 $0x6000  }
0x6: {  	s31 =	simm.s32 $0x6800;
	s9 =	simm.s32 $0x8000;
	s10 =	simm.s32 $0x8800  }
0x7: {  	s11 =	simm.s32 $0x9000;
	s12 =	simm.s32 $0x9800;
	s13 =	simm.s32 $0xA000  }
0x8: {  	s14 =	simm.s32 $0xA800;
	s15 =	simm.s32 $0xB000;
	s16 =	simm.s32 $0xB800  }
0x9: {  	s1 =	sand.u32 $0x1, s1;
	s4 =	sshll.u32 s2, $0x7;
	s2 =	simm.s32 $0x0  }
0xa: {  	s17 =	simm.s32 $0xC000;
	s5 =	sshll.u32 s1, $0x6;
	[smem:$0x7FF] =	sst s2  }
0xb: {  	s1 =	ssub.s32 $0x2, s1;
	_ =	strace $0x80000047;
	[dreg:$0x7] =	wrdreg s25  }
0xc: {  	s4 =	sor.u32 s5, s4;
	s23 =	sshrl.u32 s1, $0x1;
	[dreg:$0x8] =	wrdreg s26  }
0xd: {  	s25 =	simm.s32 $0x4000;
	s26 =	simm.s32 $0x4800;
	s5 =	sshrl.u32 s4, $0x3  }
0xe: {  	s4 =	sshll.u32 s4, $0x7;
	s1 =	ssub.s32 s1, s23;
	s23 =	simm.s32 $0x3000  }
0xf: {  	s7 =	sadd.s32 s5, s6;
	s0 =	sadd.s32 s0, s4;
	s24 =	sadd.s32 s3, s5  }
0x10: {  	s3 =	sadd.s32 $0x8800, s6;
	s4 =	sadd.s32 $0x8900, s6;
	s5 =	sadd.s32 $0x8A00, s6  }
0x11: {  	v2 =	vlaneseq.u32;
	s6 =	sadd.s32 $0x8B00, s6;
	[dreg:$0x4] =	wrdreg s0;
	s22 =	sadd.s32 $0x8200, s7  }
0x12: {  	vm0 =	vmmov $0xffff;
	v1 =	vshrl.u32 v2, $0x3;
	[dreg:$0x6] =	wrdreg s24;
	s7 =	smax.u32 s1, $0x1;
	s24 =	simm.s32 $0x3800  }
0x13: {  	v0 =	vand.u32 $0x7, v2;
	v2 =	vor.u32 $0x8, v2;
	v1 =	vmul.u32 $0x8, v1;
	s1 =	simm.s32 $0x7000;
	[dreg:$0x5] =	wrdreg s22;
	s22 =	simm.s32 $0x2800  }
.LBB2_1:
0x14: {  	s18 =	rddreg [dreg:$0x4]  }
0x15: {  	[tilespmem:s2], [sflag:$0x3] =	stream.linear.gather [hbm4b:s18+s2], $0x10000, $0x38;
	[tilespmem:$0x10100] =	vst v63  }
0x16: {  	_ =	swait.ge [sflag:s8], $0x10000  }
0x17: {  	s0 =	rddreg [dreg:$0x5];
	[sflag:s8] =	ssyncset.done $0x0  }
0x18: {  	s19 =	rddreg [dreg:$0x7];
	[sflag:s8] =	ssyncadd.s32 $0xFFFF0000  }
0x19: {  	[tilespmem:s19], [sflag:$0x3] =	stream.linear.gather [hbm4b:s0+s2], $0x40, $0x38;
	[tilespmem:$0x10100] =	vst v63  }
0x1a: {  	_ =	swait.ge [sflag:s8], $0x40  }
0x1b: {  	s19 =	rddreg [dreg:$0x6];
	[sflag:s8] =	ssyncset.done $0x0  }
0x1c: {  	s0 =	rddreg [dreg:$0x8];
	[sflag:s8] =	ssyncadd.s32 $0xFFFFFFC0  }
0x1d: {  	[tilespmem:s0], [sflag:$0x3] =	stream.linear.gather [hbm4b:s19+s2], $0x40, $0x38;
	[tilespmem:$0x10100] =	vst v63  }
0x1e: {  	_ =	swait.ge [sflag:s8], $0x40  }
0x1f: {  	[sflag:s8] =	ssyncset.done $0x0  }
0x20: {  	[sflag:s8] =	ssyncadd.s32 $0xFFFFFFC0  }
0x21: {  	v3 =	vld [tilespmem:$0x10000];
	_ =	sdelay $0x4  }
0x22: {  	v4 =	vshll.u32 v3, $0x3  }
0x23: {  	v3 =	vand.u32 $0x7, v3;
	v4 =	vand.u32 $0xFFFFFFC0, v4  }
0x24: {  	v3 =	vor.u32 v3, v4  }
0x25: {  	v4 =	vperm.xlane v3, v0;
	_ =	sdelay $0x1  }
0x26: {  	v4 =	vadd.s32 v1, v4;
	_ =	sdelay $0x4  }
0x27: {  	[hbm4b:s3+s2] =	stream.indirect_vreg.scatter [tilespmem:s2], [sflag:$0x1], $0x80, v4, vm0, $0xb8;
	[tilespmem:$0x10100] =	vst v63  }
0x28: {  	s18 =	simm.s32 $0x800;
	v3 =	vperm.xlane v3, v2  }
0x29: {  	[hbm4b:s4+s2] =	stream.indirect_vreg.scatter [tilespmem:s18], [sflag:$0x1], $0x80, v4, vm0, $0xb8;
	[tilespmem:$0x10100] =	vst v63  }
0x2a: {  	s19 =	simm.s32 $0x1000;
	v3 =	vadd.s32 v1, v3  }
0x2b: {  	[hbm4b:s5+s2] =	stream.indirect_vreg.scatter [tilespmem:s19], [sflag:$0x1], $0x80, v4, vm0, $0xb8;
	[tilespmem:$0x10100] =	vst v63  }
0x2c: {  	_ = 	snop  }
0x2d: {  	[hbm4b:s6+s2] =	stream.indirect_vreg.scatter [tilespmem:s20], [sflag:$0x1], $0x80, v4, vm0, $0xb8;
	[tilespmem:$0x10100] =	vst v63  }
0x2e: {  	_ = 	snop  }
0x2f: {  	[hbm4b:s3+s2] =	stream.indirect_vreg.scatter [tilespmem:s21], [sflag:$0x1], $0x80, v3, vm0, $0xb8;
	[tilespmem:$0x10100] =	vst v63  }
0x30: {  	_ = 	snop  }
0x31: {  	[hbm4b:s4+s2] =	stream.indirect_vreg.scatter [tilespmem:s22], [sflag:$0x1], $0x80, v3, vm0, $0xb8;
	[tilespmem:$0x10100] =	vst v63  }
0x32: {  	_ = 	snop  }
0x33: {  	[hbm4b:s5+s2] =	stream.indirect_vreg.scatter [tilespmem:s23], [sflag:$0x1], $0x80, v3, vm0, $0xb8;
	[tilespmem:$0x10100] =	vst v63  }
0x34: {  	_ = 	snop  }
0x35: {  	[hbm4b:s6+s2] =	stream.indirect_vreg.scatter [tilespmem:s24], [sflag:$0x1], $0x80, v3, vm0, $0xb8;
	[tilespmem:$0x10100] =	vst v63  }
0x36: {  	v3 =	vld [tilespmem:$0x10010];
	_ =	sdelay $0x4  }
0x37: {  	v57 =	vshll.u32 v3, $0x3  }
0x38: {  	v3 =	vand.u32 $0x7, v3;
	v4 =	vand.u32 $0xFFFFFFC0, v57  }
0x39: {  	v3 =	vor.u32 v3, v4  }
0x3a: {  	v4 =	vperm.xlane v3, v0;
	_ =	sdelay $0x1  }
0x3b: {  	v4 =	vadd.s32 v1, v4;
	_ =	sdelay $0x4  }
0x3c: {  	[hbm4b:s3+s2] =	stream.indirect_vreg.scatter [tilespmem:s25], [sflag:$0x1], $0x80, v4, vm0, $0xb8;
	[tilespmem:$0x10100] =	vst v63  }
0x3d: {  	v3 =	vperm.xlane v3, v2  }
0x3e: {  	[hbm4b:s4+s2] =	stream.indirect_vreg.scatter [tilespmem:s26], [sflag:$0x1], $0x80, v4, vm0, $0xb8;
	[tilespmem:$0x10100] =	vst v63  }
0x3f: {  	v3 =	vadd.s32 v1, v3  }
0x40: {  	[hbm4b:s5+s2] =	stream.indirect_vreg.scatter [tilespmem:s28], [sflag:$0x1], $0x80, v4, vm0, $0xb8;
	[tilespmem:$0x10100] =	vst v63  }
0x41: {  	_ = 	snop  }
0x42: {  	[hbm4b:s6+s2] =	stream.indirect_vreg.scatter [tilespmem:s29], [sflag:$0x1], $0x80, v4, vm0, $0xb8;
	[tilespmem:$0x10100] =	vst v63  }
0x43: {  	_ = 	snop  }
0x44: {  	[hbm4b:s3+s2] =	stream.indirect_vreg.scatter [tilespmem:s30], [sflag:$0x1], $0x80, v3, vm0, $0xb8;
	[tilespmem:$0x10100] =	vst v63  }
0x45: {  	_ = 	snop  }
0x46: {  	[hbm4b:s4+s2] =	stream.indirect_vreg.scatter [tilespmem:s31], [sflag:$0x1], $0x80, v3, vm0, $0xb8;
	[tilespmem:$0x10100] =	vst v63  }
0x47: {  	_ = 	snop  }
0x48: {  	[hbm4b:s5+s2] =	stream.indirect_vreg.scatter [tilespmem:s1], [sflag:$0x1], $0x80, v3, vm0, $0xb8;
	[tilespmem:$0x10100] =	vst v63  }
0x49: {  	s0 =	simm.s32 $0x7800  }
0x4a: {  	[hbm4b:s6+s2] =	stream.indirect_vreg.scatter [tilespmem:s0], [sflag:$0x1], $0x80, v3, vm0, $0xb8;
	[tilespmem:$0x10100] =	vst v63  }
0x4b: {  	v3 =	vld [tilespmem:$0x10020];
	_ =	sdelay $0x4  }
0x4c: {  	v58 =	vshll.u32 v3, $0x3  }
0x4d: {  	v3 =	vand.u32 $0x7, v3;
	v4 =	vand.u32 $0xFFFFFFC0, v58  }
0x4e: {  	v3 =	vor.u32 v3, v4  }
0x4f: {  	v4 =	vperm.xlane v3, v0;
	_ =	sdelay $0x1  }
0x50: {  	v4 =	vadd.s32 v1, v4;
	_ =	sdelay $0x4  }
0x51: {  	[hbm4b:s3+s2] =	stream.indirect_vreg.scatter [tilespmem:s9], [sflag:$0x1], $0x80, v4, vm0, $0xb8;
	[tilespmem:$0x10100] =	vst v63  }
0x52: {  	v3 =	vperm.xlane v3, v2  }
0x53: {  	[hbm4b:s4+s2] =	stream.indirect_vreg.scatter [tilespmem:s10], [sflag:$0x1], $0x80, v4, vm0, $0xb8;
	[tilespmem:$0x10100] =	vst v63  }
0x54: {  	v3 =	vadd.s32 v1, v3  }
0x55: {  	[hbm4b:s5+s2] =	stream.indirect_vreg.scatter [tilespmem:s11], [sflag:$0x1], $0x80, v4, vm0, $0xb8;
	[tilespmem:$0x10100] =	vst v63  }
0x56: {  	_ = 	snop  }
0x57: {  	[hbm4b:s6+s2] =	stream.indirect_vreg.scatter [tilespmem:s12], [sflag:$0x1], $0x80, v4, vm0, $0xb8;
	[tilespmem:$0x10100] =	vst v63  }
0x58: {  	_ = 	snop  }
0x59: {  	[hbm4b:s3+s2] =	stream.indirect_vreg.scatter [tilespmem:s13], [sflag:$0x1], $0x80, v3, vm0, $0xb8;
	[tilespmem:$0x10100] =	vst v63  }
0x5a: {  	_ = 	snop  }
0x5b: {  	[hbm4b:s4+s2] =	stream.indirect_vreg.scatter [tilespmem:s14], [sflag:$0x1], $0x80, v3, vm0, $0xb8;
	[tilespmem:$0x10100] =	vst v63  }
0x5c: {  	_ = 	snop  }
0x5d: {  	[hbm4b:s5+s2] =	stream.indirect_vreg.scatter [tilespmem:s15], [sflag:$0x1], $0x80, v3, vm0, $0xb8;
	[tilespmem:$0x10100] =	vst v63  }
0x5e: {  	_ = 	snop  }
0x5f: {  	[hbm4b:s6+s2] =	stream.indirect_vreg.scatter [tilespmem:s16], [sflag:$0x1], $0x80, v3, vm0, $0xb8;
	[tilespmem:$0x10100] =	vst v63  }
0x60: {  	v3 =	vld [tilespmem:$0x10030];
	_ =	sdelay $0x4  }
0x61: {  	v59 =	vshll.u32 v3, $0x3  }
0x62: {  	v3 =	vand.u32 $0x7, v3;
	v4 =	vand.u32 $0xFFFFFFC0, v59  }
0x63: {  	v3 =	vor.u32 v3, v4  }
0x64: {  	v4 =	vperm.xlane v3, v0;
	_ =	sdelay $0x1  }
0x65: {  	v4 =	vadd.s32 v1, v4;
	_ =	sdelay $0x4  }
0x66: {  	[hbm4b:s3+s2] =	stream.indirect_vreg.scatter [tilespmem:s17], [sflag:$0x1], $0x80, v4, vm0, $0xb8;
	[tilespmem:$0x10100] =	vst v63  }
0x67: {  	s0 =	simm.s32 $0xC800;
	v3 =	vperm.xlane v3, v2  }
0x68: {  	[hbm4b:s4+s2] =	stream.indirect_vreg.scatter [tilespmem:s0], [sflag:$0x1], $0x80, v4, vm0, $0xb8;
	[tilespmem:$0x10100] =	vst v63  }
0x69: {  	v3 =	vadd.s32 v1, v3;
	s0 =	simm.s32 $0xD000  }
0x6a: {  	[hbm4b:s5+s2] =	stream.indirect_vreg.scatter [tilespmem:s0], [sflag:$0x1], $0x80, v4, vm0, $0xb8;
	[tilespmem:$0x10100] =	vst v63  }
0x6b: {  	s0 =	simm.s32 $0xD800  }
0x6c: {  	[hbm4b:s6+s2] =	stream.indirect_vreg.scatter [tilespmem:s0], [sflag:$0x1], $0x80, v4, vm0, $0xb8;
	[tilespmem:$0x10100] =	vst v63  }
0x6d: {  	s0 =	simm.s32 $0xE000  }
0x6e: {  	[hbm4b:s3+s2] =	stream.indirect_vreg.scatter [tilespmem:s0], [sflag:$0x1], $0x80, v3, vm0, $0xb8;
	[tilespmem:$0x10100] =	vst v63  }
0x6f: {  	s0 =	simm.s32 $0xE800  }
0x70: {  	[hbm4b:s4+s2] =	stream.indirect_vreg.scatter [tilespmem:s0], [sflag:$0x1], $0x80, v3, vm0, $0xb8;
	[tilespmem:$0x10100] =	vst v63  }
0x71: {  	s0 =	simm.s32 $0xF000  }
0x72: {  	[hbm4b:s5+s2] =	stream.indirect_vreg.scatter [tilespmem:s0], [sflag:$0x1], $0x80, v3, vm0, $0xb8;
	[tilespmem:$0x10100] =	vst v63  }
0x73: {  	s0 =	simm.s32 $0xF800  }
0x74: {  	[hbm4b:s6+s2] =	stream.indirect_vreg.scatter [tilespmem:s0], [sflag:$0x1], $0x80, v3, vm0, $0xb8;
	[tilespmem:$0x10100] =	vst v63  }
0x75: {  	v3 =	vld [tilespmem:$0x10080];
	_ =	sdelay $0x4  }
0x76: {  	v60 =	vshll.u32 v3, $0x3  }
0x77: {  	v3 =	vand.u32 $0x7, v3;
	v4 =	vand.u32 $0xFFFFFFC0, v60  }
0x78: {  	v3 =	vor.u32 v3, v4  }
0x79: {  	v4 =	vperm.xlane v3, v0;
	_ =	sdelay $0x1  }
0x7a: {  	v4 =	vadd.s32 v1, v4;
	_ =	sdelay $0x4  }
0x7b: {  	[hbm4b:s3+s2] =	stream.indirect_vreg.scatter [tilespmem:s2], [sflag:$0x2], $0x80, v4, vm0, $0xb8;
	[tilespmem:$0x10100] =	vst v63  }
0x7c: {  	v3 =	vperm.xlane v3, v2  }
0x7d: {  	[hbm4b:s4+s2] =	stream.indirect_vreg.scatter [tilespmem:s18], [sflag:$0x2], $0x80, v4, vm0, $0xb8;
	[tilespmem:$0x10100] =	vst v63  }
0x7e: {  	v3 =	vadd.s32 v1, v3  }
0x7f: {  	[hbm4b:s5+s2] =	stream.indirect_vreg.scatter [tilespmem:s19], [sflag:$0x2], $0x80, v4, vm0, $0xb8;
	[tilespmem:$0x10100] =	vst v63  }
0x80: {  	_ = 	snop  }
0x81: {  	[hbm4b:s6+s2] =	stream.indirect_vreg.scatter [tilespmem:s20], [sflag:$0x2], $0x80, v4, vm0, $0xb8;
	[tilespmem:$0x10100] =	vst v63  }
0x82: {  	_ = 	snop  }
0x83: {  	[hbm4b:s3+s2] =	stream.indirect_vreg.scatter [tilespmem:s21], [sflag:$0x2], $0x80, v3, vm0, $0xb8;
	[tilespmem:$0x10100] =	vst v63  }
0x84: {  	_ = 	snop  }
0x85: {  	[hbm4b:s4+s2] =	stream.indirect_vreg.scatter [tilespmem:s22], [sflag:$0x2], $0x80, v3, vm0, $0xb8;
	[tilespmem:$0x10100] =	vst v63  }
0x86: {  	_ = 	snop  }
0x87: {  	[hbm4b:s5+s2] =	stream.indirect_vreg.scatter [tilespmem:s23], [sflag:$0x2], $0x80, v3, vm0, $0xb8;
	[tilespmem:$0x10100] =	vst v63  }
0x88: {  	_ = 	snop  }
0x89: {  	[hbm4b:s6+s2] =	stream.indirect_vreg.scatter [tilespmem:s24], [sflag:$0x2], $0x80, v3, vm0, $0xb8;
	[tilespmem:$0x10100] =	vst v63  }
0x8a: {  	v3 =	vld [tilespmem:$0x10090];
	_ =	sdelay $0x4  }
0x8b: {  	v61 =	vshll.u32 v3, $0x3  }
0x8c: {  	v3 =	vand.u32 $0x7, v3;
	v4 =	vand.u32 $0xFFFFFFC0, v61  }
0x8d: {  	v3 =	vor.u32 v3, v4  }
0x8e: {  	v4 =	vperm.xlane v3, v0;
	_ =	sdelay $0x1  }
0x8f: {  	v4 =	vadd.s32 v1, v4;
	_ =	sdelay $0x4  }
0x90: {  	[hbm4b:s3+s2] =	stream.indirect_vreg.scatter [tilespmem:s25], [sflag:$0x2], $0x80, v4, vm0, $0xb8;
	[tilespmem:$0x10100] =	vst v63  }
0x91: {  	v3 =	vperm.xlane v3, v2  }
0x92: {  	[hbm4b:s4+s2] =	stream.indirect_vreg.scatter [tilespmem:s26], [sflag:$0x2], $0x80, v4, vm0, $0xb8;
	[tilespmem:$0x10100] =	vst v63  }
0x93: {  	v3 =	vadd.s32 v1, v3  }
0x94: {  	[hbm4b:s5+s2] =	stream.indirect_vreg.scatter [tilespmem:s28], [sflag:$0x2], $0x80, v4, vm0, $0xb8;
	[tilespmem:$0x10100] =	vst v63  }
0x95: {  	_ = 	snop  }
0x96: {  	[hbm4b:s6+s2] =	stream.indirect_vreg.scatter [tilespmem:s29], [sflag:$0x2], $0x80, v4, vm0, $0xb8;
	[tilespmem:$0x10100] =	vst v63  }
0x97: {  	_ = 	snop  }
0x98: {  	[hbm4b:s3+s2] =	stream.indirect_vreg.scatter [tilespmem:s30], [sflag:$0x2], $0x80, v3, vm0, $0xb8;
	[tilespmem:$0x10100] =	vst v63  }
0x99: {  	_ = 	snop  }
0x9a: {  	[hbm4b:s4+s2] =	stream.indirect_vreg.scatter [tilespmem:s31], [sflag:$0x2], $0x80, v3, vm0, $0xb8;
	[tilespmem:$0x10100] =	vst v63  }
0x9b: {  	_ = 	snop  }
0x9c: {  	[hbm4b:s5+s2] =	stream.indirect_vreg.scatter [tilespmem:s1], [sflag:$0x2], $0x80, v3, vm0, $0xb8;
	[tilespmem:$0x10100] =	vst v63  }
0x9d: {  	s18 =	simm.s32 $0x7800  }
0x9e: {  	[hbm4b:s6+s2] =	stream.indirect_vreg.scatter [tilespmem:s18], [sflag:$0x2], $0x80, v3, vm0, $0xb8;
	[tilespmem:$0x10100] =	vst v63  }
0x9f: {  	v3 =	vld [tilespmem:$0x100A0];
	_ =	sdelay $0x4  }
0xa0: {  	v62 =	vshll.u32 v3, $0x3  }
0xa1: {  	v3 =	vand.u32 $0x7, v3;
	v4 =	vand.u32 $0xFFFFFFC0, v62  }
0xa2: {  	v3 =	vor.u32 v3, v4  }
0xa3: {  	v4 =	vperm.xlane v3, v0;
	_ =	sdelay $0x1  }
0xa4: {  	v4 =	vadd.s32 v1, v4;
	_ =	sdelay $0x4  }
0xa5: {  	[hbm4b:s3+s2] =	stream.indirect_vreg.scatter [tilespmem:s9], [sflag:$0x2], $0x80, v4, vm0, $0xb8;
	[tilespmem:$0x10100] =	vst v63  }
0xa6: {  	v3 =	vperm.xlane v3, v2  }
0xa7: {  	[hbm4b:s4+s2] =	stream.indirect_vreg.scatter [tilespmem:s10], [sflag:$0x2], $0x80, v4, vm0, $0xb8;
	[tilespmem:$0x10100] =	vst v63  }
0xa8: {  	v3 =	vadd.s32 v1, v3  }
0xa9: {  	[hbm4b:s5+s2] =	stream.indirect_vreg.scatter [tilespmem:s11], [sflag:$0x2], $0x80, v4, vm0, $0xb8;
	[tilespmem:$0x10100] =	vst v63  }
0xaa: {  	_ = 	snop  }
0xab: {  	[hbm4b:s6+s2] =	stream.indirect_vreg.scatter [tilespmem:s12], [sflag:$0x2], $0x80, v4, vm0, $0xb8;
	[tilespmem:$0x10100] =	vst v63  }
0xac: {  	_ = 	snop  }
0xad: {  	[hbm4b:s3+s2] =	stream.indirect_vreg.scatter [tilespmem:s13], [sflag:$0x2], $0x80, v3, vm0, $0xb8;
	[tilespmem:$0x10100] =	vst v63  }
0xae: {  	_ = 	snop  }
0xaf: {  	[hbm4b:s4+s2] =	stream.indirect_vreg.scatter [tilespmem:s14], [sflag:$0x2], $0x80, v3, vm0, $0xb8;
	[tilespmem:$0x10100] =	vst v63  }
0xb0: {  	_ = 	snop  }
0xb1: {  	[hbm4b:s5+s2] =	stream.indirect_vreg.scatter [tilespmem:s15], [sflag:$0x2], $0x80, v3, vm0, $0xb8;
	[tilespmem:$0x10100] =	vst v63  }
0xb2: {  	_ = 	snop  }
0xb3: {  	[hbm4b:s6+s2] =	stream.indirect_vreg.scatter [tilespmem:s16], [sflag:$0x2], $0x80, v3, vm0, $0xb8;
	[tilespmem:$0x10100] =	vst v63  }
0xb4: {  	v3 =	vld [tilespmem:$0x100B0];
	_ =	sdelay $0x4  }
0xb5: {  	v63 =	vshll.u32 v3, $0x3  }
0xb6: {  	v3 =	vand.u32 $0x7, v3;
	v4 =	vand.u32 $0xFFFFFFC0, v63  }
0xb7: {  	v3 =	vor.u32 v3, v4  }
0xb8: {  	v4 =	vperm.xlane v3, v0;
	_ =	sdelay $0x1  }
0xb9: {  	v4 =	vadd.s32 v1, v4;
	_ =	sdelay $0x4  }
0xba: {  	[hbm4b:s3+s2] =	stream.indirect_vreg.scatter [tilespmem:s17], [sflag:$0x2], $0x80, v4, vm0, $0xb8;
	[tilespmem:$0x10100] =	vst v63  }
0xbb: {  	s19 =	simm.s32 $0xC800;
	v3 =	vperm.xlane v3, v2  }
0xbc: {  	[hbm4b:s4+s2] =	stream.indirect_vreg.scatter [tilespmem:s19], [sflag:$0x2], $0x80, v4, vm0, $0xb8;
	[tilespmem:$0x10100] =	vst v63  }
0xbd: {  	s18 =	simm.s32 $0xD000;
	v3 =	vadd.s32 v1, v3  }
0xbe: {  	[hbm4b:s5+s2] =	stream.indirect_vreg.scatter [tilespmem:s18], [sflag:$0x2], $0x80, v4, vm0, $0xb8;
	[tilespmem:$0x10100] =	vst v63  }
0xbf: {  	s19 =	simm.s32 $0xD800  }
0xc0: {  	[hbm4b:s6+s2] =	stream.indirect_vreg.scatter [tilespmem:s19], [sflag:$0x2], $0x80, v4, vm0, $0xb8;
	[tilespmem:$0x10100] =	vst v63  }
0xc1: {  	s18 =	simm.s32 $0xE000  }
0xc2: {  	[hbm4b:s3+s2] =	stream.indirect_vreg.scatter [tilespmem:s18], [sflag:$0x2], $0x80, v3, vm0, $0xb8;
	[tilespmem:$0x10100] =	vst v63  }
0xc3: {  	s19 =	simm.s32 $0xE800  }
0xc4: {  	[hbm4b:s4+s2] =	stream.indirect_vreg.scatter [tilespmem:s19], [sflag:$0x2], $0x80, v3, vm0, $0xb8;
	[tilespmem:$0x10100] =	vst v63  }
0xc5: {  	s18 =	simm.s32 $0xF000  }
0xc6: {  	[hbm4b:s5+s2] =	stream.indirect_vreg.scatter [tilespmem:s18], [sflag:$0x2], $0x80, v3, vm0, $0xb8;
	[tilespmem:$0x10100] =	vst v63  }
0xc7: {  	s19 =	simm.s32 $0xF800;
	s18 =	simm.s32 $0x1  }
0xc8: {  	[hbm4b:s6+s2] =	stream.indirect_vreg.scatter [tilespmem:s19], [sflag:$0x2], $0x80, v3, vm0, $0xb8;
	[tilespmem:$0x10100] =	vst v63  }
0xc9: {  	p0 =	sne.s32 s7, $0x1;
	_ =	swait.ge [sflag:s18], $0x10000  }
.Ltmp0:
0xca: {  	[sflag:s18] =	ssyncset.done $0x0;
	(pc) =	sbr.rel @p0 .LBB2_1-.Ltmp0, $4  }
0xcb: {  	s19 =	simm.s32 $0x2;
	[sflag:s18] =	ssyncadd.s32 $0xFFFF0000  }
0xcc: {  	_ =	swait.ge [sflag:s19], $0x10000  }
0xcd: {  	[sflag:s19] =	ssyncset.done $0x0  }
0xce: {  	s7 =	sadd.s32 $0xFFFFFFFF, s7;
	[sflag:s19] =	ssyncadd.s32 $0xFFFF0000  }
0xcf: {  	_ =	sfence.sel $0x180000  }
0xd0: {  	[bflag:$0x0] =	sbarrier.arrive $0xFFFF  }
0xd1: {  	_ =	strace $0x90000047  }
0xd2: {  	s0 =	stileid.u32;
	[bflag:$0x2] =	sbarrier.arrive $0xFFFF  }
0xd3: {  	p0 =	sne.s32 s0, $0x0;
	s0 =	rddreg [dreg:$0x3]  }
0xd4: {  	s0 =	sadd.s32 @!p0 $0x100000, s0  }
0xd5: {  	[sflag:s0] =	ssyncadd.tile.s32 @!p0 $0x1;
	_ =	shalt  }
.Lfunc_end2:
_tile_overlayer_lowered:
.L_overlay_start_2:
0xd6: {  	(tag) =	ssettag $0x2  }
0xd7: {  	s0 =	rddreg [dreg:$0x0];
	s2 =	stileid.u32  }
0xd8: {  	s1 =	rddreg [dreg:$0x1];
	p0 =	sne.s32 s2, $0x0  }
0xd9: {  	s3 =	rddreg [dreg:$0x2];
	[bflag:$0x3] =	sbarrier.arrive $0xFFFF;
	s2 =	simm.s32 @!p0 $0x1C03  }
0xda: {  	[timem:s3], [sflag:s2] =	dma.local @!p0 [hbm:s0], s1  }
0xdb: {  	s0 =	simm.s32 @!p0 $0x3  }
0xdc: {  	_ =	swait.ge @!p0 [sflag:s0], s1  }
0xdd: {  	s1 =	ssub.s32 @!p0 $0x0, s1;
	[sflag:s0] =	ssyncset.done @!p0 $0x0  }
0xde: {  	[sflag:s0] =	ssyncadd.s32 @!p0 s1  }
0xdf: {  	[bflag:$0x3] =	sbarrier.arrive $0xFFFF  }
0xe0: {  	_ =	shalt  }

// kernel: kernel.9.cloned.1.call-start
scs
__scs_entry_jumppad:
0x0: {  	(pc) =	sbr.rel $0x88, $3  }
0x1: {  	(tag) =	ssettag $0x0;
	lr =	simm.s32 $0x1  }
0x2: {  	[smem:$0x3F98] =	sst lr;
	_ =	strace $0xD0000000  }
0x3: {  	_ = 	snop  }
0x4: {  	_ = 	snop  }
0x5: {  	_ = 	snop  }
0x6: {  	_ = 	snop  }
0x7: {  	_ = 	snop  }
__scs_overlays_trampoline_lowered:
0x8: {  	[smem:$0x3FA7] =	sst s0  }
0x9: {  	[smem:$0x3FA8] =	sst s1  }
0xa: {  	[smem:$0x3FA9] =	sst s2  }
0xb: {  	[smem:$0x3FAA] =	sst s3  }
0xc: {  	[smem:$0x3FAB] =	sst s4  }
0xd: {  	[smem:$0x3FAC] =	sst s5  }
0xe: {  	[smem:$0x3FAD] =	sst s6  }
0xf: {  	[smem:$0x3FAE] =	sst s7  }
0x10: {  	[smem:$0x3FAF] =	sst s8  }
0x11: {  	[smem:$0x3FB0] =	sst s9;
	s0 =	simm.s32 @!p0 $0x0  }
0x12: {  	s1 =	sld [smem:$0x3F96];
	s0 =	simm.s32 @p0 $0x1  }
0x13: {  	[smem:$0x3FB1] =	sst s0;
	s0 =	simm.s32 @!p1 $0x0  }
0x14: {  	s2 =	sld [smem:$0x3F95];
	s0 =	simm.s32 @p1 $0x1  }
0x15: {  	[smem:$0x3FB2] =	sst s0;
	s0 =	simm.s32 @!p2 $0x0  }
0x16: {  	s3 =	sld [smem:$0x3FDB];
	s0 =	simm.s32 @p2 $0x1  }
0x17: {  	s4 =	simm.s32 $0x1BF5;
	[smem:$0x3FB4] =	sst s0  }
0x18: {  	s0 =	sld [smem:$0x3F97];
	_ =	swait.ge [sflag:s4], $0x0  }
0x19: {  	s7 =	sld [smem:$0x3F98]  }
0x1a: {  	s8 =	sadd.s32 $0xFFFFE003, lr  }
0x1b: {  	s9 =	sadd.s32 $0xFFFFFEF7, lr;
	s5 =	simm.s32 $0xFFFFFFFF;
	p2 =	slt.u32 s8, $0xFFFFF086  }
0x1c: {  	p1 =	slt.u32 s9, $0xF7A;
	s5 =	simm.s32 @!p2 $0x0  }
0x1d: {  	s5 =	simm.s32 @p1 $0x1;
	p0 =	seq.s32 s7, s2  }
0x1e: {  	s7 =	smul.u32 @!p0 $0xF7A, s2;
	p2 =	seq.s32 @!p0 s5, $0x0  }
0x1f: {  	s9 =	smul.u32 $0xF7A, s1;
	s8 =	simm.s32 @!p0 $0x1BF5;
	p2 =	por !p2, p0  }
0x20: {  	[sflag:s8] =	ssyncset.s32 @!p0 $0xFFFFF086;
	s6 =	sadd.s32 @!p0 s3, s7;
	s7 =	simm.s32 @!p0 $0x108  }
0x21: {  	s3 =	sadd.s32 s3, s9;
	s6 =	sadd.s32 @!p0 $0x88, s6;
	s7 =	simm.s32 @p2 $0x1082  }
0x22: {  	[simem:s7], [sflag:s8] =	dma.local @!p0 [hbm:s6], $0xF7A  }
0x23: {  	s9 =	sor.u32 $0xD0000000, s2;
	s6 =	simm.s32 $0x108;
	_ =	swait.ge @!p0 [sflag:s8], $0x0  }
0x24: {  	s3 =	sadd.s32 $0x88, s3;
	s6 =	simm.s32 @!p1 $0x1082;
	[sflag:s4] =	ssyncset.s32 $0xFFFFF086  }
0x25: {  	[simem:s6], [sflag:s4] =	dma.local [hbm:s3], $0xF7A  }
0x26: {  	[smem:$0x3F98] =	sst s1;
	(tag) =	ssettag s2;
	_ =	strace s9  }
0x27: {  	s1 =	sld [smem:$0x3FA8]  }
0x28: {  	s2 =	sld [smem:$0x3FA9]  }
0x29: {  	s4 =	sld [smem:$0x3FAB]  }
0x2a: {  	p0 =	seq.s32 s5, $0x0;
	s5 =	sld [smem:$0x3FAC]  }
0x2b: {  	s6 =	sld [smem:$0x3FAD]  }
0x2c: {  	s7 =	sld [smem:$0x3FAE]  }
0x2d: {  	s3 =	simm.s32 $0x108;
	s8 =	sld [smem:$0x3FAF]  }
0x2e: {  	s3 =	simm.s32 @!p0 $0x1082;
	s9 =	sld [smem:$0x3FB0]  }
0x2f: {  	lr =	sadd.s32 s0, s3;
	s0 =	sld [smem:$0x3FA7]  }
0x30: {  	s3 =	sld [smem:$0x3FAA]  }
0x31: {  	[smem:$0x3FB3] =	sst s10  }
0x32: {  	s10 =	sld [smem:$0x3FB1];
	_ =	sdelay $0x3  }
0x33: {  	p0 =	seq.s32 s10, $0x1;
	s10 =	sld [smem:$0x3FB3];
	_ =	sdelay $0x3  }
0x34: {  	[smem:$0x3FB3] =	sst s10  }
0x35: {  	s10 =	sld [smem:$0x3FB2];
	_ =	sdelay $0x3  }
0x36: {  	p1 =	seq.s32 s10, $0x1;
	s10 =	sld [smem:$0x3FB3];
	_ =	sdelay $0x3  }
0x37: {  	[smem:$0x3FB3] =	sst s10  }
0x38: {  	s10 =	sld [smem:$0x3FB4]  }
0x39: {  	_ = 	snop;
	(pc) =	sbr.ind lr, $3  }
0x3a: {  	_ = 	snop  }
0x3b: {  	_ = 	snop  }
0x3c: {  	p2 =	seq.s32 s10, $0x1;
	s10 =	sld [smem:$0x3FB3]  }
0x3d: {  	_ =	shalt  }
0x3e: {  	_ =	shalt  }
0x3f: {  	_ =	shalt  }
0x40: {  	_ =	shalt  }
0x41: {  	_ =	shalt  }
0x42: {  	_ =	shalt  }
0x43: {  	_ =	shalt  }
0x44: {  	_ =	shalt  }
0x45: {  	_ =	shalt  }
0x46: {  	_ =	shalt  }
0x47: {  	_ =	shalt  }
0x48: {  	_ =	shalt  }
0x49: {  	_ =	shalt  }
0x4a: {  	_ =	shalt  }
0x4b: {  	_ =	shalt  }
0x4c: {  	_ =	shalt  }
0x4d: {  	_ =	shalt  }
0x4e: {  	_ =	shalt  }
0x4f: {  	_ =	shalt  }
0x50: {  	_ =	shalt  }
0x51: {  	_ =	shalt  }
0x52: {  	_ =	shalt  }
0x53: {  	_ =	shalt  }
0x54: {  	_ =	shalt  }
0x55: {  	_ =	shalt  }
0x56: {  	_ =	shalt  }
0x57: {  	_ =	shalt  }
0x58: {  	_ =	shalt  }
0x59: {  	_ =	shalt  }
0x5a: {  	_ =	shalt  }
0x5b: {  	_ =	shalt  }
0x5c: {  	_ =	shalt  }
0x5d: {  	_ =	shalt  }
0x5e: {  	_ =	shalt  }
0x5f: {  	_ =	shalt  }
0x60: {  	_ =	shalt  }
0x61: {  	_ =	shalt  }
0x62: {  	_ =	shalt  }
0x63: {  	_ =	shalt  }
0x64: {  	_ =	shalt  }
0x65: {  	_ =	shalt  }
0x66: {  	_ =	shalt  }
0x67: {  	_ =	shalt  }
0x68: {  	_ =	shalt  }
0x69: {  	_ =	shalt  }
0x6a: {  	_ =	shalt  }
0x6b: {  	_ =	shalt  }
0x6c: {  	_ =	shalt  }
0x6d: {  	_ =	shalt  }
0x6e: {  	_ =	shalt  }
0x6f: {  	_ =	shalt  }
0x70: {  	_ =	shalt  }
0x71: {  	_ =	shalt  }
0x72: {  	_ =	shalt  }
0x73: {  	_ =	shalt  }
0x74: {  	_ =	shalt  }
0x75: {  	_ =	shalt  }
0x76: {  	_ =	shalt  }
0x77: {  	_ =	shalt  }
0x78: {  	_ =	shalt  }
0x79: {  	_ =	shalt  }
0x7a: {  	_ =	shalt  }
0x7b: {  	_ =	shalt  }
0x7c: {  	_ =	shalt  }
0x7d: {  	_ =	shalt  }
0x7e: {  	_ =	shalt  }
0x7f: {  	_ =	shalt  }
0x80: {  	_ =	shalt  }
0x81: {  	_ =	shalt  }
0x82: {  	_ =	shalt  }
0x83: {  	_ =	shalt  }
0x84: {  	_ =	shalt  }
0x85: {  	_ =	shalt  }
0x86: {  	_ =	shalt  }
0x87: {  	_ =	shalt  }
.Lfunc_end0:
.L_simem_size_0:
called_computation.1_lowered:
.L_overlay_start_0:
0x88: {  	s2 =	sld [smem:$0x3FD9]  }
0x89: {  	s3 =	sld [smem:$0x3FFE];
	_ =	sdelay $0x1  }
0x8a: {  	s1 =	srdreg.scid  }
0x8b: {  	s0 =	sand.u32 $0x1, s1  }
0x8c: {  	s17 =	sshll.u32 s0, $0xA;
	s2 =	sadd.s32 s3, s2  }
0x8d: {  	s2 =	sadd.s32 s2, s17  }
0x8e: {  	[smem:$0x3FBF] =	sst s2  }
0x8f: {  	_ = 	snop  }
0x90: {  	s2 =	sld [smem:$0x3FD0];
	(tm) =	ssettm $0x1  }
0x91: {  	s18 =	sld [smem:$0x3FFB];
	_ =	sdelay $0x3  }
0x92: {  	_ =	strace s18  }
0x93: {  	s3 =	sld [smem:$0x3FFC];
	_ =	sdelay $0x3  }
0x94: {  	_ =	strace s3  }
0x95: {  	s3 =	sld [smem:$0x3FFD];
	_ =	sdelay $0x3  }
0x96: {  	_ =	strace s3  }
0x97: {  	_ =	strace $0x8FFFFFFF  }
0x98: {  	s19 =	sld [smem:$0x3FDB];
	_ =	sdelay $0x1  }
0x99: {  	s4 =	simm.s32 $_scs_section_size  }
0x9a: {  	s5 =	simm.s32 $_size__tile_overlayer_lowered;
	s6 =	simm.s32 $_tile_overlayer_lowered  }
0x9b: {  	s22 =	simm.s32 $0x1BFF;
	s21 =	sshll.u32 s6, $0x1;
	s3 =	sadd.s32 s4, s19  }
0x9c: {  	s7 =	simm.s32 $0x0;
	s20 =	sshll.u32 s5, $0x1;
	s5 =	sadd.s32 s21, s3  }
0x9d: {  	[timem:s7], [sflag:s22] =	dma.local [hbm:s5], s20  }
0x9e: {  	_ =	swait.ge [sflag:s22], s20  }
0x9f: {  	s4 =	ssub.s32 $0x0, s20;
	[sflag:s22] =	ssyncset.done $0x0  }
0xa0: {  	[sflag:s22] =	ssyncadd.s32 s4;
	_ =	sdelay $0x1  }
0xa1: {  	s23 =	simm.s32 $0x1B8B  }
0xa2: {  	_ =	swait.ge [sflag:s23], $0x1  }
0xa3: {  	[sflag:s23] =	ssyncset.done $0x0  }
0xa4: {  	s25 =	simm.s32 $0x1B8E;
	s24 =	sld [smem:$0x3FFE];
	[sflag:s23] =	ssyncadd.s32 $0xFFFFFFFF  }
0xa5: {  	s26 =	simm.s32 $execute0_lowered;
	[smem:$0x3FD2] =	sst s25  }
0xa6: {  	s5 =	sshll.u32 s26, $0x1;
	_ =	strace $0x80000049;
	[dreg:$0x1] =	wrdreg $0xFFFFFFFF  }
0xa7: {  	s28 =	simm.s32 $_size_execute0_lowered;
	s3 =	sadd.s32 s3, s5;
	[dreg:$0x0] =	wrdreg $0x0  }
0xa8: {  	s5 =	sshll.u32 s28, $0x1;
	[dreg:$0x2] =	wrdreg s3  }
0xa9: {  	[dreg:$0x3] =	wrdreg s5  }
0xaa: {  	[dreg:$0x4] =	wrdreg $0xC0  }
0xab: {  	_ =	task [dreg:s7], $0x5FFFF  }
0xac: {  	[dreg:$0x1] =	wrdreg $0xFFFFFFFF  }
0xad: {  	[dreg:$0x0] =	wrdreg $0x60  }
0xae: {  	[dreg:$0x2] =	wrdreg s24  }
0xaf: {  	[dreg:$0x3] =	wrdreg s2  }
0xb0: {  	[dreg:$0x4] =	wrdreg $0x9  }
0xb1: {  	_ =	task.clear_ibuf [dreg:s7], $0x5FFFF;
	_ =	strace $0x90000049  }
0xb2: {  	s29 =	simm.s32 $0x9;
	_ =	strace $0x8000004B  }
0xb3: {  	_ =	swait.ge [sflag:s29], $0x1  }
0xb4: {  	[sflag:s29] =	ssyncadd.s32 $0xFFFFFFFF  }
0xb5: {  	_ =	strace $0x9000004B  }
0xb6: {  	_ =	sfence  }
0xb7: {  	s30 =	sld [smem:$0x0];
	_ =	sdelay $0x2  }
0xb8: {  	s31 =	sshll.u32 s1, $0xD;
	s1 =	sshrl.u32 s1, $0x2  }
0xb9: {  	s3 =	sand.u32 $0x4000, s31;
	s1 =	sadd.s32 s1, s30  }
0xba: {  	s0 =	sor.u32 s3, s0;
	s1 =	sshll.u32 s1, $0x11  }
0xbb: {  	s0 =	sor.u32 s1, s0  }
0xbc: {  	s0 =	sadd.s32 $0x8F2B, s0  }
0xbd: {  	[sflag:s0] =	ssyncadd.remote.s32 $0x1  }
0xbe: {  	_ =	sfence.sel $0xFFFF  }
0xbf: {  	[dreg:$0x0] =	wrdreg $0xFFFFFFFF;
	(pc) =	sbr.abs _section_cstart, $3  }
0xc0: {  	[dreg:$0x1] =	wrdreg $0xFFFFFFFF  }
0xc1: {  	_ =	task.clear_ibuf [dreg:s7], $0x2FFFF;
	_ =	strace $0x9FFFFFFF  }
0xc2: {  	(tm) =	ssettm $0x7FFFFFFF  }
0xc3: {  	_ =	shalt  }
tec
execute0_lowered:
.L_overlay_start_1:
0x0: {  	(tag) =	ssettag $0x1  }
0x1: {  	s0 =	rddreg [dreg:$0x0]  }
0x2: {  	s2 =	rddreg [dreg:$0x1]  }
0x3: {  	s1 =	simm.s32 $0x0;
	s4 =	srdreg.scid;
	s6 =	stileid.u32  }
0x4: {  	s17 =	simm.s32 $0x3;
	s28 =	simm.s32 $0xE800;
	s29 =	simm.s32 $0xF000  }
0x5: {  	s30 =	simm.s32 $0x1;
	s13 =	simm.s32 $0x2;
	s31 =	simm.s32 $0x0  }
0x6: {  	[smem:$0x7FF] =	sst s1;
	s3 =	sadd.s32 $0x8800, s0;
	s4 =	sand.u32 $0x1, s4  }
0x7: {  	s5 =	sadd.s32 $0x8600, s0;
	s6 =	sshll.u32 s6, $0x7;
	s10 =	sadd.s32 $0x8400, s0  }
0x8: {  	s11 =	sadd.s32 $0x200, s0;
	s7 =	sshll.u32 s4, $0x6;
	s4 =	ssub.s32 $0x2, s4  }
0x9: {  	s9 =	sadd.s32 $0x8B00, s0;
	s6 =	sor.u32 s7, s6;
	s18 =	sshrl.u32 s4, $0x1  }
0xa: {  	_ =	strace $0x8000004A;
	s8 =	sshrl.u32 s6, $0x3;
	s4 =	ssub.s32 s4, s18  }
0xb: {  	s20 =	sshll.u32 s6, $0x4;
	s12 =	sshll.u32 s6, $0x7;
	s6 =	sor.u32 $0x20, s6  }
0xc: {  	s18 =	simm.s32 $0x9000;
	s19 =	sadd.s32 s5, s8;
	s8 =	sadd.s32 s10, s8  }
0xd: {  	s7 =	sadd.s32 s11, s20;
	s21 =	sadd.s32 s2, s12;
	s22 =	sshrl.u32 s6, $0x3  }
0xe: {  	s23 =	sshll.u32 s6, $0x4;
	s6 =	sshll.u32 s6, $0x7;
	[dreg:$0x3] =	wrdreg s19  }
0xf: {  	s26 =	smax.u32 s4, $0x1;
	s20 =	simm.s32 $0xA000;
	[dreg:$0x4] =	wrdreg s8  }
0x10: {  	s12 =	simm.s32 $0xF800;
	[dreg:$0x5] =	wrdreg s7;
	s7 =	sadd.s32 $0x8900, s0  }
0x11: {  	s8 =	sadd.s32 $0x8A00, s0;
	[dreg:$0x6] =	wrdreg s21;
	s5 =	sadd.s32 s5, s22  }
0x12: {  	s0 =	sadd.s32 s10, s22;
	s24 =	sadd.s32 s11, s23;
	s25 =	sadd.s32 s2, s6  }
0x13: {  	v2 =	vlaneseq.u32;
	[dreg:$0xb] =	wrdreg s26;
	s6 =	simm.s32 $0x8800;
	s19 =	simm.s32 $0x9800  }
0x14: {  	v0 =	vand.u32 $0x7, v2;
	v1 =	vshrl.u32 v2, $0x3;
	s21 =	simm.s32 $0xA800;
	s22 =	simm.s32 $0xB000;
	[dreg:$0x7] =	wrdreg s5  }
0x15: {  	v63 =	vor.u32 $0x8, v2;
	[tilespmem:$0x1FFD0] =	vst v0;
	v62 =	vmul.u32 $0x8, v1;
	s23 =	simm.s32 $0xB800;
	s10 =	simm.s32 $0xC000;
	[dreg:$0x8] =	wrdreg s0  }
0x16: {  	[tilespmem:$0x1FFF0] =	vst v63;
	s11 =	simm.s32 $0xD800;
	s26 =	simm.s32 $0xE000;
	[dreg:$0x9] =	wrdreg s24  }
0x17: {  	vm0 =	vmmov $0xffff;
	[tilespmem:$0x1FFE0] =	vst v62;
	[dreg:$0xa] =	wrdreg s25;
	s24 =	simm.s32 $0xC800;
	s25 =	simm.s32 $0xD000  }
.LBB2_1:
0x18: {  	s0 =	rddreg [dreg:$0x3];
	s2 =	simm.s32 $0x11000  }
0x19: {  	[tilespmem:s2], [sflag:$0x3] =	stream.linear.gather [hbm4b:s0+s1], $0x20, $0x38;
	[tilespmem:$0x11100] =	vst v63  }
0x1a: {  	_ =	swait.ge [sflag:s17], $0x20  }
0x1b: {  	[sflag:s17] =	ssyncset.done $0x0  }
0x1c: {  	s16 =	simm.s32 $0x11080;
	s15 =	rddreg [dreg:$0x4];
	[sflag:s17] =	ssyncadd.s32 $0xFFFFFFE0  }
0x1d: {  	[tilespmem:s16], [sflag:$0x3] =	stream.linear.gather [hbm4b:s15+s1], $0x20, $0x38;
	[tilespmem:$0x11100] =	vst v63  }
0x1e: {  	_ =	swait.ge [sflag:s17], $0x20  }
0x1f: {  	[sflag:s17] =	ssyncset.done $0x0  }
0x20: {  	s4 =	simm.s32 $0x10000;
	s2 =	rddreg [dreg:$0x5];
	[sflag:s17] =	ssyncadd.s32 $0xFFFFFFE0  }
0x21: {  	[tilespmem:s4], [sflag:$0x3] =	stream.linear.gather [hbm4b:s2+s1], $0x1000, $0x38;
	[tilespmem:$0x11100] =	vst v63  }
0x22: {  	_ =	swait.ge [sflag:s17], $0x1000  }
0x23: {  	[sflag:s17] =	ssyncset.done $0x0  }
0x24: {  	[sflag:s17] =	ssyncadd.s32 $0xFFFFF000  }
0x25: {  	v3 =	vld [tilespmem:$0x11000];
	_ =	sdelay $0x2  }
0x26: {  	v0 =	vld [tilespmem:$0x1FFD0];
	_ =	sdelay $0x1  }
0x27: {  	v1 =	vld [tilespmem:$0x1FFE0];
	v4 =	vshll.u32 v3, $0x3  }
0x28: {  	v3 =	vand.u32 $0x7, v3;
	v4 =	vand.u32 $0xFFFFFFC0, v4  }
0x29: {  	v3 =	vor.u32 v3, v4  }
0x2a: {  	v4 =	vperm.xlane v3, v0;
	_ =	sdelay $0x1  }
0x2b: {  	v4 =	vadd.s32 v1, v4  }
0x2c: {  	v2 =	vld [tilespmem:$0x1FFF0];
	_ =	sdelay $0x3  }
0x2d: {  	[tilespmem:s1], [sflag:$0x1] =	stream.indirect_vreg.gather [hbm4b:s3+s1], $0x80, v4, vm0, $0xb8;
	[tilespmem:$0x11100] =	vst v63  }
0x2e: {  	s5 =	simm.s32 $0x800;
	v3 =	vperm.xlane v3, v2  }
0x2f: {  	[tilespmem:s5], [sflag:$0x1] =	stream.indirect_vreg.gather [hbm4b:s7+s1], $0x80, v4, vm0, $0xb8;
	[tilespmem:$0x11100] =	vst v63  }
0x30: {  	s14 =	simm.s32 $0x1000;
	v3 =	vadd.s32 v1, v3  }
0x31: {  	[tilespmem:s14], [sflag:$0x1] =	stream.indirect_vreg.gather [hbm4b:s8+s1], $0x80, v4, vm0, $0xb8;
	[tilespmem:$0x11100] =	vst v63  }
0x32: {  	s15 =	simm.s32 $0x1800  }
0x33: {  	[tilespmem:s15], [sflag:$0x1] =	stream.indirect_vreg.gather [hbm4b:s9+s1], $0x80, v4, vm0, $0xb8;
	[tilespmem:$0x11100] =	vst v63  }
0x34: {  	s16 =	simm.s32 $0x2000  }
0x35: {  	[tilespmem:s16], [sflag:$0x1] =	stream.indirect_vreg.gather [hbm4b:s3+s1], $0x80, v3, vm0, $0xb8;
	[tilespmem:$0x11100] =	vst v63  }
0x36: {  	s2 =	simm.s32 $0x2800  }
0x37: {  	[tilespmem:s2], [sflag:$0x1] =	stream.indirect_vreg.gather [hbm4b:s7+s1], $0x80, v3, vm0, $0xb8;
	[tilespmem:$0x11100] =	vst v63  }
0x38: {  	s4 =	simm.s32 $0x3000  }
0x39: {  	[tilespmem:s4], [sflag:$0x1] =	stream.indirect_vreg.gather [hbm4b:s8+s1], $0x80, v3, vm0, $0xb8;
	[tilespmem:$0x11100] =	vst v63  }
0x3a: {  	s5 =	simm.s32 $0x3800  }
0x3b: {  	[tilespmem:s5], [sflag:$0x1] =	stream.indirect_vreg.gather [hbm4b:s9+s1], $0x80, v3, vm0, $0xb8;
	[tilespmem:$0x11100] =	vst v63  }
0x3c: {  	v3 =	vld [tilespmem:$0x11010];
	_ =	sdelay $0x4  }
0x3d: {  	v61 =	vshll.u32 v3, $0x3  }
0x3e: {  	v3 =	vand.u32 $0x7, v3;
	v4 =	vand.u32 $0xFFFFFFC0, v61  }
0x3f: {  	v3 =	vor.u32 v3, v4  }
0x40: {  	v4 =	vperm.xlane v3, v0;
	_ =	sdelay $0x1  }
0x41: {  	v4 =	vadd.s32 v1, v4;
	_ =	sdelay $0x3  }
0x42: {  	s14 =	simm.s32 $0x4000  }
0x43: {  	[tilespmem:s14], [sflag:$0x1] =	stream.indirect_vreg.gather [hbm4b:s3+s1], $0x80, v4, vm0, $0xb8;
	[tilespmem:$0x11100] =	vst v63  }
0x44: {  	s15 =	simm.s32 $0x4800;
	v3 =	vperm.xlane v3, v2  }
0x45: {  	[tilespmem:s15], [sflag:$0x1] =	stream.indirect_vreg.gather [hbm4b:s7+s1], $0x80, v4, vm0, $0xb8;
	[tilespmem:$0x11100] =	vst v63  }
0x46: {  	s16 =	simm.s32 $0x5000;
	v3 =	vadd.s32 v1, v3  }
0x47: {  	[tilespmem:s16], [sflag:$0x1] =	stream.indirect_vreg.gather [hbm4b:s8+s1], $0x80, v4, vm0, $0xb8;
	[tilespmem:$0x11100] =	vst v63  }
0x48: {  	s2 =	simm.s32 $0x5800  }
0x49: {  	[tilespmem:s2], [sflag:$0x1] =	stream.indirect_vreg.gather [hbm4b:s9+s1], $0x80, v4, vm0, $0xb8;
	[tilespmem:$0x11100] =	vst v63  }
0x4a: {  	s4 =	simm.s32 $0x6000  }
0x4b: {  	[tilespmem:s4], [sflag:$0x1] =	stream.indirect_vreg.gather [hbm4b:s3+s1], $0x80, v3, vm0, $0xb8;
	[tilespmem:$0x11100] =	vst v63  }
0x4c: {  	s5 =	simm.s32 $0x6800  }
0x4d: {  	[tilespmem:s5], [sflag:$0x1] =	stream.indirect_vreg.gather [hbm4b:s7+s1], $0x80, v3, vm0, $0xb8;
	[tilespmem:$0x11100] =	vst v63  }
0x4e: {  	s14 =	simm.s32 $0x7000  }
0x4f: {  	[tilespmem:s14], [sflag:$0x1] =	stream.indirect_vreg.gather [hbm4b:s8+s1], $0x80, v3, vm0, $0xb8;
	[tilespmem:$0x11100] =	vst v63  }
0x50: {  	s15 =	simm.s32 $0x7800  }
0x51: {  	[tilespmem:s15], [sflag:$0x1] =	stream.indirect_vreg.gather [hbm4b:s9+s1], $0x80, v3, vm0, $0xb8;
	[tilespmem:$0x11100] =	vst v63  }
0x52: {  	v3 =	vld [tilespmem:$0x11080];
	_ =	sdelay $0x4  }
0x53: {  	v62 =	vshll.u32 v3, $0x3  }
0x54: {  	v3 =	vand.u32 $0x7, v3;
	v4 =	vand.u32 $0xFFFFFFC0, v62  }
0x55: {  	v3 =	vor.u32 v3, v4  }
0x56: {  	v4 =	vperm.xlane v3, v0;
	_ =	sdelay $0x1  }
0x57: {  	v4 =	vadd.s32 v1, v4;
	_ =	sdelay $0x3  }
0x58: {  	s16 =	simm.s32 $0x8000  }
0x59: {  	[tilespmem:s16], [sflag:$0x2] =	stream.indirect_vreg.gather [hbm4b:s3+s1], $0x80, v4, vm0, $0xb8;
	[tilespmem:$0x11100] =	vst v63  }
0x5a: {  	v3 =	vperm.xlane v3, v2  }
0x5b: {  	[tilespmem:s6], [sflag:$0x2] =	stream.indirect_vreg.gather [hbm4b:s7+s1], $0x80, v4, vm0, $0xb8;
	[tilespmem:$0x11100] =	vst v63  }
0x5c: {  	v3 =	vadd.s32 v1, v3  }
0x5d: {  	[tilespmem:s18], [sflag:$0x2] =	stream.indirect_vreg.gather [hbm4b:s8+s1], $0x80, v4, vm0, $0xb8;
	[tilespmem:$0x11100] =	vst v63  }
0x5e: {  	_ = 	snop  }
0x5f: {  	[tilespmem:s19], [sflag:$0x2] =	stream.indirect_vreg.gather [hbm4b:s9+s1], $0x80, v4, vm0, $0xb8;
	[tilespmem:$0x11100] =	vst v63  }
0x60: {  	_ = 	snop  }
0x61: {  	[tilespmem:s20], [sflag:$0x2] =	stream.indirect_vreg.gather [hbm4b:s3+s1], $0x80, v3, vm0, $0xb8;
	[tilespmem:$0x11100] =	vst v63  }
0x62: {  	_ = 	snop  }
0x63: {  	[tilespmem:s21], [sflag:$0x2] =	stream.indirect_vreg.gather [hbm4b:s7+s1], $0x80, v3, vm0, $0xb8;
	[tilespmem:$0x11100] =	vst v63  }
0x64: {  	_ = 	snop  }
0x65: {  	[tilespmem:s22], [sflag:$0x2] =	stream.indirect_vreg.gather [hbm4b:s8+s1], $0x80, v3, vm0, $0xb8;
	[tilespmem:$0x11100] =	vst v63  }
0x66: {  	_ = 	snop  }
0x67: {  	[tilespmem:s23], [sflag:$0x2] =	stream.indirect_vreg.gather [hbm4b:s9+s1], $0x80, v3, vm0, $0xb8;
	[tilespmem:$0x11100] =	vst v63  }
0x68: {  	v3 =	vld [tilespmem:$0x11090];
	_ =	sdelay $0x4  }
0x69: {  	v63 =	vshll.u32 v3, $0x3  }
0x6a: {  	v3 =	vand.u32 $0x7, v3;
	v4 =	vand.u32 $0xFFFFFFC0, v63  }
0x6b: {  	v3 =	vor.u32 v3, v4  }
0x6c: {  	v4 =	vperm.xlane v3, v0;
	_ =	sdelay $0x1  }
0x6d: {  	v4 =	vadd.s32 v1, v4;
	_ =	sdelay $0x4  }
0x6e: {  	[tilespmem:s10], [sflag:$0x2] =	stream.indirect_vreg.gather [hbm4b:s3+s1], $0x80, v4, vm0, $0xb8;
	[tilespmem:$0x11100] =	vst v63  }
0x6f: {  	v3 =	vperm.xlane v3, v2  }
0x70: {  	[tilespmem:s24], [sflag:$0x2] =	stream.indirect_vreg.gather [hbm4b:s7+s1], $0x80, v4, vm0, $0xb8;
	[tilespmem:$0x11100] =	vst v63  }
0x71: {  	v3 =	vadd.s32 v1, v3  }
0x72: {  	[tilespmem:s25], [sflag:$0x2] =	stream.indirect_vreg.gather [hbm4b:s8+s1], $0x80, v4, vm0, $0xb8;
	[tilespmem:$0x11100] =	vst v63  }
0x73: {  	_ = 	snop  }
0x74: {  	[tilespmem:s11], [sflag:$0x2] =	stream.indirect_vreg.gather [hbm4b:s9+s1], $0x80, v4, vm0, $0xb8;
	[tilespmem:$0x11100] =	vst v63  }
0x75: {  	_ = 	snop  }
0x76: {  	[tilespmem:s26], [sflag:$0x2] =	stream.indirect_vreg.gather [hbm4b:s3+s1], $0x80, v3, vm0, $0xb8;
	[tilespmem:$0x11100] =	vst v63  }
0x77: {  	_ = 	snop  }
0x78: {  	[tilespmem:s28], [sflag:$0x2] =	stream.indirect_vreg.gather [hbm4b:s7+s1], $0x80, v3, vm0, $0xb8;
	[tilespmem:$0x11100] =	vst v63  }
0x79: {  	_ = 	snop  }
0x7a: {  	[tilespmem:s29], [sflag:$0x2] =	stream.indirect_vreg.gather [hbm4b:s8+s1], $0x80, v3, vm0, $0xb8;
	[tilespmem:$0x11100] =	vst v63  }
0x7b: {  	_ = 	snop  }
0x7c: {  	[tilespmem:s12], [sflag:$0x2] =	stream.indirect_vreg.gather [hbm4b:s9+s1], $0x80, v3, vm0, $0xb8;
	[tilespmem:$0x11100] =	vst v63  }
0x7d: {  	_ =	swait.ge [sflag:s30], $0x8000  }
0x7e: {  	[sflag:s30] =	ssyncset.done $0x0  }
0x7f: {  	[sflag:s30] =	ssyncadd.s32 $0xFFFF8000  }
0x80: {  	_ =	swait.ge [sflag:s13], $0x8000  }
0x81: {  	s0 =	simm.s32 $0x0;
	s2 =	simm.s32 $0x0;
	[sflag:s13] =	ssyncset.done $0x0  }
0x82: {  	s14 =	simm.s32 $0x10010;
	s15 =	simm.s32 $0x0;
	[sflag:s13] =	ssyncadd.s32 $0xFFFF8000  }
.LBB2_2:
0x83: {  	v3 =	vld [tilespmem:s14+$0xFFFFFFF0];
	s4 =	sand.u32 $0x6000, s15;
	s16 =	sand.u32 $0x380, s2  }
0x84: {  	v4 =	vld [tilespmem:s14+$0x0];
	s4 =	sor.u32 s16, s4  }
0x85: {  	v6 =	vld [tilespmem:s4+$0x0]  }
0x86: {  	v7 =	vld [tilespmem:s4+$0x8000]  }
0x87: {  	v10 =	vld [tilespmem:s4+$0x10]  }
0x88: {  	v11 =	vld [tilespmem:s4+$0x8010]  }
0x89: {  	v14 =	vld [tilespmem:s4+$0x20]  }
0x8a: {  	v17 =	vld [tilespmem:s4+$0x8020]  }
0x8b: {  	v20 =	vld [tilespmem:s4+$0x30]  }
0x8c: {  	v21 =	vld [tilespmem:s4+$0x8030]  }
0x8d: {  	v26 =	vld [tilespmem:s4+$0x40]  }
0x8e: {  	v27 =	vld [tilespmem:s4+$0x8040]  }
0x8f: {  	v28 =	vld [tilespmem:s4+$0x50]  }
0x90: {  	v29 =	vld [tilespmem:s4+$0x8050]  }
0x91: {  	v30 =	vld [tilespmem:s4+$0x60]  }
0x92: {  	v31 =	vld [tilespmem:s4+$0x8060]  }
0x93: {  	v32 =	vld [tilespmem:s4+$0x70]  }
0x94: {  	v33 =	vld [tilespmem:s4+$0x8070]  }
0x95: {  	v34 =	vld [tilespmem:s4+$0x400]  }
0x96: {  	v35 =	vld [tilespmem:s4+$0x8400]  }
0x97: {  	v36 =	vld [tilespmem:s4+$0x410]  }
0x98: {  	v37 =	vld [tilespmem:s4+$0x8410]  }
0x99: {  	v38 =	vld [tilespmem:s4+$0x420]  }
0x9a: {  	v39 =	vld [tilespmem:s4+$0x8420]  }
0x9b: {  	v40 =	vld [tilespmem:s4+$0x430]  }
0x9c: {  	v41 =	vld [tilespmem:s4+$0x8430]  }
0x9d: {  	v42 =	vld [tilespmem:s4+$0x440]  }
0x9e: {  	v43 =	vld [tilespmem:s4+$0x8440]  }
0x9f: {  	v44 =	vld [tilespmem:s4+$0x450]  }
0xa0: {  	v45 =	vld [tilespmem:s4+$0x8450]  }
0xa1: {  	v46 =	vld [tilespmem:s4+$0x460]  }
0xa2: {  	v47 =	vld [tilespmem:s4+$0x8460]  }
0xa3: {  	v48 =	vld [tilespmem:s4+$0x470]  }
0xa4: {  	v49 =	vld [tilespmem:s4+$0x8470]  }
0xa5: {  	v50 =	vld [tilespmem:s4+$0x800]  }
0xa6: {  	v51 =	vld [tilespmem:s4+$0x8800]  }
0xa7: {  	v52 =	vld [tilespmem:s4+$0x810]  }
0xa8: {  	v53 =	vld [tilespmem:s4+$0x8810]  }
0xa9: {  	v54 =	vld [tilespmem:s4+$0x820]  }
0xaa: {  	v55 =	vld [tilespmem:s4+$0x8820]  }
0xab: {  	v56 =	vld [tilespmem:s4+$0x830]  }
0xac: {  	v57 =	vld [tilespmem:s4+$0x8830]  }
0xad: {  	v58 =	vld [tilespmem:s4+$0x840]  }
0xae: {  	v59 =	vld [tilespmem:s4+$0x8840]  }
0xaf: {  	v60 =	vld [tilespmem:s4+$0x850]  }
0xb0: {  	v61 =	vld [tilespmem:s4+$0x8850]  }
0xb1: {  	v62 =	vld [tilespmem:s4+$0x860]  }
0xb2: {  	v63 =	vld [tilespmem:s4+$0x8860]  }
0xb3: {  	v5 =	vld [tilespmem:s4+$0x870]  }
0xb4: {  	v2 =	vld [tilespmem:s4+$0x8870]  }
0xb5: {  	v24 =	vld [tilespmem:s4+$0xC00]  }
0xb6: {  	v25 =	vld [tilespmem:s4+$0x8C00]  }
0xb7: {  	v22 =	vld [tilespmem:s4+$0xC10]  }
0xb8: {  	v23 =	vld [tilespmem:s4+$0x8C10]  }
0xb9: {  	v18 =	vld [tilespmem:s4+$0xC20]  }
0xba: {  	v0 =	vld [tilespmem:s4+$0xC60]  }
0xbb: {  	v19 =	vld [tilespmem:s4+$0x8C20]  }
0xbc: {  	v15 =	vld [tilespmem:s4+$0xC30]  }
0xbd: {  	v16 =	vld [tilespmem:s4+$0x8C30]  }
0xbe: {  	v12 =	vld [tilespmem:s4+$0xC40];
	v1 =	vmul.f32 v6, v3  }
0xbf: {  	v13 =	vld [tilespmem:s4+$0x8C40];
	[tilespmem:$0x1FFC0] =	vst v0;
	v0 =	vmul.f32 v7, v4;
	v10 =	vmul.f32 v10, v3  }
0xc0: {  	v8 =	vld [tilespmem:s4+$0xC50];
	v11 =	vmul.f32 v11, v4;
	v14 =	vmul.f32 v14, v3  }
0xc1: {  	v9 =	vld [tilespmem:s4+$0x8C50];
	v17 =	vmul.f32 v17, v4;
	v20 =	vmul.f32 v20, v3  }
0xc2: {  	v7 =	vld [tilespmem:s4+$0x8C60];
	v21 =	vmul.f32 v21, v4;
	v26 =	vmul.f32 v26, v3  }
0xc3: {  	v6 =	vld [tilespmem:s4+$0xC70];
	v27 =	vmul.f32 v27, v4;
	v34 =	vmul.f32 v34, v3  }
0xc4: {  	v35 =	vmul.f32 v35, v4;
	v38 =	vmul.f32 v38, v3;
	v1 =	vadd.f32 v0, v1;
	v0 =	vld [tilespmem:s4+$0x8C70]  }
0xc5: {  	v39 =	vmul.f32 v39, v4;
	v40 =	vmul.f32 v40, v3;
	v10 =	vadd.f32 v11, v10;
	v11 =	vld [tilespmem:s4+$0x1000]  }
0xc6: {  	v5 =	vmul.f32 v5, v3;
	v2 =	vmul.f32 v2, v4;
	[tilespmem:s4+$0x0] =	vst v1;
	v1 =	vadd.f32 v17, v14;
	v14 =	vld [tilespmem:s4+$0x9000]  }
0xc7: {  	[tilespmem:s4+$0x10] =	vst v10;
	v10 =	vadd.f32 v21, v20;
	v21 =	vmul.f32 v28, v3;
	v28 =	vmul.f32 v29, v4;
	v17 =	vld [tilespmem:s4+$0x1010]  }
0xc8: {  	v52 =	vmul.f32 v52, v3;
	v2 =	vadd.f32 v2, v5;
	v20 =	vld [tilespmem:s4+$0x9010];
	v29 =	vmul.f32 v33, v4;
	[tilespmem:s4+$0x20] =	vst v1  }
0xc9: {  	v1 =	vadd.f32 v27, v26;
	v26 =	vmul.f32 v30, v3;
	[tilespmem:s4+$0x30] =	vst v10;
	v10 =	vadd.f32 v28, v21;
	v21 =	vld [tilespmem:s4+$0x1020]  }
0xca: {  	v27 =	vmul.f32 v31, v4;
	v28 =	vmul.f32 v32, v3;
	v31 =	vld [tilespmem:s4+$0x1030]  }
0xcb: {  	v24 =	vmul.f32 v24, v3;
	v25 =	vmul.f32 v25, v4;
	[tilespmem:s4+$0x870] =	vst v2;
	v32 =	vld [tilespmem:s4+$0x9030]  }
0xcc: {  	v18 =	vmul.f32 v18, v3;
	v33 =	vadd.f32 v27, v26;
	v26 =	vld [tilespmem:s4+$0x9020];
	[tilespmem:s4+$0x50] =	vst v10;
	v10 =	vadd.f32 v29, v28  }
0xcd: {  	[tilespmem:s4+$0x40] =	vst v1;
	v28 =	vmul.f32 v36, v3;
	v36 =	vmul.f32 v37, v4;
	v37 =	vadd.f32 v35, v34;
	v34 =	vld [tilespmem:s4+$0x9040]  }
0xce: {  	v19 =	vmul.f32 v19, v4;
	v12 =	vmul.f32 v12, v3;
	v35 =	vld [tilespmem:s4+$0x1050];
	[tilespmem:s4+$0x60] =	vst v33  }
0xcf: {  	v13 =	vmul.f32 v13, v4;
	v27 =	vld [tilespmem:s4+$0x9420];
	v29 =	vadd.f32 v25, v24;
	[tilespmem:s4+$0x70] =	vst v10;
	v10 =	vadd.f32 v36, v28  }
0xd0: {  	v36 =	vmul.f32 v41, v4;
	v33 =	vld [tilespmem:s4+$0x1040];
	[tilespmem:s4+$0x400] =	vst v37;
	v37 =	vadd.f32 v39, v38;
	v38 =	vmul.f32 v42, v3  }
0xd1: {  	v39 =	vmul.f32 v43, v4;
	v41 =	vmul.f32 v45, v4;
	v28 =	vld [tilespmem:s4+$0x1420];
	[tilespmem:s4+$0xC00] =	vst v29  }
0xd2: {  	v43 =	vmul.f32 v46, v3;
	[tilespmem:s4+$0x410] =	vst v10;
	v10 =	vadd.f32 v36, v40;
	v40 =	vmul.f32 v44, v3;
	v36 =	vld [tilespmem:s4+$0x9050]  }
0xd3: {  	v46 =	vmul.f32 v48, v3;
	[tilespmem:s4+$0x420] =	vst v37;
	v42 =	vadd.f32 v39, v38;
	v44 =	vmul.f32 v47, v4;
	v37 =	vld [tilespmem:s4+$0x1060]  }
0xd4: {  	v47 =	vmul.f32 v49, v4;
	v49 =	vmul.f32 v50, v3;
	v38 =	vld [tilespmem:s4+$0x9060];
	[tilespmem:s4+$0x430] =	vst v10;
	v45 =	vadd.f32 v41, v40  }
0xd5: {  	v50 =	vmul.f32 v51, v4;
	v39 =	vld [tilespmem:s4+$0x1070];
	[tilespmem:s4+$0x440] =	vst v42;
	v48 =	vadd.f32 v44, v43;
	v44 =	vmul.f32 v53, v4  }
0xd6: {  	v51 =	vadd.f32 v47, v46;
	v46 =	vmul.f32 v54, v3;
	v47 =	vmul.f32 v55, v4;
	v40 =	vld [tilespmem:s4+$0x9070];
	[tilespmem:s4+$0x450] =	vst v45  }
0xd7: {  	v41 =	vld [tilespmem:s4+$0x1400];
	v53 =	vmul.f32 v59, v4;
	v55 =	vmul.f32 v60, v3;
	[tilespmem:s4+$0x460] =	vst v48;
	v45 =	vadd.f32 v50, v49  }
0xd8: {  	v42 =	vld [tilespmem:s4+$0x9400];
	v59 =	vmul.f32 v63, v4;
	v63 =	vmul.f32 v23, v4;
	[tilespmem:s4+$0x470] =	vst v51;
	v48 =	vadd.f32 v44, v52  }
0xd9: {  	v43 =	vld [tilespmem:s4+$0x1410];
	v49 =	vmul.f32 v56, v3;
	v50 =	vmul.f32 v57, v4;
	v51 =	vadd.f32 v47, v46;
	[tilespmem:s4+$0x800] =	vst v45  }
0xda: {  	v23 =	vld [tilespmem:s4+$0x9430];
	v25 =	vmul.f32 v33, v3;
	v52 =	vmul.f32 v58, v3;
	v47 =	vadd.f32 v19, v18;
	[tilespmem:s4+$0x810] =	vst v48  }
0xdb: {  	v56 =	vmul.f32 v61, v4;
	v58 =	vmul.f32 v62, v3;
	v44 =	vld [tilespmem:s4+$0x9410];
	v54 =	vadd.f32 v50, v49;
	[tilespmem:s4+$0x820] =	vst v51  }
0xdc: {  	v62 =	vmul.f32 v22, v3;
	v22 =	vld [tilespmem:s4+$0x1430];
	v46 =	vmul.f32 v16, v4;
	v57 =	vadd.f32 v53, v52;
	[tilespmem:s4+$0xC20] =	vst v47  }
0xdd: {  	v16 =	vld [tilespmem:s4+$0x9440];
	v33 =	vmul.f32 v37, v3;
	v60 =	vadd.f32 v56, v55;
	v45 =	vmul.f32 v15, v3;
	[tilespmem:s4+$0x830] =	vst v54  }
0xde: {  	v18 =	vld [tilespmem:s4+$0x1810];
	v61 =	vadd.f32 v59, v58;
	v49 =	vmul.f32 v8, v3;
	v50 =	vmul.f32 v9, v4;
	[tilespmem:s4+$0x840] =	vst v57  }
0xdf: {  	v19 =	vld [tilespmem:s4+$0x9810];
	v30 =	vadd.f32 v63, v62;
	v56 =	vmul.f32 v11, v3;
	v58 =	vmul.f32 v17, v3;
	[tilespmem:s4+$0x850] =	vst v60  }
0xe0: {  	v15 =	vld [tilespmem:s4+$0x1440];
	v51 =	vadd.f32 v13, v12;
	v59 =	vmul.f32 v20, v4;
	v62 =	vmul.f32 v26, v4;
	[tilespmem:s4+$0x860] =	vst v61  }
0xe1: {  	v9 =	vld [tilespmem:s4+$0x1450];
	v20 =	vmul.f32 v31, v3;
	v26 =	vmul.f32 v34, v4;
	[tilespmem:s4+$0xC10] =	vst v30;
	v48 =	vadd.f32 v46, v45  }
0xe2: {  	v52 =	vld [tilespmem:$0x1FFC0];
	v31 =	vmul.f32 v36, v4;
	v34 =	vmul.f32 v38, v4;
	v53 =	vadd.f32 v50, v49;
	[tilespmem:s4+$0xC40] =	vst v51  }
0xe3: {  	v12 =	vld [tilespmem:s4+$0x9450];
	v36 =	vmul.f32 v39, v3;
	v37 =	vmul.f32 v40, v4;
	v63 =	vadd.f32 v59, v58;
	[tilespmem:s4+$0xC30] =	vst v48  }
0xe4: {  	v11 =	vld [tilespmem:s4+$0x1470];
	v61 =	vmul.f32 v21, v3;
	v21 =	vmul.f32 v32, v4;
	v32 =	vadd.f32 v26, v25;
	[tilespmem:s4+$0xC50] =	vst v53  }
0xe5: {  	v13 =	vld [tilespmem:s4+$0x9470];
	v39 =	vmul.f32 v41, v3;
	v40 =	vmul.f32 v42, v4;
	v38 =	vadd.f32 v34, v33;
	[tilespmem:s4+$0x1010] =	vst v63  }
0xe6: {  	v0 =	vmul.f32 v0, v4;
	v17 =	vld [tilespmem:s4+$0x9800];
	v54 =	vmul.f32 v6, v3;
	v42 =	vadd.f32 v37, v36;
	[tilespmem:s4+$0x1040] =	vst v32  }
0xe7: {  	v41 =	vld [tilespmem:s4+$0x9820];
	v57 =	vmul.f32 v14, v4;
	v47 =	vadd.f32 v40, v39;
	[tilespmem:s4+$0x1060] =	vst v38  }
0xe8: {  	v6 =	vld [tilespmem:s4+$0x1460];
	v0 =	vadd.f32 v0, v54;
	[tilespmem:s4+$0x1070] =	vst v42  }
0xe9: {  	v14 =	vld [tilespmem:s4+$0x1800];
	v60 =	vadd.f32 v57, v56;
	[tilespmem:s4+$0x1400] =	vst v47  }
0xea: {  	v7 =	vmul.f32 v7, v4;
	v30 =	vmul.f32 v35, v3;
	v46 =	vld [tilespmem:s4+$0x1830];
	v24 =	vadd.f32 v62, v61;
	[tilespmem:s4+$0xC70] =	vst v0  }
0xeb: {  	v43 =	vmul.f32 v43, v3;
	v50 =	vld [tilespmem:s4+$0x9830];
	v45 =	vmul.f32 v44, v4;
	v29 =	vadd.f32 v21, v20;
	[tilespmem:s4+$0x1000] =	vst v60  }
0xec: {  	v49 =	vmul.f32 v27, v4;
	v58 =	vld [tilespmem:s4+$0x1850];
	v35 =	vadd.f32 v31, v30;
	v10 =	vmul.f32 v52, v3;
	[tilespmem:s4+$0x1020] =	vst v24  }
0xed: {  	v36 =	vld [tilespmem:s4+$0x9870];
	v53 =	vmul.f32 v23, v4;
	v51 =	vadd.f32 v45, v43;
	v52 =	vmul.f32 v22, v3;
	[tilespmem:s4+$0x1030] =	vst v29  }
0xee: {  	v40 =	vld [tilespmem:s4+$0x9840];
	v57 =	vmul.f32 v16, v4;
	v56 =	vmul.f32 v15, v3;
	[tilespmem:s4+$0x1050] =	vst v35;
	v55 =	vadd.f32 v7, v10  }
0xef: {  	v20 =	vld [tilespmem:s4+$0x1820];
	v26 =	vmul.f32 v11, v3;
	v27 =	vmul.f32 v13, v4;
	[tilespmem:s4+$0x1410] =	vst v51;
	v59 =	vadd.f32 v53, v52  }
0xf0: {  	v62 =	vld [tilespmem:s4+$0x9850];
	v61 =	vmul.f32 v12, v4;
	v60 =	vmul.f32 v9, v3;
	v63 =	vadd.f32 v57, v56;
	[tilespmem:s4+$0xC60] =	vst v55  }
0xf1: {  	v34 =	vmul.f32 v18, v3;
	v16 =	vld [tilespmem:s4+$0x1860];
	v35 =	vmul.f32 v19, v4;
	v33 =	vadd.f32 v27, v26;
	[tilespmem:s4+$0x1430] =	vst v59  }
0xf2: {  	v48 =	vmul.f32 v28, v3;
	v28 =	vld [tilespmem:s4+$0x9860];
	v31 =	vmul.f32 v17, v4;
	v23 =	vadd.f32 v61, v60;
	[tilespmem:s4+$0x1440] =	vst v63  }
0xf3: {  	v32 =	vld [tilespmem:s4+$0x1870];
	v39 =	vmul.f32 v41, v4;
	v30 =	vmul.f32 v14, v3;
	v41 =	vadd.f32 v35, v34;
	[tilespmem:s4+$0x1470] =	vst v33  }
0xf4: {  	v10 =	vld [tilespmem:s4+$0x9460];
	v42 =	vmul.f32 v46, v3;
	v43 =	vmul.f32 v50, v4;
	v55 =	vadd.f32 v49, v48;
	[tilespmem:s4+$0x1450] =	vst v23  }
0xf5: {  	v54 =	vld [tilespmem:s4+$0x1840];
	v37 =	vadd.f32 v31, v30;
	v38 =	vmul.f32 v20, v3;
	[tilespmem:s4+$0x1810] =	vst v41  }
0xf6: {  	v45 =	vmul.f32 v58, v3;
	v46 =	vmul.f32 v62, v4;
	v47 =	vadd.f32 v43, v42;
	[tilespmem:s4+$0x1420] =	vst v55  }
0xf7: {  	v48 =	vmul.f32 v16, v3;
	v49 =	vmul.f32 v28, v4;
	[tilespmem:s4+$0x1800] =	vst v37;
	v44 =	vadd.f32 v39, v38  }
0xf8: {  	v52 =	vmul.f32 v36, v4;
	v51 =	vmul.f32 v32, v3;
	v50 =	vadd.f32 v46, v45;
	[tilespmem:s4+$0x1830] =	vst v47  }
0xf9: {  	v6 =	vmul.f32 v6, v3;
	v53 =	vadd.f32 v49, v48;
	v12 =	vmul.f32 v10, v4;
	[tilespmem:s4+$0x1820] =	vst v44  }
0xfa: {  	s5 =	sand.u32 $0x7, s0;
	v54 =	vmul.f32 v54, v3;
	v55 =	vmul.f32 v40, v4;
	v56 =	vadd.f32 v52, v51;
	[tilespmem:s4+$0x1850] =	vst v50  }
0xfb: {  	s16 =	sshll.u32 s5, $0x7;
	[tilespmem:s4+$0x1860] =	vst v53;
	v29 =	vadd.f32 v12, v6  }
0xfc: {  	s16 =	sadd.s32 s16, s15;
	v2 =	vadd.f32 v55, v54;
	[tilespmem:s4+$0x1870] =	vst v56  }
0xfd: {  	s5 =	sor.u32 $0x1C00, s16;
	[tilespmem:s4+$0x1460] =	vst v29  }
0xfe: {  	[tilespmem:s4+$0x1840] =	vst v2;
	v0 =	vld [tilespmem:s5+$0x0]  }
0xff: {  	v1 =	vld [tilespmem:s5+$0x8000];
	_ =	sdelay $0x4  }
0x100: {  	v0 =	vmul.f32 v0, v3;
	v1 =	vmul.f32 v1, v4;
	_ =	sdelay $0x1  }
0x101: {  	v0 =	vadd.f32 v1, v0;
	_ =	sdelay $0x1  }
0x102: {  	[tilespmem:s5+$0x0] =	vst v0;
	s5 =	sor.u32 $0x1C10, s16  }
0x103: {  	v0 =	vld [tilespmem:s5+$0x0]  }
0x104: {  	v57 =	vld [tilespmem:s5+$0x8000];
	_ =	sdelay $0x4  }
0x105: {  	v0 =	vmul.f32 v0, v3;
	v1 =	vmul.f32 v57, v4;
	_ =	sdelay $0x1  }
0x106: {  	v0 =	vadd.f32 v1, v0;
	_ =	sdelay $0x1  }
0x107: {  	[tilespmem:s5+$0x0] =	vst v0;
	s5 =	sor.u32 $0x1C20, s16  }
0x108: {  	v0 =	vld [tilespmem:s5+$0x0]  }
0x109: {  	v58 =	vld [tilespmem:s5+$0x8000];
	_ =	sdelay $0x4  }
0x10a: {  	v0 =	vmul.f32 v0, v3;
	v1 =	vmul.f32 v58, v4;
	_ =	sdelay $0x1  }
0x10b: {  	v0 =	vadd.f32 v1, v0;
	_ =	sdelay $0x1  }
0x10c: {  	[tilespmem:s5+$0x0] =	vst v0;
	s5 =	sor.u32 $0x1C30, s16  }
0x10d: {  	v0 =	vld [tilespmem:s5+$0x0]  }
0x10e: {  	v59 =	vld [tilespmem:s5+$0x8000];
	_ =	sdelay $0x4  }
0x10f: {  	v0 =	vmul.f32 v0, v3;
	v1 =	vmul.f32 v59, v4;
	_ =	sdelay $0x1  }
0x110: {  	v0 =	vadd.f32 v1, v0;
	_ =	sdelay $0x1  }
0x111: {  	[tilespmem:s5+$0x0] =	vst v0;
	s5 =	sor.u32 $0x1C40, s16  }
0x112: {  	v0 =	vld [tilespmem:s5+$0x0]  }
0x113: {  	v60 =	vld [tilespmem:s5+$0x8000];
	_ =	sdelay $0x4  }
0x114: {  	v0 =	vmul.f32 v0, v3;
	v1 =	vmul.f32 v60, v4;
	_ =	sdelay $0x1  }
0x115: {  	v0 =	vadd.f32 v1, v0;
	_ =	sdelay $0x1  }
0x116: {  	[tilespmem:s5+$0x0] =	vst v0;
	s5 =	sor.u32 $0x1C50, s16  }
0x117: {  	v0 =	vld [tilespmem:s5+$0x0]  }
0x118: {  	v61 =	vld [tilespmem:s5+$0x8000];
	_ =	sdelay $0x4  }
0x119: {  	v0 =	vmul.f32 v0, v3;
	v1 =	vmul.f32 v61, v4;
	_ =	sdelay $0x1  }
0x11a: {  	v0 =	vadd.f32 v1, v0;
	_ =	sdelay $0x1  }
0x11b: {  	[tilespmem:s5+$0x0] =	vst v0;
	s5 =	sor.u32 $0x1C60, s16  }
0x11c: {  	v0 =	vld [tilespmem:s5+$0x0]  }
0x11d: {  	v62 =	vld [tilespmem:s5+$0x8000];
	_ =	sdelay $0x4  }
0x11e: {  	v0 =	vmul.f32 v0, v3;
	v1 =	vmul.f32 v62, v4;
	_ =	sdelay $0x1  }
0x11f: {  	v0 =	vadd.f32 v1, v0;
	_ =	sdelay $0x1  }
0x120: {  	s16 =	sor.u32 $0x1C70, s16;
	[tilespmem:s5+$0x0] =	vst v0  }
0x121: {  	v0 =	vld [tilespmem:s16+$0x0]  }
0x122: {  	v63 =	vld [tilespmem:s16+$0x8000];
	_ =	sdelay $0x3  }
0x123: {  	p0 =	sne.s32 s2, $0xF80  }
.Ltmp0:
0x124: {  	v0 =	vmul.f32 v0, v3;
	v1 =	vmul.f32 v63, v4;
	(pc) =	sbr.rel @p0 .LBB2_2-.Ltmp0, $4  }
0x125: {  	_ = 	snop  }
0x126: {  	v0 =	vadd.f32 v1, v0  }
0x127: {  	s0 =	sadd.s32 $0x1, s0  }
0x128: {  	s14 =	sadd.s32 $0x80, s14;
	s2 =	sadd.s32 $0x80, s2;
	s15 =	sadd.s32 $0x400, s15;
	[tilespmem:s16+$0x0] =	vst v0  }
0x129: {  	s14 =	simm.s32 $0x0;
	s0 =	rddreg [dreg:$0x6]  }
0x12a: {  	[hbm4b:s0+s14] =	stream.linear.scatter [tilespmem:s14], [sflag:$0x3], $0x8000, $0x38;
	[tilespmem:$0x11100] =	vst v63  }
0x12b: {  	_ =	swait.ge [sflag:s17], $0x8000  }
0x12c: {  	[sflag:s17] =	ssyncset.done $0x0  }
0x12d: {  	s2 =	simm.s32 $0x11000;
	s16 =	rddreg [dreg:$0x7];
	[sflag:s17] =	ssyncadd.s32 $0xFFFF8000  }
0x12e: {  	[tilespmem:s2], [sflag:$0x3] =	stream.linear.gather [hbm4b:s16+s14], $0x20, $0x38;
	[tilespmem:$0x11100] =	vst v63  }
0x12f: {  	_ =	swait.ge [sflag:s17], $0x20  }
0x130: {  	[sflag:s17] =	ssyncset.done $0x0  }
0x131: {  	s4 =	simm.s32 $0x11080;
	s2 =	rddreg [dreg:$0x8];
	[sflag:s17] =	ssyncadd.s32 $0xFFFFFFE0  }
0x132: {  	[tilespmem:s4], [sflag:$0x3] =	stream.linear.gather [hbm4b:s2+s14], $0x20, $0x38;
	[tilespmem:$0x11100] =	vst v63  }
0x133: {  	_ =	swait.ge [sflag:s17], $0x20  }
0x134: {  	[sflag:s17] =	ssyncset.done $0x0  }
0x135: {  	s15 =	simm.s32 $0x10000;
	s5 =	rddreg [dreg:$0x9];
	[sflag:s17] =	ssyncadd.s32 $0xFFFFFFE0  }
0x136: {  	[tilespmem:s15], [sflag:$0x3] =	stream.linear.gather [hbm4b:s5+s14], $0x1000, $0x38;
	[tilespmem:$0x11100] =	vst v63  }
0x137: {  	_ =	swait.ge [sflag:s17], $0x1000  }
0x138: {  	[sflag:s17] =	ssyncset.done $0x0  }
0x139: {  	[sflag:s17] =	ssyncadd.s32 $0xFFFFF000  }
0x13a: {  	v0 =	vld [tilespmem:$0x11000];
	_ =	sdelay $0x2  }
0x13b: {  	v2 =	vld [tilespmem:$0x1FFD0];
	_ =	sdelay $0x1  }
0x13c: {  	v3 =	vld [tilespmem:$0x1FFE0];
	v1 =	vshll.u32 v0, $0x3  }
0x13d: {  	v0 =	vand.u32 $0x7, v0;
	v1 =	vand.u32 $0xFFFFFFC0, v1  }
0x13e: {  	v0 =	vor.u32 v0, v1  }
0x13f: {  	v1 =	vperm.xlane v0, v2;
	_ =	sdelay $0x1  }
0x140: {  	v1 =	vadd.s32 v3, v1  }
0x141: {  	v4 =	vld [tilespmem:$0x1FFF0];
	_ =	sdelay $0x3  }
0x142: {  	[tilespmem:s14], [sflag:$0x1] =	stream.indirect_vreg.gather [hbm4b:s3+s14], $0x80, v1, vm0, $0xb8;
	[tilespmem:$0x11100] =	vst v63  }
0x143: {  	s16 =	simm.s32 $0x800;
	v0 =	vperm.xlane v0, v4  }
0x144: {  	[tilespmem:s16], [sflag:$0x1] =	stream.indirect_vreg.gather [hbm4b:s7+s14], $0x80, v1, vm0, $0xb8;
	[tilespmem:$0x11100] =	vst v63  }
0x145: {  	s2 =	simm.s32 $0x1000;
	v0 =	vadd.s32 v3, v0  }
0x146: {  	[tilespmem:s2], [sflag:$0x1] =	stream.indirect_vreg.gather [hbm4b:s8+s14], $0x80, v1, vm0, $0xb8;
	[tilespmem:$0x11100] =	vst v63  }
0x147: {  	s4 =	simm.s32 $0x1800  }
0x148: {  	[tilespmem:s4], [sflag:$0x1] =	stream.indirect_vreg.gather [hbm4b:s9+s14], $0x80, v1, vm0, $0xb8;
	[tilespmem:$0x11100] =	vst v63  }
0x149: {  	s5 =	simm.s32 $0x2000  }
0x14a: {  	[tilespmem:s5], [sflag:$0x1] =	stream.indirect_vreg.gather [hbm4b:s3+s14], $0x80, v0, vm0, $0xb8;
	[tilespmem:$0x11100] =	vst v63  }
0x14b: {  	s15 =	simm.s32 $0x2800  }
0x14c: {  	[tilespmem:s15], [sflag:$0x1] =	stream.indirect_vreg.gather [hbm4b:s7+s14], $0x80, v0, vm0, $0xb8;
	[tilespmem:$0x11100] =	vst v63  }
0x14d: {  	s16 =	simm.s32 $0x3000  }
0x14e: {  	[tilespmem:s16], [sflag:$0x1] =	stream.indirect_vreg.gather [hbm4b:s8+s14], $0x80, v0, vm0, $0xb8;
	[tilespmem:$0x11100] =	vst v63  }
0x14f: {  	s2 =	simm.s32 $0x3800  }
0x150: {  	[tilespmem:s2], [sflag:$0x1] =	stream.indirect_vreg.gather [hbm4b:s9+s14], $0x80, v0, vm0, $0xb8;
	[tilespmem:$0x11100] =	vst v63  }
0x151: {  	v0 =	vld [tilespmem:$0x11010];
	_ =	sdelay $0x4  }
0x152: {  	v61 =	vshll.u32 v0, $0x3  }
0x153: {  	v0 =	vand.u32 $0x7, v0;
	v1 =	vand.u32 $0xFFFFFFC0, v61  }
0x154: {  	v0 =	vor.u32 v0, v1  }
0x155: {  	v1 =	vperm.xlane v0, v2;
	_ =	sdelay $0x1  }
0x156: {  	v1 =	vadd.s32 v3, v1;
	_ =	sdelay $0x3  }
0x157: {  	s4 =	simm.s32 $0x4000  }
0x158: {  	[tilespmem:s4], [sflag:$0x1] =	stream.indirect_vreg.gather [hbm4b:s3+s14], $0x80, v1, vm0, $0xb8;
	[tilespmem:$0x11100] =	vst v63  }
0x159: {  	s5 =	simm.s32 $0x4800;
	v0 =	vperm.xlane v0, v4  }
0x15a: {  	[tilespmem:s5], [sflag:$0x1] =	stream.indirect_vreg.gather [hbm4b:s7+s14], $0x80, v1, vm0, $0xb8;
	[tilespmem:$0x11100] =	vst v63  }
0x15b: {  	s15 =	simm.s32 $0x5000;
	v0 =	vadd.s32 v3, v0  }
0x15c: {  	[tilespmem:s15], [sflag:$0x1] =	stream.indirect_vreg.gather [hbm4b:s8+s14], $0x80, v1, vm0, $0xb8;
	[tilespmem:$0x11100] =	vst v63  }
0x15d: {  	s16 =	simm.s32 $0x5800  }
0x15e: {  	[tilespmem:s16], [sflag:$0x1] =	stream.indirect_vreg.gather [hbm4b:s9+s14], $0x80, v1, vm0, $0xb8;
	[tilespmem:$0x11100] =	vst v63  }
0x15f: {  	s2 =	simm.s32 $0x6000  }
0x160: {  	[tilespmem:s2], [sflag:$0x1] =	stream.indirect_vreg.gather [hbm4b:s3+s14], $0x80, v0, vm0, $0xb8;
	[tilespmem:$0x11100] =	vst v63  }
0x161: {  	s4 =	simm.s32 $0x6800  }
0x162: {  	[tilespmem:s4], [sflag:$0x1] =	stream.indirect_vreg.gather [hbm4b:s7+s14], $0x80, v0, vm0, $0xb8;
	[tilespmem:$0x11100] =	vst v63  }
0x163: {  	s5 =	simm.s32 $0x7000  }
0x164: {  	[tilespmem:s5], [sflag:$0x1] =	stream.indirect_vreg.gather [hbm4b:s8+s14], $0x80, v0, vm0, $0xb8;
	[tilespmem:$0x11100] =	vst v63  }
0x165: {  	s15 =	simm.s32 $0x7800  }
0x166: {  	[tilespmem:s15], [sflag:$0x1] =	stream.indirect_vreg.gather [hbm4b:s9+s14], $0x80, v0, vm0, $0xb8;
	[tilespmem:$0x11100] =	vst v63  }
0x167: {  	v0 =	vld [tilespmem:$0x11080];
	_ =	sdelay $0x4  }
0x168: {  	v62 =	vshll.u32 v0, $0x3  }
0x169: {  	v0 =	vand.u32 $0x7, v0;
	v1 =	vand.u32 $0xFFFFFFC0, v62  }
0x16a: {  	v0 =	vor.u32 v0, v1  }
0x16b: {  	v1 =	vperm.xlane v0, v2;
	_ =	sdelay $0x1  }
0x16c: {  	v1 =	vadd.s32 v3, v1;
	_ =	sdelay $0x3  }
0x16d: {  	s16 =	simm.s32 $0x8000  }
0x16e: {  	[tilespmem:s16], [sflag:$0x2] =	stream.indirect_vreg.gather [hbm4b:s3+s14], $0x80, v1, vm0, $0xb8;
	[tilespmem:$0x11100] =	vst v63  }
0x16f: {  	v0 =	vperm.xlane v0, v4  }
0x170: {  	[tilespmem:s6], [sflag:$0x2] =	stream.indirect_vreg.gather [hbm4b:s7+s14], $0x80, v1, vm0, $0xb8;
	[tilespmem:$0x11100] =	vst v63  }
0x171: {  	v0 =	vadd.s32 v3, v0  }
0x172: {  	[tilespmem:s18], [sflag:$0x2] =	stream.indirect_vreg.gather [hbm4b:s8+s14], $0x80, v1, vm0, $0xb8;
	[tilespmem:$0x11100] =	vst v63  }
0x173: {  	_ = 	snop  }
0x174: {  	[tilespmem:s19], [sflag:$0x2] =	stream.indirect_vreg.gather [hbm4b:s9+s14], $0x80, v1, vm0, $0xb8;
	[tilespmem:$0x11100] =	vst v63  }
0x175: {  	_ = 	snop  }
0x176: {  	[tilespmem:s20], [sflag:$0x2] =	stream.indirect_vreg.gather [hbm4b:s3+s14], $0x80, v0, vm0, $0xb8;
	[tilespmem:$0x11100] =	vst v63  }
0x177: {  	_ = 	snop  }
0x178: {  	[tilespmem:s21], [sflag:$0x2] =	stream.indirect_vreg.gather [hbm4b:s7+s14], $0x80, v0, vm0, $0xb8;
	[tilespmem:$0x11100] =	vst v63  }
0x179: {  	_ = 	snop  }
0x17a: {  	[tilespmem:s22], [sflag:$0x2] =	stream.indirect_vreg.gather [hbm4b:s8+s14], $0x80, v0, vm0, $0xb8;
	[tilespmem:$0x11100] =	vst v63  }
0x17b: {  	_ = 	snop  }
0x17c: {  	[tilespmem:s23], [sflag:$0x2] =	stream.indirect_vreg.gather [hbm4b:s9+s14], $0x80, v0, vm0, $0xb8;
	[tilespmem:$0x11100] =	vst v63  }
0x17d: {  	v0 =	vld [tilespmem:$0x11090];
	_ =	sdelay $0x4  }
0x17e: {  	v63 =	vshll.u32 v0, $0x3  }
0x17f: {  	v0 =	vand.u32 $0x7, v0;
	v1 =	vand.u32 $0xFFFFFFC0, v63  }
0x180: {  	v0 =	vor.u32 v0, v1  }
0x181: {  	v1 =	vperm.xlane v0, v2;
	_ =	sdelay $0x1  }
0x182: {  	v1 =	vadd.s32 v3, v1;
	_ =	sdelay $0x4  }
0x183: {  	[tilespmem:s10], [sflag:$0x2] =	stream.indirect_vreg.gather [hbm4b:s3+s14], $0x80, v1, vm0, $0xb8;
	[tilespmem:$0x11100] =	vst v63  }
0x184: {  	v0 =	vperm.xlane v0, v4  }
0x185: {  	[tilespmem:s24], [sflag:$0x2] =	stream.indirect_vreg.gather [hbm4b:s7+s14], $0x80, v1, vm0, $0xb8;
	[tilespmem:$0x11100] =	vst v63  }
0x186: {  	v0 =	vadd.s32 v3, v0  }
0x187: {  	[tilespmem:s25], [sflag:$0x2] =	stream.indirect_vreg.gather [hbm4b:s8+s14], $0x80, v1, vm0, $0xb8;
	[tilespmem:$0x11100] =	vst v63  }
0x188: {  	_ = 	snop  }
0x189: {  	[tilespmem:s11], [sflag:$0x2] =	stream.indirect_vreg.gather [hbm4b:s9+s14], $0x80, v1, vm0, $0xb8;
	[tilespmem:$0x11100] =	vst v63  }
0x18a: {  	_ = 	snop  }
0x18b: {  	[tilespmem:s26], [sflag:$0x2] =	stream.indirect_vreg.gather [hbm4b:s3+s14], $0x80, v0, vm0, $0xb8;
	[tilespmem:$0x11100] =	vst v63  }
0x18c: {  	_ = 	snop  }
0x18d: {  	[tilespmem:s28], [sflag:$0x2] =	stream.indirect_vreg.gather [hbm4b:s7+s14], $0x80, v0, vm0, $0xb8;
	[tilespmem:$0x11100] =	vst v63  }
0x18e: {  	_ = 	snop  }
0x18f: {  	[tilespmem:s29], [sflag:$0x2] =	stream.indirect_vreg.gather [hbm4b:s8+s14], $0x80, v0, vm0, $0xb8;
	[tilespmem:$0x11100] =	vst v63  }
0x190: {  	_ = 	snop  }
0x191: {  	[tilespmem:s12], [sflag:$0x2] =	stream.indirect_vreg.gather [hbm4b:s9+s14], $0x80, v0, vm0, $0xb8;
	[tilespmem:$0x11100] =	vst v63  }
0x192: {  	_ =	swait.ge [sflag:s30], $0x8000  }
0x193: {  	[sflag:s30] =	ssyncset.done $0x0  }
0x194: {  	[sflag:s30] =	ssyncadd.s32 $0xFFFF8000  }
0x195: {  	_ =	swait.ge [sflag:s13], $0x8000  }
0x196: {  	s0 =	simm.s32 $0x10010;
	[sflag:s13] =	ssyncset.done $0x0  }
0x197: {  	s2 =	simm.s32 $0x0;
	s15 =	simm.s32 $0x0;
	[sflag:s13] =	ssyncadd.s32 $0xFFFF8000  }
.LBB2_4:
0x198: {  	v3 =	vld [tilespmem:s0+$0xFFFFFFF0];
	s4 =	sand.u32 $0x6000, s15;
	s5 =	sand.u32 $0x380, s2  }
0x199: {  	v4 =	vld [tilespmem:s0+$0x0];
	s4 =	sor.u32 s5, s4  }
0x19a: {  	v0 =	vld [tilespmem:s4+$0x0]  }
0x19b: {  	v1 =	vld [tilespmem:s4+$0x8000]  }
0x19c: {  	v2 =	vld [tilespmem:s4+$0x10]  }
0x19d: {  	v6 =	vld [tilespmem:s4+$0x8010]  }
0x19e: {  	v10 =	vld [tilespmem:s4+$0x20]  }
0x19f: {  	v11 =	vld [tilespmem:s4+$0x8020]  }
0x1a0: {  	v14 =	vld [tilespmem:s4+$0x30]  }
0x1a1: {  	v17 =	vld [tilespmem:s4+$0x8030]  }
0x1a2: {  	v20 =	vld [tilespmem:s4+$0x40]  }
0x1a3: {  	v21 =	vld [tilespmem:s4+$0x8040]  }
0x1a4: {  	v26 =	vld [tilespmem:s4+$0x50]  }
0x1a5: {  	v27 =	vld [tilespmem:s4+$0x8050]  }
0x1a6: {  	v28 =	vld [tilespmem:s4+$0x60]  }
0x1a7: {  	v29 =	vld [tilespmem:s4+$0x8060]  }
0x1a8: {  	v30 =	vld [tilespmem:s4+$0x70]  }
0x1a9: {  	v31 =	vld [tilespmem:s4+$0x8070]  }
0x1aa: {  	v32 =	vld [tilespmem:s4+$0x400]  }
0x1ab: {  	v33 =	vld [tilespmem:s4+$0x8400]  }
0x1ac: {  	v34 =	vld [tilespmem:s4+$0x410]  }
0x1ad: {  	v35 =	vld [tilespmem:s4+$0x8410]  }
0x1ae: {  	v36 =	vld [tilespmem:s4+$0x420]  }
0x1af: {  	v37 =	vld [tilespmem:s4+$0x8420]  }
0x1b0: {  	v38 =	vld [tilespmem:s4+$0x430]  }
0x1b1: {  	v39 =	vld [tilespmem:s4+$0x8430]  }
0x1b2: {  	v40 =	vld [tilespmem:s4+$0x440]  }
0x1b3: {  	v41 =	vld [tilespmem:s4+$0x8440]  }
0x1b4: {  	v42 =	vld [tilespmem:s4+$0x450]  }
0x1b5: {  	v43 =	vld [tilespmem:s4+$0x8450]  }
0x1b6: {  	v44 =	vld [tilespmem:s4+$0x460]  }
0x1b7: {  	v45 =	vld [tilespmem:s4+$0x8460]  }
0x1b8: {  	v46 =	vld [tilespmem:s4+$0x470]  }
0x1b9: {  	v47 =	vld [tilespmem:s4+$0x8470]  }
0x1ba: {  	v48 =	vld [tilespmem:s4+$0x800]  }
0x1bb: {  	v49 =	vld [tilespmem:s4+$0x8800]  }
0x1bc: {  	v50 =	vld [tilespmem:s4+$0x810]  }
0x1bd: {  	v51 =	vld [tilespmem:s4+$0x8810]  }
0x1be: {  	v52 =	vld [tilespmem:s4+$0x820]  }
0x1bf: {  	v53 =	vld [tilespmem:s4+$0x8820]  }
0x1c0: {  	v54 =	vld [tilespmem:s4+$0x830]  }
0x1c1: {  	v55 =	vld [tilespmem:s4+$0x8830]  }
0x1c2: {  	v56 =	vld [tilespmem:s4+$0x840]  }
0x1c3: {  	v57 =	vld [tilespmem:s4+$0x8840]  }
0x1c4: {  	v58 =	vld [tilespmem:s4+$0x850]  }
0x1c5: {  	v59 =	vld [tilespmem:s4+$0x8850]  }
0x1c6: {  	v60 =	vld [tilespmem:s4+$0x860]  }
0x1c7: {  	v61 =	vld [tilespmem:s4+$0x8860]  }
0x1c8: {  	v62 =	vld [tilespmem:s4+$0x870]  }
0x1c9: {  	v63 =	vld [tilespmem:s4+$0x8870]  }
0x1ca: {  	v24 =	vld [tilespmem:s4+$0xC00]  }
0x1cb: {  	v25 =	vld [tilespmem:s4+$0x8C00]  }
0x1cc: {  	v22 =	vld [tilespmem:s4+$0xC10]  }
0x1cd: {  	v23 =	vld [tilespmem:s4+$0x8C10]  }
0x1ce: {  	v18 =	vld [tilespmem:s4+$0xC20]  }
0x1cf: {  	v19 =	vld [tilespmem:s4+$0x8C20]  }
0x1d0: {  	v15 =	vld [tilespmem:s4+$0xC30]  }
0x1d1: {  	v16 =	vld [tilespmem:s4+$0x8C30]  }
0x1d2: {  	v5 =	vld [tilespmem:s4+$0xC60]  }
0x1d3: {  	v12 =	vld [tilespmem:s4+$0xC40]  }
0x1d4: {  	v13 =	vld [tilespmem:s4+$0x8C40]  }
0x1d5: {  	v8 =	vld [tilespmem:s4+$0xC50]  }
0x1d6: {  	v9 =	vld [tilespmem:s4+$0x8C50];
	v0 =	vmul.f32 v0, v3;
	v1 =	vmul.f32 v1, v4  }
0x1d7: {  	v7 =	vld [tilespmem:s4+$0x8C60];
	[tilespmem:$0x1FFA0] =	vst v5;
	v5 =	vmul.f32 v2, v3;
	v2 =	vmul.f32 v6, v4  }
0x1d8: {  	v6 =	vld [tilespmem:s4+$0xC70];
	v17 =	vmul.f32 v17, v4;
	v0 =	vadd.f32 v1, v0  }
0x1d9: {  	v1 =	vmul.f32 v10, v3;
	v10 =	vld [tilespmem:s4+$0x8C70];
	v5 =	vadd.f32 v2, v5;
	v2 =	vmul.f32 v14, v3  }
0x1da: {  	v11 =	vmul.f32 v11, v4;
	v14 =	vld [tilespmem:s4+$0x9000]  }
0x1db: {  	v26 =	vmul.f32 v26, v3;
	v2 =	vadd.f32 v17, v2;
	v17 =	vld [tilespmem:s4+$0x1010]  }
0x1dc: {  	[tilespmem:s4+$0x0] =	vst v0;
	v0 =	vadd.f32 v11, v1;
	v1 =	vmul.f32 v20, v3;
	v11 =	vmul.f32 v21, v4;
	v20 =	vld [tilespmem:s4+$0x9010]  }
0x1dd: {  	v27 =	vmul.f32 v27, v4;
	v30 =	vmul.f32 v30, v3;
	v21 =	vld [tilespmem:s4+$0x1020];
	[tilespmem:$0x1FFB0] =	vst v6  }
0x1de: {  	v31 =	vmul.f32 v31, v4;
	v33 =	vmul.f32 v33, v4;
	v6 =	vld [tilespmem:s4+$0x1000];
	[tilespmem:s4+$0x20] =	vst v0;
	v0 =	vadd.f32 v11, v1  }
0x1df: {  	v1 =	vmul.f32 v28, v3;
	v11 =	vmul.f32 v29, v4;
	[tilespmem:s4+$0x30] =	vst v2;
	v2 =	vadd.f32 v27, v26;
	v26 =	vld [tilespmem:s4+$0x9020]  }
0x1e0: {  	v42 =	vmul.f32 v42, v3;
	[tilespmem:s4+$0x10] =	vst v5;
	v5 =	vmul.f32 v34, v3;
	v28 =	vld [tilespmem:s4+$0x1030]  }
0x1e1: {  	v34 =	vmul.f32 v37, v4;
	v29 =	vld [tilespmem:s4+$0x9030];
	[tilespmem:s4+$0x40] =	vst v0;
	v0 =	vadd.f32 v11, v1;
	v1 =	vmul.f32 v32, v3  }
0x1e2: {  	v37 =	vmul.f32 v39, v4;
	[tilespmem:s4+$0x50] =	vst v2;
	v2 =	vadd.f32 v31, v30;
	v32 =	vmul.f32 v35, v4;
	v30 =	vld [tilespmem:s4+$0x1040]  }
0x1e3: {  	v31 =	vld [tilespmem:s4+$0x9040];
	[tilespmem:s4+$0x60] =	vst v0;
	v0 =	vadd.f32 v33, v1;
	v33 =	vmul.f32 v36, v3;
	v36 =	vmul.f32 v38, v3  }
0x1e4: {  	v39 =	vmul.f32 v40, v3;
	v40 =	vmul.f32 v41, v4;
	v11 =	vld [tilespmem:s4+$0x9450];
	[tilespmem:s4+$0x70] =	vst v2;
	v35 =	vadd.f32 v32, v5  }
0x1e5: {  	v56 =	vmul.f32 v56, v3;
	v32 =	vld [tilespmem:s4+$0x1050];
	[tilespmem:s4+$0x400] =	vst v0;
	v38 =	vadd.f32 v34, v33;
	v41 =	vadd.f32 v37, v36  }
0x1e6: {  	[tilespmem:s4+$0x410] =	vst v35;
	v36 =	vmul.f32 v43, v4;
	v37 =	vadd.f32 v40, v39;
	v39 =	vmul.f32 v45, v4;
	v33 =	vld [tilespmem:s4+$0x9050]  }
0x1e7: {  	v34 =	vld [tilespmem:s4+$0x1060];
	v45 =	vmul.f32 v49, v4;
	[tilespmem:s4+$0x420] =	vst v38;
	v38 =	vmul.f32 v44, v3  }
0x1e8: {  	v35 =	vld [tilespmem:s4+$0x9060];
	[tilespmem:s4+$0x430] =	vst v41;
	v40 =	vadd.f32 v36, v42;
	v41 =	vmul.f32 v46, v3;
	v42 =	vmul.f32 v47, v4  }
0x1e9: {  	[tilespmem:s4+$0x440] =	vst v37;
	v44 =	vmul.f32 v48, v3;
	v47 =	vmul.f32 v50, v3;
	v36 =	vld [tilespmem:s4+$0x1070];
	v43 =	vadd.f32 v39, v38  }
0x1ea: {  	v48 =	vmul.f32 v51, v4;
	v50 =	vmul.f32 v52, v3;
	v37 =	vld [tilespmem:s4+$0x9070];
	[tilespmem:s4+$0x450] =	vst v40;
	v46 =	vadd.f32 v42, v41  }
0x1eb: {  	v51 =	vmul.f32 v53, v4;
	v53 =	vmul.f32 v54, v3;
	v49 =	vadd.f32 v45, v44;
	v38 =	vld [tilespmem:s4+$0x1400];
	[tilespmem:s4+$0x460] =	vst v43  }
0x1ec: {  	v54 =	vmul.f32 v55, v4;
	v52 =	vadd.f32 v48, v47;
	v44 =	vmul.f32 v57, v4;
	v39 =	vld [tilespmem:s4+$0x9400];
	[tilespmem:s4+$0x470] =	vst v46  }
0x1ed: {  	v55 =	vadd.f32 v51, v50;
	v47 =	vmul.f32 v59, v4;
	v40 =	vld [tilespmem:s4+$0x1410];
	v50 =	vmul.f32 v61, v4;
	[tilespmem:s4+$0x800] =	vst v49  }
0x1ee: {  	v45 =	vadd.f32 v54, v53;
	v41 =	vld [tilespmem:s4+$0x9410];
	v53 =	vmul.f32 v63, v4;
	[tilespmem:s4+$0x810] =	vst v52;
	v46 =	vmul.f32 v58, v3  }
0x1ef: {  	v42 =	vld [tilespmem:s4+$0x1420];
	v59 =	vmul.f32 v23, v4;
	[tilespmem:s4+$0x820] =	vst v55;
	v48 =	vadd.f32 v44, v56;
	v49 =	vmul.f32 v60, v3  }
0x1f0: {  	v23 =	vld [tilespmem:s4+$0x1430];
	v61 =	vmul.f32 v18, v3;
	[tilespmem:s4+$0x830] =	vst v45;
	v52 =	vmul.f32 v62, v3;
	v51 =	vadd.f32 v47, v46  }
0x1f1: {  	v18 =	vld [tilespmem:s4+$0x9430];
	v55 =	vmul.f32 v24, v3;
	v56 =	vmul.f32 v25, v4;
	[tilespmem:s4+$0x840] =	vst v48;
	v54 =	vadd.f32 v50, v49  }
0x1f2: {  	v24 =	vld [tilespmem:s4+$0x9420];
	v58 =	vmul.f32 v22, v3;
	v62 =	vmul.f32 v19, v4;
	v57 =	vadd.f32 v53, v52;
	[tilespmem:s4+$0x850] =	vst v51  }
0x1f3: {  	v22 =	vmul.f32 v15, v3;
	v25 =	vmul.f32 v16, v4;
	v16 =	vld [tilespmem:s4+$0x1440];
	v60 =	vadd.f32 v56, v55;
	[tilespmem:s4+$0x860] =	vst v54  }
0x1f4: {  	v43 =	vmul.f32 v12, v3;
	v44 =	vmul.f32 v13, v4;
	v12 =	vld [tilespmem:s4+$0x9440];
	v63 =	vadd.f32 v59, v58;
	[tilespmem:s4+$0x870] =	vst v57  }
0x1f5: {  	v13 =	vld [tilespmem:s4+$0x1470];
	v27 =	vadd.f32 v62, v61;
	v46 =	vmul.f32 v8, v3;
	v47 =	vmul.f32 v9, v4;
	[tilespmem:s4+$0xC00] =	vst v60  }
0x1f6: {  	v15 =	vld [tilespmem:s4+$0x1800];
	v45 =	vadd.f32 v25, v22;
	v55 =	vmul.f32 v14, v4;
	v58 =	vmul.f32 v20, v4;
	[tilespmem:s4+$0xC10] =	vst v63  }
0x1f7: {  	v19 =	vld [tilespmem:s4+$0x1810];
	v48 =	vadd.f32 v44, v43;
	v22 =	vmul.f32 v30, v3;
	v25 =	vmul.f32 v31, v4;
	[tilespmem:s4+$0xC20] =	vst v27  }
0x1f8: {  	v9 =	vld [tilespmem:s4+$0x1450];
	v30 =	vmul.f32 v34, v3;
	v31 =	vmul.f32 v35, v4;
	[tilespmem:s4+$0xC30] =	vst v45;
	v50 =	vadd.f32 v47, v46  }
0x1f9: {  	v49 =	vld [tilespmem:$0x1FFA0];
	v20 =	vmul.f32 v29, v4;
	[tilespmem:s4+$0xC40] =	vst v48;
	v54 =	vmul.f32 v6, v3;
	v29 =	vadd.f32 v25, v22  }
0x1fa: {  	v52 =	vmul.f32 v10, v4;
	v10 =	vld [tilespmem:s4+$0x1460];
	v57 =	vmul.f32 v17, v3;
	v35 =	vadd.f32 v31, v30;
	[tilespmem:s4+$0xC50] =	vst v50  }
0x1fb: {  	v61 =	vmul.f32 v26, v4;
	v14 =	vld [tilespmem:s4+$0x9470];
	v60 =	vmul.f32 v21, v3;
	v59 =	vadd.f32 v55, v54;
	[tilespmem:s4+$0x1040] =	vst v29  }
0x1fc: {  	v7 =	vmul.f32 v7, v4;
	v44 =	vld [tilespmem:s4+$0x1830];
	v63 =	vmul.f32 v28, v3;
	v62 =	vadd.f32 v58, v57;
	[tilespmem:s4+$0x1060] =	vst v35  }
0x1fd: {  	v51 =	vld [tilespmem:$0x1FFB0];
	v27 =	vmul.f32 v32, v3;
	v28 =	vmul.f32 v33, v4;
	v21 =	vadd.f32 v61, v60;
	[tilespmem:s4+$0x1000] =	vst v59  }
0x1fe: {  	v34 =	vmul.f32 v37, v4;
	v17 =	vld [tilespmem:s4+$0x9800];
	v33 =	vmul.f32 v36, v3;
	v26 =	vadd.f32 v20, v63;
	[tilespmem:s4+$0x1010] =	vst v62  }
0x1ff: {  	v37 =	vmul.f32 v39, v4;
	v36 =	vmul.f32 v38, v3;
	v38 =	vld [tilespmem:s4+$0x9820];
	v32 =	vadd.f32 v28, v27;
	[tilespmem:s4+$0x1020] =	vst v21  }
0x200: {  	v40 =	vmul.f32 v40, v3;
	v43 =	vmul.f32 v41, v4;
	v48 =	vld [tilespmem:s4+$0x9830];
	v39 =	vadd.f32 v34, v33;
	[tilespmem:s4+$0x1030] =	vst v26  }
0x201: {  	v31 =	vld [tilespmem:s4+$0x1870];
	v45 =	vadd.f32 v37, v36;
	v50 =	vmul.f32 v23, v3;
	v1 =	vmul.f32 v49, v3;
	[tilespmem:s4+$0x1050] =	vst v32  }
0x202: {  	v20 =	vld [tilespmem:s4+$0x9810];
	v23 =	vmul.f32 v13, v3;
	v49 =	vadd.f32 v43, v40;
	[tilespmem:s4+$0x1070] =	vst v39;
	v26 =	vmul.f32 v14, v4  }
0x203: {  	v46 =	vmul.f32 v42, v3;
	v55 =	vld [tilespmem:s4+$0x1850];
	[tilespmem:s4+$0x1400] =	vst v45;
	v5 =	vmul.f32 v51, v3;
	v53 =	vadd.f32 v7, v1  }
0x204: {  	v47 =	vmul.f32 v24, v4;
	v58 =	vmul.f32 v11, v4;
	v63 =	vld [tilespmem:s4+$0x1860];
	[tilespmem:s4+$0x1410] =	vst v49;
	v32 =	vadd.f32 v26, v23  }
0x205: {  	v27 =	vld [tilespmem:s4+$0x9860];
	v29 =	vmul.f32 v15, v3;
	v57 =	vmul.f32 v9, v3;
	v56 =	vadd.f32 v52, v5;
	[tilespmem:s4+$0xC60] =	vst v53  }
0x206: {  	v35 =	vld [tilespmem:s4+$0x9870];
	v41 =	vmul.f32 v44, v3;
	v30 =	vmul.f32 v17, v4;
	v52 =	vadd.f32 v47, v46;
	[tilespmem:s4+$0x1470] =	vst v32  }
0x207: {  	v21 =	vld [tilespmem:s4+$0x1820];
	v42 =	vmul.f32 v48, v4;
	v53 =	vmul.f32 v16, v3;
	v16 =	vadd.f32 v58, v57;
	[tilespmem:s4+$0xC70] =	vst v56  }
0x208: {  	v59 =	vld [tilespmem:s4+$0x9850];
	v51 =	vmul.f32 v18, v4;
	v36 =	vadd.f32 v30, v29;
	[tilespmem:s4+$0x1420] =	vst v52  }
0x209: {  	v54 =	vmul.f32 v12, v4;
	v39 =	vld [tilespmem:s4+$0x9840];
	v46 =	vadd.f32 v42, v41;
	[tilespmem:s4+$0x1450] =	vst v16  }
0x20a: {  	v33 =	vmul.f32 v19, v3;
	v7 =	vld [tilespmem:s4+$0x9460];
	v34 =	vmul.f32 v20, v4;
	v56 =	vadd.f32 v51, v50;
	[tilespmem:s4+$0x1800] =	vst v36  }
0x20b: {  	v18 =	vld [tilespmem:s4+$0x1840];
	v47 =	vmul.f32 v63, v3;
	v48 =	vmul.f32 v27, v4;
	v60 =	vadd.f32 v54, v53;
	[tilespmem:s4+$0x1830] =	vst v46  }
0x20c: {  	v38 =	vmul.f32 v38, v4;
	v37 =	vmul.f32 v21, v3;
	v40 =	vadd.f32 v34, v33;
	[tilespmem:s4+$0x1430] =	vst v56  }
0x20d: {  	v44 =	vmul.f32 v55, v3;
	v45 =	vmul.f32 v59, v4;
	v52 =	vadd.f32 v48, v47;
	[tilespmem:s4+$0x1440] =	vst v60  }
0x20e: {  	v50 =	vmul.f32 v31, v3;
	v51 =	vmul.f32 v35, v4;
	v43 =	vadd.f32 v38, v37;
	[tilespmem:s4+$0x1810] =	vst v40  }
0x20f: {  	v61 =	vmul.f32 v10, v3;
	v62 =	vmul.f32 v7, v4;
	v49 =	vadd.f32 v45, v44;
	[tilespmem:s4+$0x1860] =	vst v52  }
0x210: {  	s16 =	sand.u32 $0x7, s14;
	v54 =	vmul.f32 v39, v4;
	v53 =	vmul.f32 v18, v3;
	v55 =	vadd.f32 v51, v50;
	[tilespmem:s4+$0x1820] =	vst v43  }
0x211: {  	s5 =	sshll.u32 s16, $0x7;
	v28 =	vadd.f32 v62, v61;
	[tilespmem:s4+$0x1850] =	vst v49  }
0x212: {  	s5 =	sadd.s32 s5, s15;
	v56 =	vadd.f32 v54, v53;
	[tilespmem:s4+$0x1870] =	vst v55  }
0x213: {  	s16 =	sor.u32 $0x1C00, s5;
	[tilespmem:s4+$0x1460] =	vst v28  }
0x214: {  	[tilespmem:s4+$0x1840] =	vst v56;
	v0 =	vld [tilespmem:s16+$0x0]  }
0x215: {  	v1 =	vld [tilespmem:s16+$0x8000];
	_ =	sdelay $0x4  }
0x216: {  	v0 =	vmul.f32 v0, v3;
	v1 =	vmul.f32 v1, v4;
	_ =	sdelay $0x1  }
0x217: {  	v0 =	vadd.f32 v1, v0;
	_ =	sdelay $0x1  }
0x218: {  	[tilespmem:s16+$0x0] =	vst v0;
	s16 =	sor.u32 $0x1C10, s5  }
0x219: {  	v0 =	vld [tilespmem:s16+$0x0]  }
0x21a: {  	v57 =	vld [tilespmem:s16+$0x8000];
	_ =	sdelay $0x4  }
0x21b: {  	v0 =	vmul.f32 v0, v3;
	v1 =	vmul.f32 v57, v4;
	_ =	sdelay $0x1  }
0x21c: {  	v0 =	vadd.f32 v1, v0;
	_ =	sdelay $0x1  }
0x21d: {  	[tilespmem:s16+$0x0] =	vst v0;
	s16 =	sor.u32 $0x1C20, s5  }
0x21e: {  	v0 =	vld [tilespmem:s16+$0x0]  }
0x21f: {  	v58 =	vld [tilespmem:s16+$0x8000];
	_ =	sdelay $0x4  }
0x220: {  	v0 =	vmul.f32 v0, v3;
	v1 =	vmul.f32 v58, v4;
	_ =	sdelay $0x1  }
0x221: {  	v0 =	vadd.f32 v1, v0;
	_ =	sdelay $0x1  }
0x222: {  	[tilespmem:s16+$0x0] =	vst v0;
	s16 =	sor.u32 $0x1C30, s5  }
0x223: {  	v0 =	vld [tilespmem:s16+$0x0]  }
0x224: {  	v59 =	vld [tilespmem:s16+$0x8000];
	_ =	sdelay $0x4  }
0x225: {  	v0 =	vmul.f32 v0, v3;
	v1 =	vmul.f32 v59, v4;
	_ =	sdelay $0x1  }
0x226: {  	v0 =	vadd.f32 v1, v0;
	_ =	sdelay $0x1  }
0x227: {  	[tilespmem:s16+$0x0] =	vst v0;
	s16 =	sor.u32 $0x1C40, s5  }
0x228: {  	v0 =	vld [tilespmem:s16+$0x0]  }
0x229: {  	v60 =	vld [tilespmem:s16+$0x8000];
	_ =	sdelay $0x4  }
0x22a: {  	v0 =	vmul.f32 v0, v3;
	v1 =	vmul.f32 v60, v4;
	_ =	sdelay $0x1  }
0x22b: {  	v0 =	vadd.f32 v1, v0;
	_ =	sdelay $0x1  }
0x22c: {  	[tilespmem:s16+$0x0] =	vst v0;
	s16 =	sor.u32 $0x1C50, s5  }
0x22d: {  	v0 =	vld [tilespmem:s16+$0x0]  }
0x22e: {  	v61 =	vld [tilespmem:s16+$0x8000];
	_ =	sdelay $0x4  }
0x22f: {  	v0 =	vmul.f32 v0, v3;
	v1 =	vmul.f32 v61, v4;
	_ =	sdelay $0x1  }
0x230: {  	v0 =	vadd.f32 v1, v0;
	_ =	sdelay $0x1  }
0x231: {  	[tilespmem:s16+$0x0] =	vst v0;
	s16 =	sor.u32 $0x1C60, s5  }
0x232: {  	v0 =	vld [tilespmem:s16+$0x0]  }
0x233: {  	v62 =	vld [tilespmem:s16+$0x8000];
	_ =	sdelay $0x4  }
0x234: {  	v0 =	vmul.f32 v0, v3;
	v1 =	vmul.f32 v62, v4;
	_ =	sdelay $0x1  }
0x235: {  	v0 =	vadd.f32 v1, v0;
	_ =	sdelay $0x1  }
0x236: {  	[tilespmem:s16+$0x0] =	vst v0;
	s16 =	sor.u32 $0x1C70, s5  }
0x237: {  	v0 =	vld [tilespmem:s16+$0x0]  }
0x238: {  	v63 =	vld [tilespmem:s16+$0x8000];
	_ =	sdelay $0x3  }
0x239: {  	p0 =	sne.s32 s2, $0xF80  }
.Ltmp1:
0x23a: {  	v0 =	vmul.f32 v0, v3;
	v1 =	vmul.f32 v63, v4;
	(pc) =	sbr.rel @p0 .LBB2_4-.Ltmp1, $4  }
0x23b: {  	_ = 	snop  }
0x23c: {  	v0 =	vadd.f32 v1, v0  }
0x23d: {  	s14 =	sadd.s32 $0x1, s14  }
0x23e: {  	s0 =	sadd.s32 $0x80, s0;
	s2 =	sadd.s32 $0x80, s2;
	s15 =	sadd.s32 $0x400, s15;
	[tilespmem:s16+$0x0] =	vst v0  }
0x23f: {  	s0 =	rddreg [dreg:$0xa]  }
0x240: {  	[hbm4b:s0+s1] =	stream.linear.scatter [tilespmem:s1], [sflag:$0x3], $0x8000, $0x38;
	[tilespmem:$0x11100] =	vst v63  }
0x241: {  	_ =	swait.ge [sflag:s17], $0x8000  }
0x242: {  	s31 =	sadd.s32 $0x1, s31;
	s16 =	rddreg [dreg:$0xb]  }
0x243: {  	p0 =	sne.s32 s31, s16  }
.Ltmp2:
0x244: {  	_ = 	snop;
	(pc) =	sbr.rel @p0 .LBB2_1-.Ltmp2, $3  }
0x245: {  	_ =	sdelay $0x1  }
0x246: {  	[sflag:s17] =	ssyncset.done $0x0  }
0x247: {  	[sflag:s17] =	ssyncadd.s32 $0xFFFF8000  }
0x248: {  	_ =	sfence.sel $0x180000  }
0x249: {  	[bflag:$0x0] =	sbarrier.arrive $0xFFFF  }
0x24a: {  	_ =	strace $0x9000004A  }
0x24b: {  	s0 =	stileid.u32;
	[bflag:$0x2] =	sbarrier.arrive $0xFFFF  }
0x24c: {  	p0 =	sne.s32 s0, $0x0;
	s0 =	rddreg [dreg:$0x2]  }
0x24d: {  	s0 =	sadd.s32 @!p0 $0x100000, s0  }
0x24e: {  	[sflag:s0] =	ssyncadd.tile.s32 @!p0 $0x1;
	_ =	shalt  }
.Lfunc_end2:
_tile_overlayer_lowered:
.L_overlay_start_2:
0x24f: {  	(tag) =	ssettag $0x2  }
0x250: {  	s0 =	rddreg [dreg:$0x0];
	s2 =	stileid.u32  }
0x251: {  	s1 =	rddreg [dreg:$0x1];
	p0 =	sne.s32 s2, $0x0  }
0x252: {  	s3 =	rddreg [dreg:$0x2];
	[bflag:$0x3] =	sbarrier.arrive $0xFFFF;
	s2 =	simm.s32 @!p0 $0x1C03  }
0x253: {  	[timem:s3], [sflag:s2] =	dma.local @!p0 [hbm:s0], s1  }
0x254: {  	s0 =	simm.s32 @!p0 $0x3  }
0x255: {  	_ =	swait.ge @!p0 [sflag:s0], s1  }
0x256: {  	s1 =	ssub.s32 @!p0 $0x0, s1;
	[sflag:s0] =	ssyncset.done @!p0 $0x0  }
0x257: {  	[sflag:s0] =	ssyncadd.s32 @!p0 s1  }
0x258: {  	[bflag:$0x3] =	sbarrier.arrive $0xFFFF  }
0x259: {  	_ =	shalt  }

</sc_bundles>
